<compile_context>
chip_gen: v7x
topology: tpu7x:2x2x1
jax: 0.10.2.dev20260603
libtpu: 0.0.44.dev20260713+nightly
codegen_flags: <defaults>
</compile_context>

<pallas_src>
import functools

import jax
import jax.numpy as jnp
from jax import lax
from jax.experimental import pallas as pl
from jax.experimental.pallas import tpu as pltpu
from jax.experimental.pallas import tpu_sc as plsc

_NC = 2
_NS = 16
_NW = _NC * _NS

_B = 4096
_S = 200
_D = 32
_BPW = _B // _NW

_mesh = plsc.VectorSubcoreMesh(
    core_axis_name="c", subcore_axis_name="s", num_cores=_NC, num_subcores=_NS
)


_NBUF = 8


@functools.partial(
    pl.kernel,
    out_type=jax.ShapeDtypeStruct((_B, _D), jnp.float32),
    mesh=_mesh,
    compiler_params=pltpu.CompilerParams(use_tc_tiling_on_sc=False),
    scratch_types=[
        pltpu.VMEM((_S, _BPW), jnp.int32),
        [pltpu.VMEM((_BPW, _D), jnp.float32) for _ in range(_NBUF)],
        pltpu.VMEM((_BPW, _D), jnp.float32),
        pltpu.SemaphoreType.DMA,
        [pltpu.SemaphoreType.DMA for _ in range(_NBUF)],
    ],
)
def _pool_sum(idx_hbm, table_hbm, out_hbm, idx_v, bufs, acc_v, isem, gsems):
    cid = lax.axis_index("c")
    sid = lax.axis_index("s")
    wid = sid * _NC + cid

    stage_cp = pltpu.async_copy(idx_hbm.at[:, wid], idx_v, isem)

    z = jnp.zeros((16,), jnp.float32)

    def zero(j, _):
        acc_v[j, 0:16] = z
        acc_v[j, 16:32] = z
        return 0

    lax.fori_loop(0, _BPW, zero, 0)
    stage_cp.wait()

    def issue(s, b):
        pltpu.async_copy(table_hbm.at[idx_v.at[s]], bufs[b], gsems[b])

    def drain(b):
        pltpu.make_async_copy(table_hbm.at[pl.ds(0, _BPW)], bufs[b], gsems[b]).wait()

    def accum(b):
        buf = bufs[b]

        def red(j, _):
            base = j * 8
            for u in range(8):
                r = base + u
                plsc.addupdate(acc_v.at[r, pl.ds(0, 16)], buf[r, 0:16])
                plsc.addupdate(acc_v.at[r, pl.ds(16, 16)], buf[r, 16:32])
            return 0

        lax.fori_loop(0, _BPW // 8, red, 0)

    for b in range(_NBUF):
        issue(b, b)

    def body(s0, _):
        for b in range(_NBUF):
            s = s0 * _NBUF + b
            drain(b)
            accum(b)
            issue(s + _NBUF, b)
        return 0

    lax.fori_loop(0, (_S - _NBUF) // _NBUF, body, 0)

    for b in range(_NBUF):
        drain(b)
        accum(b)

    pltpu.sync_copy(acc_v, out_hbm.at[pl.ds(wid * _BPW, _BPW)])


_V = 1000000
_TV = 16384
_TG = _TV // 4
_NMAIN = _V // _TV
_VTAIL = _V - _NMAIN * _TV


def _relayout_body(xt_ref, o_ref):
    eye128 = jnp.eye(128, dtype=jnp.float32)
    acc = None
    for q in range(4):
        eq = lax.slice(eye128, (32 * q, 0), (32 * (q + 1), 128))
        yq = jax.lax.dot_general(
            xt_ref[:, _TG * q : _TG * (q + 1)], eq, (((0,), (0,)), ((), ())),
            preferred_element_type=jnp.float32,
        )
        acc = yq if acc is None else acc + yq
    o_ref[...] = acc


def _tail_body(alias_ref, xt_ref, o_ref):
    del alias_ref
    x3 = xt_ref[0].reshape(_D, 16, 4)
    o_ref[...] = jnp.transpose(x3, (1, 2, 0)).reshape(16, 128)


def _relayout(tableT):
    main = pl.pallas_call(
        _relayout_body,
        grid=(_NMAIN,),
        in_specs=[pl.BlockSpec((_D, _TV), lambda i: (0, i))],
        out_specs=pl.BlockSpec((_TG, 128), lambda i: (i, 0)),
        out_shape=jax.ShapeDtypeStruct((_V // 4, 128), jnp.float32),
    )(tableT)
    xt_tail = lax.slice(tableT, (0, _NMAIN * _TV), (_D, _V))
    xt_tail_r = jnp.swapaxes(xt_tail.reshape(_D, _VTAIL // 64, 64), 0, 1)
    base_blk = _NMAIN * _TG // 16
    return pl.pallas_call(
        _tail_body,
        grid=(_VTAIL // 64,),
        in_specs=[
            pl.BlockSpec(memory_space=pl.ANY),
            pl.BlockSpec((1, _D, 64), lambda i: (i, 0, 0)),
        ],
        out_specs=pl.BlockSpec((16, 128), lambda i: (base_blk + i, 0)),
        out_shape=jax.ShapeDtypeStruct((_V // 4, 128), jnp.float32),
        input_output_aliases={0: 0},
    )(main, xt_tail_r)


def _permute_idx(i):
    m = i & (_TV - 1)
    r_main = (i - m) + 4 * (m & (_TG - 1)) + (m >> 12)
    return jnp.where(i >= _NMAIN * _TV, i, r_main)


_BB = 512


def _mlp_body(x_ref, w1_ref, b1_ref, w2_ref, b2_ref, o_ref):
    x = x_ref[...] * (1.0 / _S)
    h = jnp.dot(x, w1_ref[...], preferred_element_type=jnp.float32) + b1_ref[...]
    h = jnp.maximum(h, 0.0)
    logits = jnp.dot(h, w2_ref[...], preferred_element_type=jnp.float32) + b2_ref[...]
    m = jnp.max(logits, axis=-1, keepdims=True)
    e = jnp.exp(logits - m)
    o_ref[...] = e / jnp.sum(e, axis=-1, keepdims=True)


def _mlp(pooled_sum, W1, b1, W2, b2):
    n_classes = W2.shape[1]
    hidden = W1.shape[1]
    grid = (_B // _BB,)
    return pl.pallas_call(
        _mlp_body,
        grid=grid,
        in_specs=[
            pl.BlockSpec((_BB, _D), lambda i: (i, 0)),
            pl.BlockSpec((_D, hidden), lambda i: (0, 0)),
            pl.BlockSpec((1, hidden), lambda i: (0, 0)),
            pl.BlockSpec((hidden, n_classes), lambda i: (0, 0)),
            pl.BlockSpec((1, n_classes), lambda i: (0, 0)),
        ],
        out_specs=pl.BlockSpec((_BB, n_classes), lambda i: (i, 0)),
        out_shape=jax.ShapeDtypeStruct((_B, n_classes), jnp.float32),
    )(pooled_sum, W1, b1, W2, b2)


def kernel(inputs, table, W1, b1, W2, b2):
    idx = _permute_idx(
        jnp.swapaxes(inputs.astype(jnp.int32), 0, 1).reshape(_S, _NW, _BPW)
    )
    table_rm = _relayout(jnp.swapaxes(table, 0, 1)).reshape(_V, _D)
    pooled_sum = _pool_sum(idx, table_rm)
    return _mlp(pooled_sum, W1, b1.reshape(1, -1), W2, b2.reshape(1, -1))

# --- scband reference (transcript-rebuilt; emitter-appended) ---
"""Pipeline reference for scband-tiny-llmmodel-2095944040801 (READ-ONLY COPY).

The authoritative reference and input builder live on the scoring server;
editing this copy changes nothing except your own understanding.
"""

import jax, jax.numpy as jnp
import numpy as np

VOCAB = 1000000
EMB = 32
HIDDEN = 16
NUM_CLASSES = 100
BATCH = 4096
SEQ = 200

def setup_inputs(seed: int = 0) -> dict:
    key = jax.random.key(seed)
    k1, k2, k3, k4, k5, k6 = jax.random.split(key, 6)
    inputs = jax.random.randint(k1, (BATCH, SEQ), 0, VOCAB, dtype=jnp.int64 if jax.config.jax_enable_x64 else jnp.int32)
    table = jax.random.normal(k2, (VOCAB, EMB), dtype=jnp.float32) * 0.05
    W1 = jax.random.normal(k3, (EMB, HIDDEN), dtype=jnp.float32) * (1.0 / np.sqrt(EMB))
    b1 = jnp.zeros((HIDDEN,), dtype=jnp.float32)
    W2 = jax.random.normal(k4, (HIDDEN, NUM_CLASSES), dtype=jnp.float32) * (1.0 / np.sqrt(HIDDEN))
    b2 = jnp.zeros((NUM_CLASSES,), dtype=jnp.float32)
    return {"inputs": inputs, "table": table, "W1": W1, "b1": b1, "W2": W2, "b2": b2}

def reference(inputs, table, W1, b1, W2, b2):
    # Embedding lookup: [B, S] -> [B, S, EMB]
    x = jnp.take(table, inputs, axis=0)
    # GlobalAveragePooling1D over sequence axis
    x = jnp.mean(x, axis=1)
    # Dense(16, relu)
    x = jax.nn.relu(jnp.dot(x, W1) + b1)
    # Dense(num_classes, softmax)
    logits = jnp.dot(x, W2) + b2
    return jax.nn.softmax(logits, axis=-1)

if __name__ == "__main__":
    import jax
    _d = setup_inputs()
    print(jax.jit(kernel)(*tuple(_d.values())))

</pallas_src>

<mosaic_0001>
#map = affine_map<(d0, d1) -> (0, 0, 0)>
#map1 = affine_map<(d0, d1) -> (0, 0)>
module attributes {stable_mosaic.version = 14 : i64} {
  func.func @_pool_sum(%arg0: i32, %arg1: i32, %arg2: memref<200x32x128xi32, #tpu.memory_space<hbm>>, %arg3: memref<1000000x32xf32, #tpu.memory_space<hbm>>, %arg4: memref<4096x32xf32, #tpu.memory_space<hbm>>, %arg5: memref<200x128xi32, #tpu.memory_space<vmem>>, %arg6: memref<128x32xf32, #tpu.memory_space<vmem>>, %arg7: memref<128x32xf32, #tpu.memory_space<vmem>>, %arg8: memref<128x32xf32, #tpu.memory_space<vmem>>, %arg9: memref<128x32xf32, #tpu.memory_space<vmem>>, %arg10: memref<128x32xf32, #tpu.memory_space<vmem>>, %arg11: memref<128x32xf32, #tpu.memory_space<vmem>>, %arg12: memref<128x32xf32, #tpu.memory_space<vmem>>, %arg13: memref<128x32xf32, #tpu.memory_space<vmem>>, %arg14: memref<128x32xf32, #tpu.memory_space<vmem>>, %arg15: memref<!tpu.dma_semaphore, #tpu.memory_space<semaphore_mem>>, %arg16: memref<!tpu.dma_semaphore, #tpu.memory_space<semaphore_mem>>, %arg17: memref<!tpu.dma_semaphore, #tpu.memory_space<semaphore_mem>>, %arg18: memref<!tpu.dma_semaphore, #tpu.memory_space<semaphore_mem>>, %arg19: memref<!tpu.dma_semaphore, #tpu.memory_space<semaphore_mem>>, %arg20: memref<!tpu.dma_semaphore, #tpu.memory_space<semaphore_mem>>, %arg21: memref<!tpu.dma_semaphore, #tpu.memory_space<semaphore_mem>>, %arg22: memref<!tpu.dma_semaphore, #tpu.memory_space<semaphore_mem>>, %arg23: memref<!tpu.dma_semaphore, #tpu.memory_space<semaphore_mem>>) attributes {dimension_semantics = [#tpu.dimension_semantics<core_parallel>, #tpu.dimension_semantics<subcore_parallel>], iteration_bounds = array<i64: 2, 16>, scalar_prefetch = 0 : i64, scratch_operands = 19 : i64, tpu.core_type = #tpu.core_type<sc_vector_subcore>, window_params = [{transform_indices = #map}, {transform_indices = #map1}, {transform_indices = #map1}]} {
    %mul3A = arith.constant 2 : i32
    %mul3A_0 = arith.muli %arg1, %mul3A : i32
    %add3A = arith.addi %mul3A_0, %arg0 : i32
    %dma_start3A = arith.constant 0 : i32
    %dma_start3A_1 = arith.constant 0 : i32
    %dma_start3A_2 = tpu.memref_slice %arg2[%dma_start3A, %add3A, %dma_start3A_1] : memref<200x32x128xi32, #tpu.memory_space<hbm>> -> memref<200x1x128xi32, #tpu.memory_space<hbm>>
    %dma_start3A_3 = tpu.memref_squeeze %dma_start3A_2 : memref<200x1x128xi32, #tpu.memory_space<hbm>> -> memref<200x128xi32, #tpu.memory_space<hbm>>
    %dma_start3A_4 = arith.constant 0 : i32
    %dma_start3A_5 = arith.constant 0 : i32
    %dma_start3A_6 = tpu.memref_slice %arg2[%dma_start3A_4, %add3A, %dma_start3A_5] : memref<200x32x128xi32, #tpu.memory_space<hbm>> -> memref<200x1x128xi32, #tpu.memory_space<hbm>>
    %dma_start3A_7 = tpu.memref_squeeze %dma_start3A_6 : memref<200x1x128xi32, #tpu.memory_space<hbm>> -> memref<200x128xi32, #tpu.memory_space<hbm>>
    tpu.enqueue_dma source(%dma_start3A_7 : memref<200x128xi32, #tpu.memory_space<hbm>>) target(%arg5 : memref<200x128xi32, #tpu.memory_space<vmem>>) target_semaphore(%arg15 : memref<!tpu.dma_semaphore, #tpu.memory_space<semaphore_mem>>)
    %broadcast_in_dim3A = arith.constant 0.000000e+00 : f32
    %broadcast_in_dim3A_8 = vector.broadcast %broadcast_in_dim3A : f32 to vector<16xf32>
    %scan3A = arith.constant 0 : i32
    %scan3A_9 = arith.constant 0 : i32
    %scan3A_10 = arith.constant 128 : i32
    %scan3A_11 = arith.addi %scan3A_9, %scan3A_10 : i32
    %scan3A_12 = arith.constant 1 : i32
    %scan3A_13 = scf.for %scan3A_191 = %scan3A_9 to %scan3A_11 step %scan3A_12 iter_args(%scan3A_192 = %scan3A) -> (i32)  : i32 {
      %swap3A = arith.index_cast %scan3A_191 : i32 to index
      %swap3A_193 = arith.constant 0 : index
      %swap3A_194 = tpu.vector_load %arg14[%swap3A, %swap3A_193] {strides = array<i32>} : memref<128x32xf32, #tpu.memory_space<vmem>>, vector<1x16xf32>,
      %swap3A_195 = vector.shape_cast %swap3A_194 : vector<1x16xf32> to vector<16xf32>
      %swap3A_196 = vector.shape_cast %broadcast_in_dim3A_8 : vector<16xf32> to vector<1x16xf32>
      tpu.vector_store %arg14[%swap3A, %swap3A_193], %swap3A_196 {strides = array<i32>} : memref<128x32xf32, #tpu.memory_space<vmem>>, vector<1x16xf32>,
      %swap3A_197 = arith.index_cast %scan3A_191 : i32 to index
      %swap3A_198 = arith.constant 16 : index
      %swap3A_199 = tpu.vector_load %arg14[%swap3A_197, %swap3A_198] {strides = array<i32>} : memref<128x32xf32, #tpu.memory_space<vmem>>, vector<1x16xf32>,
      %swap3A_200 = vector.shape_cast %swap3A_199 : vector<1x16xf32> to vector<16xf32>
      %swap3A_201 = vector.shape_cast %broadcast_in_dim3A_8 : vector<16xf32> to vector<1x16xf32>
      tpu.vector_store %arg14[%swap3A_197, %swap3A_198], %swap3A_201 {strides = array<i32>} : memref<128x32xf32, #tpu.memory_space<vmem>>, vector<1x16xf32>,
      %scan3A_202 = arith.constant 0 : i32
      scf.yield %scan3A_202 : i32
    }
    %scan3A_14 = arith.constant 128 : i32
    %dma_wait3A = arith.constant 0 : i32
    %dma_wait3A_15 = arith.constant 0 : i32
    %dma_wait3A_16 = tpu.memref_slice %arg2[%dma_wait3A, %add3A, %dma_wait3A_15] : memref<200x32x128xi32, #tpu.memory_space<hbm>> -> memref<200x1x128xi32, #tpu.memory_space<hbm>>
    %dma_wait3A_17 = tpu.memref_squeeze %dma_wait3A_16 : memref<200x1x128xi32, #tpu.memory_space<hbm>> -> memref<200x128xi32, #tpu.memory_space<hbm>>
    %dma_wait3A_18 = arith.constant 0 : i32
    %dma_wait3A_19 = arith.constant 0 : i32
    %dma_wait3A_20 = tpu.memref_slice %arg2[%dma_wait3A_18, %add3A, %dma_wait3A_19] : memref<200x32x128xi32, #tpu.memory_space<hbm>> -> memref<200x1x128xi32, #tpu.memory_space<hbm>>
    %dma_wait3A_21 = tpu.memref_squeeze %dma_wait3A_20 : memref<200x1x128xi32, #tpu.memory_space<hbm>> -> memref<200x128xi32, #tpu.memory_space<hbm>>
    tpu.wait_dma2 semaphore(%arg15 : memref<!tpu.dma_semaphore, #tpu.memory_space<semaphore_mem>>) src(%dma_wait3A_21 : memref<200x128xi32, #tpu.memory_space<hbm>>) dst(%arg5 : memref<200x128xi32, #tpu.memory_space<vmem>>)
    %dma_start3A_22 = arith.constant 0 : i32
    %dma_start3A_23 = arith.constant 0 : i32
    %dma_start3A_24 = tpu.memref_slice %arg5[%dma_start3A_22, %dma_start3A_23] : memref<200x128xi32, #tpu.memory_space<vmem>> -> memref<1x128xi32, #tpu.memory_space<vmem>>
    %dma_start3A_25 = tpu.memref_squeeze %dma_start3A_24 : memref<1x128xi32, #tpu.memory_space<vmem>> -> memref<128xi32, #tpu.memory_space<vmem>>
    %dma_start3A_26 = arith.constant 0 : i32
    %dma_start3A_27 = arith.constant 0 : i32
    %dma_start3A_28 = tpu.memref_slice %arg3[%dma_start3A_26, %dma_start3A_27] : memref<1000000x32xf32, #tpu.memory_space<hbm>> -> memref<1000000x32xf32, #tpu.memory_space<hbm>>
    tpu.enqueue_indirect_dma source(%dma_start3A_28 : memref<1000000x32xf32, #tpu.memory_space<hbm>>) target(%arg6 : memref<128x32xf32, #tpu.memory_space<vmem>>) offsets(%dma_start3A_25 : memref<128xi32, #tpu.memory_space<vmem>>) semaphore(%arg16 : memref<!tpu.dma_semaphore, #tpu.memory_space<semaphore_mem>>)
    %dma_start3A_29 = arith.constant 1 : i32
    %dma_start3A_30 = arith.constant 0 : i32
    %dma_start3A_31 = tpu.memref_slice %arg5[%dma_start3A_29, %dma_start3A_30] : memref<200x128xi32, #tpu.memory_space<vmem>> -> memref<1x128xi32, #tpu.memory_space<vmem>>
    %dma_start3A_32 = tpu.memref_squeeze %dma_start3A_31 : memref<1x128xi32, #tpu.memory_space<vmem>> -> memref<128xi32, #tpu.memory_space<vmem>>
    %dma_start3A_33 = arith.constant 0 : i32
    %dma_start3A_34 = arith.constant 0 : i32
    %dma_start3A_35 = tpu.memref_slice %arg3[%dma_start3A_33, %dma_start3A_34] : memref<1000000x32xf32, #tpu.memory_space<hbm>> -> memref<1000000x32xf32, #tpu.memory_space<hbm>>
    tpu.enqueue_indirect_dma source(%dma_start3A_35 : memref<1000000x32xf32, #tpu.memory_space<hbm>>) target(%arg7 : memref<128x32xf32, #tpu.memory_space<vmem>>) offsets(%dma_start3A_32 : memref<128xi32, #tpu.memory_space<vmem>>) semaphore(%arg17 : memref<!tpu.dma_semaphore, #tpu.memory_space<semaphore_mem>>)
    %dma_start3A_36 = arith.constant 2 : i32
    %dma_start3A_37 = arith.constant 0 : i32
    %dma_start3A_38 = tpu.memref_slice %arg5[%dma_start3A_36, %dma_start3A_37] : memref<200x128xi32, #tpu.memory_space<vmem>> -> memref<1x128xi32, #tpu.memory_space<vmem>>
    %dma_start3A_39 = tpu.memref_squeeze %dma_start3A_38 : memref<1x128xi32, #tpu.memory_space<vmem>> -> memref<128xi32, #tpu.memory_space<vmem>>
    %dma_start3A_40 = arith.constant 0 : i32
    %dma_start3A_41 = arith.constant 0 : i32
    %dma_start3A_42 = tpu.memref_slice %arg3[%dma_start3A_40, %dma_start3A_41] : memref<1000000x32xf32, #tpu.memory_space<hbm>> -> memref<1000000x32xf32, #tpu.memory_space<hbm>>
    tpu.enqueue_indirect_dma source(%dma_start3A_42 : memref<1000000x32xf32, #tpu.memory_space<hbm>>) target(%arg8 : memref<128x32xf32, #tpu.memory_space<vmem>>) offsets(%dma_start3A_39 : memref<128xi32, #tpu.memory_space<vmem>>) semaphore(%arg18 : memref<!tpu.dma_semaphore, #tpu.memory_space<semaphore_mem>>)
    %dma_start3A_43 = arith.constant 3 : i32
    %dma_start3A_44 = arith.constant 0 : i32
    %dma_start3A_45 = tpu.memref_slice %arg5[%dma_start3A_43, %dma_start3A_44] : memref<200x128xi32, #tpu.memory_space<vmem>> -> memref<1x128xi32, #tpu.memory_space<vmem>>
    %dma_start3A_46 = tpu.memref_squeeze %dma_start3A_45 : memref<1x128xi32, #tpu.memory_space<vmem>> -> memref<128xi32, #tpu.memory_space<vmem>>
    %dma_start3A_47 = arith.constant 0 : i32
    %dma_start3A_48 = arith.constant 0 : i32
    %dma_start3A_49 = tpu.memref_slice %arg3[%dma_start3A_47, %dma_start3A_48] : memref<1000000x32xf32, #tpu.memory_space<hbm>> -> memref<1000000x32xf32, #tpu.memory_space<hbm>>
    tpu.enqueue_indirect_dma source(%dma_start3A_49 : memref<1000000x32xf32, #tpu.memory_space<hbm>>) target(%arg9 : memref<128x32xf32, #tpu.memory_space<vmem>>) offsets(%dma_start3A_46 : memref<128xi32, #tpu.memory_space<vmem>>) semaphore(%arg19 : memref<!tpu.dma_semaphore, #tpu.memory_space<semaphore_mem>>)
    %dma_start3A_50 = arith.constant 4 : i32
    %dma_start3A_51 = arith.constant 0 : i32
    %dma_start3A_52 = tpu.memref_slice %arg5[%dma_start3A_50, %dma_start3A_51] : memref<200x128xi32, #tpu.memory_space<vmem>> -> memref<1x128xi32, #tpu.memory_space<vmem>>
    %dma_start3A_53 = tpu.memref_squeeze %dma_start3A_52 : memref<1x128xi32, #tpu.memory_space<vmem>> -> memref<128xi32, #tpu.memory_space<vmem>>
    %dma_start3A_54 = arith.constant 0 : i32
    %dma_start3A_55 = arith.constant 0 : i32
    %dma_start3A_56 = tpu.memref_slice %arg3[%dma_start3A_54, %dma_start3A_55] : memref<1000000x32xf32, #tpu.memory_space<hbm>> -> memref<1000000x32xf32, #tpu.memory_space<hbm>>
    tpu.enqueue_indirect_dma source(%dma_start3A_56 : memref<1000000x32xf32, #tpu.memory_space<hbm>>) target(%arg10 : memref<128x32xf32, #tpu.memory_space<vmem>>) offsets(%dma_start3A_53 : memref<128xi32, #tpu.memory_space<vmem>>) semaphore(%arg20 : memref<!tpu.dma_semaphore, #tpu.memory_space<semaphore_mem>>)
    %dma_start3A_57 = arith.constant 5 : i32
    %dma_start3A_58 = arith.constant 0 : i32
    %dma_start3A_59 = tpu.memref_slice %arg5[%dma_start3A_57, %dma_start3A_58] : memref<200x128xi32, #tpu.memory_space<vmem>> -> memref<1x128xi32, #tpu.memory_space<vmem>>
    %dma_start3A_60 = tpu.memref_squeeze %dma_start3A_59 : memref<1x128xi32, #tpu.memory_space<vmem>> -> memref<128xi32, #tpu.memory_space<vmem>>
    %dma_start3A_61 = arith.constant 0 : i32
    %dma_start3A_62 = arith.constant 0 : i32
    %dma_start3A_63 = tpu.memref_slice %arg3[%dma_start3A_61, %dma_start3A_62] : memref<1000000x32xf32, #tpu.memory_space<hbm>> -> memref<1000000x32xf32, #tpu.memory_space<hbm>>
    tpu.enqueue_indirect_dma source(%dma_start3A_63 : memref<1000000x32xf32, #tpu.memory_space<hbm>>) target(%arg11 : memref<128x32xf32, #tpu.memory_space<vmem>>) offsets(%dma_start3A_60 : memref<128xi32, #tpu.memory_space<vmem>>) semaphore(%arg21 : memref<!tpu.dma_semaphore, #tpu.memory_space<semaphore_mem>>)
    %dma_start3A_64 = arith.constant 6 : i32
    %dma_start3A_65 = arith.constant 0 : i32
    %dma_start3A_66 = tpu.memref_slice %arg5[%dma_start3A_64, %dma_start3A_65] : memref<200x128xi32, #tpu.memory_space<vmem>> -> memref<1x128xi32, #tpu.memory_space<vmem>>
    %dma_start3A_67 = tpu.memref_squeeze %dma_start3A_66 : memref<1x128xi32, #tpu.memory_space<vmem>> -> memref<128xi32, #tpu.memory_space<vmem>>
    %dma_start3A_68 = arith.constant 0 : i32
    %dma_start3A_69 = arith.constant 0 : i32
    %dma_start3A_70 = tpu.memref_slice %arg3[%dma_start3A_68, %dma_start3A_69] : memref<1000000x32xf32, #tpu.memory_space<hbm>> -> memref<1000000x32xf32, #tpu.memory_space<hbm>>
    tpu.enqueue_indirect_dma source(%dma_start3A_70 : memref<1000000x32xf32, #tpu.memory_space<hbm>>) target(%arg12 : memref<128x32xf32, #tpu.memory_space<vmem>>) offsets(%dma_start3A_67 : memref<128xi32, #tpu.memory_space<vmem>>) semaphore(%arg22 : memref<!tpu.dma_semaphore, #tpu.memory_space<semaphore_mem>>)
    %dma_start3A_71 = arith.constant 7 : i32
    %dma_start3A_72 = arith.constant 0 : i32
    %dma_start3A_73 = tpu.memref_slice %arg5[%dma_start3A_71, %dma_start3A_72] : memref<200x128xi32, #tpu.memory_space<vmem>> -> memref<1x128xi32, #tpu.memory_space<vmem>>
    %dma_start3A_74 = tpu.memref_squeeze %dma_start3A_73 : memref<1x128xi32, #tpu.memory_space<vmem>> -> memref<128xi32, #tpu.memory_space<vmem>>
    %dma_start3A_75 = arith.constant 0 : i32
    %dma_start3A_76 = arith.constant 0 : i32
    %dma_start3A_77 = tpu.memref_slice %arg3[%dma_start3A_75, %dma_start3A_76] : memref<1000000x32xf32, #tpu.memory_space<hbm>> -> memref<1000000x32xf32, #tpu.memory_space<hbm>>
    tpu.enqueue_indirect_dma source(%dma_start3A_77 : memref<1000000x32xf32, #tpu.memory_space<hbm>>) target(%arg13 : memref<128x32xf32, #tpu.memory_space<vmem>>) offsets(%dma_start3A_74 : memref<128xi32, #tpu.memory_space<vmem>>) semaphore(%arg23 : memref<!tpu.dma_semaphore, #tpu.memory_space<semaphore_mem>>)
    %scan3A_78 = arith.constant 0 : i32
    %scan3A_79 = arith.constant 0 : i32
    %scan3A_80 = arith.constant 24 : i32
    %scan3A_81 = arith.addi %scan3A_79, %scan3A_80 : i32
    %scan3A_82 = arith.constant 1 : i32
    %scan3A_83 = scf.for %scan3A_191 = %scan3A_79 to %scan3A_81 step %scan3A_82 iter_args(%scan3A_192 = %scan3A_78) -> (i32)  : i32 {
      %mul3A_193 = arith.constant 8 : i32
      %mul3A_194 = arith.muli %scan3A_191, %mul3A_193 : i32
      %add3A_195 = arith.constant 0 : i32
      %add3A_196 = arith.addi %mul3A_194, %add3A_195 : i32
      %dma_wait3A_197 = arith.constant 0 : i32
      %dma_wait3A_198 = arith.constant 0 : i32
      %dma_wait3A_199 = tpu.memref_slice %arg3[%dma_wait3A_197, %dma_wait3A_198] : memref<1000000x32xf32, #tpu.memory_space<hbm>> -> memref<128x32xf32, #tpu.memory_space<hbm>>
      %dma_wait3A_200 = arith.constant 0 : i32
      %dma_wait3A_201 = arith.constant 0 : i32
      %dma_wait3A_202 = tpu.memref_slice %arg3[%dma_wait3A_200, %dma_wait3A_201] : memref<1000000x32xf32, #tpu.memory_space<hbm>> -> memref<128x32xf32, #tpu.memory_space<hbm>>
      tpu.wait_dma2 semaphore(%arg16 : memref<!tpu.dma_semaphore, #tpu.memory_space<semaphore_mem>>) src(%dma_wait3A_202 : memref<128x32xf32, #tpu.memory_space<hbm>>) dst(%arg6 : memref<128x32xf32, #tpu.memory_space<vmem>>)
      %scan3A_203 = arith.constant 0 : i32
      %scan3A_204 = arith.constant 0 : i32
      %scan3A_205 = arith.constant 16 : i32
      %scan3A_206 = arith.addi %scan3A_204, %scan3A_205 : i32
      %scan3A_207 = arith.constant 1 : i32
      %scan3A_208 = scf.for %scan3A_394 = %scan3A_204 to %scan3A_206 step %scan3A_207 iter_args(%scan3A_395 = %scan3A_203) -> (i32)  : i32 {
        %mul3A_396 = arith.constant 8 : i32
        %mul3A_397 = arith.muli %scan3A_394, %mul3A_396 : i32
        %add3A_398 = arith.constant 0 : i32
        %add3A_399 = arith.addi %mul3A_397, %add3A_398 : i32
        %get3A = arith.index_cast %add3A_399 : i32 to index
        %get3A_400 = arith.constant 0 : index
        %get3A_401 = tpu.vector_load %arg6[%get3A, %get3A_400] {strides = array<i32>} : memref<128x32xf32, #tpu.memory_space<vmem>>, vector<1x16xf32>,
        %get3A_402 = vector.shape_cast %get3A_401 : vector<1x16xf32> to vector<16xf32>
        %swap3A = arith.index_cast %add3A_399 : i32 to index
        %swap3A_403 = arith.constant 0 : index
        %swap3A_404 = tpu.vector_load %arg14[%swap3A, %swap3A_403] {strides = array<i32>} : memref<128x32xf32, #tpu.memory_space<vmem>>, vector<1x16xf32>,
        %swap3A_405 = vector.shape_cast %swap3A_404 : vector<1x16xf32> to vector<16xf32>
        %swap3A_406 = vector.shape_cast %get3A_402 : vector<16xf32> to vector<1x16xf32>
        tpu.vector_store %arg14[%swap3A, %swap3A_403], %swap3A_406 {add = true, strides = array<i32>} : memref<128x32xf32, #tpu.memory_space<vmem>>, vector<1x16xf32>,
        %get3A_407 = arith.index_cast %add3A_399 : i32 to index
        %get3A_408 = arith.constant 16 : index
        %get3A_409 = tpu.vector_load %arg6[%get3A_407, %get3A_408] {strides = array<i32>} : memref<128x32xf32, #tpu.memory_space<vmem>>, vector<1x16xf32>,
        %get3A_410 = vector.shape_cast %get3A_409 : vector<1x16xf32> to vector<16xf32>
        %swap3A_411 = arith.index_cast %add3A_399 : i32 to index
        %swap3A_412 = arith.constant 16 : index
        %swap3A_413 = tpu.vector_load %arg14[%swap3A_411, %swap3A_412] {strides = array<i32>} : memref<128x32xf32, #tpu.memory_space<vmem>>, vector<1x16xf32>,
        %swap3A_414 = vector.shape_cast %swap3A_413 : vector<1x16xf32> to vector<16xf32>
        %swap3A_415 = vector.shape_cast %get3A_410 : vector<16xf32> to vector<1x16xf32>
        tpu.vector_store %arg14[%swap3A_411, %swap3A_412], %swap3A_415 {add = true, strides = array<i32>} : memref<128x32xf32, #tpu.memory_space<vmem>>, vector<1x16xf32>,
        %add3A_416 = arith.constant 1 : i32
        %add3A_417 = arith.addi %mul3A_397, %add3A_416 : i32
        %get3A_418 = arith.index_cast %add3A_417 : i32 to index
        %get3A_419 = arith.constant 0 : index
        %get3A_420 = tpu.vector_load %arg6[%get3A_418, %get3A_419] {strides = array<i32>} : memref<128x32xf32, #tpu.memory_space<vmem>>, vector<1x16xf32>,
        %get3A_421 = vector.shape_cast %get3A_420 : vector<1x16xf32> to vector<16xf32>
        %swap3A_422 = arith.index_cast %add3A_417 : i32 to index
        %swap3A_423 = arith.constant 0 : index
        %swap3A_424 = tpu.vector_load %arg14[%swap3A_422, %swap3A_423] {strides = array<i32>} : memref<128x32xf32, #tpu.memory_space<vmem>>, vector<1x16xf32>,
        %swap3A_425 = vector.shape_cast %swap3A_424 : vector<1x16xf32> to vector<16xf32>
        %swap3A_426 = vector.shape_cast %get3A_421 : vector<16xf32> to vector<1x16xf32>
        tpu.vector_store %arg14[%swap3A_422, %swap3A_423], %swap3A_426 {add = true, strides = array<i32>} : memref<128x32xf32, #tpu.memory_space<vmem>>, vector<1x16xf32>,
        %get3A_427 = arith.index_cast %add3A_417 : i32 to index
        %get3A_428 = arith.constant 16 : index
        %get3A_429 = tpu.vector_load %arg6[%get3A_427, %get3A_428] {strides = array<i32>} : memref<128x32xf32, #tpu.memory_space<vmem>>, vector<1x16xf32>,
        %get3A_430 = vector.shape_cast %get3A_429 : vector<1x16xf32> to vector<16xf32>
        %swap3A_431 = arith.index_cast %add3A_417 : i32 to index
        %swap3A_432 = arith.constant 16 : index
        %swap3A_433 = tpu.vector_load %arg14[%swap3A_431, %swap3A_432] {strides = array<i32>} : memref<128x32xf32, #tpu.memory_space<vmem>>, vector<1x16xf32>,
        %swap3A_434 = vector.shape_cast %swap3A_433 : vector<1x16xf32> to vector<16xf32>
        %swap3A_435 = vector.shape_cast %get3A_430 : vector<16xf32> to vector<1x16xf32>
        tpu.vector_store %arg14[%swap3A_431, %swap3A_432], %swap3A_435 {add = true, strides = array<i32>} : memref<128x32xf32, #tpu.memory_space<vmem>>, vector<1x16xf32>,
        %add3A_436 = arith.constant 2 : i32
        %add3A_437 = arith.addi %mul3A_397, %add3A_436 : i32
        %get3A_438 = arith.index_cast %add3A_437 : i32 to index
        %get3A_439 = arith.constant 0 : index
        %get3A_440 = tpu.vector_load %arg6[%get3A_438, %get3A_439] {strides = array<i32>} : memref<128x32xf32, #tpu.memory_space<vmem>>, vector<1x16xf32>,
        %get3A_441 = vector.shape_cast %get3A_440 : vector<1x16xf32> to vector<16xf32>
        %swap3A_442 = arith.index_cast %add3A_437 : i32 to index
        %swap3A_443 = arith.constant 0 : index
        %swap3A_444 = tpu.vector_load %arg14[%swap3A_442, %swap3A_443] {strides = array<i32>} : memref<128x32xf32, #tpu.memory_space<vmem>>, vector<1x16xf32>,
        %swap3A_445 = vector.shape_cast %swap3A_444 : vector<1x16xf32> to vector<16xf32>
        %swap3A_446 = vector.shape_cast %get3A_441 : vector<16xf32> to vector<1x16xf32>
        tpu.vector_store %arg14[%swap3A_442, %swap3A_443], %swap3A_446 {add = true, strides = array<i32>} : memref<128x32xf32, #tpu.memory_space<vmem>>, vector<1x16xf32>,
        %get3A_447 = arith.index_cast %add3A_437 : i32 to index
        %get3A_448 = arith.constant 16 : index
        %get3A_449 = tpu.vector_load %arg6[%get3A_447, %get3A_448] {strides = array<i32>} : memref<128x32xf32, #tpu.memory_space<vmem>>, vector<1x16xf32>,
        %get3A_450 = vector.shape_cast %get3A_449 : vector<1x16xf32> to vector<16xf32>
        %swap3A_451 = arith.index_cast %add3A_437 : i32 to index
        %swap3A_452 = arith.constant 16 : index
        %swap3A_453 = tpu.vector_load %arg14[%swap3A_451, %swap3A_452] {strides = array<i32>} : memref<128x32xf32, #tpu.memory_space<vmem>>, vector<1x16xf32>,
        %swap3A_454 = vector.shape_cast %swap3A_453 : vector<1x16xf32> to vector<16xf32>
        %swap3A_455 = vector.shape_cast %get3A_450 : vector<16xf32> to vector<1x16xf32>
        tpu.vector_store %arg14[%swap3A_451, %swap3A_452], %swap3A_455 {add = true, strides = array<i32>} : memref<128x32xf32, #tpu.memory_space<vmem>>, vector<1x16xf32>,
        %add3A_456 = arith.constant 3 : i32
        %add3A_457 = arith.addi %mul3A_397, %add3A_456 : i32
        %get3A_458 = arith.index_cast %add3A_457 : i32 to index
        %get3A_459 = arith.constant 0 : index
        %get3A_460 = tpu.vector_load %arg6[%get3A_458, %get3A_459] {strides = array<i32>} : memref<128x32xf32, #tpu.memory_space<vmem>>, vector<1x16xf32>,
        %get3A_461 = vector.shape_cast %get3A_460 : vector<1x16xf32> to vector<16xf32>
        %swap3A_462 = arith.index_cast %add3A_457 : i32 to index
        %swap3A_463 = arith.constant 0 : index
        %swap3A_464 = tpu.vector_load %arg14[%swap3A_462, %swap3A_463] {strides = array<i32>} : memref<128x32xf32, #tpu.memory_space<vmem>>, vector<1x16xf32>,
        %swap3A_465 = vector.shape_cast %swap3A_464 : vector<1x16xf32> to vector<16xf32>
        %swap3A_466 = vector.shape_cast %get3A_461 : vector<16xf32> to vector<1x16xf32>
        tpu.vector_store %arg14[%swap3A_462, %swap3A_463], %swap3A_466 {add = true, strides = array<i32>} : memref<128x32xf32, #tpu.memory_space<vmem>>, vector<1x16xf32>,
        %get3A_467 = arith.index_cast %add3A_457 : i32 to index
        %get3A_468 = arith.constant 16 : index
        %get3A_469 = tpu.vector_load %arg6[%get3A_467, %get3A_468] {strides = array<i32>} : memref<128x32xf32, #tpu.memory_space<vmem>>, vector<1x16xf32>,
        %get3A_470 = vector.shape_cast %get3A_469 : vector<1x16xf32> to vector<16xf32>
        %swap3A_471 = arith.index_cast %add3A_457 : i32 to index
        %swap3A_472 = arith.constant 16 : index
        %swap3A_473 = tpu.vector_load %arg14[%swap3A_471, %swap3A_472] {strides = array<i32>} : memref<128x32xf32, #tpu.memory_space<vmem>>, vector<1x16xf32>,
        %swap3A_474 = vector.shape_cast %swap3A_473 : vector<1x16xf32> to vector<16xf32>
        %swap3A_475 = vector.shape_cast %get3A_470 : vector<16xf32> to vector<1x16xf32>
        tpu.vector_store %arg14[%swap3A_471, %swap3A_472], %swap3A_475 {add = true, strides = array<i32>} : memref<128x32xf32, #tpu.memory_space<vmem>>, vector<1x16xf32>,
        %add3A_476 = arith.constant 4 : i32
        %add3A_477 = arith.addi %mul3A_397, %add3A_476 : i32
        %get3A_478 = arith.index_cast %add3A_477 : i32 to index
        %get3A_479 = arith.constant 0 : index
        %get3A_480 = tpu.vector_load %arg6[%get3A_478, %get3A_479] {strides = array<i32>} : memref<128x32xf32, #tpu.memory_space<vmem>>, vector<1x16xf32>,
        %get3A_481 = vector.shape_cast %get3A_480 : vector<1x16xf32> to vector<16xf32>
        %swap3A_482 = arith.index_cast %add3A_477 : i32 to index
        %swap3A_483 = arith.constant 0 : index
        %swap3A_484 = tpu.vector_load %arg14[%swap3A_482, %swap3A_483] {strides = array<i32>} : memref<128x32xf32, #tpu.memory_space<vmem>>, vector<1x16xf32>,
        %swap3A_485 = vector.shape_cast %swap3A_484 : vector<1x16xf32> to vector<16xf32>
        %swap3A_486 = vector.shape_cast %get3A_481 : vector<16xf32> to vector<1x16xf32>
        tpu.vector_store %arg14[%swap3A_482, %swap3A_483], %swap3A_486 {add = true, strides = array<i32>} : memref<128x32xf32, #tpu.memory_space<vmem>>, vector<1x16xf32>,
        %get3A_487 = arith.index_cast %add3A_477 : i32 to index
        %get3A_488 = arith.constant 16 : index
        %get3A_489 = tpu.vector_load %arg6[%get3A_487, %get3A_488] {strides = array<i32>} : memref<128x32xf32, #tpu.memory_space<vmem>>, vector<1x16xf32>,
        %get3A_490 = vector.shape_cast %get3A_489 : vector<1x16xf32> to vector<16xf32>
        %swap3A_491 = arith.index_cast %add3A_477 : i32 to index
        %swap3A_492 = arith.constant 16 : index
        %swap3A_493 = tpu.vector_load %arg14[%swap3A_491, %swap3A_492] {strides = array<i32>} : memref<128x32xf32, #tpu.memory_space<vmem>>, vector<1x16xf32>,
        %swap3A_494 = vector.shape_cast %swap3A_493 : vector<1x16xf32> to vector<16xf32>
        %swap3A_495 = vector.shape_cast %get3A_490 : vector<16xf32> to vector<1x16xf32>
        tpu.vector_store %arg14[%swap3A_491, %swap3A_492], %swap3A_495 {add = true, strides = array<i32>} : memref<128x32xf32, #tpu.memory_space<vmem>>, vector<1x16xf32>,
        %add3A_496 = arith.constant 5 : i32
        %add3A_497 = arith.addi %mul3A_397, %add3A_496 : i32
        %get3A_498 = arith.index_cast %add3A_497 : i32 to index
        %get3A_499 = arith.constant 0 : index
        %get3A_500 = tpu.vector_load %arg6[%get3A_498, %get3A_499] {strides = array<i32>} : memref<128x32xf32, #tpu.memory_space<vmem>>, vector<1x16xf32>,
        %get3A_501 = vector.shape_cast %get3A_500 : vector<1x16xf32> to vector<16xf32>
        %swap3A_502 = arith.index_cast %add3A_497 : i32 to index
        %swap3A_503 = arith.constant 0 : index
        %swap3A_504 = tpu.vector_load %arg14[%swap3A_502, %swap3A_503] {strides = array<i32>} : memref<128x32xf32, #tpu.memory_space<vmem>>, vector<1x16xf32>,
        %swap3A_505 = vector.shape_cast %swap3A_504 : vector<1x16xf32> to vector<16xf32>
        %swap3A_506 = vector.shape_cast %get3A_501 : vector<16xf32> to vector<1x16xf32>
        tpu.vector_store %arg14[%swap3A_502, %swap3A_503], %swap3A_506 {add = true, strides = array<i32>} : memref<128x32xf32, #tpu.memory_space<vmem>>, vector<1x16xf32>,
        %get3A_507 = arith.index_cast %add3A_497 : i32 to index
        %get3A_508 = arith.constant 16 : index
        %get3A_509 = tpu.vector_load %arg6[%get3A_507, %get3A_508] {strides = array<i32>} : memref<128x32xf32, #tpu.memory_space<vmem>>, vector<1x16xf32>,
        %get3A_510 = vector.shape_cast %get3A_509 : vector<1x16xf32> to vector<16xf32>
        %swap3A_511 = arith.index_cast %add3A_497 : i32 to index
        %swap3A_512 = arith.constant 16 : index
        %swap3A_513 = tpu.vector_load %arg14[%swap3A_511, %swap3A_512] {strides = array<i32>} : memref<128x32xf32, #tpu.memory_space<vmem>>, vector<1x16xf32>,
        %swap3A_514 = vector.shape_cast %swap3A_513 : vector<1x16xf32> to vector<16xf32>
        %swap3A_515 = vector.shape_cast %get3A_510 : vector<16xf32> to vector<1x16xf32>
        tpu.vector_store %arg14[%swap3A_511, %swap3A_512], %swap3A_515 {add = true, strides = array<i32>} : memref<128x32xf32, #tpu.memory_space<vmem>>, vector<1x16xf32>,
        %add3A_516 = arith.constant 6 : i32
        %add3A_517 = arith.addi %mul3A_397, %add3A_516 : i32
        %get3A_518 = arith.index_cast %add3A_517 : i32 to index
        %get3A_519 = arith.constant 0 : index
        %get3A_520 = tpu.vector_load %arg6[%get3A_518, %get3A_519] {strides = array<i32>} : memref<128x32xf32, #tpu.memory_space<vmem>>, vector<1x16xf32>,
        %get3A_521 = vector.shape_cast %get3A_520 : vector<1x16xf32> to vector<16xf32>
        %swap3A_522 = arith.index_cast %add3A_517 : i32 to index
        %swap3A_523 = arith.constant 0 : index
        %swap3A_524 = tpu.vector_load %arg14[%swap3A_522, %swap3A_523] {strides = array<i32>} : memref<128x32xf32, #tpu.memory_space<vmem>>, vector<1x16xf32>,
        %swap3A_525 = vector.shape_cast %swap3A_524 : vector<1x16xf32> to vector<16xf32>
        %swap3A_526 = vector.shape_cast %get3A_521 : vector<16xf32> to vector<1x16xf32>
        tpu.vector_store %arg14[%swap3A_522, %swap3A_523], %swap3A_526 {add = true, strides = array<i32>} : memref<128x32xf32, #tpu.memory_space<vmem>>, vector<1x16xf32>,
        %get3A_527 = arith.index_cast %add3A_517 : i32 to index
        %get3A_528 = arith.constant 16 : index
        %get3A_529 = tpu.vector_load %arg6[%get3A_527, %get3A_528] {strides = array<i32>} : memref<128x32xf32, #tpu.memory_space<vmem>>, vector<1x16xf32>,
        %get3A_530 = vector.shape_cast %get3A_529 : vector<1x16xf32> to vector<16xf32>
        %swap3A_531 = arith.index_cast %add3A_517 : i32 to index
        %swap3A_532 = arith.constant 16 : index
        %swap3A_533 = tpu.vector_load %arg14[%swap3A_531, %swap3A_532] {strides = array<i32>} : memref<128x32xf32, #tpu.memory_space<vmem>>, vector<1x16xf32>,
        %swap3A_534 = vector.shape_cast %swap3A_533 : vector<1x16xf32> to vector<16xf32>
        %swap3A_535 = vector.shape_cast %get3A_530 : vector<16xf32> to vector<1x16xf32>
        tpu.vector_store %arg14[%swap3A_531, %swap3A_532], %swap3A_535 {add = true, strides = array<i32>} : memref<128x32xf32, #tpu.memory_space<vmem>>, vector<1x16xf32>,
        %add3A_536 = arith.constant 7 : i32
        %add3A_537 = arith.addi %mul3A_397, %add3A_536 : i32
        %get3A_538 = arith.index_cast %add3A_537 : i32 to index
        %get3A_539 = arith.constant 0 : index
        %get3A_540 = tpu.vector_load %arg6[%get3A_538, %get3A_539] {strides = array<i32>} : memref<128x32xf32, #tpu.memory_space<vmem>>, vector<1x16xf32>,
        %get3A_541 = vector.shape_cast %get3A_540 : vector<1x16xf32> to vector<16xf32>
        %swap3A_542 = arith.index_cast %add3A_537 : i32 to index
        %swap3A_543 = arith.constant 0 : index
        %swap3A_544 = tpu.vector_load %arg14[%swap3A_542, %swap3A_543] {strides = array<i32>} : memref<128x32xf32, #tpu.memory_space<vmem>>, vector<1x16xf32>,
        %swap3A_545 = vector.shape_cast %swap3A_544 : vector<1x16xf32> to vector<16xf32>
        %swap3A_546 = vector.shape_cast %get3A_541 : vector<16xf32> to vector<1x16xf32>
        tpu.vector_store %arg14[%swap3A_542, %swap3A_543], %swap3A_546 {add = true, strides = array<i32>} : memref<128x32xf32, #tpu.memory_space<vmem>>, vector<1x16xf32>,
        %get3A_547 = arith.index_cast %add3A_537 : i32 to index
        %get3A_548 = arith.constant 16 : index
        %get3A_549 = tpu.vector_load %arg6[%get3A_547, %get3A_548] {strides = array<i32>} : memref<128x32xf32, #tpu.memory_space<vmem>>, vector<1x16xf32>,
        %get3A_550 = vector.shape_cast %get3A_549 : vector<1x16xf32> to vector<16xf32>
        %swap3A_551 = arith.index_cast %add3A_537 : i32 to index
        %swap3A_552 = arith.constant 16 : index
        %swap3A_553 = tpu.vector_load %arg14[%swap3A_551, %swap3A_552] {strides = array<i32>} : memref<128x32xf32, #tpu.memory_space<vmem>>, vector<1x16xf32>,
        %swap3A_554 = vector.shape_cast %swap3A_553 : vector<1x16xf32> to vector<16xf32>
        %swap3A_555 = vector.shape_cast %get3A_550 : vector<16xf32> to vector<1x16xf32>
        tpu.vector_store %arg14[%swap3A_551, %swap3A_552], %swap3A_555 {add = true, strides = array<i32>} : memref<128x32xf32, #tpu.memory_space<vmem>>, vector<1x16xf32>,
        %scan3A_556 = arith.constant 0 : i32
        scf.yield %scan3A_556 : i32
      }
      %scan3A_209 = arith.constant 16 : i32
      %add3A_210 = arith.constant 8 : i32
      %add3A_211 = arith.addi %add3A_196, %add3A_210 : i32
      %dma_start3A_212 = arith.constant 0 : i32
      %dma_start3A_213 = tpu.memref_slice %arg5[%add3A_211, %dma_start3A_212] : memref<200x128xi32, #tpu.memory_space<vmem>> -> memref<1x128xi32, #tpu.memory_space<vmem>>
      %dma_start3A_214 = tpu.memref_squeeze %dma_start3A_213 : memref<1x128xi32, #tpu.memory_space<vmem>> -> memref<128xi32, #tpu.memory_space<vmem>>
      %dma_start3A_215 = arith.constant 0 : i32
      %dma_start3A_216 = arith.constant 0 : i32
      %dma_start3A_217 = tpu.memref_slice %arg3[%dma_start3A_215, %dma_start3A_216] : memref<1000000x32xf32, #tpu.memory_space<hbm>> -> memref<1000000x32xf32, #tpu.memory_space<hbm>>
      tpu.enqueue_indirect_dma source(%dma_start3A_217 : memref<1000000x32xf32, #tpu.memory_space<hbm>>) target(%arg6 : memref<128x32xf32, #tpu.memory_space<vmem>>) offsets(%dma_start3A_214 : memref<128xi32, #tpu.memory_space<vmem>>) semaphore(%arg16 : memref<!tpu.dma_semaphore, #tpu.memory_space<semaphore_mem>>)
      %mul3A_218 = arith.constant 8 : i32
      %mul3A_219 = arith.muli %scan3A_191, %mul3A_218 : i32
      %add3A_220 = arith.constant 1 : i32
      %add3A_221 = arith.addi %mul3A_219, %add3A_220 : i32
      %dma_wait3A_222 = arith.constant 0 : i32
      %dma_wait3A_223 = arith.constant 0 : i32
      %dma_wait3A_224 = tpu.memref_slice %arg3[%dma_wait3A_222, %dma_wait3A_223] : memref<1000000x32xf32, #tpu.memory_space<hbm>> -> memref<128x32xf32, #tpu.memory_space<hbm>>
      %dma_wait3A_225 = arith.constant 0 : i32
      %dma_wait3A_226 = arith.constant 0 : i32
      %dma_wait3A_227 = tpu.memref_slice %arg3[%dma_wait3A_225, %dma_wait3A_226] : memref<1000000x32xf32, #tpu.memory_space<hbm>> -> memref<128x32xf32, #tpu.memory_space<hbm>>
      tpu.wait_dma2 semaphore(%arg17 : memref<!tpu.dma_semaphore, #tpu.memory_space<semaphore_mem>>) src(%dma_wait3A_227 : memref<128x32xf32, #tpu.memory_space<hbm>>) dst(%arg7 : memref<128x32xf32, #tpu.memory_space<vmem>>)
      %scan3A_228 = arith.constant 0 : i32
      %scan3A_229 = arith.constant 0 : i32
      %scan3A_230 = arith.constant 16 : i32
      %scan3A_231 = arith.addi %scan3A_229, %scan3A_230 : i32
      %scan3A_232 = arith.constant 1 : i32
      %scan3A_233 = scf.for %scan3A_394 = %scan3A_229 to %scan3A_231 step %scan3A_232 iter_args(%scan3A_395 = %scan3A_228) -> (i32)  : i32 {
        %mul3A_396 = arith.constant 8 : i32
        %mul3A_397 = arith.muli %scan3A_394, %mul3A_396 : i32
        %add3A_398 = arith.constant 0 : i32
        %add3A_399 = arith.addi %mul3A_397, %add3A_398 : i32
        %get3A = arith.index_cast %add3A_399 : i32 to index
        %get3A_400 = arith.constant 0 : index
        %get3A_401 = tpu.vector_load %arg7[%get3A, %get3A_400] {strides = array<i32>} : memref<128x32xf32, #tpu.memory_space<vmem>>, vector<1x16xf32>,
        %get3A_402 = vector.shape_cast %get3A_401 : vector<1x16xf32> to vector<16xf32>
        %swap3A = arith.index_cast %add3A_399 : i32 to index
        %swap3A_403 = arith.constant 0 : index
        %swap3A_404 = tpu.vector_load %arg14[%swap3A, %swap3A_403] {strides = array<i32>} : memref<128x32xf32, #tpu.memory_space<vmem>>, vector<1x16xf32>,
        %swap3A_405 = vector.shape_cast %swap3A_404 : vector<1x16xf32> to vector<16xf32>
        %swap3A_406 = vector.shape_cast %get3A_402 : vector<16xf32> to vector<1x16xf32>
        tpu.vector_store %arg14[%swap3A, %swap3A_403], %swap3A_406 {add = true, strides = array<i32>} : memref<128x32xf32, #tpu.memory_space<vmem>>, vector<1x16xf32>,
        %get3A_407 = arith.index_cast %add3A_399 : i32 to index
        %get3A_408 = arith.constant 16 : index
        %get3A_409 = tpu.vector_load %arg7[%get3A_407, %get3A_408] {strides = array<i32>} : memref<128x32xf32, #tpu.memory_space<vmem>>, vector<1x16xf32>,
        %get3A_410 = vector.shape_cast %get3A_409 : vector<1x16xf32> to vector<16xf32>
        %swap3A_411 = arith.index_cast %add3A_399 : i32 to index
        %swap3A_412 = arith.constant 16 : index
        %swap3A_413 = tpu.vector_load %arg14[%swap3A_411, %swap3A_412] {strides = array<i32>} : memref<128x32xf32, #tpu.memory_space<vmem>>, vector<1x16xf32>,
        %swap3A_414 = vector.shape_cast %swap3A_413 : vector<1x16xf32> to vector<16xf32>
        %swap3A_415 = vector.shape_cast %get3A_410 : vector<16xf32> to vector<1x16xf32>
        tpu.vector_store %arg14[%swap3A_411, %swap3A_412], %swap3A_415 {add = true, strides = array<i32>} : memref<128x32xf32, #tpu.memory_space<vmem>>, vector<1x16xf32>,
        %add3A_416 = arith.constant 1 : i32
        %add3A_417 = arith.addi %mul3A_397, %add3A_416 : i32
        %get3A_418 = arith.index_cast %add3A_417 : i32 to index
        %get3A_419 = arith.constant 0 : index
        %get3A_420 = tpu.vector_load %arg7[%get3A_418, %get3A_419] {strides = array<i32>} : memref<128x32xf32, #tpu.memory_space<vmem>>, vector<1x16xf32>,
        %get3A_421 = vector.shape_cast %get3A_420 : vector<1x16xf32> to vector<16xf32>
        %swap3A_422 = arith.index_cast %add3A_417 : i32 to index
        %swap3A_423 = arith.constant 0 : index
        %swap3A_424 = tpu.vector_load %arg14[%swap3A_422, %swap3A_423] {strides = array<i32>} : memref<128x32xf32, #tpu.memory_space<vmem>>, vector<1x16xf32>,
        %swap3A_425 = vector.shape_cast %swap3A_424 : vector<1x16xf32> to vector<16xf32>
        %swap3A_426 = vector.shape_cast %get3A_421 : vector<16xf32> to vector<1x16xf32>
        tpu.vector_store %arg14[%swap3A_422, %swap3A_423], %swap3A_426 {add = true, strides = array<i32>} : memref<128x32xf32, #tpu.memory_space<vmem>>, vector<1x16xf32>,
        %get3A_427 = arith.index_cast %add3A_417 : i32 to index
        %get3A_428 = arith.constant 16 : index
        %get3A_429 = tpu.vector_load %arg7[%get3A_427, %get3A_428] {strides = array<i32>} : memref<128x32xf32, #tpu.memory_space<vmem>>, vector<1x16xf32>,
        %get3A_430 = vector.shape_cast %get3A_429 : vector<1x16xf32> to vector<16xf32>
        %swap3A_431 = arith.index_cast %add3A_417 : i32 to index
        %swap3A_432 = arith.constant 16 : index
        %swap3A_433 = tpu.vector_load %arg14[%swap3A_431, %swap3A_432] {strides = array<i32>} : memref<128x32xf32, #tpu.memory_space<vmem>>, vector<1x16xf32>,
        %swap3A_434 = vector.shape_cast %swap3A_433 : vector<1x16xf32> to vector<16xf32>
        %swap3A_435 = vector.shape_cast %get3A_430 : vector<16xf32> to vector<1x16xf32>
        tpu.vector_store %arg14[%swap3A_431, %swap3A_432], %swap3A_435 {add = true, strides = array<i32>} : memref<128x32xf32, #tpu.memory_space<vmem>>, vector<1x16xf32>,
        %add3A_436 = arith.constant 2 : i32
        %add3A_437 = arith.addi %mul3A_397, %add3A_436 : i32
        %get3A_438 = arith.index_cast %add3A_437 : i32 to index
        %get3A_439 = arith.constant 0 : index
        %get3A_440 = tpu.vector_load %arg7[%get3A_438, %get3A_439] {strides = array<i32>} : memref<128x32xf32, #tpu.memory_space<vmem>>, vector<1x16xf32>,
        %get3A_441 = vector.shape_cast %get3A_440 : vector<1x16xf32> to vector<16xf32>
        %swap3A_442 = arith.index_cast %add3A_437 : i32 to index
        %swap3A_443 = arith.constant 0 : index
        %swap3A_444 = tpu.vector_load %arg14[%swap3A_442, %swap3A_443] {strides = array<i32>} : memref<128x32xf32, #tpu.memory_space<vmem>>, vector<1x16xf32>,
        %swap3A_445 = vector.shape_cast %swap3A_444 : vector<1x16xf32> to vector<16xf32>
        %swap3A_446 = vector.shape_cast %get3A_441 : vector<16xf32> to vector<1x16xf32>
        tpu.vector_store %arg14[%swap3A_442, %swap3A_443], %swap3A_446 {add = true, strides = array<i32>} : memref<128x32xf32, #tpu.memory_space<vmem>>, vector<1x16xf32>,
        %get3A_447 = arith.index_cast %add3A_437 : i32 to index
        %get3A_448 = arith.constant 16 : index
        %get3A_449 = tpu.vector_load %arg7[%get3A_447, %get3A_448] {strides = array<i32>} : memref<128x32xf32, #tpu.memory_space<vmem>>, vector<1x16xf32>,
        %get3A_450 = vector.shape_cast %get3A_449 : vector<1x16xf32> to vector<16xf32>
        %swap3A_451 = arith.index_cast %add3A_437 : i32 to index
        %swap3A_452 = arith.constant 16 : index
        %swap3A_453 = tpu.vector_load %arg14[%swap3A_451, %swap3A_452] {strides = array<i32>} : memref<128x32xf32, #tpu.memory_space<vmem>>, vector<1x16xf32>,
        %swap3A_454 = vector.shape_cast %swap3A_453 : vector<1x16xf32> to vector<16xf32>
        %swap3A_455 = vector.shape_cast %get3A_450 : vector<16xf32> to vector<1x16xf32>
        tpu.vector_store %arg14[%swap3A_451, %swap3A_452], %swap3A_455 {add = true, strides = array<i32>} : memref<128x32xf32, #tpu.memory_space<vmem>>, vector<1x16xf32>,
        %add3A_456 = arith.constant 3 : i32
        %add3A_457 = arith.addi %mul3A_397, %add3A_456 : i32
        %get3A_458 = arith.index_cast %add3A_457 : i32 to index
        %get3A_459 = arith.constant 0 : index
        %get3A_460 = tpu.vector_load %arg7[%get3A_458, %get3A_459] {strides = array<i32>} : memref<128x32xf32, #tpu.memory_space<vmem>>, vector<1x16xf32>,
        %get3A_461 = vector.shape_cast %get3A_460 : vector<1x16xf32> to vector<16xf32>
        %swap3A_462 = arith.index_cast %add3A_457 : i32 to index
        %swap3A_463 = arith.constant 0 : index
        %swap3A_464 = tpu.vector_load %arg14[%swap3A_462, %swap3A_463] {strides = array<i32>} : memref<128x32xf32, #tpu.memory_space<vmem>>, vector<1x16xf32>,
        %swap3A_465 = vector.shape_cast %swap3A_464 : vector<1x16xf32> to vector<16xf32>
        %swap3A_466 = vector.shape_cast %get3A_461 : vector<16xf32> to vector<1x16xf32>
        tpu.vector_store %arg14[%swap3A_462, %swap3A_463], %swap3A_466 {add = true, strides = array<i32>} : memref<128x32xf32, #tpu.memory_space<vmem>>, vector<1x16xf32>,
        %get3A_467 = arith.index_cast %add3A_457 : i32 to index
        %get3A_468 = arith.constant 16 : index
        %get3A_469 = tpu.vector_load %arg7[%get3A_467, %get3A_468] {strides = array<i32>} : memref<128x32xf32, #tpu.memory_space<vmem>>, vector<1x16xf32>,
        %get3A_470 = vector.shape_cast %get3A_469 : vector<1x16xf32> to vector<16xf32>
        %swap3A_471 = arith.index_cast %add3A_457 : i32 to index
        %swap3A_472 = arith.constant 16 : index
        %swap3A_473 = tpu.vector_load %arg14[%swap3A_471, %swap3A_472] {strides = array<i32>} : memref<128x32xf32, #tpu.memory_space<vmem>>, vector<1x16xf32>,
        %swap3A_474 = vector.shape_cast %swap3A_473 : vector<1x16xf32> to vector<16xf32>
        %swap3A_475 = vector.shape_cast %get3A_470 : vector<16xf32> to vector<1x16xf32>
        tpu.vector_store %arg14[%swap3A_471, %swap3A_472], %swap3A_475 {add = true, strides = array<i32>} : memref<128x32xf32, #tpu.memory_space<vmem>>, vector<1x16xf32>,
        %add3A_476 = arith.constant 4 : i32
        %add3A_477 = arith.addi %mul3A_397, %add3A_476 : i32
        %get3A_478 = arith.index_cast %add3A_477 : i32 to index
        %get3A_479 = arith.constant 0 : index
        %get3A_480 = tpu.vector_load %arg7[%get3A_478, %get3A_479] {strides = array<i32>} : memref<128x32xf32, #tpu.memory_space<vmem>>, vector<1x16xf32>,
        %get3A_481 = vector.shape_cast %get3A_480 : vector<1x16xf32> to vector<16xf32>
        %swap3A_482 = arith.index_cast %add3A_477 : i32 to index
        %swap3A_483 = arith.constant 0 : index
        %swap3A_484 = tpu.vector_load %arg14[%swap3A_482, %swap3A_483] {strides = array<i32>} : memref<128x32xf32, #tpu.memory_space<vmem>>, vector<1x16xf32>,
        %swap3A_485 = vector.shape_cast %swap3A_484 : vector<1x16xf32> to vector<16xf32>
        %swap3A_486 = vector.shape_cast %get3A_481 : vector<16xf32> to vector<1x16xf32>
        tpu.vector_store %arg14[%swap3A_482, %swap3A_483], %swap3A_486 {add = true, strides = array<i32>} : memref<128x32xf32, #tpu.memory_space<vmem>>, vector<1x16xf32>,
        %get3A_487 = arith.index_cast %add3A_477 : i32 to index
        %get3A_488 = arith.constant 16 : index
        %get3A_489 = tpu.vector_load %arg7[%get3A_487, %get3A_488] {strides = array<i32>} : memref<128x32xf32, #tpu.memory_space<vmem>>, vector<1x16xf32>,
        %get3A_490 = vector.shape_cast %get3A_489 : vector<1x16xf32> to vector<16xf32>
        %swap3A_491 = arith.index_cast %add3A_477 : i32 to index
        %swap3A_492 = arith.constant 16 : index
        %swap3A_493 = tpu.vector_load %arg14[%swap3A_491, %swap3A_492] {strides = array<i32>} : memref<128x32xf32, #tpu.memory_space<vmem>>, vector<1x16xf32>,
        %swap3A_494 = vector.shape_cast %swap3A_493 : vector<1x16xf32> to vector<16xf32>
        %swap3A_495 = vector.shape_cast %get3A_490 : vector<16xf32> to vector<1x16xf32>
        tpu.vector_store %arg14[%swap3A_491, %swap3A_492], %swap3A_495 {add = true, strides = array<i32>} : memref<128x32xf32, #tpu.memory_space<vmem>>, vector<1x16xf32>,
        %add3A_496 = arith.constant 5 : i32
        %add3A_497 = arith.addi %mul3A_397, %add3A_496 : i32
        %get3A_498 = arith.index_cast %add3A_497 : i32 to index
        %get3A_499 = arith.constant 0 : index
        %get3A_500 = tpu.vector_load %arg7[%get3A_498, %get3A_499] {strides = array<i32>} : memref<128x32xf32, #tpu.memory_space<vmem>>, vector<1x16xf32>,
        %get3A_501 = vector.shape_cast %get3A_500 : vector<1x16xf32> to vector<16xf32>
        %swap3A_502 = arith.index_cast %add3A_497 : i32 to index
        %swap3A_503 = arith.constant 0 : index
        %swap3A_504 = tpu.vector_load %arg14[%swap3A_502, %swap3A_503] {strides = array<i32>} : memref<128x32xf32, #tpu.memory_space<vmem>>, vector<1x16xf32>,
        %swap3A_505 = vector.shape_cast %swap3A_504 : vector<1x16xf32> to vector<16xf32>
        %swap3A_506 = vector.shape_cast %get3A_501 : vector<16xf32> to vector<1x16xf32>
        tpu.vector_store %arg14[%swap3A_502, %swap3A_503], %swap3A_506 {add = true, strides = array<i32>} : memref<128x32xf32, #tpu.memory_space<vmem>>, vector<1x16xf32>,
        %get3A_507 = arith.index_cast %add3A_497 : i32 to index
        %get3A_508 = arith.constant 16 : index
        %get3A_509 = tpu.vector_load %arg7[%get3A_507, %get3A_508] {strides = array<i32>} : memref<128x32xf32, #tpu.memory_space<vmem>>, vector<1x16xf32>,
        %get3A_510 = vector.shape_cast %get3A_509 : vector<1x16xf32> to vector<16xf32>
        %swap3A_511 = arith.index_cast %add3A_497 : i32 to index
        %swap3A_512 = arith.constant 16 : index
        %swap3A_513 = tpu.vector_load %arg14[%swap3A_511, %swap3A_512] {strides = array<i32>} : memref<128x32xf32, #tpu.memory_space<vmem>>, vector<1x16xf32>,
        %swap3A_514 = vector.shape_cast %swap3A_513 : vector<1x16xf32> to vector<16xf32>
        %swap3A_515 = vector.shape_cast %get3A_510 : vector<16xf32> to vector<1x16xf32>
        tpu.vector_store %arg14[%swap3A_511, %swap3A_512], %swap3A_515 {add = true, strides = array<i32>} : memref<128x32xf32, #tpu.memory_space<vmem>>, vector<1x16xf32>,
        %add3A_516 = arith.constant 6 : i32
        %add3A_517 = arith.addi %mul3A_397, %add3A_516 : i32
        %get3A_518 = arith.index_cast %add3A_517 : i32 to index
        %get3A_519 = arith.constant 0 : index
        %get3A_520 = tpu.vector_load %arg7[%get3A_518, %get3A_519] {strides = array<i32>} : memref<128x32xf32, #tpu.memory_space<vmem>>, vector<1x16xf32>,
        %get3A_521 = vector.shape_cast %get3A_520 : vector<1x16xf32> to vector<16xf32>
        %swap3A_522 = arith.index_cast %add3A_517 : i32 to index
        %swap3A_523 = arith.constant 0 : index
        %swap3A_524 = tpu.vector_load %arg14[%swap3A_522, %swap3A_523] {strides = array<i32>} : memref<128x32xf32, #tpu.memory_space<vmem>>, vector<1x16xf32>,
        %swap3A_525 = vector.shape_cast %swap3A_524 : vector<1x16xf32> to vector<16xf32>
        %swap3A_526 = vector.shape_cast %get3A_521 : vector<16xf32> to vector<1x16xf32>
        tpu.vector_store %arg14[%swap3A_522, %swap3A_523], %swap3A_526 {add = true, strides = array<i32>} : memref<128x32xf32, #tpu.memory_space<vmem>>, vector<1x16xf32>,
        %get3A_527 = arith.index_cast %add3A_517 : i32 to index
        %get3A_528 = arith.constant 16 : index
        %get3A_529 = tpu.vector_load %arg7[%get3A_527, %get3A_528] {strides = array<i32>} : memref<128x32xf32, #tpu.memory_space<vmem>>, vector<1x16xf32>,
        %get3A_530 = vector.shape_cast %get3A_529 : vector<1x16xf32> to vector<16xf32>
        %swap3A_531 = arith.index_cast %add3A_517 : i32 to index
        %swap3A_532 = arith.constant 16 : index
        %swap3A_533 = tpu.vector_load %arg14[%swap3A_531, %swap3A_532] {strides = array<i32>} : memref<128x32xf32, #tpu.memory_space<vmem>>, vector<1x16xf32>,
        %swap3A_534 = vector.shape_cast %swap3A_533 : vector<1x16xf32> to vector<16xf32>
        %swap3A_535 = vector.shape_cast %get3A_530 : vector<16xf32> to vector<1x16xf32>
        tpu.vector_store %arg14[%swap3A_531, %swap3A_532], %swap3A_535 {add = true, strides = array<i32>} : memref<128x32xf32, #tpu.memory_space<vmem>>, vector<1x16xf32>,
        %add3A_536 = arith.constant 7 : i32
        %add3A_537 = arith.addi %mul3A_397, %add3A_536 : i32
        %get3A_538 = arith.index_cast %add3A_537 : i32 to index
        %get3A_539 = arith.constant 0 : index
        %get3A_540 = tpu.vector_load %arg7[%get3A_538, %get3A_539] {strides = array<i32>} : memref<128x32xf32, #tpu.memory_space<vmem>>, vector<1x16xf32>,
        %get3A_541 = vector.shape_cast %get3A_540 : vector<1x16xf32> to vector<16xf32>
        %swap3A_542 = arith.index_cast %add3A_537 : i32 to index
        %swap3A_543 = arith.constant 0 : index
        %swap3A_544 = tpu.vector_load %arg14[%swap3A_542, %swap3A_543] {strides = array<i32>} : memref<128x32xf32, #tpu.memory_space<vmem>>, vector<1x16xf32>,
        %swap3A_545 = vector.shape_cast %swap3A_544 : vector<1x16xf32> to vector<16xf32>
        %swap3A_546 = vector.shape_cast %get3A_541 : vector<16xf32> to vector<1x16xf32>
        tpu.vector_store %arg14[%swap3A_542, %swap3A_543], %swap3A_546 {add = true, strides = array<i32>} : memref<128x32xf32, #tpu.memory_space<vmem>>, vector<1x16xf32>,
        %get3A_547 = arith.index_cast %add3A_537 : i32 to index
        %get3A_548 = arith.constant 16 : index
        %get3A_549 = tpu.vector_load %arg7[%get3A_547, %get3A_548] {strides = array<i32>} : memref<128x32xf32, #tpu.memory_space<vmem>>, vector<1x16xf32>,
        %get3A_550 = vector.shape_cast %get3A_549 : vector<1x16xf32> to vector<16xf32>
        %swap3A_551 = arith.index_cast %add3A_537 : i32 to index
        %swap3A_552 = arith.constant 16 : index
        %swap3A_553 = tpu.vector_load %arg14[%swap3A_551, %swap3A_552] {strides = array<i32>} : memref<128x32xf32, #tpu.memory_space<vmem>>, vector<1x16xf32>,
        %swap3A_554 = vector.shape_cast %swap3A_553 : vector<1x16xf32> to vector<16xf32>
        %swap3A_555 = vector.shape_cast %get3A_550 : vector<16xf32> to vector<1x16xf32>
        tpu.vector_store %arg14[%swap3A_551, %swap3A_552], %swap3A_555 {add = true, strides = array<i32>} : memref<128x32xf32, #tpu.memory_space<vmem>>, vector<1x16xf32>,
        %scan3A_556 = arith.constant 0 : i32
        scf.yield %scan3A_556 : i32
      }
      %scan3A_234 = arith.constant 16 : i32
      %add3A_235 = arith.constant 8 : i32
      %add3A_236 = arith.addi %add3A_221, %add3A_235 : i32
      %dma_start3A_237 = arith.constant 0 : i32
      %dma_start3A_238 = tpu.memref_slice %arg5[%add3A_236, %dma_start3A_237] : memref<200x128xi32, #tpu.memory_space<vmem>> -> memref<1x128xi32, #tpu.memory_space<vmem>>
      %dma_start3A_239 = tpu.memref_squeeze %dma_start3A_238 : memref<1x128xi32, #tpu.memory_space<vmem>> -> memref<128xi32, #tpu.memory_space<vmem>>
      %dma_start3A_240 = arith.constant 0 : i32
      %dma_start3A_241 = arith.constant 0 : i32
      %dma_start3A_242 = tpu.memref_slice %arg3[%dma_start3A_240, %dma_start3A_241] : memref<1000000x32xf32, #tpu.memory_space<hbm>> -> memref<1000000x32xf32, #tpu.memory_space<hbm>>
      tpu.enqueue_indirect_dma source(%dma_start3A_242 : memref<1000000x32xf32, #tpu.memory_space<hbm>>) target(%arg7 : memref<128x32xf32, #tpu.memory_space<vmem>>) offsets(%dma_start3A_239 : memref<128xi32, #tpu.memory_space<vmem>>) semaphore(%arg17 : memref<!tpu.dma_semaphore, #tpu.memory_space<semaphore_mem>>)
      %mul3A_243 = arith.constant 8 : i32
      %mul3A_244 = arith.muli %scan3A_191, %mul3A_243 : i32
      %add3A_245 = arith.constant 2 : i32
      %add3A_246 = arith.addi %mul3A_244, %add3A_245 : i32
      %dma_wait3A_247 = arith.constant 0 : i32
      %dma_wait3A_248 = arith.constant 0 : i32
      %dma_wait3A_249 = tpu.memref_slice %arg3[%dma_wait3A_247, %dma_wait3A_248] : memref<1000000x32xf32, #tpu.memory_space<hbm>> -> memref<128x32xf32, #tpu.memory_space<hbm>>
      %dma_wait3A_250 = arith.constant 0 : i32
      %dma_wait3A_251 = arith.constant 0 : i32
      %dma_wait3A_252 = tpu.memref_slice %arg3[%dma_wait3A_250, %dma_wait3A_251] : memref<1000000x32xf32, #tpu.memory_space<hbm>> -> memref<128x32xf32, #tpu.memory_space<hbm>>
      tpu.wait_dma2 semaphore(%arg18 : memref<!tpu.dma_semaphore, #tpu.memory_space<semaphore_mem>>) src(%dma_wait3A_252 : memref<128x32xf32, #tpu.memory_space<hbm>>) dst(%arg8 : memref<128x32xf32, #tpu.memory_space<vmem>>)
      %scan3A_253 = arith.constant 0 : i32
      %scan3A_254 = arith.constant 0 : i32
      %scan3A_255 = arith.constant 16 : i32
      %scan3A_256 = arith.addi %scan3A_254, %scan3A_255 : i32
      %scan3A_257 = arith.constant 1 : i32
      %scan3A_258 = scf.for %scan3A_394 = %scan3A_254 to %scan3A_256 step %scan3A_257 iter_args(%scan3A_395 = %scan3A_253) -> (i32)  : i32 {
        %mul3A_396 = arith.constant 8 : i32
        %mul3A_397 = arith.muli %scan3A_394, %mul3A_396 : i32
        %add3A_398 = arith.constant 0 : i32
        %add3A_399 = arith.addi %mul3A_397, %add3A_398 : i32
        %get3A = arith.index_cast %add3A_399 : i32 to index
        %get3A_400 = arith.constant 0 : index
        %get3A_401 = tpu.vector_load %arg8[%get3A, %get3A_400] {strides = array<i32>} : memref<128x32xf32, #tpu.memory_space<vmem>>, vector<1x16xf32>,
        %get3A_402 = vector.shape_cast %get3A_401 : vector<1x16xf32> to vector<16xf32>
        %swap3A = arith.index_cast %add3A_399 : i32 to index
        %swap3A_403 = arith.constant 0 : index
        %swap3A_404 = tpu.vector_load %arg14[%swap3A, %swap3A_403] {strides = array<i32>} : memref<128x32xf32, #tpu.memory_space<vmem>>, vector<1x16xf32>,
        %swap3A_405 = vector.shape_cast %swap3A_404 : vector<1x16xf32> to vector<16xf32>
        %swap3A_406 = vector.shape_cast %get3A_402 : vector<16xf32> to vector<1x16xf32>
        tpu.vector_store %arg14[%swap3A, %swap3A_403], %swap3A_406 {add = true, strides = array<i32>} : memref<128x32xf32, #tpu.memory_space<vmem>>, vector<1x16xf32>,
        %get3A_407 = arith.index_cast %add3A_399 : i32 to index
        %get3A_408 = arith.constant 16 : index
        %get3A_409 = tpu.vector_load %arg8[%get3A_407, %get3A_408] {strides = array<i32>} : memref<128x32xf32, #tpu.memory_space<vmem>>, vector<1x16xf32>,
        %get3A_410 = vector.shape_cast %get3A_409 : vector<1x16xf32> to vector<16xf32>
        %swap3A_411 = arith.index_cast %add3A_399 : i32 to index
        %swap3A_412 = arith.constant 16 : index
        %swap3A_413 = tpu.vector_load %arg14[%swap3A_411, %swap3A_412] {strides = array<i32>} : memref<128x32xf32, #tpu.memory_space<vmem>>, vector<1x16xf32>,
        %swap3A_414 = vector.shape_cast %swap3A_413 : vector<1x16xf32> to vector<16xf32>
        %swap3A_415 = vector.shape_cast %get3A_410 : vector<16xf32> to vector<1x16xf32>
        tpu.vector_store %arg14[%swap3A_411, %swap3A_412], %swap3A_415 {add = true, strides = array<i32>} : memref<128x32xf32, #tpu.memory_space<vmem>>, vector<1x16xf32>,
        %add3A_416 = arith.constant 1 : i32
        %add3A_417 = arith.addi %mul3A_397, %add3A_416 : i32
        %get3A_418 = arith.index_cast %add3A_417 : i32 to index
        %get3A_419 = arith.constant 0 : index
        %get3A_420 = tpu.vector_load %arg8[%get3A_418, %get3A_419] {strides = array<i32>} : memref<128x32xf32, #tpu.memory_space<vmem>>, vector<1x16xf32>,
        %get3A_421 = vector.shape_cast %get3A_420 : vector<1x16xf32> to vector<16xf32>
        %swap3A_422 = arith.index_cast %add3A_417 : i32 to index
        %swap3A_423 = arith.constant 0 : index
        %swap3A_424 = tpu.vector_load %arg14[%swap3A_422, %swap3A_423] {strides = array<i32>} : memref<128x32xf32, #tpu.memory_space<vmem>>, vector<1x16xf32>,
        %swap3A_425 = vector.shape_cast %swap3A_424 : vector<1x16xf32> to vector<16xf32>
        %swap3A_426 = vector.shape_cast %get3A_421 : vector<16xf32> to vector<1x16xf32>
        tpu.vector_store %arg14[%swap3A_422, %swap3A_423], %swap3A_426 {add = true, strides = array<i32>} : memref<128x32xf32, #tpu.memory_space<vmem>>, vector<1x16xf32>,
        %get3A_427 = arith.index_cast %add3A_417 : i32 to index
        %get3A_428 = arith.constant 16 : index
        %get3A_429 = tpu.vector_load %arg8[%get3A_427, %get3A_428] {strides = array<i32>} : memref<128x32xf32, #tpu.memory_space<vmem>>, vector<1x16xf32>,
        %get3A_430 = vector.shape_cast %get3A_429 : vector<1x16xf32> to vector<16xf32>
        %swap3A_431 = arith.index_cast %add3A_417 : i32 to index
        %swap3A_432 = arith.constant 16 : index
        %swap3A_433 = tpu.vector_load %arg14[%swap3A_431, %swap3A_432] {strides = array<i32>} : memref<128x32xf32, #tpu.memory_space<vmem>>, vector<1x16xf32>,
        %swap3A_434 = vector.shape_cast %swap3A_433 : vector<1x16xf32> to vector<16xf32>
        %swap3A_435 = vector.shape_cast %get3A_430 : vector<16xf32> to vector<1x16xf32>
        tpu.vector_store %arg14[%swap3A_431, %swap3A_432], %swap3A_435 {add = true, strides = array<i32>} : memref<128x32xf32, #tpu.memory_space<vmem>>, vector<1x16xf32>,
        %add3A_436 = arith.constant 2 : i32
        %add3A_437 = arith.addi %mul3A_397, %add3A_436 : i32
        %get3A_438 = arith.index_cast %add3A_437 : i32 to index
        %get3A_439 = arith.constant 0 : index
        %get3A_440 = tpu.vector_load %arg8[%get3A_438, %get3A_439] {strides = array<i32>} : memref<128x32xf32, #tpu.memory_space<vmem>>, vector<1x16xf32>,
        %get3A_441 = vector.shape_cast %get3A_440 : vector<1x16xf32> to vector<16xf32>
        %swap3A_442 = arith.index_cast %add3A_437 : i32 to index
        %swap3A_443 = arith.constant 0 : index
        %swap3A_444 = tpu.vector_load %arg14[%swap3A_442, %swap3A_443] {strides = array<i32>} : memref<128x32xf32, #tpu.memory_space<vmem>>, vector<1x16xf32>,
        %swap3A_445 = vector.shape_cast %swap3A_444 : vector<1x16xf32> to vector<16xf32>
        %swap3A_446 = vector.shape_cast %get3A_441 : vector<16xf32> to vector<1x16xf32>
        tpu.vector_store %arg14[%swap3A_442, %swap3A_443], %swap3A_446 {add = true, strides = array<i32>} : memref<128x32xf32, #tpu.memory_space<vmem>>, vector<1x16xf32>,
        %get3A_447 = arith.index_cast %add3A_437 : i32 to index
        %get3A_448 = arith.constant 16 : index
        %get3A_449 = tpu.vector_load %arg8[%get3A_447, %get3A_448] {strides = array<i32>} : memref<128x32xf32, #tpu.memory_space<vmem>>, vector<1x16xf32>,
        %get3A_450 = vector.shape_cast %get3A_449 : vector<1x16xf32> to vector<16xf32>
        %swap3A_451 = arith.index_cast %add3A_437 : i32 to index
        %swap3A_452 = arith.constant 16 : index
        %swap3A_453 = tpu.vector_load %arg14[%swap3A_451, %swap3A_452] {strides = array<i32>} : memref<128x32xf32, #tpu.memory_space<vmem>>, vector<1x16xf32>,
        %swap3A_454 = vector.shape_cast %swap3A_453 : vector<1x16xf32> to vector<16xf32>
        %swap3A_455 = vector.shape_cast %get3A_450 : vector<16xf32> to vector<1x16xf32>
        tpu.vector_store %arg14[%swap3A_451, %swap3A_452], %swap3A_455 {add = true, strides = array<i32>} : memref<128x32xf32, #tpu.memory_space<vmem>>, vector<1x16xf32>,
        %add3A_456 = arith.constant 3 : i32
        %add3A_457 = arith.addi %mul3A_397, %add3A_456 : i32
        %get3A_458 = arith.index_cast %add3A_457 : i32 to index
        %get3A_459 = arith.constant 0 : index
        %get3A_460 = tpu.vector_load %arg8[%get3A_458, %get3A_459] {strides = array<i32>} : memref<128x32xf32, #tpu.memory_space<vmem>>, vector<1x16xf32>,
        %get3A_461 = vector.shape_cast %get3A_460 : vector<1x16xf32> to vector<16xf32>
        %swap3A_462 = arith.index_cast %add3A_457 : i32 to index
        %swap3A_463 = arith.constant 0 : index
        %swap3A_464 = tpu.vector_load %arg14[%swap3A_462, %swap3A_463] {strides = array<i32>} : memref<128x32xf32, #tpu.memory_space<vmem>>, vector<1x16xf32>,
        %swap3A_465 = vector.shape_cast %swap3A_464 : vector<1x16xf32> to vector<16xf32>
        %swap3A_466 = vector.shape_cast %get3A_461 : vector<16xf32> to vector<1x16xf32>
        tpu.vector_store %arg14[%swap3A_462, %swap3A_463], %swap3A_466 {add = true, strides = array<i32>} : memref<128x32xf32, #tpu.memory_space<vmem>>, vector<1x16xf32>,
        %get3A_467 = arith.index_cast %add3A_457 : i32 to index
        %get3A_468 = arith.constant 16 : index
        %get3A_469 = tpu.vector_load %arg8[%get3A_467, %get3A_468] {strides = array<i32>} : memref<128x32xf32, #tpu.memory_space<vmem>>, vector<1x16xf32>,
        %get3A_470 = vector.shape_cast %get3A_469 : vector<1x16xf32> to vector<16xf32>
        %swap3A_471 = arith.index_cast %add3A_457 : i32 to index
        %swap3A_472 = arith.constant 16 : index
        %swap3A_473 = tpu.vector_load %arg14[%swap3A_471, %swap3A_472] {strides = array<i32>} : memref<128x32xf32, #tpu.memory_space<vmem>>, vector<1x16xf32>,
        %swap3A_474 = vector.shape_cast %swap3A_473 : vector<1x16xf32> to vector<16xf32>
        %swap3A_475 = vector.shape_cast %get3A_470 : vector<16xf32> to vector<1x16xf32>
        tpu.vector_store %arg14[%swap3A_471, %swap3A_472], %swap3A_475 {add = true, strides = array<i32>} : memref<128x32xf32, #tpu.memory_space<vmem>>, vector<1x16xf32>,
        %add3A_476 = arith.constant 4 : i32
        %add3A_477 = arith.addi %mul3A_397, %add3A_476 : i32
        %get3A_478 = arith.index_cast %add3A_477 : i32 to index
        %get3A_479 = arith.constant 0 : index
        %get3A_480 = tpu.vector_load %arg8[%get3A_478, %get3A_479] {strides = array<i32>} : memref<128x32xf32, #tpu.memory_space<vmem>>, vector<1x16xf32>,
        %get3A_481 = vector.shape_cast %get3A_480 : vector<1x16xf32> to vector<16xf32>
        %swap3A_482 = arith.index_cast %add3A_477 : i32 to index
        %swap3A_483 = arith.constant 0 : index
        %swap3A_484 = tpu.vector_load %arg14[%swap3A_482, %swap3A_483] {strides = array<i32>} : memref<128x32xf32, #tpu.memory_space<vmem>>, vector<1x16xf32>,
        %swap3A_485 = vector.shape_cast %swap3A_484 : vector<1x16xf32> to vector<16xf32>
        %swap3A_486 = vector.shape_cast %get3A_481 : vector<16xf32> to vector<1x16xf32>
        tpu.vector_store %arg14[%swap3A_482, %swap3A_483], %swap3A_486 {add = true, strides = array<i32>} : memref<128x32xf32, #tpu.memory_space<vmem>>, vector<1x16xf32>,
        %get3A_487 = arith.index_cast %add3A_477 : i32 to index
        %get3A_488 = arith.constant 16 : index
        %get3A_489 = tpu.vector_load %arg8[%get3A_487, %get3A_488] {strides = array<i32>} : memref<128x32xf32, #tpu.memory_space<vmem>>, vector<1x16xf32>,
        %get3A_490 = vector.shape_cast %get3A_489 : vector<1x16xf32> to vector<16xf32>
        %swap3A_491 = arith.index_cast %add3A_477 : i32 to index
        %swap3A_492 = arith.constant 16 : index
        %swap3A_493 = tpu.vector_load %arg14[%swap3A_491, %swap3A_492] {strides = array<i32>} : memref<128x32xf32, #tpu.memory_space<vmem>>, vector<1x16xf32>,
        %swap3A_494 = vector.shape_cast %swap3A_493 : vector<1x16xf32> to vector<16xf32>
        %swap3A_495 = vector.shape_cast %get3A_490 : vector<16xf32> to vector<1x16xf32>
        tpu.vector_store %arg14[%swap3A_491, %swap3A_492], %swap3A_495 {add = true, strides = array<i32>} : memref<128x32xf32, #tpu.memory_space<vmem>>, vector<1x16xf32>,
        %add3A_496 = arith.constant 5 : i32
        %add3A_497 = arith.addi %mul3A_397, %add3A_496 : i32
        %get3A_498 = arith.index_cast %add3A_497 : i32 to index
        %get3A_499 = arith.constant 0 : index
        %get3A_500 = tpu.vector_load %arg8[%get3A_498, %get3A_499] {strides = array<i32>} : memref<128x32xf32, #tpu.memory_space<vmem>>, vector<1x16xf32>,
        %get3A_501 = vector.shape_cast %get3A_500 : vector<1x16xf32> to vector<16xf32>
        %swap3A_502 = arith.index_cast %add3A_497 : i32 to index
        %swap3A_503 = arith.constant 0 : index
        %swap3A_504 = tpu.vector_load %arg14[%swap3A_502, %swap3A_503] {strides = array<i32>} : memref<128x32xf32, #tpu.memory_space<vmem>>, vector<1x16xf32>,
        %swap3A_505 = vector.shape_cast %swap3A_504 : vector<1x16xf32> to vector<16xf32>
        %swap3A_506 = vector.shape_cast %get3A_501 : vector<16xf32> to vector<1x16xf32>
        tpu.vector_store %arg14[%swap3A_502, %swap3A_503], %swap3A_506 {add = true, strides = array<i32>} : memref<128x32xf32, #tpu.memory_space<vmem>>, vector<1x16xf32>,
        %get3A_507 = arith.index_cast %add3A_497 : i32 to index
        %get3A_508 = arith.constant 16 : index
        %get3A_509 = tpu.vector_load %arg8[%get3A_507, %get3A_508] {strides = array<i32>} : memref<128x32xf32, #tpu.memory_space<vmem>>, vector<1x16xf32>,
        %get3A_510 = vector.shape_cast %get3A_509 : vector<1x16xf32> to vector<16xf32>
        %swap3A_511 = arith.index_cast %add3A_497 : i32 to index
        %swap3A_512 = arith.constant 16 : index
        %swap3A_513 = tpu.vector_load %arg14[%swap3A_511, %swap3A_512] {strides = array<i32>} : memref<128x32xf32, #tpu.memory_space<vmem>>, vector<1x16xf32>,
        %swap3A_514 = vector.shape_cast %swap3A_513 : vector<1x16xf32> to vector<16xf32>
        %swap3A_515 = vector.shape_cast %get3A_510 : vector<16xf32> to vector<1x16xf32>
        tpu.vector_store %arg14[%swap3A_511, %swap3A_512], %swap3A_515 {add = true, strides = array<i32>} : memref<128x32xf32, #tpu.memory_space<vmem>>, vector<1x16xf32>,
        %add3A_516 = arith.constant 6 : i32
        %add3A_517 = arith.addi %mul3A_397, %add3A_516 : i32
        %get3A_518 = arith.index_cast %add3A_517 : i32 to index
        %get3A_519 = arith.constant 0 : index
        %get3A_520 = tpu.vector_load %arg8[%get3A_518, %get3A_519] {strides = array<i32>} : memref<128x32xf32, #tpu.memory_space<vmem>>, vector<1x16xf32>,
        %get3A_521 = vector.shape_cast %get3A_520 : vector<1x16xf32> to vector<16xf32>
        %swap3A_522 = arith.index_cast %add3A_517 : i32 to index
        %swap3A_523 = arith.constant 0 : index
        %swap3A_524 = tpu.vector_load %arg14[%swap3A_522, %swap3A_523] {strides = array<i32>} : memref<128x32xf32, #tpu.memory_space<vmem>>, vector<1x16xf32>,
        %swap3A_525 = vector.shape_cast %swap3A_524 : vector<1x16xf32> to vector<16xf32>
        %swap3A_526 = vector.shape_cast %get3A_521 : vector<16xf32> to vector<1x16xf32>
        tpu.vector_store %arg14[%swap3A_522, %swap3A_523], %swap3A_526 {add = true, strides = array<i32>} : memref<128x32xf32, #tpu.memory_space<vmem>>, vector<1x16xf32>,
        %get3A_527 = arith.index_cast %add3A_517 : i32 to index
        %get3A_528 = arith.constant 16 : index
        %get3A_529 = tpu.vector_load %arg8[%get3A_527, %get3A_528] {strides = array<i32>} : memref<128x32xf32, #tpu.memory_space<vmem>>, vector<1x16xf32>,
        %get3A_530 = vector.shape_cast %get3A_529 : vector<1x16xf32> to vector<16xf32>
        %swap3A_531 = arith.index_cast %add3A_517 : i32 to index
        %swap3A_532 = arith.constant 16 : index
        %swap3A_533 = tpu.vector_load %arg14[%swap3A_531, %swap3A_532] {strides = array<i32>} : memref<128x32xf32, #tpu.memory_space<vmem>>, vector<1x16xf32>,
        %swap3A_534 = vector.shape_cast %swap3A_533 : vector<1x16xf32> to vector<16xf32>
        %swap3A_535 = vector.shape_cast %get3A_530 : vector<16xf32> to vector<1x16xf32>
        tpu.vector_store %arg14[%swap3A_531, %swap3A_532], %swap3A_535 {add = true, strides = array<i32>} : memref<128x32xf32, #tpu.memory_space<vmem>>, vector<1x16xf32>,
        %add3A_536 = arith.constant 7 : i32
        %add3A_537 = arith.addi %mul3A_397, %add3A_536 : i32
        %get3A_538 = arith.index_cast %add3A_537 : i32 to index
        %get3A_539 = arith.constant 0 : index
        %get3A_540 = tpu.vector_load %arg8[%get3A_538, %get3A_539] {strides = array<i32>} : memref<128x32xf32, #tpu.memory_space<vmem>>, vector<1x16xf32>,
        %get3A_541 = vector.shape_cast %get3A_540 : vector<1x16xf32> to vector<16xf32>
        %swap3A_542 = arith.index_cast %add3A_537 : i32 to index
        %swap3A_543 = arith.constant 0 : index
        %swap3A_544 = tpu.vector_load %arg14[%swap3A_542, %swap3A_543] {strides = array<i32>} : memref<128x32xf32, #tpu.memory_space<vmem>>, vector<1x16xf32>,
        %swap3A_545 = vector.shape_cast %swap3A_544 : vector<1x16xf32> to vector<16xf32>
        %swap3A_546 = vector.shape_cast %get3A_541 : vector<16xf32> to vector<1x16xf32>
        tpu.vector_store %arg14[%swap3A_542, %swap3A_543], %swap3A_546 {add = true, strides = array<i32>} : memref<128x32xf32, #tpu.memory_space<vmem>>, vector<1x16xf32>,
        %get3A_547 = arith.index_cast %add3A_537 : i32 to index
        %get3A_548 = arith.constant 16 : index
        %get3A_549 = tpu.vector_load %arg8[%get3A_547, %get3A_548] {strides = array<i32>} : memref<128x32xf32, #tpu.memory_space<vmem>>, vector<1x16xf32>,
        %get3A_550 = vector.shape_cast %get3A_549 : vector<1x16xf32> to vector<16xf32>
        %swap3A_551 = arith.index_cast %add3A_537 : i32 to index
        %swap3A_552 = arith.constant 16 : index
        %swap3A_553 = tpu.vector_load %arg14[%swap3A_551, %swap3A_552] {strides = array<i32>} : memref<128x32xf32, #tpu.memory_space<vmem>>, vector<1x16xf32>,
        %swap3A_554 = vector.shape_cast %swap3A_553 : vector<1x16xf32> to vector<16xf32>
        %swap3A_555 = vector.shape_cast %get3A_550 : vector<16xf32> to vector<1x16xf32>
        tpu.vector_store %arg14[%swap3A_551, %swap3A_552], %swap3A_555 {add = true, strides = array<i32>} : memref<128x32xf32, #tpu.memory_space<vmem>>, vector<1x16xf32>,
        %scan3A_556 = arith.constant 0 : i32
        scf.yield %scan3A_556 : i32
      }
      %scan3A_259 = arith.constant 16 : i32
      %add3A_260 = arith.constant 8 : i32
      %add3A_261 = arith.addi %add3A_246, %add3A_260 : i32
      %dma_start3A_262 = arith.constant 0 : i32
      %dma_start3A_263 = tpu.memref_slice %arg5[%add3A_261, %dma_start3A_262] : memref<200x128xi32, #tpu.memory_space<vmem>> -> memref<1x128xi32, #tpu.memory_space<vmem>>
      %dma_start3A_264 = tpu.memref_squeeze %dma_start3A_263 : memref<1x128xi32, #tpu.memory_space<vmem>> -> memref<128xi32, #tpu.memory_space<vmem>>
      %dma_start3A_265 = arith.constant 0 : i32
      %dma_start3A_266 = arith.constant 0 : i32
      %dma_start3A_267 = tpu.memref_slice %arg3[%dma_start3A_265, %dma_start3A_266] : memref<1000000x32xf32, #tpu.memory_space<hbm>> -> memref<1000000x32xf32, #tpu.memory_space<hbm>>
      tpu.enqueue_indirect_dma source(%dma_start3A_267 : memref<1000000x32xf32, #tpu.memory_space<hbm>>) target(%arg8 : memref<128x32xf32, #tpu.memory_space<vmem>>) offsets(%dma_start3A_264 : memref<128xi32, #tpu.memory_space<vmem>>) semaphore(%arg18 : memref<!tpu.dma_semaphore, #tpu.memory_space<semaphore_mem>>)
      %mul3A_268 = arith.constant 8 : i32
      %mul3A_269 = arith.muli %scan3A_191, %mul3A_268 : i32
      %add3A_270 = arith.constant 3 : i32
      %add3A_271 = arith.addi %mul3A_269, %add3A_270 : i32
      %dma_wait3A_272 = arith.constant 0 : i32
      %dma_wait3A_273 = arith.constant 0 : i32
      %dma_wait3A_274 = tpu.memref_slice %arg3[%dma_wait3A_272, %dma_wait3A_273] : memref<1000000x32xf32, #tpu.memory_space<hbm>> -> memref<128x32xf32, #tpu.memory_space<hbm>>
      %dma_wait3A_275 = arith.constant 0 : i32
      %dma_wait3A_276 = arith.constant 0 : i32
      %dma_wait3A_277 = tpu.memref_slice %arg3[%dma_wait3A_275, %dma_wait3A_276] : memref<1000000x32xf32, #tpu.memory_space<hbm>> -> memref<128x32xf32, #tpu.memory_space<hbm>>
      tpu.wait_dma2 semaphore(%arg19 : memref<!tpu.dma_semaphore, #tpu.memory_space<semaphore_mem>>) src(%dma_wait3A_277 : memref<128x32xf32, #tpu.memory_space<hbm>>) dst(%arg9 : memref<128x32xf32, #tpu.memory_space<vmem>>)
      %scan3A_278 = arith.constant 0 : i32
      %scan3A_279 = arith.constant 0 : i32
      %scan3A_280 = arith.constant 16 : i32
      %scan3A_281 = arith.addi %scan3A_279, %scan3A_280 : i32
      %scan3A_282 = arith.constant 1 : i32
      %scan3A_283 = scf.for %scan3A_394 = %scan3A_279 to %scan3A_281 step %scan3A_282 iter_args(%scan3A_395 = %scan3A_278) -> (i32)  : i32 {
        %mul3A_396 = arith.constant 8 : i32
        %mul3A_397 = arith.muli %scan3A_394, %mul3A_396 : i32
        %add3A_398 = arith.constant 0 : i32
        %add3A_399 = arith.addi %mul3A_397, %add3A_398 : i32
        %get3A = arith.index_cast %add3A_399 : i32 to index
        %get3A_400 = arith.constant 0 : index
        %get3A_401 = tpu.vector_load %arg9[%get3A, %get3A_400] {strides = array<i32>} : memref<128x32xf32, #tpu.memory_space<vmem>>, vector<1x16xf32>,
        %get3A_402 = vector.shape_cast %get3A_401 : vector<1x16xf32> to vector<16xf32>
        %swap3A = arith.index_cast %add3A_399 : i32 to index
        %swap3A_403 = arith.constant 0 : index
        %swap3A_404 = tpu.vector_load %arg14[%swap3A, %swap3A_403] {strides = array<i32>} : memref<128x32xf32, #tpu.memory_space<vmem>>, vector<1x16xf32>,
        %swap3A_405 = vector.shape_cast %swap3A_404 : vector<1x16xf32> to vector<16xf32>
        %swap3A_406 = vector.shape_cast %get3A_402 : vector<16xf32> to vector<1x16xf32>
        tpu.vector_store %arg14[%swap3A, %swap3A_403], %swap3A_406 {add = true, strides = array<i32>} : memref<128x32xf32, #tpu.memory_space<vmem>>, vector<1x16xf32>,
        %get3A_407 = arith.index_cast %add3A_399 : i32 to index
        %get3A_408 = arith.constant 16 : index
        %get3A_409 = tpu.vector_load %arg9[%get3A_407, %get3A_408] {strides = array<i32>} : memref<128x32xf32, #tpu.memory_space<vmem>>, vector<1x16xf32>,
        %get3A_410 = vector.shape_cast %get3A_409 : vector<1x16xf32> to vector<16xf32>
        %swap3A_411 = arith.index_cast %add3A_399 : i32 to index
        %swap3A_412 = arith.constant 16 : index
        %swap3A_413 = tpu.vector_load %arg14[%swap3A_411, %swap3A_412] {strides = array<i32>} : memref<128x32xf32, #tpu.memory_space<vmem>>, vector<1x16xf32>,
        %swap3A_414 = vector.shape_cast %swap3A_413 : vector<1x16xf32> to vector<16xf32>
        %swap3A_415 = vector.shape_cast %get3A_410 : vector<16xf32> to vector<1x16xf32>
        tpu.vector_store %arg14[%swap3A_411, %swap3A_412], %swap3A_415 {add = true, strides = array<i32>} : memref<128x32xf32, #tpu.memory_space<vmem>>, vector<1x16xf32>,
        %add3A_416 = arith.constant 1 : i32
        %add3A_417 = arith.addi %mul3A_397, %add3A_416 : i32
        %get3A_418 = arith.index_cast %add3A_417 : i32 to index
        %get3A_419 = arith.constant 0 : index
        %get3A_420 = tpu.vector_load %arg9[%get3A_418, %get3A_419] {strides = array<i32>} : memref<128x32xf32, #tpu.memory_space<vmem>>, vector<1x16xf32>,
        %get3A_421 = vector.shape_cast %get3A_420 : vector<1x16xf32> to vector<16xf32>
        %swap3A_422 = arith.index_cast %add3A_417 : i32 to index
        %swap3A_423 = arith.constant 0 : index
        %swap3A_424 = tpu.vector_load %arg14[%swap3A_422, %swap3A_423] {strides = array<i32>} : memref<128x32xf32, #tpu.memory_space<vmem>>, vector<1x16xf32>,
        %swap3A_425 = vector.shape_cast %swap3A_424 : vector<1x16xf32> to vector<16xf32>
        %swap3A_426 = vector.shape_cast %get3A_421 : vector<16xf32> to vector<1x16xf32>
        tpu.vector_store %arg14[%swap3A_422, %swap3A_423], %swap3A_426 {add = true, strides = array<i32>} : memref<128x32xf32, #tpu.memory_space<vmem>>, vector<1x16xf32>,
        %get3A_427 = arith.index_cast %add3A_417 : i32 to index
        %get3A_428 = arith.constant 16 : index
        %get3A_429 = tpu.vector_load %arg9[%get3A_427, %get3A_428] {strides = array<i32>} : memref<128x32xf32, #tpu.memory_space<vmem>>, vector<1x16xf32>,
        %get3A_430 = vector.shape_cast %get3A_429 : vector<1x16xf32> to vector<16xf32>
        %swap3A_431 = arith.index_cast %add3A_417 : i32 to index
        %swap3A_432 = arith.constant 16 : index
        %swap3A_433 = tpu.vector_load %arg14[%swap3A_431, %swap3A_432] {strides = array<i32>} : memref<128x32xf32, #tpu.memory_space<vmem>>, vector<1x16xf32>,
        %swap3A_434 = vector.shape_cast %swap3A_433 : vector<1x16xf32> to vector<16xf32>
        %swap3A_435 = vector.shape_cast %get3A_430 : vector<16xf32> to vector<1x16xf32>
        tpu.vector_store %arg14[%swap3A_431, %swap3A_432], %swap3A_435 {add = true, strides = array<i32>} : memref<128x32xf32, #tpu.memory_space<vmem>>, vector<1x16xf32>,
        %add3A_436 = arith.constant 2 : i32
        %add3A_437 = arith.addi %mul3A_397, %add3A_436 : i32
        %get3A_438 = arith.index_cast %add3A_437 : i32 to index
        %get3A_439 = arith.constant 0 : index
        %get3A_440 = tpu.vector_load %arg9[%get3A_438, %get3A_439] {strides = array<i32>} : memref<128x32xf32, #tpu.memory_space<vmem>>, vector<1x16xf32>,
        %get3A_441 = vector.shape_cast %get3A_440 : vector<1x16xf32> to vector<16xf32>
        %swap3A_442 = arith.index_cast %add3A_437 : i32 to index
        %swap3A_443 = arith.constant 0 : index
        %swap3A_444 = tpu.vector_load %arg14[%swap3A_442, %swap3A_443] {strides = array<i32>} : memref<128x32xf32, #tpu.memory_space<vmem>>, vector<1x16xf32>,
        %swap3A_445 = vector.shape_cast %swap3A_444 : vector<1x16xf32> to vector<16xf32>
        %swap3A_446 = vector.shape_cast %get3A_441 : vector<16xf32> to vector<1x16xf32>
        tpu.vector_store %arg14[%swap3A_442, %swap3A_443], %swap3A_446 {add = true, strides = array<i32>} : memref<128x32xf32, #tpu.memory_space<vmem>>, vector<1x16xf32>,
        %get3A_447 = arith.index_cast %add3A_437 : i32 to index
        %get3A_448 = arith.constant 16 : index
        %get3A_449 = tpu.vector_load %arg9[%get3A_447, %get3A_448] {strides = array<i32>} : memref<128x32xf32, #tpu.memory_space<vmem>>, vector<1x16xf32>,
        %get3A_450 = vector.shape_cast %get3A_449 : vector<1x16xf32> to vector<16xf32>
        %swap3A_451 = arith.index_cast %add3A_437 : i32 to index
        %swap3A_452 = arith.constant 16 : index
        %swap3A_453 = tpu.vector_load %arg14[%swap3A_451, %swap3A_452] {strides = array<i32>} : memref<128x32xf32, #tpu.memory_space<vmem>>, vector<1x16xf32>,
        %swap3A_454 = vector.shape_cast %swap3A_453 : vector<1x16xf32> to vector<16xf32>
        %swap3A_455 = vector.shape_cast %get3A_450 : vector<16xf32> to vector<1x16xf32>
        tpu.vector_store %arg14[%swap3A_451, %swap3A_452], %swap3A_455 {add = true, strides = array<i32>} : memref<128x32xf32, #tpu.memory_space<vmem>>, vector<1x16xf32>,
        %add3A_456 = arith.constant 3 : i32
        %add3A_457 = arith.addi %mul3A_397, %add3A_456 : i32
        %get3A_458 = arith.index_cast %add3A_457 : i32 to index
        %get3A_459 = arith.constant 0 : index
        %get3A_460 = tpu.vector_load %arg9[%get3A_458, %get3A_459] {strides = array<i32>} : memref<128x32xf32, #tpu.memory_space<vmem>>, vector<1x16xf32>,
        %get3A_461 = vector.shape_cast %get3A_460 : vector<1x16xf32> to vector<16xf32>
        %swap3A_462 = arith.index_cast %add3A_457 : i32 to index
        %swap3A_463 = arith.constant 0 : index
        %swap3A_464 = tpu.vector_load %arg14[%swap3A_462, %swap3A_463] {strides = array<i32>} : memref<128x32xf32, #tpu.memory_space<vmem>>, vector<1x16xf32>,
        %swap3A_465 = vector.shape_cast %swap3A_464 : vector<1x16xf32> to vector<16xf32>
        %swap3A_466 = vector.shape_cast %get3A_461 : vector<16xf32> to vector<1x16xf32>
        tpu.vector_store %arg14[%swap3A_462, %swap3A_463], %swap3A_466 {add = true, strides = array<i32>} : memref<128x32xf32, #tpu.memory_space<vmem>>, vector<1x16xf32>,
        %get3A_467 = arith.index_cast %add3A_457 : i32 to index
        %get3A_468 = arith.constant 16 : index
        %get3A_469 = tpu.vector_load %arg9[%get3A_467, %get3A_468] {strides = array<i32>} : memref<128x32xf32, #tpu.memory_space<vmem>>, vector<1x16xf32>,
        %get3A_470 = vector.shape_cast %get3A_469 : vector<1x16xf32> to vector<16xf32>
        %swap3A_471 = arith.index_cast %add3A_457 : i32 to index
        %swap3A_472 = arith.constant 16 : index
        %swap3A_473 = tpu.vector_load %arg14[%swap3A_471, %swap3A_472] {strides = array<i32>} : memref<128x32xf32, #tpu.memory_space<vmem>>, vector<1x16xf32>,
        %swap3A_474 = vector.shape_cast %swap3A_473 : vector<1x16xf32> to vector<16xf32>
        %swap3A_475 = vector.shape_cast %get3A_470 : vector<16xf32> to vector<1x16xf32>
        tpu.vector_store %arg14[%swap3A_471, %swap3A_472], %swap3A_475 {add = true, strides = array<i32>} : memref<128x32xf32, #tpu.memory_space<vmem>>, vector<1x16xf32>,
        %add3A_476 = arith.constant 4 : i32
        %add3A_477 = arith.addi %mul3A_397, %add3A_476 : i32
        %get3A_478 = arith.index_cast %add3A_477 : i32 to index
        %get3A_479 = arith.constant 0 : index
        %get3A_480 = tpu.vector_load %arg9[%get3A_478, %get3A_479] {strides = array<i32>} : memref<128x32xf32, #tpu.memory_space<vmem>>, vector<1x16xf32>,
        %get3A_481 = vector.shape_cast %get3A_480 : vector<1x16xf32> to vector<16xf32>
        %swap3A_482 = arith.index_cast %add3A_477 : i32 to index
        %swap3A_483 = arith.constant 0 : index
        %swap3A_484 = tpu.vector_load %arg14[%swap3A_482, %swap3A_483] {strides = array<i32>} : memref<128x32xf32, #tpu.memory_space<vmem>>, vector<1x16xf32>,
        %swap3A_485 = vector.shape_cast %swap3A_484 : vector<1x16xf32> to vector<16xf32>
        %swap3A_486 = vector.shape_cast %get3A_481 : vector<16xf32> to vector<1x16xf32>
        tpu.vector_store %arg14[%swap3A_482, %swap3A_483], %swap3A_486 {add = true, strides = array<i32>} : memref<128x32xf32, #tpu.memory_space<vmem>>, vector<1x16xf32>,
        %get3A_487 = arith.index_cast %add3A_477 : i32 to index
        %get3A_488 = arith.constant 16 : index
        %get3A_489 = tpu.vector_load %arg9[%get3A_487, %get3A_488] {strides = array<i32>} : memref<128x32xf32, #tpu.memory_space<vmem>>, vector<1x16xf32>,
        %get3A_490 = vector.shape_cast %get3A_489 : vector<1x16xf32> to vector<16xf32>
        %swap3A_491 = arith.index_cast %add3A_477 : i32 to index
        %swap3A_492 = arith.constant 16 : index
        %swap3A_493 = tpu.vector_load %arg14[%swap3A_491, %swap3A_492] {strides = array<i32>} : memref<128x32xf32, #tpu.memory_space<vmem>>, vector<1x16xf32>,
        %swap3A_494 = vector.shape_cast %swap3A_493 : vector<1x16xf32> to vector<16xf32>
        %swap3A_495 = vector.shape_cast %get3A_490 : vector<16xf32> to vector<1x16xf32>
        tpu.vector_store %arg14[%swap3A_491, %swap3A_492], %swap3A_495 {add = true, strides = array<i32>} : memref<128x32xf32, #tpu.memory_space<vmem>>, vector<1x16xf32>,
        %add3A_496 = arith.constant 5 : i32
        %add3A_497 = arith.addi %mul3A_397, %add3A_496 : i32
        %get3A_498 = arith.index_cast %add3A_497 : i32 to index
        %get3A_499 = arith.constant 0 : index
        %get3A_500 = tpu.vector_load %arg9[%get3A_498, %get3A_499] {strides = array<i32>} : memref<128x32xf32, #tpu.memory_space<vmem>>, vector<1x16xf32>,
        %get3A_501 = vector.shape_cast %get3A_500 : vector<1x16xf32> to vector<16xf32>
        %swap3A_502 = arith.index_cast %add3A_497 : i32 to index
        %swap3A_503 = arith.constant 0 : index
        %swap3A_504 = tpu.vector_load %arg14[%swap3A_502, %swap3A_503] {strides = array<i32>} : memref<128x32xf32, #tpu.memory_space<vmem>>, vector<1x16xf32>,
        %swap3A_505 = vector.shape_cast %swap3A_504 : vector<1x16xf32> to vector<16xf32>
        %swap3A_506 = vector.shape_cast %get3A_501 : vector<16xf32> to vector<1x16xf32>
        tpu.vector_store %arg14[%swap3A_502, %swap3A_503], %swap3A_506 {add = true, strides = array<i32>} : memref<128x32xf32, #tpu.memory_space<vmem>>, vector<1x16xf32>,
        %get3A_507 = arith.index_cast %add3A_497 : i32 to index
        %get3A_508 = arith.constant 16 : index
        %get3A_509 = tpu.vector_load %arg9[%get3A_507, %get3A_508] {strides = array<i32>} : memref<128x32xf32, #tpu.memory_space<vmem>>, vector<1x16xf32>,
        %get3A_510 = vector.shape_cast %get3A_509 : vector<1x16xf32> to vector<16xf32>
        %swap3A_511 = arith.index_cast %add3A_497 : i32 to index
        %swap3A_512 = arith.constant 16 : index
        %swap3A_513 = tpu.vector_load %arg14[%swap3A_511, %swap3A_512] {strides = array<i32>} : memref<128x32xf32, #tpu.memory_space<vmem>>, vector<1x16xf32>,
        %swap3A_514 = vector.shape_cast %swap3A_513 : vector<1x16xf32> to vector<16xf32>
        %swap3A_515 = vector.shape_cast %get3A_510 : vector<16xf32> to vector<1x16xf32>
        tpu.vector_store %arg14[%swap3A_511, %swap3A_512], %swap3A_515 {add = true, strides = array<i32>} : memref<128x32xf32, #tpu.memory_space<vmem>>, vector<1x16xf32>,
        %add3A_516 = arith.constant 6 : i32
        %add3A_517 = arith.addi %mul3A_397, %add3A_516 : i32
        %get3A_518 = arith.index_cast %add3A_517 : i32 to index
        %get3A_519 = arith.constant 0 : index
        %get3A_520 = tpu.vector_load %arg9[%get3A_518, %get3A_519] {strides = array<i32>} : memref<128x32xf32, #tpu.memory_space<vmem>>, vector<1x16xf32>,
        %get3A_521 = vector.shape_cast %get3A_520 : vector<1x16xf32> to vector<16xf32>
        %swap3A_522 = arith.index_cast %add3A_517 : i32 to index
        %swap3A_523 = arith.constant 0 : index
        %swap3A_524 = tpu.vector_load %arg14[%swap3A_522, %swap3A_523] {strides = array<i32>} : memref<128x32xf32, #tpu.memory_space<vmem>>, vector<1x16xf32>,
        %swap3A_525 = vector.shape_cast %swap3A_524 : vector<1x16xf32> to vector<16xf32>
        %swap3A_526 = vector.shape_cast %get3A_521 : vector<16xf32> to vector<1x16xf32>
        tpu.vector_store %arg14[%swap3A_522, %swap3A_523], %swap3A_526 {add = true, strides = array<i32>} : memref<128x32xf32, #tpu.memory_space<vmem>>, vector<1x16xf32>,
        %get3A_527 = arith.index_cast %add3A_517 : i32 to index
        %get3A_528 = arith.constant 16 : index
        %get3A_529 = tpu.vector_load %arg9[%get3A_527, %get3A_528] {strides = array<i32>} : memref<128x32xf32, #tpu.memory_space<vmem>>, vector<1x16xf32>,
        %get3A_530 = vector.shape_cast %get3A_529 : vector<1x16xf32> to vector<16xf32>
        %swap3A_531 = arith.index_cast %add3A_517 : i32 to index
        %swap3A_532 = arith.constant 16 : index
        %swap3A_533 = tpu.vector_load %arg14[%swap3A_531, %swap3A_532] {strides = array<i32>} : memref<128x32xf32, #tpu.memory_space<vmem>>, vector<1x16xf32>,
        %swap3A_534 = vector.shape_cast %swap3A_533 : vector<1x16xf32> to vector<16xf32>
        %swap3A_535 = vector.shape_cast %get3A_530 : vector<16xf32> to vector<1x16xf32>
        tpu.vector_store %arg14[%swap3A_531, %swap3A_532], %swap3A_535 {add = true, strides = array<i32>} : memref<128x32xf32, #tpu.memory_space<vmem>>, vector<1x16xf32>,
        %add3A_536 = arith.constant 7 : i32
        %add3A_537 = arith.addi %mul3A_397, %add3A_536 : i32
        %get3A_538 = arith.index_cast %add3A_537 : i32 to index
        %get3A_539 = arith.constant 0 : index
        %get3A_540 = tpu.vector_load %arg9[%get3A_538, %get3A_539] {strides = array<i32>} : memref<128x32xf32, #tpu.memory_space<vmem>>, vector<1x16xf32>,
        %get3A_541 = vector.shape_cast %get3A_540 : vector<1x16xf32> to vector<16xf32>
        %swap3A_542 = arith.index_cast %add3A_537 : i32 to index
        %swap3A_543 = arith.constant 0 : index
        %swap3A_544 = tpu.vector_load %arg14[%swap3A_542, %swap3A_543] {strides = array<i32>} : memref<128x32xf32, #tpu.memory_space<vmem>>, vector<1x16xf32>,
        %swap3A_545 = vector.shape_cast %swap3A_544 : vector<1x16xf32> to vector<16xf32>
        %swap3A_546 = vector.shape_cast %get3A_541 : vector<16xf32> to vector<1x16xf32>
        tpu.vector_store %arg14[%swap3A_542, %swap3A_543], %swap3A_546 {add = true, strides = array<i32>} : memref<128x32xf32, #tpu.memory_space<vmem>>, vector<1x16xf32>,
        %get3A_547 = arith.index_cast %add3A_537 : i32 to index
        %get3A_548 = arith.constant 16 : index
        %get3A_549 = tpu.vector_load %arg9[%get3A_547, %get3A_548] {strides = array<i32>} : memref<128x32xf32, #tpu.memory_space<vmem>>, vector<1x16xf32>,
        %get3A_550 = vector.shape_cast %get3A_549 : vector<1x16xf32> to vector<16xf32>
        %swap3A_551 = arith.index_cast %add3A_537 : i32 to index
        %swap3A_552 = arith.constant 16 : index
        %swap3A_553 = tpu.vector_load %arg14[%swap3A_551, %swap3A_552] {strides = array<i32>} : memref<128x32xf32, #tpu.memory_space<vmem>>, vector<1x16xf32>,
        %swap3A_554 = vector.shape_cast %swap3A_553 : vector<1x16xf32> to vector<16xf32>
        %swap3A_555 = vector.shape_cast %get3A_550 : vector<16xf32> to vector<1x16xf32>
        tpu.vector_store %arg14[%swap3A_551, %swap3A_552], %swap3A_555 {add = true, strides = array<i32>} : memref<128x32xf32, #tpu.memory_space<vmem>>, vector<1x16xf32>,
        %scan3A_556 = arith.constant 0 : i32
        scf.yield %scan3A_556 : i32
      }
      %scan3A_284 = arith.constant 16 : i32
      %add3A_285 = arith.constant 8 : i32
      %add3A_286 = arith.addi %add3A_271, %add3A_285 : i32
      %dma_start3A_287 = arith.constant 0 : i32
      %dma_start3A_288 = tpu.memref_slice %arg5[%add3A_286, %dma_start3A_287] : memref<200x128xi32, #tpu.memory_space<vmem>> -> memref<1x128xi32, #tpu.memory_space<vmem>>
      %dma_start3A_289 = tpu.memref_squeeze %dma_start3A_288 : memref<1x128xi32, #tpu.memory_space<vmem>> -> memref<128xi32, #tpu.memory_space<vmem>>
      %dma_start3A_290 = arith.constant 0 : i32
      %dma_start3A_291 = arith.constant 0 : i32
      %dma_start3A_292 = tpu.memref_slice %arg3[%dma_start3A_290, %dma_start3A_291] : memref<1000000x32xf32, #tpu.memory_space<hbm>> -> memref<1000000x32xf32, #tpu.memory_space<hbm>>
      tpu.enqueue_indirect_dma source(%dma_start3A_292 : memref<1000000x32xf32, #tpu.memory_space<hbm>>) target(%arg9 : memref<128x32xf32, #tpu.memory_space<vmem>>) offsets(%dma_start3A_289 : memref<128xi32, #tpu.memory_space<vmem>>) semaphore(%arg19 : memref<!tpu.dma_semaphore, #tpu.memory_space<semaphore_mem>>)
      %mul3A_293 = arith.constant 8 : i32
      %mul3A_294 = arith.muli %scan3A_191, %mul3A_293 : i32
      %add3A_295 = arith.constant 4 : i32
      %add3A_296 = arith.addi %mul3A_294, %add3A_295 : i32
      %dma_wait3A_297 = arith.constant 0 : i32
      %dma_wait3A_298 = arith.constant 0 : i32
      %dma_wait3A_299 = tpu.memref_slice %arg3[%dma_wait3A_297, %dma_wait3A_298] : memref<1000000x32xf32, #tpu.memory_space<hbm>> -> memref<128x32xf32, #tpu.memory_space<hbm>>
      %dma_wait3A_300 = arith.constant 0 : i32
      %dma_wait3A_301 = arith.constant 0 : i32
      %dma_wait3A_302 = tpu.memref_slice %arg3[%dma_wait3A_300, %dma_wait3A_301] : memref<1000000x32xf32, #tpu.memory_space<hbm>> -> memref<128x32xf32, #tpu.memory_space<hbm>>
      tpu.wait_dma2 semaphore(%arg20 : memref<!tpu.dma_semaphore, #tpu.memory_space<semaphore_mem>>) src(%dma_wait3A_302 : memref<128x32xf32, #tpu.memory_space<hbm>>) dst(%arg10 : memref<128x32xf32, #tpu.memory_space<vmem>>)
      %scan3A_303 = arith.constant 0 : i32
      %scan3A_304 = arith.constant 0 : i32
      %scan3A_305 = arith.constant 16 : i32
      %scan3A_306 = arith.addi %scan3A_304, %scan3A_305 : i32
      %scan3A_307 = arith.constant 1 : i32
      %scan3A_308 = scf.for %scan3A_394 = %scan3A_304 to %scan3A_306 step %scan3A_307 iter_args(%scan3A_395 = %scan3A_303) -> (i32)  : i32 {
        %mul3A_396 = arith.constant 8 : i32
        %mul3A_397 = arith.muli %scan3A_394, %mul3A_396 : i32
        %add3A_398 = arith.constant 0 : i32
        %add3A_399 = arith.addi %mul3A_397, %add3A_398 : i32
        %get3A = arith.index_cast %add3A_399 : i32 to index
        %get3A_400 = arith.constant 0 : index
        %get3A_401 = tpu.vector_load %arg10[%get3A, %get3A_400] {strides = array<i32>} : memref<128x32xf32, #tpu.memory_space<vmem>>, vector<1x16xf32>,
        %get3A_402 = vector.shape_cast %get3A_401 : vector<1x16xf32> to vector<16xf32>
        %swap3A = arith.index_cast %add3A_399 : i32 to index
        %swap3A_403 = arith.constant 0 : index
        %swap3A_404 = tpu.vector_load %arg14[%swap3A, %swap3A_403] {strides = array<i32>} : memref<128x32xf32, #tpu.memory_space<vmem>>, vector<1x16xf32>,
        %swap3A_405 = vector.shape_cast %swap3A_404 : vector<1x16xf32> to vector<16xf32>
        %swap3A_406 = vector.shape_cast %get3A_402 : vector<16xf32> to vector<1x16xf32>
        tpu.vector_store %arg14[%swap3A, %swap3A_403], %swap3A_406 {add = true, strides = array<i32>} : memref<128x32xf32, #tpu.memory_space<vmem>>, vector<1x16xf32>,
        %get3A_407 = arith.index_cast %add3A_399 : i32 to index
        %get3A_408 = arith.constant 16 : index
        %get3A_409 = tpu.vector_load %arg10[%get3A_407, %get3A_408] {strides = array<i32>} : memref<128x32xf32, #tpu.memory_space<vmem>>, vector<1x16xf32>,
        %get3A_410 = vector.shape_cast %get3A_409 : vector<1x16xf32> to vector<16xf32>
        %swap3A_411 = arith.index_cast %add3A_399 : i32 to index
        %swap3A_412 = arith.constant 16 : index
        %swap3A_413 = tpu.vector_load %arg14[%swap3A_411, %swap3A_412] {strides = array<i32>} : memref<128x32xf32, #tpu.memory_space<vmem>>, vector<1x16xf32>,
        %swap3A_414 = vector.shape_cast %swap3A_413 : vector<1x16xf32> to vector<16xf32>
        %swap3A_415 = vector.shape_cast %get3A_410 : vector<16xf32> to vector<1x16xf32>
        tpu.vector_store %arg14[%swap3A_411, %swap3A_412], %swap3A_415 {add = true, strides = array<i32>} : memref<128x32xf32, #tpu.memory_space<vmem>>, vector<1x16xf32>,
        %add3A_416 = arith.constant 1 : i32
        %add3A_417 = arith.addi %mul3A_397, %add3A_416 : i32
        %get3A_418 = arith.index_cast %add3A_417 : i32 to index
        %get3A_419 = arith.constant 0 : index
        %get3A_420 = tpu.vector_load %arg10[%get3A_418, %get3A_419] {strides = array<i32>} : memref<128x32xf32, #tpu.memory_space<vmem>>, vector<1x16xf32>,
        %get3A_421 = vector.shape_cast %get3A_420 : vector<1x16xf32> to vector<16xf32>
        %swap3A_422 = arith.index_cast %add3A_417 : i32 to index
        %swap3A_423 = arith.constant 0 : index
        %swap3A_424 = tpu.vector_load %arg14[%swap3A_422, %swap3A_423] {strides = array<i32>} : memref<128x32xf32, #tpu.memory_space<vmem>>, vector<1x16xf32>,
        %swap3A_425 = vector.shape_cast %swap3A_424 : vector<1x16xf32> to vector<16xf32>
        %swap3A_426 = vector.shape_cast %get3A_421 : vector<16xf32> to vector<1x16xf32>
        tpu.vector_store %arg14[%swap3A_422, %swap3A_423], %swap3A_426 {add = true, strides = array<i32>} : memref<128x32xf32, #tpu.memory_space<vmem>>, vector<1x16xf32>,
        %get3A_427 = arith.index_cast %add3A_417 : i32 to index
        %get3A_428 = arith.constant 16 : index
        %get3A_429 = tpu.vector_load %arg10[%get3A_427, %get3A_428] {strides = array<i32>} : memref<128x32xf32, #tpu.memory_space<vmem>>, vector<1x16xf32>,
        %get3A_430 = vector.shape_cast %get3A_429 : vector<1x16xf32> to vector<16xf32>
        %swap3A_431 = arith.index_cast %add3A_417 : i32 to index
        %swap3A_432 = arith.constant 16 : index
        %swap3A_433 = tpu.vector_load %arg14[%swap3A_431, %swap3A_432] {strides = array<i32>} : memref<128x32xf32, #tpu.memory_space<vmem>>, vector<1x16xf32>,
        %swap3A_434 = vector.shape_cast %swap3A_433 : vector<1x16xf32> to vector<16xf32>
        %swap3A_435 = vector.shape_cast %get3A_430 : vector<16xf32> to vector<1x16xf32>
        tpu.vector_store %arg14[%swap3A_431, %swap3A_432], %swap3A_435 {add = true, strides = array<i32>} : memref<128x32xf32, #tpu.memory_space<vmem>>, vector<1x16xf32>,
        %add3A_436 = arith.constant 2 : i32
        %add3A_437 = arith.addi %mul3A_397, %add3A_436 : i32
        %get3A_438 = arith.index_cast %add3A_437 : i32 to index
        %get3A_439 = arith.constant 0 : index
        %get3A_440 = tpu.vector_load %arg10[%get3A_438, %get3A_439] {strides = array<i32>} : memref<128x32xf32, #tpu.memory_space<vmem>>, vector<1x16xf32>,
        %get3A_441 = vector.shape_cast %get3A_440 : vector<1x16xf32> to vector<16xf32>
        %swap3A_442 = arith.index_cast %add3A_437 : i32 to index
        %swap3A_443 = arith.constant 0 : index
        %swap3A_444 = tpu.vector_load %arg14[%swap3A_442, %swap3A_443] {strides = array<i32>} : memref<128x32xf32, #tpu.memory_space<vmem>>, vector<1x16xf32>,
        %swap3A_445 = vector.shape_cast %swap3A_444 : vector<1x16xf32> to vector<16xf32>
        %swap3A_446 = vector.shape_cast %get3A_441 : vector<16xf32> to vector<1x16xf32>
        tpu.vector_store %arg14[%swap3A_442, %swap3A_443], %swap3A_446 {add = true, strides = array<i32>} : memref<128x32xf32, #tpu.memory_space<vmem>>, vector<1x16xf32>,
        %get3A_447 = arith.index_cast %add3A_437 : i32 to index
        %get3A_448 = arith.constant 16 : index
        %get3A_449 = tpu.vector_load %arg10[%get3A_447, %get3A_448] {strides = array<i32>} : memref<128x32xf32, #tpu.memory_space<vmem>>, vector<1x16xf32>,
        %get3A_450 = vector.shape_cast %get3A_449 : vector<1x16xf32> to vector<16xf32>
        %swap3A_451 = arith.index_cast %add3A_437 : i32 to index
        %swap3A_452 = arith.constant 16 : index
        %swap3A_453 = tpu.vector_load %arg14[%swap3A_451, %swap3A_452] {strides = array<i32>} : memref<128x32xf32, #tpu.memory_space<vmem>>, vector<1x16xf32>,
        %swap3A_454 = vector.shape_cast %swap3A_453 : vector<1x16xf32> to vector<16xf32>
        %swap3A_455 = vector.shape_cast %get3A_450 : vector<16xf32> to vector<1x16xf32>
        tpu.vector_store %arg14[%swap3A_451, %swap3A_452], %swap3A_455 {add = true, strides = array<i32>} : memref<128x32xf32, #tpu.memory_space<vmem>>, vector<1x16xf32>,
        %add3A_456 = arith.constant 3 : i32
        %add3A_457 = arith.addi %mul3A_397, %add3A_456 : i32
        %get3A_458 = arith.index_cast %add3A_457 : i32 to index
        %get3A_459 = arith.constant 0 : index
        %get3A_460 = tpu.vector_load %arg10[%get3A_458, %get3A_459] {strides = array<i32>} : memref<128x32xf32, #tpu.memory_space<vmem>>, vector<1x16xf32>,
        %get3A_461 = vector.shape_cast %get3A_460 : vector<1x16xf32> to vector<16xf32>
        %swap3A_462 = arith.index_cast %add3A_457 : i32 to index
        %swap3A_463 = arith.constant 0 : index
        %swap3A_464 = tpu.vector_load %arg14[%swap3A_462, %swap3A_463] {strides = array<i32>} : memref<128x32xf32, #tpu.memory_space<vmem>>, vector<1x16xf32>,
        %swap3A_465 = vector.shape_cast %swap3A_464 : vector<1x16xf32> to vector<16xf32>
        %swap3A_466 = vector.shape_cast %get3A_461 : vector<16xf32> to vector<1x16xf32>
        tpu.vector_store %arg14[%swap3A_462, %swap3A_463], %swap3A_466 {add = true, strides = array<i32>} : memref<128x32xf32, #tpu.memory_space<vmem>>, vector<1x16xf32>,
        %get3A_467 = arith.index_cast %add3A_457 : i32 to index
        %get3A_468 = arith.constant 16 : index
        %get3A_469 = tpu.vector_load %arg10[%get3A_467, %get3A_468] {strides = array<i32>} : memref<128x32xf32, #tpu.memory_space<vmem>>, vector<1x16xf32>,
        %get3A_470 = vector.shape_cast %get3A_469 : vector<1x16xf32> to vector<16xf32>
        %swap3A_471 = arith.index_cast %add3A_457 : i32 to index
        %swap3A_472 = arith.constant 16 : index
        %swap3A_473 = tpu.vector_load %arg14[%swap3A_471, %swap3A_472] {strides = array<i32>} : memref<128x32xf32, #tpu.memory_space<vmem>>, vector<1x16xf32>,
        %swap3A_474 = vector.shape_cast %swap3A_473 : vector<1x16xf32> to vector<16xf32>
        %swap3A_475 = vector.shape_cast %get3A_470 : vector<16xf32> to vector<1x16xf32>
        tpu.vector_store %arg14[%swap3A_471, %swap3A_472], %swap3A_475 {add = true, strides = array<i32>} : memref<128x32xf32, #tpu.memory_space<vmem>>, vector<1x16xf32>,
        %add3A_476 = arith.constant 4 : i32
        %add3A_477 = arith.addi %mul3A_397, %add3A_476 : i32
        %get3A_478 = arith.index_cast %add3A_477 : i32 to index
        %get3A_479 = arith.constant 0 : index
        %get3A_480 = tpu.vector_load %arg10[%get3A_478, %get3A_479] {strides = array<i32>} : memref<128x32xf32, #tpu.memory_space<vmem>>, vector<1x16xf32>,
        %get3A_481 = vector.shape_cast %get3A_480 : vector<1x16xf32> to vector<16xf32>
        %swap3A_482 = arith.index_cast %add3A_477 : i32 to index
        %swap3A_483 = arith.constant 0 : index
        %swap3A_484 = tpu.vector_load %arg14[%swap3A_482, %swap3A_483] {strides = array<i32>} : memref<128x32xf32, #tpu.memory_space<vmem>>, vector<1x16xf32>,
        %swap3A_485 = vector.shape_cast %swap3A_484 : vector<1x16xf32> to vector<16xf32>
        %swap3A_486 = vector.shape_cast %get3A_481 : vector<16xf32> to vector<1x16xf32>
        tpu.vector_store %arg14[%swap3A_482, %swap3A_483], %swap3A_486 {add = true, strides = array<i32>} : memref<128x32xf32, #tpu.memory_space<vmem>>, vector<1x16xf32>,
        %get3A_487 = arith.index_cast %add3A_477 : i32 to index
        %get3A_488 = arith.constant 16 : index
        %get3A_489 = tpu.vector_load %arg10[%get3A_487, %get3A_488] {strides = array<i32>} : memref<128x32xf32, #tpu.memory_space<vmem>>, vector<1x16xf32>,
        %get3A_490 = vector.shape_cast %get3A_489 : vector<1x16xf32> to vector<16xf32>
        %swap3A_491 = arith.index_cast %add3A_477 : i32 to index
        %swap3A_492 = arith.constant 16 : index
        %swap3A_493 = tpu.vector_load %arg14[%swap3A_491, %swap3A_492] {strides = array<i32>} : memref<128x32xf32, #tpu.memory_space<vmem>>, vector<1x16xf32>,
        %swap3A_494 = vector.shape_cast %swap3A_493 : vector<1x16xf32> to vector<16xf32>
        %swap3A_495 = vector.shape_cast %get3A_490 : vector<16xf32> to vector<1x16xf32>
        tpu.vector_store %arg14[%swap3A_491, %swap3A_492], %swap3A_495 {add = true, strides = array<i32>} : memref<128x32xf32, #tpu.memory_space<vmem>>, vector<1x16xf32>,
        %add3A_496 = arith.constant 5 : i32
        %add3A_497 = arith.addi %mul3A_397, %add3A_496 : i32
        %get3A_498 = arith.index_cast %add3A_497 : i32 to index
        %get3A_499 = arith.constant 0 : index
        %get3A_500 = tpu.vector_load %arg10[%get3A_498, %get3A_499] {strides = array<i32>} : memref<128x32xf32, #tpu.memory_space<vmem>>, vector<1x16xf32>,
        %get3A_501 = vector.shape_cast %get3A_500 : vector<1x16xf32> to vector<16xf32>
        %swap3A_502 = arith.index_cast %add3A_497 : i32 to index
        %swap3A_503 = arith.constant 0 : index
        %swap3A_504 = tpu.vector_load %arg14[%swap3A_502, %swap3A_503] {strides = array<i32>} : memref<128x32xf32, #tpu.memory_space<vmem>>, vector<1x16xf32>,
        %swap3A_505 = vector.shape_cast %swap3A_504 : vector<1x16xf32> to vector<16xf32>
        %swap3A_506 = vector.shape_cast %get3A_501 : vector<16xf32> to vector<1x16xf32>
        tpu.vector_store %arg14[%swap3A_502, %swap3A_503], %swap3A_506 {add = true, strides = array<i32>} : memref<128x32xf32, #tpu.memory_space<vmem>>, vector<1x16xf32>,
        %get3A_507 = arith.index_cast %add3A_497 : i32 to index
        %get3A_508 = arith.constant 16 : index
        %get3A_509 = tpu.vector_load %arg10[%get3A_507, %get3A_508] {strides = array<i32>} : memref<128x32xf32, #tpu.memory_space<vmem>>, vector<1x16xf32>,
        %get3A_510 = vector.shape_cast %get3A_509 : vector<1x16xf32> to vector<16xf32>
        %swap3A_511 = arith.index_cast %add3A_497 : i32 to index
        %swap3A_512 = arith.constant 16 : index
        %swap3A_513 = tpu.vector_load %arg14[%swap3A_511, %swap3A_512] {strides = array<i32>} : memref<128x32xf32, #tpu.memory_space<vmem>>, vector<1x16xf32>,
        %swap3A_514 = vector.shape_cast %swap3A_513 : vector<1x16xf32> to vector<16xf32>
        %swap3A_515 = vector.shape_cast %get3A_510 : vector<16xf32> to vector<1x16xf32>
        tpu.vector_store %arg14[%swap3A_511, %swap3A_512], %swap3A_515 {add = true, strides = array<i32>} : memref<128x32xf32, #tpu.memory_space<vmem>>, vector<1x16xf32>,
        %add3A_516 = arith.constant 6 : i32
        %add3A_517 = arith.addi %mul3A_397, %add3A_516 : i32
        %get3A_518 = arith.index_cast %add3A_517 : i32 to index
        %get3A_519 = arith.constant 0 : index
        %get3A_520 = tpu.vector_load %arg10[%get3A_518, %get3A_519] {strides = array<i32>} : memref<128x32xf32, #tpu.memory_space<vmem>>, vector<1x16xf32>,
        %get3A_521 = vector.shape_cast %get3A_520 : vector<1x16xf32> to vector<16xf32>
        %swap3A_522 = arith.index_cast %add3A_517 : i32 to index
        %swap3A_523 = arith.constant 0 : index
        %swap3A_524 = tpu.vector_load %arg14[%swap3A_522, %swap3A_523] {strides = array<i32>} : memref<128x32xf32, #tpu.memory_space<vmem>>, vector<1x16xf32>,
        %swap3A_525 = vector.shape_cast %swap3A_524 : vector<1x16xf32> to vector<16xf32>
        %swap3A_526 = vector.shape_cast %get3A_521 : vector<16xf32> to vector<1x16xf32>
        tpu.vector_store %arg14[%swap3A_522, %swap3A_523], %swap3A_526 {add = true, strides = array<i32>} : memref<128x32xf32, #tpu.memory_space<vmem>>, vector<1x16xf32>,
        %get3A_527 = arith.index_cast %add3A_517 : i32 to index
        %get3A_528 = arith.constant 16 : index
        %get3A_529 = tpu.vector_load %arg10[%get3A_527, %get3A_528] {strides = array<i32>} : memref<128x32xf32, #tpu.memory_space<vmem>>, vector<1x16xf32>,
        %get3A_530 = vector.shape_cast %get3A_529 : vector<1x16xf32> to vector<16xf32>
        %swap3A_531 = arith.index_cast %add3A_517 : i32 to index
        %swap3A_532 = arith.constant 16 : index
        %swap3A_533 = tpu.vector_load %arg14[%swap3A_531, %swap3A_532] {strides = array<i32>} : memref<128x32xf32, #tpu.memory_space<vmem>>, vector<1x16xf32>,
        %swap3A_534 = vector.shape_cast %swap3A_533 : vector<1x16xf32> to vector<16xf32>
        %swap3A_535 = vector.shape_cast %get3A_530 : vector<16xf32> to vector<1x16xf32>
        tpu.vector_store %arg14[%swap3A_531, %swap3A_532], %swap3A_535 {add = true, strides = array<i32>} : memref<128x32xf32, #tpu.memory_space<vmem>>, vector<1x16xf32>,
        %add3A_536 = arith.constant 7 : i32
        %add3A_537 = arith.addi %mul3A_397, %add3A_536 : i32
        %get3A_538 = arith.index_cast %add3A_537 : i32 to index
        %get3A_539 = arith.constant 0 : index
        %get3A_540 = tpu.vector_load %arg10[%get3A_538, %get3A_539] {strides = array<i32>} : memref<128x32xf32, #tpu.memory_space<vmem>>, vector<1x16xf32>,
        %get3A_541 = vector.shape_cast %get3A_540 : vector<1x16xf32> to vector<16xf32>
        %swap3A_542 = arith.index_cast %add3A_537 : i32 to index
        %swap3A_543 = arith.constant 0 : index
        %swap3A_544 = tpu.vector_load %arg14[%swap3A_542, %swap3A_543] {strides = array<i32>} : memref<128x32xf32, #tpu.memory_space<vmem>>, vector<1x16xf32>,
        %swap3A_545 = vector.shape_cast %swap3A_544 : vector<1x16xf32> to vector<16xf32>
        %swap3A_546 = vector.shape_cast %get3A_541 : vector<16xf32> to vector<1x16xf32>
        tpu.vector_store %arg14[%swap3A_542, %swap3A_543], %swap3A_546 {add = true, strides = array<i32>} : memref<128x32xf32, #tpu.memory_space<vmem>>, vector<1x16xf32>,
        %get3A_547 = arith.index_cast %add3A_537 : i32 to index
        %get3A_548 = arith.constant 16 : index
        %get3A_549 = tpu.vector_load %arg10[%get3A_547, %get3A_548] {strides = array<i32>} : memref<128x32xf32, #tpu.memory_space<vmem>>, vector<1x16xf32>,
        %get3A_550 = vector.shape_cast %get3A_549 : vector<1x16xf32> to vector<16xf32>
        %swap3A_551 = arith.index_cast %add3A_537 : i32 to index
        %swap3A_552 = arith.constant 16 : index
        %swap3A_553 = tpu.vector_load %arg14[%swap3A_551, %swap3A_552] {strides = array<i32>} : memref<128x32xf32, #tpu.memory_space<vmem>>, vector<1x16xf32>,
        %swap3A_554 = vector.shape_cast %swap3A_553 : vector<1x16xf32> to vector<16xf32>
        %swap3A_555 = vector.shape_cast %get3A_550 : vector<16xf32> to vector<1x16xf32>
        tpu.vector_store %arg14[%swap3A_551, %swap3A_552], %swap3A_555 {add = true, strides = array<i32>} : memref<128x32xf32, #tpu.memory_space<vmem>>, vector<1x16xf32>,
        %scan3A_556 = arith.constant 0 : i32
        scf.yield %scan3A_556 : i32
      }
      %scan3A_309 = arith.constant 16 : i32
      %add3A_310 = arith.constant 8 : i32
      %add3A_311 = arith.addi %add3A_296, %add3A_310 : i32
      %dma_start3A_312 = arith.constant 0 : i32
      %dma_start3A_313 = tpu.memref_slice %arg5[%add3A_311, %dma_start3A_312] : memref<200x128xi32, #tpu.memory_space<vmem>> -> memref<1x128xi32, #tpu.memory_space<vmem>>
      %dma_start3A_314 = tpu.memref_squeeze %dma_start3A_313 : memref<1x128xi32, #tpu.memory_space<vmem>> -> memref<128xi32, #tpu.memory_space<vmem>>
      %dma_start3A_315 = arith.constant 0 : i32
      %dma_start3A_316 = arith.constant 0 : i32
      %dma_start3A_317 = tpu.memref_slice %arg3[%dma_start3A_315, %dma_start3A_316] : memref<1000000x32xf32, #tpu.memory_space<hbm>> -> memref<1000000x32xf32, #tpu.memory_space<hbm>>
      tpu.enqueue_indirect_dma source(%dma_start3A_317 : memref<1000000x32xf32, #tpu.memory_space<hbm>>) target(%arg10 : memref<128x32xf32, #tpu.memory_space<vmem>>) offsets(%dma_start3A_314 : memref<128xi32, #tpu.memory_space<vmem>>) semaphore(%arg20 : memref<!tpu.dma_semaphore, #tpu.memory_space<semaphore_mem>>)
      %mul3A_318 = arith.constant 8 : i32
      %mul3A_319 = arith.muli %scan3A_191, %mul3A_318 : i32
      %add3A_320 = arith.constant 5 : i32
      %add3A_321 = arith.addi %mul3A_319, %add3A_320 : i32
      %dma_wait3A_322 = arith.constant 0 : i32
      %dma_wait3A_323 = arith.constant 0 : i32
      %dma_wait3A_324 = tpu.memref_slice %arg3[%dma_wait3A_322, %dma_wait3A_323] : memref<1000000x32xf32, #tpu.memory_space<hbm>> -> memref<128x32xf32, #tpu.memory_space<hbm>>
      %dma_wait3A_325 = arith.constant 0 : i32
      %dma_wait3A_326 = arith.constant 0 : i32
      %dma_wait3A_327 = tpu.memref_slice %arg3[%dma_wait3A_325, %dma_wait3A_326] : memref<1000000x32xf32, #tpu.memory_space<hbm>> -> memref<128x32xf32, #tpu.memory_space<hbm>>
      tpu.wait_dma2 semaphore(%arg21 : memref<!tpu.dma_semaphore, #tpu.memory_space<semaphore_mem>>) src(%dma_wait3A_327 : memref<128x32xf32, #tpu.memory_space<hbm>>) dst(%arg11 : memref<128x32xf32, #tpu.memory_space<vmem>>)
      %scan3A_328 = arith.constant 0 : i32
      %scan3A_329 = arith.constant 0 : i32
      %scan3A_330 = arith.constant 16 : i32
      %scan3A_331 = arith.addi %scan3A_329, %scan3A_330 : i32
      %scan3A_332 = arith.constant 1 : i32
      %scan3A_333 = scf.for %scan3A_394 = %scan3A_329 to %scan3A_331 step %scan3A_332 iter_args(%scan3A_395 = %scan3A_328) -> (i32)  : i32 {
        %mul3A_396 = arith.constant 8 : i32
        %mul3A_397 = arith.muli %scan3A_394, %mul3A_396 : i32
        %add3A_398 = arith.constant 0 : i32
        %add3A_399 = arith.addi %mul3A_397, %add3A_398 : i32
        %get3A = arith.index_cast %add3A_399 : i32 to index
        %get3A_400 = arith.constant 0 : index
        %get3A_401 = tpu.vector_load %arg11[%get3A, %get3A_400] {strides = array<i32>} : memref<128x32xf32, #tpu.memory_space<vmem>>, vector<1x16xf32>,
        %get3A_402 = vector.shape_cast %get3A_401 : vector<1x16xf32> to vector<16xf32>
        %swap3A = arith.index_cast %add3A_399 : i32 to index
        %swap3A_403 = arith.constant 0 : index
        %swap3A_404 = tpu.vector_load %arg14[%swap3A, %swap3A_403] {strides = array<i32>} : memref<128x32xf32, #tpu.memory_space<vmem>>, vector<1x16xf32>,
        %swap3A_405 = vector.shape_cast %swap3A_404 : vector<1x16xf32> to vector<16xf32>
        %swap3A_406 = vector.shape_cast %get3A_402 : vector<16xf32> to vector<1x16xf32>
        tpu.vector_store %arg14[%swap3A, %swap3A_403], %swap3A_406 {add = true, strides = array<i32>} : memref<128x32xf32, #tpu.memory_space<vmem>>, vector<1x16xf32>,
        %get3A_407 = arith.index_cast %add3A_399 : i32 to index
        %get3A_408 = arith.constant 16 : index
        %get3A_409 = tpu.vector_load %arg11[%get3A_407, %get3A_408] {strides = array<i32>} : memref<128x32xf32, #tpu.memory_space<vmem>>, vector<1x16xf32>,
        %get3A_410 = vector.shape_cast %get3A_409 : vector<1x16xf32> to vector<16xf32>
        %swap3A_411 = arith.index_cast %add3A_399 : i32 to index
        %swap3A_412 = arith.constant 16 : index
        %swap3A_413 = tpu.vector_load %arg14[%swap3A_411, %swap3A_412] {strides = array<i32>} : memref<128x32xf32, #tpu.memory_space<vmem>>, vector<1x16xf32>,
        %swap3A_414 = vector.shape_cast %swap3A_413 : vector<1x16xf32> to vector<16xf32>
        %swap3A_415 = vector.shape_cast %get3A_410 : vector<16xf32> to vector<1x16xf32>
        tpu.vector_store %arg14[%swap3A_411, %swap3A_412], %swap3A_415 {add = true, strides = array<i32>} : memref<128x32xf32, #tpu.memory_space<vmem>>, vector<1x16xf32>,
        %add3A_416 = arith.constant 1 : i32
        %add3A_417 = arith.addi %mul3A_397, %add3A_416 : i32
        %get3A_418 = arith.index_cast %add3A_417 : i32 to index
        %get3A_419 = arith.constant 0 : index
        %get3A_420 = tpu.vector_load %arg11[%get3A_418, %get3A_419] {strides = array<i32>} : memref<128x32xf32, #tpu.memory_space<vmem>>, vector<1x16xf32>,
        %get3A_421 = vector.shape_cast %get3A_420 : vector<1x16xf32> to vector<16xf32>
        %swap3A_422 = arith.index_cast %add3A_417 : i32 to index
        %swap3A_423 = arith.constant 0 : index
        %swap3A_424 = tpu.vector_load %arg14[%swap3A_422, %swap3A_423] {strides = array<i32>} : memref<128x32xf32, #tpu.memory_space<vmem>>, vector<1x16xf32>,
        %swap3A_425 = vector.shape_cast %swap3A_424 : vector<1x16xf32> to vector<16xf32>
        %swap3A_426 = vector.shape_cast %get3A_421 : vector<16xf32> to vector<1x16xf32>
        tpu.vector_store %arg14[%swap3A_422, %swap3A_423], %swap3A_426 {add = true, strides = array<i32>} : memref<128x32xf32, #tpu.memory_space<vmem>>, vector<1x16xf32>,
        %get3A_427 = arith.index_cast %add3A_417 : i32 to index
        %get3A_428 = arith.constant 16 : index
        %get3A_429 = tpu.vector_load %arg11[%get3A_427, %get3A_428] {strides = array<i32>} : memref<128x32xf32, #tpu.memory_space<vmem>>, vector<1x16xf32>,
        %get3A_430 = vector.shape_cast %get3A_429 : vector<1x16xf32> to vector<16xf32>
        %swap3A_431 = arith.index_cast %add3A_417 : i32 to index
        %swap3A_432 = arith.constant 16 : index
        %swap3A_433 = tpu.vector_load %arg14[%swap3A_431, %swap3A_432] {strides = array<i32>} : memref<128x32xf32, #tpu.memory_space<vmem>>, vector<1x16xf32>,
        %swap3A_434 = vector.shape_cast %swap3A_433 : vector<1x16xf32> to vector<16xf32>
        %swap3A_435 = vector.shape_cast %get3A_430 : vector<16xf32> to vector<1x16xf32>
        tpu.vector_store %arg14[%swap3A_431, %swap3A_432], %swap3A_435 {add = true, strides = array<i32>} : memref<128x32xf32, #tpu.memory_space<vmem>>, vector<1x16xf32>,
        %add3A_436 = arith.constant 2 : i32
        %add3A_437 = arith.addi %mul3A_397, %add3A_436 : i32
        %get3A_438 = arith.index_cast %add3A_437 : i32 to index
        %get3A_439 = arith.constant 0 : index
        %get3A_440 = tpu.vector_load %arg11[%get3A_438, %get3A_439] {strides = array<i32>} : memref<128x32xf32, #tpu.memory_space<vmem>>, vector<1x16xf32>,
        %get3A_441 = vector.shape_cast %get3A_440 : vector<1x16xf32> to vector<16xf32>
        %swap3A_442 = arith.index_cast %add3A_437 : i32 to index
        %swap3A_443 = arith.constant 0 : index
        %swap3A_444 = tpu.vector_load %arg14[%swap3A_442, %swap3A_443] {strides = array<i32>} : memref<128x32xf32, #tpu.memory_space<vmem>>, vector<1x16xf32>,
        %swap3A_445 = vector.shape_cast %swap3A_444 : vector<1x16xf32> to vector<16xf32>
        %swap3A_446 = vector.shape_cast %get3A_441 : vector<16xf32> to vector<1x16xf32>
        tpu.vector_store %arg14[%swap3A_442, %swap3A_443], %swap3A_446 {add = true, strides = array<i32>} : memref<128x32xf32, #tpu.memory_space<vmem>>, vector<1x16xf32>,
        %get3A_447 = arith.index_cast %add3A_437 : i32 to index
        %get3A_448 = arith.constant 16 : index
        %get3A_449 = tpu.vector_load %arg11[%get3A_447, %get3A_448] {strides = array<i32>} : memref<128x32xf32, #tpu.memory_space<vmem>>, vector<1x16xf32>,
        %get3A_450 = vector.shape_cast %get3A_449 : vector<1x16xf32> to vector<16xf32>
        %swap3A_451 = arith.index_cast %add3A_437 : i32 to index
        %swap3A_452 = arith.constant 16 : index
        %swap3A_453 = tpu.vector_load %arg14[%swap3A_451, %swap3A_452] {strides = array<i32>} : memref<128x32xf32, #tpu.memory_space<vmem>>, vector<1x16xf32>,
        %swap3A_454 = vector.shape_cast %swap3A_453 : vector<1x16xf32> to vector<16xf32>
        %swap3A_455 = vector.shape_cast %get3A_450 : vector<16xf32> to vector<1x16xf32>
        tpu.vector_store %arg14[%swap3A_451, %swap3A_452], %swap3A_455 {add = true, strides = array<i32>} : memref<128x32xf32, #tpu.memory_space<vmem>>, vector<1x16xf32>,
        %add3A_456 = arith.constant 3 : i32
        %add3A_457 = arith.addi %mul3A_397, %add3A_456 : i32
        %get3A_458 = arith.index_cast %add3A_457 : i32 to index
        %get3A_459 = arith.constant 0 : index
        %get3A_460 = tpu.vector_load %arg11[%get3A_458, %get3A_459] {strides = array<i32>} : memref<128x32xf32, #tpu.memory_space<vmem>>, vector<1x16xf32>,
        %get3A_461 = vector.shape_cast %get3A_460 : vector<1x16xf32> to vector<16xf32>
        %swap3A_462 = arith.index_cast %add3A_457 : i32 to index
        %swap3A_463 = arith.constant 0 : index
        %swap3A_464 = tpu.vector_load %arg14[%swap3A_462, %swap3A_463] {strides = array<i32>} : memref<128x32xf32, #tpu.memory_space<vmem>>, vector<1x16xf32>,
        %swap3A_465 = vector.shape_cast %swap3A_464 : vector<1x16xf32> to vector<16xf32>
        %swap3A_466 = vector.shape_cast %get3A_461 : vector<16xf32> to vector<1x16xf32>
        tpu.vector_store %arg14[%swap3A_462, %swap3A_463], %swap3A_466 {add = true, strides = array<i32>} : memref<128x32xf32, #tpu.memory_space<vmem>>, vector<1x16xf32>,
        %get3A_467 = arith.index_cast %add3A_457 : i32 to index
        %get3A_468 = arith.constant 16 : index
        %get3A_469 = tpu.vector_load %arg11[%get3A_467, %get3A_468] {strides = array<i32>} : memref<128x32xf32, #tpu.memory_space<vmem>>, vector<1x16xf32>,
        %get3A_470 = vector.shape_cast %get3A_469 : vector<1x16xf32> to vector<16xf32>
        %swap3A_471 = arith.index_cast %add3A_457 : i32 to index
        %swap3A_472 = arith.constant 16 : index
        %swap3A_473 = tpu.vector_load %arg14[%swap3A_471, %swap3A_472] {strides = array<i32>} : memref<128x32xf32, #tpu.memory_space<vmem>>, vector<1x16xf32>,
        %swap3A_474 = vector.shape_cast %swap3A_473 : vector<1x16xf32> to vector<16xf32>
        %swap3A_475 = vector.shape_cast %get3A_470 : vector<16xf32> to vector<1x16xf32>
        tpu.vector_store %arg14[%swap3A_471, %swap3A_472], %swap3A_475 {add = true, strides = array<i32>} : memref<128x32xf32, #tpu.memory_space<vmem>>, vector<1x16xf32>,
        %add3A_476 = arith.constant 4 : i32
        %add3A_477 = arith.addi %mul3A_397, %add3A_476 : i32
        %get3A_478 = arith.index_cast %add3A_477 : i32 to index
        %get3A_479 = arith.constant 0 : index
        %get3A_480 = tpu.vector_load %arg11[%get3A_478, %get3A_479] {strides = array<i32>} : memref<128x32xf32, #tpu.memory_space<vmem>>, vector<1x16xf32>,
        %get3A_481 = vector.shape_cast %get3A_480 : vector<1x16xf32> to vector<16xf32>
        %swap3A_482 = arith.index_cast %add3A_477 : i32 to index
        %swap3A_483 = arith.constant 0 : index
        %swap3A_484 = tpu.vector_load %arg14[%swap3A_482, %swap3A_483] {strides = array<i32>} : memref<128x32xf32, #tpu.memory_space<vmem>>, vector<1x16xf32>,
        %swap3A_485 = vector.shape_cast %swap3A_484 : vector<1x16xf32> to vector<16xf32>
        %swap3A_486 = vector.shape_cast %get3A_481 : vector<16xf32> to vector<1x16xf32>
        tpu.vector_store %arg14[%swap3A_482, %swap3A_483], %swap3A_486 {add = true, strides = array<i32>} : memref<128x32xf32, #tpu.memory_space<vmem>>, vector<1x16xf32>,
        %get3A_487 = arith.index_cast %add3A_477 : i32 to index
        %get3A_488 = arith.constant 16 : index
        %get3A_489 = tpu.vector_load %arg11[%get3A_487, %get3A_488] {strides = array<i32>} : memref<128x32xf32, #tpu.memory_space<vmem>>, vector<1x16xf32>,
        %get3A_490 = vector.shape_cast %get3A_489 : vector<1x16xf32> to vector<16xf32>
        %swap3A_491 = arith.index_cast %add3A_477 : i32 to index
        %swap3A_492 = arith.constant 16 : index
        %swap3A_493 = tpu.vector_load %arg14[%swap3A_491, %swap3A_492] {strides = array<i32>} : memref<128x32xf32, #tpu.memory_space<vmem>>, vector<1x16xf32>,
        %swap3A_494 = vector.shape_cast %swap3A_493 : vector<1x16xf32> to vector<16xf32>
        %swap3A_495 = vector.shape_cast %get3A_490 : vector<16xf32> to vector<1x16xf32>
        tpu.vector_store %arg14[%swap3A_491, %swap3A_492], %swap3A_495 {add = true, strides = array<i32>} : memref<128x32xf32, #tpu.memory_space<vmem>>, vector<1x16xf32>,
        %add3A_496 = arith.constant 5 : i32
        %add3A_497 = arith.addi %mul3A_397, %add3A_496 : i32
        %get3A_498 = arith.index_cast %add3A_497 : i32 to index
        %get3A_499 = arith.constant 0 : index
        %get3A_500 = tpu.vector_load %arg11[%get3A_498, %get3A_499] {strides = array<i32>} : memref<128x32xf32, #tpu.memory_space<vmem>>, vector<1x16xf32>,
        %get3A_501 = vector.shape_cast %get3A_500 : vector<1x16xf32> to vector<16xf32>
        %swap3A_502 = arith.index_cast %add3A_497 : i32 to index
        %swap3A_503 = arith.constant 0 : index
        %swap3A_504 = tpu.vector_load %arg14[%swap3A_502, %swap3A_503] {strides = array<i32>} : memref<128x32xf32, #tpu.memory_space<vmem>>, vector<1x16xf32>,
        %swap3A_505 = vector.shape_cast %swap3A_504 : vector<1x16xf32> to vector<16xf32>
        %swap3A_506 = vector.shape_cast %get3A_501 : vector<16xf32> to vector<1x16xf32>
        tpu.vector_store %arg14[%swap3A_502, %swap3A_503], %swap3A_506 {add = true, strides = array<i32>} : memref<128x32xf32, #tpu.memory_space<vmem>>, vector<1x16xf32>,
        %get3A_507 = arith.index_cast %add3A_497 : i32 to index
        %get3A_508 = arith.constant 16 : index
        %get3A_509 = tpu.vector_load %arg11[%get3A_507, %get3A_508] {strides = array<i32>} : memref<128x32xf32, #tpu.memory_space<vmem>>, vector<1x16xf32>,
        %get3A_510 = vector.shape_cast %get3A_509 : vector<1x16xf32> to vector<16xf32>
        %swap3A_511 = arith.index_cast %add3A_497 : i32 to index
        %swap3A_512 = arith.constant 16 : index
        %swap3A_513 = tpu.vector_load %arg14[%swap3A_511, %swap3A_512] {strides = array<i32>} : memref<128x32xf32, #tpu.memory_space<vmem>>, vector<1x16xf32>,
        %swap3A_514 = vector.shape_cast %swap3A_513 : vector<1x16xf32> to vector<16xf32>
        %swap3A_515 = vector.shape_cast %get3A_510 : vector<16xf32> to vector<1x16xf32>
        tpu.vector_store %arg14[%swap3A_511, %swap3A_512], %swap3A_515 {add = true, strides = array<i32>} : memref<128x32xf32, #tpu.memory_space<vmem>>, vector<1x16xf32>,
        %add3A_516 = arith.constant 6 : i32
        %add3A_517 = arith.addi %mul3A_397, %add3A_516 : i32
        %get3A_518 = arith.index_cast %add3A_517 : i32 to index
        %get3A_519 = arith.constant 0 : index
        %get3A_520 = tpu.vector_load %arg11[%get3A_518, %get3A_519] {strides = array<i32>} : memref<128x32xf32, #tpu.memory_space<vmem>>, vector<1x16xf32>,
        %get3A_521 = vector.shape_cast %get3A_520 : vector<1x16xf32> to vector<16xf32>
        %swap3A_522 = arith.index_cast %add3A_517 : i32 to index
        %swap3A_523 = arith.constant 0 : index
        %swap3A_524 = tpu.vector_load %arg14[%swap3A_522, %swap3A_523] {strides = array<i32>} : memref<128x32xf32, #tpu.memory_space<vmem>>, vector<1x16xf32>,
        %swap3A_525 = vector.shape_cast %swap3A_524 : vector<1x16xf32> to vector<16xf32>
        %swap3A_526 = vector.shape_cast %get3A_521 : vector<16xf32> to vector<1x16xf32>
        tpu.vector_store %arg14[%swap3A_522, %swap3A_523], %swap3A_526 {add = true, strides = array<i32>} : memref<128x32xf32, #tpu.memory_space<vmem>>, vector<1x16xf32>,
        %get3A_527 = arith.index_cast %add3A_517 : i32 to index
        %get3A_528 = arith.constant 16 : index
        %get3A_529 = tpu.vector_load %arg11[%get3A_527, %get3A_528] {strides = array<i32>} : memref<128x32xf32, #tpu.memory_space<vmem>>, vector<1x16xf32>,
        %get3A_530 = vector.shape_cast %get3A_529 : vector<1x16xf32> to vector<16xf32>
        %swap3A_531 = arith.index_cast %add3A_517 : i32 to index
        %swap3A_532 = arith.constant 16 : index
        %swap3A_533 = tpu.vector_load %arg14[%swap3A_531, %swap3A_532] {strides = array<i32>} : memref<128x32xf32, #tpu.memory_space<vmem>>, vector<1x16xf32>,
        %swap3A_534 = vector.shape_cast %swap3A_533 : vector<1x16xf32> to vector<16xf32>
        %swap3A_535 = vector.shape_cast %get3A_530 : vector<16xf32> to vector<1x16xf32>
        tpu.vector_store %arg14[%swap3A_531, %swap3A_532], %swap3A_535 {add = true, strides = array<i32>} : memref<128x32xf32, #tpu.memory_space<vmem>>, vector<1x16xf32>,
        %add3A_536 = arith.constant 7 : i32
        %add3A_537 = arith.addi %mul3A_397, %add3A_536 : i32
        %get3A_538 = arith.index_cast %add3A_537 : i32 to index
        %get3A_539 = arith.constant 0 : index
        %get3A_540 = tpu.vector_load %arg11[%get3A_538, %get3A_539] {strides = array<i32>} : memref<128x32xf32, #tpu.memory_space<vmem>>, vector<1x16xf32>,
        %get3A_541 = vector.shape_cast %get3A_540 : vector<1x16xf32> to vector<16xf32>
        %swap3A_542 = arith.index_cast %add3A_537 : i32 to index
        %swap3A_543 = arith.constant 0 : index
        %swap3A_544 = tpu.vector_load %arg14[%swap3A_542, %swap3A_543] {strides = array<i32>} : memref<128x32xf32, #tpu.memory_space<vmem>>, vector<1x16xf32>,
        %swap3A_545 = vector.shape_cast %swap3A_544 : vector<1x16xf32> to vector<16xf32>
        %swap3A_546 = vector.shape_cast %get3A_541 : vector<16xf32> to vector<1x16xf32>
        tpu.vector_store %arg14[%swap3A_542, %swap3A_543], %swap3A_546 {add = true, strides = array<i32>} : memref<128x32xf32, #tpu.memory_space<vmem>>, vector<1x16xf32>,
        %get3A_547 = arith.index_cast %add3A_537 : i32 to index
        %get3A_548 = arith.constant 16 : index
        %get3A_549 = tpu.vector_load %arg11[%get3A_547, %get3A_548] {strides = array<i32>} : memref<128x32xf32, #tpu.memory_space<vmem>>, vector<1x16xf32>,
        %get3A_550 = vector.shape_cast %get3A_549 : vector<1x16xf32> to vector<16xf32>
        %swap3A_551 = arith.index_cast %add3A_537 : i32 to index
        %swap3A_552 = arith.constant 16 : index
        %swap3A_553 = tpu.vector_load %arg14[%swap3A_551, %swap3A_552] {strides = array<i32>} : memref<128x32xf32, #tpu.memory_space<vmem>>, vector<1x16xf32>,
        %swap3A_554 = vector.shape_cast %swap3A_553 : vector<1x16xf32> to vector<16xf32>
        %swap3A_555 = vector.shape_cast %get3A_550 : vector<16xf32> to vector<1x16xf32>
        tpu.vector_store %arg14[%swap3A_551, %swap3A_552], %swap3A_555 {add = true, strides = array<i32>} : memref<128x32xf32, #tpu.memory_space<vmem>>, vector<1x16xf32>,
        %scan3A_556 = arith.constant 0 : i32
        scf.yield %scan3A_556 : i32
      }
      %scan3A_334 = arith.constant 16 : i32
      %add3A_335 = arith.constant 8 : i32
      %add3A_336 = arith.addi %add3A_321, %add3A_335 : i32
      %dma_start3A_337 = arith.constant 0 : i32
      %dma_start3A_338 = tpu.memref_slice %arg5[%add3A_336, %dma_start3A_337] : memref<200x128xi32, #tpu.memory_space<vmem>> -> memref<1x128xi32, #tpu.memory_space<vmem>>
      %dma_start3A_339 = tpu.memref_squeeze %dma_start3A_338 : memref<1x128xi32, #tpu.memory_space<vmem>> -> memref<128xi32, #tpu.memory_space<vmem>>
      %dma_start3A_340 = arith.constant 0 : i32
      %dma_start3A_341 = arith.constant 0 : i32
      %dma_start3A_342 = tpu.memref_slice %arg3[%dma_start3A_340, %dma_start3A_341] : memref<1000000x32xf32, #tpu.memory_space<hbm>> -> memref<1000000x32xf32, #tpu.memory_space<hbm>>
      tpu.enqueue_indirect_dma source(%dma_start3A_342 : memref<1000000x32xf32, #tpu.memory_space<hbm>>) target(%arg11 : memref<128x32xf32, #tpu.memory_space<vmem>>) offsets(%dma_start3A_339 : memref<128xi32, #tpu.memory_space<vmem>>) semaphore(%arg21 : memref<!tpu.dma_semaphore, #tpu.memory_space<semaphore_mem>>)
      %mul3A_343 = arith.constant 8 : i32
      %mul3A_344 = arith.muli %scan3A_191, %mul3A_343 : i32
      %add3A_345 = arith.constant 6 : i32
      %add3A_346 = arith.addi %mul3A_344, %add3A_345 : i32
      %dma_wait3A_347 = arith.constant 0 : i32
      %dma_wait3A_348 = arith.constant 0 : i32
      %dma_wait3A_349 = tpu.memref_slice %arg3[%dma_wait3A_347, %dma_wait3A_348] : memref<1000000x32xf32, #tpu.memory_space<hbm>> -> memref<128x32xf32, #tpu.memory_space<hbm>>
      %dma_wait3A_350 = arith.constant 0 : i32
      %dma_wait3A_351 = arith.constant 0 : i32
      %dma_wait3A_352 = tpu.memref_slice %arg3[%dma_wait3A_350, %dma_wait3A_351] : memref<1000000x32xf32, #tpu.memory_space<hbm>> -> memref<128x32xf32, #tpu.memory_space<hbm>>
      tpu.wait_dma2 semaphore(%arg22 : memref<!tpu.dma_semaphore, #tpu.memory_space<semaphore_mem>>) src(%dma_wait3A_352 : memref<128x32xf32, #tpu.memory_space<hbm>>) dst(%arg12 : memref<128x32xf32, #tpu.memory_space<vmem>>)
      %scan3A_353 = arith.constant 0 : i32
      %scan3A_354 = arith.constant 0 : i32
      %scan3A_355 = arith.constant 16 : i32
      %scan3A_356 = arith.addi %scan3A_354, %scan3A_355 : i32
      %scan3A_357 = arith.constant 1 : i32
      %scan3A_358 = scf.for %scan3A_394 = %scan3A_354 to %scan3A_356 step %scan3A_357 iter_args(%scan3A_395 = %scan3A_353) -> (i32)  : i32 {
        %mul3A_396 = arith.constant 8 : i32
        %mul3A_397 = arith.muli %scan3A_394, %mul3A_396 : i32
        %add3A_398 = arith.constant 0 : i32
        %add3A_399 = arith.addi %mul3A_397, %add3A_398 : i32
        %get3A = arith.index_cast %add3A_399 : i32 to index
        %get3A_400 = arith.constant 0 : index
        %get3A_401 = tpu.vector_load %arg12[%get3A, %get3A_400] {strides = array<i32>} : memref<128x32xf32, #tpu.memory_space<vmem>>, vector<1x16xf32>,
        %get3A_402 = vector.shape_cast %get3A_401 : vector<1x16xf32> to vector<16xf32>
        %swap3A = arith.index_cast %add3A_399 : i32 to index
        %swap3A_403 = arith.constant 0 : index
        %swap3A_404 = tpu.vector_load %arg14[%swap3A, %swap3A_403] {strides = array<i32>} : memref<128x32xf32, #tpu.memory_space<vmem>>, vector<1x16xf32>,
        %swap3A_405 = vector.shape_cast %swap3A_404 : vector<1x16xf32> to vector<16xf32>
        %swap3A_406 = vector.shape_cast %get3A_402 : vector<16xf32> to vector<1x16xf32>
        tpu.vector_store %arg14[%swap3A, %swap3A_403], %swap3A_406 {add = true, strides = array<i32>} : memref<128x32xf32, #tpu.memory_space<vmem>>, vector<1x16xf32>,
        %get3A_407 = arith.index_cast %add3A_399 : i32 to index
        %get3A_408 = arith.constant 16 : index
        %get3A_409 = tpu.vector_load %arg12[%get3A_407, %get3A_408] {strides = array<i32>} : memref<128x32xf32, #tpu.memory_space<vmem>>, vector<1x16xf32>,
        %get3A_410 = vector.shape_cast %get3A_409 : vector<1x16xf32> to vector<16xf32>
        %swap3A_411 = arith.index_cast %add3A_399 : i32 to index
        %swap3A_412 = arith.constant 16 : index
        %swap3A_413 = tpu.vector_load %arg14[%swap3A_411, %swap3A_412] {strides = array<i32>} : memref<128x32xf32, #tpu.memory_space<vmem>>, vector<1x16xf32>,
        %swap3A_414 = vector.shape_cast %swap3A_413 : vector<1x16xf32> to vector<16xf32>
        %swap3A_415 = vector.shape_cast %get3A_410 : vector<16xf32> to vector<1x16xf32>
        tpu.vector_store %arg14[%swap3A_411, %swap3A_412], %swap3A_415 {add = true, strides = array<i32>} : memref<128x32xf32, #tpu.memory_space<vmem>>, vector<1x16xf32>,
        %add3A_416 = arith.constant 1 : i32
        %add3A_417 = arith.addi %mul3A_397, %add3A_416 : i32
        %get3A_418 = arith.index_cast %add3A_417 : i32 to index
        %get3A_419 = arith.constant 0 : index
        %get3A_420 = tpu.vector_load %arg12[%get3A_418, %get3A_419] {strides = array<i32>} : memref<128x32xf32, #tpu.memory_space<vmem>>, vector<1x16xf32>,
        %get3A_421 = vector.shape_cast %get3A_420 : vector<1x16xf32> to vector<16xf32>
        %swap3A_422 = arith.index_cast %add3A_417 : i32 to index
        %swap3A_423 = arith.constant 0 : index
        %swap3A_424 = tpu.vector_load %arg14[%swap3A_422, %swap3A_423] {strides = array<i32>} : memref<128x32xf32, #tpu.memory_space<vmem>>, vector<1x16xf32>,
        %swap3A_425 = vector.shape_cast %swap3A_424 : vector<1x16xf32> to vector<16xf32>
        %swap3A_426 = vector.shape_cast %get3A_421 : vector<16xf32> to vector<1x16xf32>
        tpu.vector_store %arg14[%swap3A_422, %swap3A_423], %swap3A_426 {add = true, strides = array<i32>} : memref<128x32xf32, #tpu.memory_space<vmem>>, vector<1x16xf32>,
        %get3A_427 = arith.index_cast %add3A_417 : i32 to index
        %get3A_428 = arith.constant 16 : index
        %get3A_429 = tpu.vector_load %arg12[%get3A_427, %get3A_428] {strides = array<i32>} : memref<128x32xf32, #tpu.memory_space<vmem>>, vector<1x16xf32>,
        %get3A_430 = vector.shape_cast %get3A_429 : vector<1x16xf32> to vector<16xf32>
        %swap3A_431 = arith.index_cast %add3A_417 : i32 to index
        %swap3A_432 = arith.constant 16 : index
        %swap3A_433 = tpu.vector_load %arg14[%swap3A_431, %swap3A_432] {strides = array<i32>} : memref<128x32xf32, #tpu.memory_space<vmem>>, vector<1x16xf32>,
        %swap3A_434 = vector.shape_cast %swap3A_433 : vector<1x16xf32> to vector<16xf32>
        %swap3A_435 = vector.shape_cast %get3A_430 : vector<16xf32> to vector<1x16xf32>
        tpu.vector_store %arg14[%swap3A_431, %swap3A_432], %swap3A_435 {add = true, strides = array<i32>} : memref<128x32xf32, #tpu.memory_space<vmem>>, vector<1x16xf32>,
        %add3A_436 = arith.constant 2 : i32
        %add3A_437 = arith.addi %mul3A_397, %add3A_436 : i32
        %get3A_438 = arith.index_cast %add3A_437 : i32 to index
        %get3A_439 = arith.constant 0 : index
        %get3A_440 = tpu.vector_load %arg12[%get3A_438, %get3A_439] {strides = array<i32>} : memref<128x32xf32, #tpu.memory_space<vmem>>, vector<1x16xf32>,
        %get3A_441 = vector.shape_cast %get3A_440 : vector<1x16xf32> to vector<16xf32>
        %swap3A_442 = arith.index_cast %add3A_437 : i32 to index
        %swap3A_443 = arith.constant 0 : index
        %swap3A_444 = tpu.vector_load %arg14[%swap3A_442, %swap3A_443] {strides = array<i32>} : memref<128x32xf32, #tpu.memory_space<vmem>>, vector<1x16xf32>,
        %swap3A_445 = vector.shape_cast %swap3A_444 : vector<1x16xf32> to vector<16xf32>
        %swap3A_446 = vector.shape_cast %get3A_441 : vector<16xf32> to vector<1x16xf32>
        tpu.vector_store %arg14[%swap3A_442, %swap3A_443], %swap3A_446 {add = true, strides = array<i32>} : memref<128x32xf32, #tpu.memory_space<vmem>>, vector<1x16xf32>,
        %get3A_447 = arith.index_cast %add3A_437 : i32 to index
        %get3A_448 = arith.constant 16 : index
        %get3A_449 = tpu.vector_load %arg12[%get3A_447, %get3A_448] {strides = array<i32>} : memref<128x32xf32, #tpu.memory_space<vmem>>, vector<1x16xf32>,
        %get3A_450 = vector.shape_cast %get3A_449 : vector<1x16xf32> to vector<16xf32>
        %swap3A_451 = arith.index_cast %add3A_437 : i32 to index
        %swap3A_452 = arith.constant 16 : index
        %swap3A_453 = tpu.vector_load %arg14[%swap3A_451, %swap3A_452] {strides = array<i32>} : memref<128x32xf32, #tpu.memory_space<vmem>>, vector<1x16xf32>,
        %swap3A_454 = vector.shape_cast %swap3A_453 : vector<1x16xf32> to vector<16xf32>
        %swap3A_455 = vector.shape_cast %get3A_450 : vector<16xf32> to vector<1x16xf32>
        tpu.vector_store %arg14[%swap3A_451, %swap3A_452], %swap3A_455 {add = true, strides = array<i32>} : memref<128x32xf32, #tpu.memory_space<vmem>>, vector<1x16xf32>,
        %add3A_456 = arith.constant 3 : i32
        %add3A_457 = arith.addi %mul3A_397, %add3A_456 : i32
        %get3A_458 = arith.index_cast %add3A_457 : i32 to index
        %get3A_459 = arith.constant 0 : index
        %get3A_460 = tpu.vector_load %arg12[%get3A_458, %get3A_459] {strides = array<i32>} : memref<128x32xf32, #tpu.memory_space<vmem>>, vector<1x16xf32>,
        %get3A_461 = vector.shape_cast %get3A_460 : vector<1x16xf32> to vector<16xf32>
        %swap3A_462 = arith.index_cast %add3A_457 : i32 to index
        %swap3A_463 = arith.constant 0 : index
        %swap3A_464 = tpu.vector_load %arg14[%swap3A_462, %swap3A_463] {strides = array<i32>} : memref<128x32xf32, #tpu.memory_space<vmem>>, vector<1x16xf32>,
        %swap3A_465 = vector.shape_cast %swap3A_464 : vector<1x16xf32> to vector<16xf32>
        %swap3A_466 = vector.shape_cast %get3A_461 : vector<16xf32> to vector<1x16xf32>
        tpu.vector_store %arg14[%swap3A_462, %swap3A_463], %swap3A_466 {add = true, strides = array<i32>} : memref<128x32xf32, #tpu.memory_space<vmem>>, vector<1x16xf32>,
        %get3A_467 = arith.index_cast %add3A_457 : i32 to index
        %get3A_468 = arith.constant 16 : index
        %get3A_469 = tpu.vector_load %arg12[%get3A_467, %get3A_468] {strides = array<i32>} : memref<128x32xf32, #tpu.memory_space<vmem>>, vector<1x16xf32>,
        %get3A_470 = vector.shape_cast %get3A_469 : vector<1x16xf32> to vector<16xf32>
        %swap3A_471 = arith.index_cast %add3A_457 : i32 to index
        %swap3A_472 = arith.constant 16 : index
        %swap3A_473 = tpu.vector_load %arg14[%swap3A_471, %swap3A_472] {strides = array<i32>} : memref<128x32xf32, #tpu.memory_space<vmem>>, vector<1x16xf32>,
        %swap3A_474 = vector.shape_cast %swap3A_473 : vector<1x16xf32> to vector<16xf32>
        %swap3A_475 = vector.shape_cast %get3A_470 : vector<16xf32> to vector<1x16xf32>
        tpu.vector_store %arg14[%swap3A_471, %swap3A_472], %swap3A_475 {add = true, strides = array<i32>} : memref<128x32xf32, #tpu.memory_space<vmem>>, vector<1x16xf32>,
        %add3A_476 = arith.constant 4 : i32
        %add3A_477 = arith.addi %mul3A_397, %add3A_476 : i32
        %get3A_478 = arith.index_cast %add3A_477 : i32 to index
        %get3A_479 = arith.constant 0 : index
        %get3A_480 = tpu.vector_load %arg12[%get3A_478, %get3A_479] {strides = array<i32>} : memref<128x32xf32, #tpu.memory_space<vmem>>, vector<1x16xf32>,
        %get3A_481 = vector.shape_cast %get3A_480 : vector<1x16xf32> to vector<16xf32>
        %swap3A_482 = arith.index_cast %add3A_477 : i32 to index
        %swap3A_483 = arith.constant 0 : index
        %swap3A_484 = tpu.vector_load %arg14[%swap3A_482, %swap3A_483] {strides = array<i32>} : memref<128x32xf32, #tpu.memory_space<vmem>>, vector<1x16xf32>,
        %swap3A_485 = vector.shape_cast %swap3A_484 : vector<1x16xf32> to vector<16xf32>
        %swap3A_486 = vector.shape_cast %get3A_481 : vector<16xf32> to vector<1x16xf32>
        tpu.vector_store %arg14[%swap3A_482, %swap3A_483], %swap3A_486 {add = true, strides = array<i32>} : memref<128x32xf32, #tpu.memory_space<vmem>>, vector<1x16xf32>,
        %get3A_487 = arith.index_cast %add3A_477 : i32 to index
        %get3A_488 = arith.constant 16 : index
        %get3A_489 = tpu.vector_load %arg12[%get3A_487, %get3A_488] {strides = array<i32>} : memref<128x32xf32, #tpu.memory_space<vmem>>, vector<1x16xf32>,
        %get3A_490 = vector.shape_cast %get3A_489 : vector<1x16xf32> to vector<16xf32>
        %swap3A_491 = arith.index_cast %add3A_477 : i32 to index
        %swap3A_492 = arith.constant 16 : index
        %swap3A_493 = tpu.vector_load %arg14[%swap3A_491, %swap3A_492] {strides = array<i32>} : memref<128x32xf32, #tpu.memory_space<vmem>>, vector<1x16xf32>,
        %swap3A_494 = vector.shape_cast %swap3A_493 : vector<1x16xf32> to vector<16xf32>
        %swap3A_495 = vector.shape_cast %get3A_490 : vector<16xf32> to vector<1x16xf32>
        tpu.vector_store %arg14[%swap3A_491, %swap3A_492], %swap3A_495 {add = true, strides = array<i32>} : memref<128x32xf32, #tpu.memory_space<vmem>>, vector<1x16xf32>,
        %add3A_496 = arith.constant 5 : i32
        %add3A_497 = arith.addi %mul3A_397, %add3A_496 : i32
        %get3A_498 = arith.index_cast %add3A_497 : i32 to index
        %get3A_499 = arith.constant 0 : index
        %get3A_500 = tpu.vector_load %arg12[%get3A_498, %get3A_499] {strides = array<i32>} : memref<128x32xf32, #tpu.memory_space<vmem>>, vector<1x16xf32>,
        %get3A_501 = vector.shape_cast %get3A_500 : vector<1x16xf32> to vector<16xf32>
        %swap3A_502 = arith.index_cast %add3A_497 : i32 to index
        %swap3A_503 = arith.constant 0 : index
        %swap3A_504 = tpu.vector_load %arg14[%swap3A_502, %swap3A_503] {strides = array<i32>} : memref<128x32xf32, #tpu.memory_space<vmem>>, vector<1x16xf32>,
        %swap3A_505 = vector.shape_cast %swap3A_504 : vector<1x16xf32> to vector<16xf32>
        %swap3A_506 = vector.shape_cast %get3A_501 : vector<16xf32> to vector<1x16xf32>
        tpu.vector_store %arg14[%swap3A_502, %swap3A_503], %swap3A_506 {add = true, strides = array<i32>} : memref<128x32xf32, #tpu.memory_space<vmem>>, vector<1x16xf32>,
        %get3A_507 = arith.index_cast %add3A_497 : i32 to index
        %get3A_508 = arith.constant 16 : index
        %get3A_509 = tpu.vector_load %arg12[%get3A_507, %get3A_508] {strides = array<i32>} : memref<128x32xf32, #tpu.memory_space<vmem>>, vector<1x16xf32>,
        %get3A_510 = vector.shape_cast %get3A_509 : vector<1x16xf32> to vector<16xf32>
        %swap3A_511 = arith.index_cast %add3A_497 : i32 to index
        %swap3A_512 = arith.constant 16 : index
        %swap3A_513 = tpu.vector_load %arg14[%swap3A_511, %swap3A_512] {strides = array<i32>} : memref<128x32xf32, #tpu.memory_space<vmem>>, vector<1x16xf32>,
        %swap3A_514 = vector.shape_cast %swap3A_513 : vector<1x16xf32> to vector<16xf32>
        %swap3A_515 = vector.shape_cast %get3A_510 : vector<16xf32> to vector<1x16xf32>
        tpu.vector_store %arg14[%swap3A_511, %swap3A_512], %swap3A_515 {add = true, strides = array<i32>} : memref<128x32xf32, #tpu.memory_space<vmem>>, vector<1x16xf32>,
        %add3A_516 = arith.constant 6 : i32
        %add3A_517 = arith.addi %mul3A_397, %add3A_516 : i32
        %get3A_518 = arith.index_cast %add3A_517 : i32 to index
        %get3A_519 = arith.constant 0 : index
        %get3A_520 = tpu.vector_load %arg12[%get3A_518, %get3A_519] {strides = array<i32>} : memref<128x32xf32, #tpu.memory_space<vmem>>, vector<1x16xf32>,
        %get3A_521 = vector.shape_cast %get3A_520 : vector<1x16xf32> to vector<16xf32>
        %swap3A_522 = arith.index_cast %add3A_517 : i32 to index
        %swap3A_523 = arith.constant 0 : index
        %swap3A_524 = tpu.vector_load %arg14[%swap3A_522, %swap3A_523] {strides = array<i32>} : memref<128x32xf32, #tpu.memory_space<vmem>>, vector<1x16xf32>,
        %swap3A_525 = vector.shape_cast %swap3A_524 : vector<1x16xf32> to vector<16xf32>
        %swap3A_526 = vector.shape_cast %get3A_521 : vector<16xf32> to vector<1x16xf32>
        tpu.vector_store %arg14[%swap3A_522, %swap3A_523], %swap3A_526 {add = true, strides = array<i32>} : memref<128x32xf32, #tpu.memory_space<vmem>>, vector<1x16xf32>,
        %get3A_527 = arith.index_cast %add3A_517 : i32 to index
        %get3A_528 = arith.constant 16 : index
        %get3A_529 = tpu.vector_load %arg12[%get3A_527, %get3A_528] {strides = array<i32>} : memref<128x32xf32, #tpu.memory_space<vmem>>, vector<1x16xf32>,
        %get3A_530 = vector.shape_cast %get3A_529 : vector<1x16xf32> to vector<16xf32>
        %swap3A_531 = arith.index_cast %add3A_517 : i32 to index
        %swap3A_532 = arith.constant 16 : index
        %swap3A_533 = tpu.vector_load %arg14[%swap3A_531, %swap3A_532] {strides = array<i32>} : memref<128x32xf32, #tpu.memory_space<vmem>>, vector<1x16xf32>,
        %swap3A_534 = vector.shape_cast %swap3A_533 : vector<1x16xf32> to vector<16xf32>
        %swap3A_535 = vector.shape_cast %get3A_530 : vector<16xf32> to vector<1x16xf32>
        tpu.vector_store %arg14[%swap3A_531, %swap3A_532], %swap3A_535 {add = true, strides = array<i32>} : memref<128x32xf32, #tpu.memory_space<vmem>>, vector<1x16xf32>,
        %add3A_536 = arith.constant 7 : i32
        %add3A_537 = arith.addi %mul3A_397, %add3A_536 : i32
        %get3A_538 = arith.index_cast %add3A_537 : i32 to index
        %get3A_539 = arith.constant 0 : index
        %get3A_540 = tpu.vector_load %arg12[%get3A_538, %get3A_539] {strides = array<i32>} : memref<128x32xf32, #tpu.memory_space<vmem>>, vector<1x16xf32>,
        %get3A_541 = vector.shape_cast %get3A_540 : vector<1x16xf32> to vector<16xf32>
        %swap3A_542 = arith.index_cast %add3A_537 : i32 to index
        %swap3A_543 = arith.constant 0 : index
        %swap3A_544 = tpu.vector_load %arg14[%swap3A_542, %swap3A_543] {strides = array<i32>} : memref<128x32xf32, #tpu.memory_space<vmem>>, vector<1x16xf32>,
        %swap3A_545 = vector.shape_cast %swap3A_544 : vector<1x16xf32> to vector<16xf32>
        %swap3A_546 = vector.shape_cast %get3A_541 : vector<16xf32> to vector<1x16xf32>
        tpu.vector_store %arg14[%swap3A_542, %swap3A_543], %swap3A_546 {add = true, strides = array<i32>} : memref<128x32xf32, #tpu.memory_space<vmem>>, vector<1x16xf32>,
        %get3A_547 = arith.index_cast %add3A_537 : i32 to index
        %get3A_548 = arith.constant 16 : index
        %get3A_549 = tpu.vector_load %arg12[%get3A_547, %get3A_548] {strides = array<i32>} : memref<128x32xf32, #tpu.memory_space<vmem>>, vector<1x16xf32>,
        %get3A_550 = vector.shape_cast %get3A_549 : vector<1x16xf32> to vector<16xf32>
        %swap3A_551 = arith.index_cast %add3A_537 : i32 to index
        %swap3A_552 = arith.constant 16 : index
        %swap3A_553 = tpu.vector_load %arg14[%swap3A_551, %swap3A_552] {strides = array<i32>} : memref<128x32xf32, #tpu.memory_space<vmem>>, vector<1x16xf32>,
        %swap3A_554 = vector.shape_cast %swap3A_553 : vector<1x16xf32> to vector<16xf32>
        %swap3A_555 = vector.shape_cast %get3A_550 : vector<16xf32> to vector<1x16xf32>
        tpu.vector_store %arg14[%swap3A_551, %swap3A_552], %swap3A_555 {add = true, strides = array<i32>} : memref<128x32xf32, #tpu.memory_space<vmem>>, vector<1x16xf32>,
        %scan3A_556 = arith.constant 0 : i32
        scf.yield %scan3A_556 : i32
      }
      %scan3A_359 = arith.constant 16 : i32
      %add3A_360 = arith.constant 8 : i32
      %add3A_361 = arith.addi %add3A_346, %add3A_360 : i32
      %dma_start3A_362 = arith.constant 0 : i32
      %dma_start3A_363 = tpu.memref_slice %arg5[%add3A_361, %dma_start3A_362] : memref<200x128xi32, #tpu.memory_space<vmem>> -> memref<1x128xi32, #tpu.memory_space<vmem>>
      %dma_start3A_364 = tpu.memref_squeeze %dma_start3A_363 : memref<1x128xi32, #tpu.memory_space<vmem>> -> memref<128xi32, #tpu.memory_space<vmem>>
      %dma_start3A_365 = arith.constant 0 : i32
      %dma_start3A_366 = arith.constant 0 : i32
      %dma_start3A_367 = tpu.memref_slice %arg3[%dma_start3A_365, %dma_start3A_366] : memref<1000000x32xf32, #tpu.memory_space<hbm>> -> memref<1000000x32xf32, #tpu.memory_space<hbm>>
      tpu.enqueue_indirect_dma source(%dma_start3A_367 : memref<1000000x32xf32, #tpu.memory_space<hbm>>) target(%arg12 : memref<128x32xf32, #tpu.memory_space<vmem>>) offsets(%dma_start3A_364 : memref<128xi32, #tpu.memory_space<vmem>>) semaphore(%arg22 : memref<!tpu.dma_semaphore, #tpu.memory_space<semaphore_mem>>)
      %mul3A_368 = arith.constant 8 : i32
      %mul3A_369 = arith.muli %scan3A_191, %mul3A_368 : i32
      %add3A_370 = arith.constant 7 : i32
      %add3A_371 = arith.addi %mul3A_369, %add3A_370 : i32
      %dma_wait3A_372 = arith.constant 0 : i32
      %dma_wait3A_373 = arith.constant 0 : i32
      %dma_wait3A_374 = tpu.memref_slice %arg3[%dma_wait3A_372, %dma_wait3A_373] : memref<1000000x32xf32, #tpu.memory_space<hbm>> -> memref<128x32xf32, #tpu.memory_space<hbm>>
      %dma_wait3A_375 = arith.constant 0 : i32
      %dma_wait3A_376 = arith.constant 0 : i32
      %dma_wait3A_377 = tpu.memref_slice %arg3[%dma_wait3A_375, %dma_wait3A_376] : memref<1000000x32xf32, #tpu.memory_space<hbm>> -> memref<128x32xf32, #tpu.memory_space<hbm>>
      tpu.wait_dma2 semaphore(%arg23 : memref<!tpu.dma_semaphore, #tpu.memory_space<semaphore_mem>>) src(%dma_wait3A_377 : memref<128x32xf32, #tpu.memory_space<hbm>>) dst(%arg13 : memref<128x32xf32, #tpu.memory_space<vmem>>)
      %scan3A_378 = arith.constant 0 : i32
      %scan3A_379 = arith.constant 0 : i32
      %scan3A_380 = arith.constant 16 : i32
      %scan3A_381 = arith.addi %scan3A_379, %scan3A_380 : i32
      %scan3A_382 = arith.constant 1 : i32
      %scan3A_383 = scf.for %scan3A_394 = %scan3A_379 to %scan3A_381 step %scan3A_382 iter_args(%scan3A_395 = %scan3A_378) -> (i32)  : i32 {
        %mul3A_396 = arith.constant 8 : i32
        %mul3A_397 = arith.muli %scan3A_394, %mul3A_396 : i32
        %add3A_398 = arith.constant 0 : i32
        %add3A_399 = arith.addi %mul3A_397, %add3A_398 : i32
        %get3A = arith.index_cast %add3A_399 : i32 to index
        %get3A_400 = arith.constant 0 : index
        %get3A_401 = tpu.vector_load %arg13[%get3A, %get3A_400] {strides = array<i32>} : memref<128x32xf32, #tpu.memory_space<vmem>>, vector<1x16xf32>,
        %get3A_402 = vector.shape_cast %get3A_401 : vector<1x16xf32> to vector<16xf32>
        %swap3A = arith.index_cast %add3A_399 : i32 to index
        %swap3A_403 = arith.constant 0 : index
        %swap3A_404 = tpu.vector_load %arg14[%swap3A, %swap3A_403] {strides = array<i32>} : memref<128x32xf32, #tpu.memory_space<vmem>>, vector<1x16xf32>,
        %swap3A_405 = vector.shape_cast %swap3A_404 : vector<1x16xf32> to vector<16xf32>
        %swap3A_406 = vector.shape_cast %get3A_402 : vector<16xf32> to vector<1x16xf32>
        tpu.vector_store %arg14[%swap3A, %swap3A_403], %swap3A_406 {add = true, strides = array<i32>} : memref<128x32xf32, #tpu.memory_space<vmem>>, vector<1x16xf32>,
        %get3A_407 = arith.index_cast %add3A_399 : i32 to index
        %get3A_408 = arith.constant 16 : index
        %get3A_409 = tpu.vector_load %arg13[%get3A_407, %get3A_408] {strides = array<i32>} : memref<128x32xf32, #tpu.memory_space<vmem>>, vector<1x16xf32>,
        %get3A_410 = vector.shape_cast %get3A_409 : vector<1x16xf32> to vector<16xf32>
        %swap3A_411 = arith.index_cast %add3A_399 : i32 to index
        %swap3A_412 = arith.constant 16 : index
        %swap3A_413 = tpu.vector_load %arg14[%swap3A_411, %swap3A_412] {strides = array<i32>} : memref<128x32xf32, #tpu.memory_space<vmem>>, vector<1x16xf32>,
        %swap3A_414 = vector.shape_cast %swap3A_413 : vector<1x16xf32> to vector<16xf32>
        %swap3A_415 = vector.shape_cast %get3A_410 : vector<16xf32> to vector<1x16xf32>
        tpu.vector_store %arg14[%swap3A_411, %swap3A_412], %swap3A_415 {add = true, strides = array<i32>} : memref<128x32xf32, #tpu.memory_space<vmem>>, vector<1x16xf32>,
        %add3A_416 = arith.constant 1 : i32
        %add3A_417 = arith.addi %mul3A_397, %add3A_416 : i32
        %get3A_418 = arith.index_cast %add3A_417 : i32 to index
        %get3A_419 = arith.constant 0 : index
        %get3A_420 = tpu.vector_load %arg13[%get3A_418, %get3A_419] {strides = array<i32>} : memref<128x32xf32, #tpu.memory_space<vmem>>, vector<1x16xf32>,
        %get3A_421 = vector.shape_cast %get3A_420 : vector<1x16xf32> to vector<16xf32>
        %swap3A_422 = arith.index_cast %add3A_417 : i32 to index
        %swap3A_423 = arith.constant 0 : index
        %swap3A_424 = tpu.vector_load %arg14[%swap3A_422, %swap3A_423] {strides = array<i32>} : memref<128x32xf32, #tpu.memory_space<vmem>>, vector<1x16xf32>,
        %swap3A_425 = vector.shape_cast %swap3A_424 : vector<1x16xf32> to vector<16xf32>
        %swap3A_426 = vector.shape_cast %get3A_421 : vector<16xf32> to vector<1x16xf32>
        tpu.vector_store %arg14[%swap3A_422, %swap3A_423], %swap3A_426 {add = true, strides = array<i32>} : memref<128x32xf32, #tpu.memory_space<vmem>>, vector<1x16xf32>,
        %get3A_427 = arith.index_cast %add3A_417 : i32 to index
        %get3A_428 = arith.constant 16 : index
        %get3A_429 = tpu.vector_load %arg13[%get3A_427, %get3A_428] {strides = array<i32>} : memref<128x32xf32, #tpu.memory_space<vmem>>, vector<1x16xf32>,
        %get3A_430 = vector.shape_cast %get3A_429 : vector<1x16xf32> to vector<16xf32>
        %swap3A_431 = arith.index_cast %add3A_417 : i32 to index
        %swap3A_432 = arith.constant 16 : index
        %swap3A_433 = tpu.vector_load %arg14[%swap3A_431, %swap3A_432] {strides = array<i32>} : memref<128x32xf32, #tpu.memory_space<vmem>>, vector<1x16xf32>,
        %swap3A_434 = vector.shape_cast %swap3A_433 : vector<1x16xf32> to vector<16xf32>
        %swap3A_435 = vector.shape_cast %get3A_430 : vector<16xf32> to vector<1x16xf32>
        tpu.vector_store %arg14[%swap3A_431, %swap3A_432], %swap3A_435 {add = true, strides = array<i32>} : memref<128x32xf32, #tpu.memory_space<vmem>>, vector<1x16xf32>,
        %add3A_436 = arith.constant 2 : i32
        %add3A_437 = arith.addi %mul3A_397, %add3A_436 : i32
        %get3A_438 = arith.index_cast %add3A_437 : i32 to index
        %get3A_439 = arith.constant 0 : index
        %get3A_440 = tpu.vector_load %arg13[%get3A_438, %get3A_439] {strides = array<i32>} : memref<128x32xf32, #tpu.memory_space<vmem>>, vector<1x16xf32>,
        %get3A_441 = vector.shape_cast %get3A_440 : vector<1x16xf32> to vector<16xf32>
        %swap3A_442 = arith.index_cast %add3A_437 : i32 to index
        %swap3A_443 = arith.constant 0 : index
        %swap3A_444 = tpu.vector_load %arg14[%swap3A_442, %swap3A_443] {strides = array<i32>} : memref<128x32xf32, #tpu.memory_space<vmem>>, vector<1x16xf32>,
        %swap3A_445 = vector.shape_cast %swap3A_444 : vector<1x16xf32> to vector<16xf32>
        %swap3A_446 = vector.shape_cast %get3A_441 : vector<16xf32> to vector<1x16xf32>
        tpu.vector_store %arg14[%swap3A_442, %swap3A_443], %swap3A_446 {add = true, strides = array<i32>} : memref<128x32xf32, #tpu.memory_space<vmem>>, vector<1x16xf32>,
        %get3A_447 = arith.index_cast %add3A_437 : i32 to index
        %get3A_448 = arith.constant 16 : index
        %get3A_449 = tpu.vector_load %arg13[%get3A_447, %get3A_448] {strides = array<i32>} : memref<128x32xf32, #tpu.memory_space<vmem>>, vector<1x16xf32>,
        %get3A_450 = vector.shape_cast %get3A_449 : vector<1x16xf32> to vector<16xf32>
        %swap3A_451 = arith.index_cast %add3A_437 : i32 to index
        %swap3A_452 = arith.constant 16 : index
        %swap3A_453 = tpu.vector_load %arg14[%swap3A_451, %swap3A_452] {strides = array<i32>} : memref<128x32xf32, #tpu.memory_space<vmem>>, vector<1x16xf32>,
        %swap3A_454 = vector.shape_cast %swap3A_453 : vector<1x16xf32> to vector<16xf32>
        %swap3A_455 = vector.shape_cast %get3A_450 : vector<16xf32> to vector<1x16xf32>
        tpu.vector_store %arg14[%swap3A_451, %swap3A_452], %swap3A_455 {add = true, strides = array<i32>} : memref<128x32xf32, #tpu.memory_space<vmem>>, vector<1x16xf32>,
        %add3A_456 = arith.constant 3 : i32
        %add3A_457 = arith.addi %mul3A_397, %add3A_456 : i32
        %get3A_458 = arith.index_cast %add3A_457 : i32 to index
        %get3A_459 = arith.constant 0 : index
        %get3A_460 = tpu.vector_load %arg13[%get3A_458, %get3A_459] {strides = array<i32>} : memref<128x32xf32, #tpu.memory_space<vmem>>, vector<1x16xf32>,
        %get3A_461 = vector.shape_cast %get3A_460 : vector<1x16xf32> to vector<16xf32>
        %swap3A_462 = arith.index_cast %add3A_457 : i32 to index
        %swap3A_463 = arith.constant 0 : index
        %swap3A_464 = tpu.vector_load %arg14[%swap3A_462, %swap3A_463] {strides = array<i32>} : memref<128x32xf32, #tpu.memory_space<vmem>>, vector<1x16xf32>,
        %swap3A_465 = vector.shape_cast %swap3A_464 : vector<1x16xf32> to vector<16xf32>
        %swap3A_466 = vector.shape_cast %get3A_461 : vector<16xf32> to vector<1x16xf32>
        tpu.vector_store %arg14[%swap3A_462, %swap3A_463], %swap3A_466 {add = true, strides = array<i32>} : memref<128x32xf32, #tpu.memory_space<vmem>>, vector<1x16xf32>,
        %get3A_467 = arith.index_cast %add3A_457 : i32 to index
        %get3A_468 = arith.constant 16 : index
        %get3A_469 = tpu.vector_load %arg13[%get3A_467, %get3A_468] {strides = array<i32>} : memref<128x32xf32, #tpu.memory_space<vmem>>, vector<1x16xf32>,
        %get3A_470 = vector.shape_cast %get3A_469 : vector<1x16xf32> to vector<16xf32>
        %swap3A_471 = arith.index_cast %add3A_457 : i32 to index
        %swap3A_472 = arith.constant 16 : index
        %swap3A_473 = tpu.vector_load %arg14[%swap3A_471, %swap3A_472] {strides = array<i32>} : memref<128x32xf32, #tpu.memory_space<vmem>>, vector<1x16xf32>,
        %swap3A_474 = vector.shape_cast %swap3A_473 : vector<1x16xf32> to vector<16xf32>
        %swap3A_475 = vector.shape_cast %get3A_470 : vector<16xf32> to vector<1x16xf32>
        tpu.vector_store %arg14[%swap3A_471, %swap3A_472], %swap3A_475 {add = true, strides = array<i32>} : memref<128x32xf32, #tpu.memory_space<vmem>>, vector<1x16xf32>,
        %add3A_476 = arith.constant 4 : i32
        %add3A_477 = arith.addi %mul3A_397, %add3A_476 : i32
        %get3A_478 = arith.index_cast %add3A_477 : i32 to index
        %get3A_479 = arith.constant 0 : index
        %get3A_480 = tpu.vector_load %arg13[%get3A_478, %get3A_479] {strides = array<i32>} : memref<128x32xf32, #tpu.memory_space<vmem>>, vector<1x16xf32>,
        %get3A_481 = vector.shape_cast %get3A_480 : vector<1x16xf32> to vector<16xf32>
        %swap3A_482 = arith.index_cast %add3A_477 : i32 to index
        %swap3A_483 = arith.constant 0 : index
        %swap3A_484 = tpu.vector_load %arg14[%swap3A_482, %swap3A_483] {strides = array<i32>} : memref<128x32xf32, #tpu.memory_space<vmem>>, vector<1x16xf32>,
        %swap3A_485 = vector.shape_cast %swap3A_484 : vector<1x16xf32> to vector<16xf32>
        %swap3A_486 = vector.shape_cast %get3A_481 : vector<16xf32> to vector<1x16xf32>
        tpu.vector_store %arg14[%swap3A_482, %swap3A_483], %swap3A_486 {add = true, strides = array<i32>} : memref<128x32xf32, #tpu.memory_space<vmem>>, vector<1x16xf32>,
        %get3A_487 = arith.index_cast %add3A_477 : i32 to index
        %get3A_488 = arith.constant 16 : index
        %get3A_489 = tpu.vector_load %arg13[%get3A_487, %get3A_488] {strides = array<i32>} : memref<128x32xf32, #tpu.memory_space<vmem>>, vector<1x16xf32>,
        %get3A_490 = vector.shape_cast %get3A_489 : vector<1x16xf32> to vector<16xf32>
        %swap3A_491 = arith.index_cast %add3A_477 : i32 to index
        %swap3A_492 = arith.constant 16 : index
        %swap3A_493 = tpu.vector_load %arg14[%swap3A_491, %swap3A_492] {strides = array<i32>} : memref<128x32xf32, #tpu.memory_space<vmem>>, vector<1x16xf32>,
        %swap3A_494 = vector.shape_cast %swap3A_493 : vector<1x16xf32> to vector<16xf32>
        %swap3A_495 = vector.shape_cast %get3A_490 : vector<16xf32> to vector<1x16xf32>
        tpu.vector_store %arg14[%swap3A_491, %swap3A_492], %swap3A_495 {add = true, strides = array<i32>} : memref<128x32xf32, #tpu.memory_space<vmem>>, vector<1x16xf32>,
        %add3A_496 = arith.constant 5 : i32
        %add3A_497 = arith.addi %mul3A_397, %add3A_496 : i32
        %get3A_498 = arith.index_cast %add3A_497 : i32 to index
        %get3A_499 = arith.constant 0 : index
        %get3A_500 = tpu.vector_load %arg13[%get3A_498, %get3A_499] {strides = array<i32>} : memref<128x32xf32, #tpu.memory_space<vmem>>, vector<1x16xf32>,
        %get3A_501 = vector.shape_cast %get3A_500 : vector<1x16xf32> to vector<16xf32>
        %swap3A_502 = arith.index_cast %add3A_497 : i32 to index
        %swap3A_503 = arith.constant 0 : index
        %swap3A_504 = tpu.vector_load %arg14[%swap3A_502, %swap3A_503] {strides = array<i32>} : memref<128x32xf32, #tpu.memory_space<vmem>>, vector<1x16xf32>,
        %swap3A_505 = vector.shape_cast %swap3A_504 : vector<1x16xf32> to vector<16xf32>
        %swap3A_506 = vector.shape_cast %get3A_501 : vector<16xf32> to vector<1x16xf32>
        tpu.vector_store %arg14[%swap3A_502, %swap3A_503], %swap3A_506 {add = true, strides = array<i32>} : memref<128x32xf32, #tpu.memory_space<vmem>>, vector<1x16xf32>,
        %get3A_507 = arith.index_cast %add3A_497 : i32 to index
        %get3A_508 = arith.constant 16 : index
        %get3A_509 = tpu.vector_load %arg13[%get3A_507, %get3A_508] {strides = array<i32>} : memref<128x32xf32, #tpu.memory_space<vmem>>, vector<1x16xf32>,
        %get3A_510 = vector.shape_cast %get3A_509 : vector<1x16xf32> to vector<16xf32>
        %swap3A_511 = arith.index_cast %add3A_497 : i32 to index
        %swap3A_512 = arith.constant 16 : index
        %swap3A_513 = tpu.vector_load %arg14[%swap3A_511, %swap3A_512] {strides = array<i32>} : memref<128x32xf32, #tpu.memory_space<vmem>>, vector<1x16xf32>,
        %swap3A_514 = vector.shape_cast %swap3A_513 : vector<1x16xf32> to vector<16xf32>
        %swap3A_515 = vector.shape_cast %get3A_510 : vector<16xf32> to vector<1x16xf32>
        tpu.vector_store %arg14[%swap3A_511, %swap3A_512], %swap3A_515 {add = true, strides = array<i32>} : memref<128x32xf32, #tpu.memory_space<vmem>>, vector<1x16xf32>,
        %add3A_516 = arith.constant 6 : i32
        %add3A_517 = arith.addi %mul3A_397, %add3A_516 : i32
        %get3A_518 = arith.index_cast %add3A_517 : i32 to index
        %get3A_519 = arith.constant 0 : index
        %get3A_520 = tpu.vector_load %arg13[%get3A_518, %get3A_519] {strides = array<i32>} : memref<128x32xf32, #tpu.memory_space<vmem>>, vector<1x16xf32>,
        %get3A_521 = vector.shape_cast %get3A_520 : vector<1x16xf32> to vector<16xf32>
        %swap3A_522 = arith.index_cast %add3A_517 : i32 to index
        %swap3A_523 = arith.constant 0 : index
        %swap3A_524 = tpu.vector_load %arg14[%swap3A_522, %swap3A_523] {strides = array<i32>} : memref<128x32xf32, #tpu.memory_space<vmem>>, vector<1x16xf32>,
        %swap3A_525 = vector.shape_cast %swap3A_524 : vector<1x16xf32> to vector<16xf32>
        %swap3A_526 = vector.shape_cast %get3A_521 : vector<16xf32> to vector<1x16xf32>
        tpu.vector_store %arg14[%swap3A_522, %swap3A_523], %swap3A_526 {add = true, strides = array<i32>} : memref<128x32xf32, #tpu.memory_space<vmem>>, vector<1x16xf32>,
        %get3A_527 = arith.index_cast %add3A_517 : i32 to index
        %get3A_528 = arith.constant 16 : index
        %get3A_529 = tpu.vector_load %arg13[%get3A_527, %get3A_528] {strides = array<i32>} : memref<128x32xf32, #tpu.memory_space<vmem>>, vector<1x16xf32>,
        %get3A_530 = vector.shape_cast %get3A_529 : vector<1x16xf32> to vector<16xf32>
        %swap3A_531 = arith.index_cast %add3A_517 : i32 to index
        %swap3A_532 = arith.constant 16 : index
        %swap3A_533 = tpu.vector_load %arg14[%swap3A_531, %swap3A_532] {strides = array<i32>} : memref<128x32xf32, #tpu.memory_space<vmem>>, vector<1x16xf32>,
        %swap3A_534 = vector.shape_cast %swap3A_533 : vector<1x16xf32> to vector<16xf32>
        %swap3A_535 = vector.shape_cast %get3A_530 : vector<16xf32> to vector<1x16xf32>
        tpu.vector_store %arg14[%swap3A_531, %swap3A_532], %swap3A_535 {add = true, strides = array<i32>} : memref<128x32xf32, #tpu.memory_space<vmem>>, vector<1x16xf32>,
        %add3A_536 = arith.constant 7 : i32
        %add3A_537 = arith.addi %mul3A_397, %add3A_536 : i32
        %get3A_538 = arith.index_cast %add3A_537 : i32 to index
        %get3A_539 = arith.constant 0 : index
        %get3A_540 = tpu.vector_load %arg13[%get3A_538, %get3A_539] {strides = array<i32>} : memref<128x32xf32, #tpu.memory_space<vmem>>, vector<1x16xf32>,
        %get3A_541 = vector.shape_cast %get3A_540 : vector<1x16xf32> to vector<16xf32>
        %swap3A_542 = arith.index_cast %add3A_537 : i32 to index
        %swap3A_543 = arith.constant 0 : index
        %swap3A_544 = tpu.vector_load %arg14[%swap3A_542, %swap3A_543] {strides = array<i32>} : memref<128x32xf32, #tpu.memory_space<vmem>>, vector<1x16xf32>,
        %swap3A_545 = vector.shape_cast %swap3A_544 : vector<1x16xf32> to vector<16xf32>
        %swap3A_546 = vector.shape_cast %get3A_541 : vector<16xf32> to vector<1x16xf32>
        tpu.vector_store %arg14[%swap3A_542, %swap3A_543], %swap3A_546 {add = true, strides = array<i32>} : memref<128x32xf32, #tpu.memory_space<vmem>>, vector<1x16xf32>,
        %get3A_547 = arith.index_cast %add3A_537 : i32 to index
        %get3A_548 = arith.constant 16 : index
        %get3A_549 = tpu.vector_load %arg13[%get3A_547, %get3A_548] {strides = array<i32>} : memref<128x32xf32, #tpu.memory_space<vmem>>, vector<1x16xf32>,
        %get3A_550 = vector.shape_cast %get3A_549 : vector<1x16xf32> to vector<16xf32>
        %swap3A_551 = arith.index_cast %add3A_537 : i32 to index
        %swap3A_552 = arith.constant 16 : index
        %swap3A_553 = tpu.vector_load %arg14[%swap3A_551, %swap3A_552] {strides = array<i32>} : memref<128x32xf32, #tpu.memory_space<vmem>>, vector<1x16xf32>,
        %swap3A_554 = vector.shape_cast %swap3A_553 : vector<1x16xf32> to vector<16xf32>
        %swap3A_555 = vector.shape_cast %get3A_550 : vector<16xf32> to vector<1x16xf32>
        tpu.vector_store %arg14[%swap3A_551, %swap3A_552], %swap3A_555 {add = true, strides = array<i32>} : memref<128x32xf32, #tpu.memory_space<vmem>>, vector<1x16xf32>,
        %scan3A_556 = arith.constant 0 : i32
        scf.yield %scan3A_556 : i32
      }
      %scan3A_384 = arith.constant 16 : i32
      %add3A_385 = arith.constant 8 : i32
      %add3A_386 = arith.addi %add3A_371, %add3A_385 : i32
      %dma_start3A_387 = arith.constant 0 : i32
      %dma_start3A_388 = tpu.memref_slice %arg5[%add3A_386, %dma_start3A_387] : memref<200x128xi32, #tpu.memory_space<vmem>> -> memref<1x128xi32, #tpu.memory_space<vmem>>
      %dma_start3A_389 = tpu.memref_squeeze %dma_start3A_388 : memref<1x128xi32, #tpu.memory_space<vmem>> -> memref<128xi32, #tpu.memory_space<vmem>>
      %dma_start3A_390 = arith.constant 0 : i32
      %dma_start3A_391 = arith.constant 0 : i32
      %dma_start3A_392 = tpu.memref_slice %arg3[%dma_start3A_390, %dma_start3A_391] : memref<1000000x32xf32, #tpu.memory_space<hbm>> -> memref<1000000x32xf32, #tpu.memory_space<hbm>>
      tpu.enqueue_indirect_dma source(%dma_start3A_392 : memref<1000000x32xf32, #tpu.memory_space<hbm>>) target(%arg13 : memref<128x32xf32, #tpu.memory_space<vmem>>) offsets(%dma_start3A_389 : memref<128xi32, #tpu.memory_space<vmem>>) semaphore(%arg23 : memref<!tpu.dma_semaphore, #tpu.memory_space<semaphore_mem>>)
      %scan3A_393 = arith.constant 0 : i32
      scf.yield %scan3A_393 : i32
    }
    %scan3A_84 = arith.constant 24 : i32
    %dma_wait3A_85 = arith.constant 0 : i32
    %dma_wait3A_86 = arith.constant 0 : i32
    %dma_wait3A_87 = tpu.memref_slice %arg3[%dma_wait3A_85, %dma_wait3A_86] : memref<1000000x32xf32, #tpu.memory_space<hbm>> -> memref<128x32xf32, #tpu.memory_space<hbm>>
    %dma_wait3A_88 = arith.constant 0 : i32
    %dma_wait3A_89 = arith.constant 0 : i32
    %dma_wait3A_90 = tpu.memref_slice %arg3[%dma_wait3A_88, %dma_wait3A_89] : memref<1000000x32xf32, #tpu.memory_space<hbm>> -> memref<128x32xf32, #tpu.memory_space<hbm>>
    tpu.wait_dma2 semaphore(%arg16 : memref<!tpu.dma_semaphore, #tpu.memory_space<semaphore_mem>>) src(%dma_wait3A_90 : memref<128x32xf32, #tpu.memory_space<hbm>>) dst(%arg6 : memref<128x32xf32, #tpu.memory_space<vmem>>)
    %scan3A_91 = arith.constant 0 : i32
    %scan3A_92 = arith.constant 0 : i32
    %scan3A_93 = arith.constant 16 : i32
    %scan3A_94 = arith.addi %scan3A_92, %scan3A_93 : i32
    %scan3A_95 = arith.constant 1 : i32
    %scan3A_96 = scf.for %scan3A_191 = %scan3A_92 to %scan3A_94 step %scan3A_95 iter_args(%scan3A_192 = %scan3A_91) -> (i32)  : i32 {
      %mul3A_193 = arith.constant 8 : i32
      %mul3A_194 = arith.muli %scan3A_191, %mul3A_193 : i32
      %add3A_195 = arith.constant 0 : i32
      %add3A_196 = arith.addi %mul3A_194, %add3A_195 : i32
      %get3A = arith.index_cast %add3A_196 : i32 to index
      %get3A_197 = arith.constant 0 : index
      %get3A_198 = tpu.vector_load %arg6[%get3A, %get3A_197] {strides = array<i32>} : memref<128x32xf32, #tpu.memory_space<vmem>>, vector<1x16xf32>,
      %get3A_199 = vector.shape_cast %get3A_198 : vector<1x16xf32> to vector<16xf32>
      %swap3A = arith.index_cast %add3A_196 : i32 to index
      %swap3A_200 = arith.constant 0 : index
      %swap3A_201 = tpu.vector_load %arg14[%swap3A, %swap3A_200] {strides = array<i32>} : memref<128x32xf32, #tpu.memory_space<vmem>>, vector<1x16xf32>,
      %swap3A_202 = vector.shape_cast %swap3A_201 : vector<1x16xf32> to vector<16xf32>
      %swap3A_203 = vector.shape_cast %get3A_199 : vector<16xf32> to vector<1x16xf32>
      tpu.vector_store %arg14[%swap3A, %swap3A_200], %swap3A_203 {add = true, strides = array<i32>} : memref<128x32xf32, #tpu.memory_space<vmem>>, vector<1x16xf32>,
      %get3A_204 = arith.index_cast %add3A_196 : i32 to index
      %get3A_205 = arith.constant 16 : index
      %get3A_206 = tpu.vector_load %arg6[%get3A_204, %get3A_205] {strides = array<i32>} : memref<128x32xf32, #tpu.memory_space<vmem>>, vector<1x16xf32>,
      %get3A_207 = vector.shape_cast %get3A_206 : vector<1x16xf32> to vector<16xf32>
      %swap3A_208 = arith.index_cast %add3A_196 : i32 to index
      %swap3A_209 = arith.constant 16 : index
      %swap3A_210 = tpu.vector_load %arg14[%swap3A_208, %swap3A_209] {strides = array<i32>} : memref<128x32xf32, #tpu.memory_space<vmem>>, vector<1x16xf32>,
      %swap3A_211 = vector.shape_cast %swap3A_210 : vector<1x16xf32> to vector<16xf32>
      %swap3A_212 = vector.shape_cast %get3A_207 : vector<16xf32> to vector<1x16xf32>
      tpu.vector_store %arg14[%swap3A_208, %swap3A_209], %swap3A_212 {add = true, strides = array<i32>} : memref<128x32xf32, #tpu.memory_space<vmem>>, vector<1x16xf32>,
      %add3A_213 = arith.constant 1 : i32
      %add3A_214 = arith.addi %mul3A_194, %add3A_213 : i32
      %get3A_215 = arith.index_cast %add3A_214 : i32 to index
      %get3A_216 = arith.constant 0 : index
      %get3A_217 = tpu.vector_load %arg6[%get3A_215, %get3A_216] {strides = array<i32>} : memref<128x32xf32, #tpu.memory_space<vmem>>, vector<1x16xf32>,
      %get3A_218 = vector.shape_cast %get3A_217 : vector<1x16xf32> to vector<16xf32>
      %swap3A_219 = arith.index_cast %add3A_214 : i32 to index
      %swap3A_220 = arith.constant 0 : index
      %swap3A_221 = tpu.vector_load %arg14[%swap3A_219, %swap3A_220] {strides = array<i32>} : memref<128x32xf32, #tpu.memory_space<vmem>>, vector<1x16xf32>,
      %swap3A_222 = vector.shape_cast %swap3A_221 : vector<1x16xf32> to vector<16xf32>
      %swap3A_223 = vector.shape_cast %get3A_218 : vector<16xf32> to vector<1x16xf32>
      tpu.vector_store %arg14[%swap3A_219, %swap3A_220], %swap3A_223 {add = true, strides = array<i32>} : memref<128x32xf32, #tpu.memory_space<vmem>>, vector<1x16xf32>,
      %get3A_224 = arith.index_cast %add3A_214 : i32 to index
      %get3A_225 = arith.constant 16 : index
      %get3A_226 = tpu.vector_load %arg6[%get3A_224, %get3A_225] {strides = array<i32>} : memref<128x32xf32, #tpu.memory_space<vmem>>, vector<1x16xf32>,
      %get3A_227 = vector.shape_cast %get3A_226 : vector<1x16xf32> to vector<16xf32>
      %swap3A_228 = arith.index_cast %add3A_214 : i32 to index
      %swap3A_229 = arith.constant 16 : index
      %swap3A_230 = tpu.vector_load %arg14[%swap3A_228, %swap3A_229] {strides = array<i32>} : memref<128x32xf32, #tpu.memory_space<vmem>>, vector<1x16xf32>,
      %swap3A_231 = vector.shape_cast %swap3A_230 : vector<1x16xf32> to vector<16xf32>
      %swap3A_232 = vector.shape_cast %get3A_227 : vector<16xf32> to vector<1x16xf32>
      tpu.vector_store %arg14[%swap3A_228, %swap3A_229], %swap3A_232 {add = true, strides = array<i32>} : memref<128x32xf32, #tpu.memory_space<vmem>>, vector<1x16xf32>,
      %add3A_233 = arith.constant 2 : i32
      %add3A_234 = arith.addi %mul3A_194, %add3A_233 : i32
      %get3A_235 = arith.index_cast %add3A_234 : i32 to index
      %get3A_236 = arith.constant 0 : index
      %get3A_237 = tpu.vector_load %arg6[%get3A_235, %get3A_236] {strides = array<i32>} : memref<128x32xf32, #tpu.memory_space<vmem>>, vector<1x16xf32>,
      %get3A_238 = vector.shape_cast %get3A_237 : vector<1x16xf32> to vector<16xf32>
      %swap3A_239 = arith.index_cast %add3A_234 : i32 to index
      %swap3A_240 = arith.constant 0 : index
      %swap3A_241 = tpu.vector_load %arg14[%swap3A_239, %swap3A_240] {strides = array<i32>} : memref<128x32xf32, #tpu.memory_space<vmem>>, vector<1x16xf32>,
      %swap3A_242 = vector.shape_cast %swap3A_241 : vector<1x16xf32> to vector<16xf32>
      %swap3A_243 = vector.shape_cast %get3A_238 : vector<16xf32> to vector<1x16xf32>
      tpu.vector_store %arg14[%swap3A_239, %swap3A_240], %swap3A_243 {add = true, strides = array<i32>} : memref<128x32xf32, #tpu.memory_space<vmem>>, vector<1x16xf32>,
      %get3A_244 = arith.index_cast %add3A_234 : i32 to index
      %get3A_245 = arith.constant 16 : index
      %get3A_246 = tpu.vector_load %arg6[%get3A_244, %get3A_245] {strides = array<i32>} : memref<128x32xf32, #tpu.memory_space<vmem>>, vector<1x16xf32>,
      %get3A_247 = vector.shape_cast %get3A_246 : vector<1x16xf32> to vector<16xf32>
      %swap3A_248 = arith.index_cast %add3A_234 : i32 to index
      %swap3A_249 = arith.constant 16 : index
      %swap3A_250 = tpu.vector_load %arg14[%swap3A_248, %swap3A_249] {strides = array<i32>} : memref<128x32xf32, #tpu.memory_space<vmem>>, vector<1x16xf32>,
      %swap3A_251 = vector.shape_cast %swap3A_250 : vector<1x16xf32> to vector<16xf32>
      %swap3A_252 = vector.shape_cast %get3A_247 : vector<16xf32> to vector<1x16xf32>
      tpu.vector_store %arg14[%swap3A_248, %swap3A_249], %swap3A_252 {add = true, strides = array<i32>} : memref<128x32xf32, #tpu.memory_space<vmem>>, vector<1x16xf32>,
      %add3A_253 = arith.constant 3 : i32
      %add3A_254 = arith.addi %mul3A_194, %add3A_253 : i32
      %get3A_255 = arith.index_cast %add3A_254 : i32 to index
      %get3A_256 = arith.constant 0 : index
      %get3A_257 = tpu.vector_load %arg6[%get3A_255, %get3A_256] {strides = array<i32>} : memref<128x32xf32, #tpu.memory_space<vmem>>, vector<1x16xf32>,
      %get3A_258 = vector.shape_cast %get3A_257 : vector<1x16xf32> to vector<16xf32>
      %swap3A_259 = arith.index_cast %add3A_254 : i32 to index
      %swap3A_260 = arith.constant 0 : index
      %swap3A_261 = tpu.vector_load %arg14[%swap3A_259, %swap3A_260] {strides = array<i32>} : memref<128x32xf32, #tpu.memory_space<vmem>>, vector<1x16xf32>,
      %swap3A_262 = vector.shape_cast %swap3A_261 : vector<1x16xf32> to vector<16xf32>
      %swap3A_263 = vector.shape_cast %get3A_258 : vector<16xf32> to vector<1x16xf32>
      tpu.vector_store %arg14[%swap3A_259, %swap3A_260], %swap3A_263 {add = true, strides = array<i32>} : memref<128x32xf32, #tpu.memory_space<vmem>>, vector<1x16xf32>,
      %get3A_264 = arith.index_cast %add3A_254 : i32 to index
      %get3A_265 = arith.constant 16 : index
      %get3A_266 = tpu.vector_load %arg6[%get3A_264, %get3A_265] {strides = array<i32>} : memref<128x32xf32, #tpu.memory_space<vmem>>, vector<1x16xf32>,
      %get3A_267 = vector.shape_cast %get3A_266 : vector<1x16xf32> to vector<16xf32>
      %swap3A_268 = arith.index_cast %add3A_254 : i32 to index
      %swap3A_269 = arith.constant 16 : index
      %swap3A_270 = tpu.vector_load %arg14[%swap3A_268, %swap3A_269] {strides = array<i32>} : memref<128x32xf32, #tpu.memory_space<vmem>>, vector<1x16xf32>,
      %swap3A_271 = vector.shape_cast %swap3A_270 : vector<1x16xf32> to vector<16xf32>
      %swap3A_272 = vector.shape_cast %get3A_267 : vector<16xf32> to vector<1x16xf32>
      tpu.vector_store %arg14[%swap3A_268, %swap3A_269], %swap3A_272 {add = true, strides = array<i32>} : memref<128x32xf32, #tpu.memory_space<vmem>>, vector<1x16xf32>,
      %add3A_273 = arith.constant 4 : i32
      %add3A_274 = arith.addi %mul3A_194, %add3A_273 : i32
      %get3A_275 = arith.index_cast %add3A_274 : i32 to index
      %get3A_276 = arith.constant 0 : index
      %get3A_277 = tpu.vector_load %arg6[%get3A_275, %get3A_276] {strides = array<i32>} : memref<128x32xf32, #tpu.memory_space<vmem>>, vector<1x16xf32>,
      %get3A_278 = vector.shape_cast %get3A_277 : vector<1x16xf32> to vector<16xf32>
      %swap3A_279 = arith.index_cast %add3A_274 : i32 to index
      %swap3A_280 = arith.constant 0 : index
      %swap3A_281 = tpu.vector_load %arg14[%swap3A_279, %swap3A_280] {strides = array<i32>} : memref<128x32xf32, #tpu.memory_space<vmem>>, vector<1x16xf32>,
      %swap3A_282 = vector.shape_cast %swap3A_281 : vector<1x16xf32> to vector<16xf32>
      %swap3A_283 = vector.shape_cast %get3A_278 : vector<16xf32> to vector<1x16xf32>
      tpu.vector_store %arg14[%swap3A_279, %swap3A_280], %swap3A_283 {add = true, strides = array<i32>} : memref<128x32xf32, #tpu.memory_space<vmem>>, vector<1x16xf32>,
      %get3A_284 = arith.index_cast %add3A_274 : i32 to index
      %get3A_285 = arith.constant 16 : index
      %get3A_286 = tpu.vector_load %arg6[%get3A_284, %get3A_285] {strides = array<i32>} : memref<128x32xf32, #tpu.memory_space<vmem>>, vector<1x16xf32>,
      %get3A_287 = vector.shape_cast %get3A_286 : vector<1x16xf32> to vector<16xf32>
      %swap3A_288 = arith.index_cast %add3A_274 : i32 to index
      %swap3A_289 = arith.constant 16 : index
      %swap3A_290 = tpu.vector_load %arg14[%swap3A_288, %swap3A_289] {strides = array<i32>} : memref<128x32xf32, #tpu.memory_space<vmem>>, vector<1x16xf32>,
      %swap3A_291 = vector.shape_cast %swap3A_290 : vector<1x16xf32> to vector<16xf32>
      %swap3A_292 = vector.shape_cast %get3A_287 : vector<16xf32> to vector<1x16xf32>
      tpu.vector_store %arg14[%swap3A_288, %swap3A_289], %swap3A_292 {add = true, strides = array<i32>} : memref<128x32xf32, #tpu.memory_space<vmem>>, vector<1x16xf32>,
      %add3A_293 = arith.constant 5 : i32
      %add3A_294 = arith.addi %mul3A_194, %add3A_293 : i32
      %get3A_295 = arith.index_cast %add3A_294 : i32 to index
      %get3A_296 = arith.constant 0 : index
      %get3A_297 = tpu.vector_load %arg6[%get3A_295, %get3A_296] {strides = array<i32>} : memref<128x32xf32, #tpu.memory_space<vmem>>, vector<1x16xf32>,
      %get3A_298 = vector.shape_cast %get3A_297 : vector<1x16xf32> to vector<16xf32>
      %swap3A_299 = arith.index_cast %add3A_294 : i32 to index
      %swap3A_300 = arith.constant 0 : index
      %swap3A_301 = tpu.vector_load %arg14[%swap3A_299, %swap3A_300] {strides = array<i32>} : memref<128x32xf32, #tpu.memory_space<vmem>>, vector<1x16xf32>,
      %swap3A_302 = vector.shape_cast %swap3A_301 : vector<1x16xf32> to vector<16xf32>
      %swap3A_303 = vector.shape_cast %get3A_298 : vector<16xf32> to vector<1x16xf32>
      tpu.vector_store %arg14[%swap3A_299, %swap3A_300], %swap3A_303 {add = true, strides = array<i32>} : memref<128x32xf32, #tpu.memory_space<vmem>>, vector<1x16xf32>,
      %get3A_304 = arith.index_cast %add3A_294 : i32 to index
      %get3A_305 = arith.constant 16 : index
      %get3A_306 = tpu.vector_load %arg6[%get3A_304, %get3A_305] {strides = array<i32>} : memref<128x32xf32, #tpu.memory_space<vmem>>, vector<1x16xf32>,
      %get3A_307 = vector.shape_cast %get3A_306 : vector<1x16xf32> to vector<16xf32>
      %swap3A_308 = arith.index_cast %add3A_294 : i32 to index
      %swap3A_309 = arith.constant 16 : index
      %swap3A_310 = tpu.vector_load %arg14[%swap3A_308, %swap3A_309] {strides = array<i32>} : memref<128x32xf32, #tpu.memory_space<vmem>>, vector<1x16xf32>,
      %swap3A_311 = vector.shape_cast %swap3A_310 : vector<1x16xf32> to vector<16xf32>
      %swap3A_312 = vector.shape_cast %get3A_307 : vector<16xf32> to vector<1x16xf32>
      tpu.vector_store %arg14[%swap3A_308, %swap3A_309], %swap3A_312 {add = true, strides = array<i32>} : memref<128x32xf32, #tpu.memory_space<vmem>>, vector<1x16xf32>,
      %add3A_313 = arith.constant 6 : i32
      %add3A_314 = arith.addi %mul3A_194, %add3A_313 : i32
      %get3A_315 = arith.index_cast %add3A_314 : i32 to index
      %get3A_316 = arith.constant 0 : index
      %get3A_317 = tpu.vector_load %arg6[%get3A_315, %get3A_316] {strides = array<i32>} : memref<128x32xf32, #tpu.memory_space<vmem>>, vector<1x16xf32>,
      %get3A_318 = vector.shape_cast %get3A_317 : vector<1x16xf32> to vector<16xf32>
      %swap3A_319 = arith.index_cast %add3A_314 : i32 to index
      %swap3A_320 = arith.constant 0 : index
      %swap3A_321 = tpu.vector_load %arg14[%swap3A_319, %swap3A_320] {strides = array<i32>} : memref<128x32xf32, #tpu.memory_space<vmem>>, vector<1x16xf32>,
      %swap3A_322 = vector.shape_cast %swap3A_321 : vector<1x16xf32> to vector<16xf32>
      %swap3A_323 = vector.shape_cast %get3A_318 : vector<16xf32> to vector<1x16xf32>
      tpu.vector_store %arg14[%swap3A_319, %swap3A_320], %swap3A_323 {add = true, strides = array<i32>} : memref<128x32xf32, #tpu.memory_space<vmem>>, vector<1x16xf32>,
      %get3A_324 = arith.index_cast %add3A_314 : i32 to index
      %get3A_325 = arith.constant 16 : index
      %get3A_326 = tpu.vector_load %arg6[%get3A_324, %get3A_325] {strides = array<i32>} : memref<128x32xf32, #tpu.memory_space<vmem>>, vector<1x16xf32>,
      %get3A_327 = vector.shape_cast %get3A_326 : vector<1x16xf32> to vector<16xf32>
      %swap3A_328 = arith.index_cast %add3A_314 : i32 to index
      %swap3A_329 = arith.constant 16 : index
      %swap3A_330 = tpu.vector_load %arg14[%swap3A_328, %swap3A_329] {strides = array<i32>} : memref<128x32xf32, #tpu.memory_space<vmem>>, vector<1x16xf32>,
      %swap3A_331 = vector.shape_cast %swap3A_330 : vector<1x16xf32> to vector<16xf32>
      %swap3A_332 = vector.shape_cast %get3A_327 : vector<16xf32> to vector<1x16xf32>
      tpu.vector_store %arg14[%swap3A_328, %swap3A_329], %swap3A_332 {add = true, strides = array<i32>} : memref<128x32xf32, #tpu.memory_space<vmem>>, vector<1x16xf32>,
      %add3A_333 = arith.constant 7 : i32
      %add3A_334 = arith.addi %mul3A_194, %add3A_333 : i32
      %get3A_335 = arith.index_cast %add3A_334 : i32 to index
      %get3A_336 = arith.constant 0 : index
      %get3A_337 = tpu.vector_load %arg6[%get3A_335, %get3A_336] {strides = array<i32>} : memref<128x32xf32, #tpu.memory_space<vmem>>, vector<1x16xf32>,
      %get3A_338 = vector.shape_cast %get3A_337 : vector<1x16xf32> to vector<16xf32>
      %swap3A_339 = arith.index_cast %add3A_334 : i32 to index
      %swap3A_340 = arith.constant 0 : index
      %swap3A_341 = tpu.vector_load %arg14[%swap3A_339, %swap3A_340] {strides = array<i32>} : memref<128x32xf32, #tpu.memory_space<vmem>>, vector<1x16xf32>,
      %swap3A_342 = vector.shape_cast %swap3A_341 : vector<1x16xf32> to vector<16xf32>
      %swap3A_343 = vector.shape_cast %get3A_338 : vector<16xf32> to vector<1x16xf32>
      tpu.vector_store %arg14[%swap3A_339, %swap3A_340], %swap3A_343 {add = true, strides = array<i32>} : memref<128x32xf32, #tpu.memory_space<vmem>>, vector<1x16xf32>,
      %get3A_344 = arith.index_cast %add3A_334 : i32 to index
      %get3A_345 = arith.constant 16 : index
      %get3A_346 = tpu.vector_load %arg6[%get3A_344, %get3A_345] {strides = array<i32>} : memref<128x32xf32, #tpu.memory_space<vmem>>, vector<1x16xf32>,
      %get3A_347 = vector.shape_cast %get3A_346 : vector<1x16xf32> to vector<16xf32>
      %swap3A_348 = arith.index_cast %add3A_334 : i32 to index
      %swap3A_349 = arith.constant 16 : index
      %swap3A_350 = tpu.vector_load %arg14[%swap3A_348, %swap3A_349] {strides = array<i32>} : memref<128x32xf32, #tpu.memory_space<vmem>>, vector<1x16xf32>,
      %swap3A_351 = vector.shape_cast %swap3A_350 : vector<1x16xf32> to vector<16xf32>
      %swap3A_352 = vector.shape_cast %get3A_347 : vector<16xf32> to vector<1x16xf32>
      tpu.vector_store %arg14[%swap3A_348, %swap3A_349], %swap3A_352 {add = true, strides = array<i32>} : memref<128x32xf32, #tpu.memory_space<vmem>>, vector<1x16xf32>,
      %scan3A_353 = arith.constant 0 : i32
      scf.yield %scan3A_353 : i32
    }
    %scan3A_97 = arith.constant 16 : i32
    %dma_wait3A_98 = arith.constant 0 : i32
    %dma_wait3A_99 = arith.constant 0 : i32
    %dma_wait3A_100 = tpu.memref_slice %arg3[%dma_wait3A_98, %dma_wait3A_99] : memref<1000000x32xf32, #tpu.memory_space<hbm>> -> memref<128x32xf32, #tpu.memory_space<hbm>>
    %dma_wait3A_101 = arith.constant 0 : i32
    %dma_wait3A_102 = arith.constant 0 : i32
    %dma_wait3A_103 = tpu.memref_slice %arg3[%dma_wait3A_101, %dma_wait3A_102] : memref<1000000x32xf32, #tpu.memory_space<hbm>> -> memref<128x32xf32, #tpu.memory_space<hbm>>
    tpu.wait_dma2 semaphore(%arg17 : memref<!tpu.dma_semaphore, #tpu.memory_space<semaphore_mem>>) src(%dma_wait3A_103 : memref<128x32xf32, #tpu.memory_space<hbm>>) dst(%arg7 : memref<128x32xf32, #tpu.memory_space<vmem>>)
    %scan3A_104 = arith.constant 0 : i32
    %scan3A_105 = arith.constant 0 : i32
    %scan3A_106 = arith.constant 16 : i32
    %scan3A_107 = arith.addi %scan3A_105, %scan3A_106 : i32
    %scan3A_108 = arith.constant 1 : i32
    %scan3A_109 = scf.for %scan3A_191 = %scan3A_105 to %scan3A_107 step %scan3A_108 iter_args(%scan3A_192 = %scan3A_104) -> (i32)  : i32 {
      %mul3A_193 = arith.constant 8 : i32
      %mul3A_194 = arith.muli %scan3A_191, %mul3A_193 : i32
      %add3A_195 = arith.constant 0 : i32
      %add3A_196 = arith.addi %mul3A_194, %add3A_195 : i32
      %get3A = arith.index_cast %add3A_196 : i32 to index
      %get3A_197 = arith.constant 0 : index
      %get3A_198 = tpu.vector_load %arg7[%get3A, %get3A_197] {strides = array<i32>} : memref<128x32xf32, #tpu.memory_space<vmem>>, vector<1x16xf32>,
      %get3A_199 = vector.shape_cast %get3A_198 : vector<1x16xf32> to vector<16xf32>
      %swap3A = arith.index_cast %add3A_196 : i32 to index
      %swap3A_200 = arith.constant 0 : index
      %swap3A_201 = tpu.vector_load %arg14[%swap3A, %swap3A_200] {strides = array<i32>} : memref<128x32xf32, #tpu.memory_space<vmem>>, vector<1x16xf32>,
      %swap3A_202 = vector.shape_cast %swap3A_201 : vector<1x16xf32> to vector<16xf32>
      %swap3A_203 = vector.shape_cast %get3A_199 : vector<16xf32> to vector<1x16xf32>
      tpu.vector_store %arg14[%swap3A, %swap3A_200], %swap3A_203 {add = true, strides = array<i32>} : memref<128x32xf32, #tpu.memory_space<vmem>>, vector<1x16xf32>,
      %get3A_204 = arith.index_cast %add3A_196 : i32 to index
      %get3A_205 = arith.constant 16 : index
      %get3A_206 = tpu.vector_load %arg7[%get3A_204, %get3A_205] {strides = array<i32>} : memref<128x32xf32, #tpu.memory_space<vmem>>, vector<1x16xf32>,
      %get3A_207 = vector.shape_cast %get3A_206 : vector<1x16xf32> to vector<16xf32>
      %swap3A_208 = arith.index_cast %add3A_196 : i32 to index
      %swap3A_209 = arith.constant 16 : index
      %swap3A_210 = tpu.vector_load %arg14[%swap3A_208, %swap3A_209] {strides = array<i32>} : memref<128x32xf32, #tpu.memory_space<vmem>>, vector<1x16xf32>,
      %swap3A_211 = vector.shape_cast %swap3A_210 : vector<1x16xf32> to vector<16xf32>
      %swap3A_212 = vector.shape_cast %get3A_207 : vector<16xf32> to vector<1x16xf32>
      tpu.vector_store %arg14[%swap3A_208, %swap3A_209], %swap3A_212 {add = true, strides = array<i32>} : memref<128x32xf32, #tpu.memory_space<vmem>>, vector<1x16xf32>,
      %add3A_213 = arith.constant 1 : i32
      %add3A_214 = arith.addi %mul3A_194, %add3A_213 : i32
      %get3A_215 = arith.index_cast %add3A_214 : i32 to index
      %get3A_216 = arith.constant 0 : index
      %get3A_217 = tpu.vector_load %arg7[%get3A_215, %get3A_216] {strides = array<i32>} : memref<128x32xf32, #tpu.memory_space<vmem>>, vector<1x16xf32>,
      %get3A_218 = vector.shape_cast %get3A_217 : vector<1x16xf32> to vector<16xf32>
      %swap3A_219 = arith.index_cast %add3A_214 : i32 to index
      %swap3A_220 = arith.constant 0 : index
      %swap3A_221 = tpu.vector_load %arg14[%swap3A_219, %swap3A_220] {strides = array<i32>} : memref<128x32xf32, #tpu.memory_space<vmem>>, vector<1x16xf32>,
      %swap3A_222 = vector.shape_cast %swap3A_221 : vector<1x16xf32> to vector<16xf32>
      %swap3A_223 = vector.shape_cast %get3A_218 : vector<16xf32> to vector<1x16xf32>
      tpu.vector_store %arg14[%swap3A_219, %swap3A_220], %swap3A_223 {add = true, strides = array<i32>} : memref<128x32xf32, #tpu.memory_space<vmem>>, vector<1x16xf32>,
      %get3A_224 = arith.index_cast %add3A_214 : i32 to index
      %get3A_225 = arith.constant 16 : index
      %get3A_226 = tpu.vector_load %arg7[%get3A_224, %get3A_225] {strides = array<i32>} : memref<128x32xf32, #tpu.memory_space<vmem>>, vector<1x16xf32>,
      %get3A_227 = vector.shape_cast %get3A_226 : vector<1x16xf32> to vector<16xf32>
      %swap3A_228 = arith.index_cast %add3A_214 : i32 to index
      %swap3A_229 = arith.constant 16 : index
      %swap3A_230 = tpu.vector_load %arg14[%swap3A_228, %swap3A_229] {strides = array<i32>} : memref<128x32xf32, #tpu.memory_space<vmem>>, vector<1x16xf32>,
      %swap3A_231 = vector.shape_cast %swap3A_230 : vector<1x16xf32> to vector<16xf32>
      %swap3A_232 = vector.shape_cast %get3A_227 : vector<16xf32> to vector<1x16xf32>
      tpu.vector_store %arg14[%swap3A_228, %swap3A_229], %swap3A_232 {add = true, strides = array<i32>} : memref<128x32xf32, #tpu.memory_space<vmem>>, vector<1x16xf32>,
      %add3A_233 = arith.constant 2 : i32
      %add3A_234 = arith.addi %mul3A_194, %add3A_233 : i32
      %get3A_235 = arith.index_cast %add3A_234 : i32 to index
      %get3A_236 = arith.constant 0 : index
      %get3A_237 = tpu.vector_load %arg7[%get3A_235, %get3A_236] {strides = array<i32>} : memref<128x32xf32, #tpu.memory_space<vmem>>, vector<1x16xf32>,
      %get3A_238 = vector.shape_cast %get3A_237 : vector<1x16xf32> to vector<16xf32>
      %swap3A_239 = arith.index_cast %add3A_234 : i32 to index
      %swap3A_240 = arith.constant 0 : index
      %swap3A_241 = tpu.vector_load %arg14[%swap3A_239, %swap3A_240] {strides = array<i32>} : memref<128x32xf32, #tpu.memory_space<vmem>>, vector<1x16xf32>,
      %swap3A_242 = vector.shape_cast %swap3A_241 : vector<1x16xf32> to vector<16xf32>
      %swap3A_243 = vector.shape_cast %get3A_238 : vector<16xf32> to vector<1x16xf32>
      tpu.vector_store %arg14[%swap3A_239, %swap3A_240], %swap3A_243 {add = true, strides = array<i32>} : memref<128x32xf32, #tpu.memory_space<vmem>>, vector<1x16xf32>,
      %get3A_244 = arith.index_cast %add3A_234 : i32 to index
      %get3A_245 = arith.constant 16 : index
      %get3A_246 = tpu.vector_load %arg7[%get3A_244, %get3A_245] {strides = array<i32>} : memref<128x32xf32, #tpu.memory_space<vmem>>, vector<1x16xf32>,
      %get3A_247 = vector.shape_cast %get3A_246 : vector<1x16xf32> to vector<16xf32>
      %swap3A_248 = arith.index_cast %add3A_234 : i32 to index
      %swap3A_249 = arith.constant 16 : index
      %swap3A_250 = tpu.vector_load %arg14[%swap3A_248, %swap3A_249] {strides = array<i32>} : memref<128x32xf32, #tpu.memory_space<vmem>>, vector<1x16xf32>,
      %swap3A_251 = vector.shape_cast %swap3A_250 : vector<1x16xf32> to vector<16xf32>
      %swap3A_252 = vector.shape_cast %get3A_247 : vector<16xf32> to vector<1x16xf32>
      tpu.vector_store %arg14[%swap3A_248, %swap3A_249], %swap3A_252 {add = true, strides = array<i32>} : memref<128x32xf32, #tpu.memory_space<vmem>>, vector<1x16xf32>,
      %add3A_253 = arith.constant 3 : i32
      %add3A_254 = arith.addi %mul3A_194, %add3A_253 : i32
      %get3A_255 = arith.index_cast %add3A_254 : i32 to index
      %get3A_256 = arith.constant 0 : index
      %get3A_257 = tpu.vector_load %arg7[%get3A_255, %get3A_256] {strides = array<i32>} : memref<128x32xf32, #tpu.memory_space<vmem>>, vector<1x16xf32>,
      %get3A_258 = vector.shape_cast %get3A_257 : vector<1x16xf32> to vector<16xf32>
      %swap3A_259 = arith.index_cast %add3A_254 : i32 to index
      %swap3A_260 = arith.constant 0 : index
      %swap3A_261 = tpu.vector_load %arg14[%swap3A_259, %swap3A_260] {strides = array<i32>} : memref<128x32xf32, #tpu.memory_space<vmem>>, vector<1x16xf32>,
      %swap3A_262 = vector.shape_cast %swap3A_261 : vector<1x16xf32> to vector<16xf32>
      %swap3A_263 = vector.shape_cast %get3A_258 : vector<16xf32> to vector<1x16xf32>
      tpu.vector_store %arg14[%swap3A_259, %swap3A_260], %swap3A_263 {add = true, strides = array<i32>} : memref<128x32xf32, #tpu.memory_space<vmem>>, vector<1x16xf32>,
      %get3A_264 = arith.index_cast %add3A_254 : i32 to index
      %get3A_265 = arith.constant 16 : index
      %get3A_266 = tpu.vector_load %arg7[%get3A_264, %get3A_265] {strides = array<i32>} : memref<128x32xf32, #tpu.memory_space<vmem>>, vector<1x16xf32>,
      %get3A_267 = vector.shape_cast %get3A_266 : vector<1x16xf32> to vector<16xf32>
      %swap3A_268 = arith.index_cast %add3A_254 : i32 to index
      %swap3A_269 = arith.constant 16 : index
      %swap3A_270 = tpu.vector_load %arg14[%swap3A_268, %swap3A_269] {strides = array<i32>} : memref<128x32xf32, #tpu.memory_space<vmem>>, vector<1x16xf32>,
      %swap3A_271 = vector.shape_cast %swap3A_270 : vector<1x16xf32> to vector<16xf32>
      %swap3A_272 = vector.shape_cast %get3A_267 : vector<16xf32> to vector<1x16xf32>
      tpu.vector_store %arg14[%swap3A_268, %swap3A_269], %swap3A_272 {add = true, strides = array<i32>} : memref<128x32xf32, #tpu.memory_space<vmem>>, vector<1x16xf32>,
      %add3A_273 = arith.constant 4 : i32
      %add3A_274 = arith.addi %mul3A_194, %add3A_273 : i32
      %get3A_275 = arith.index_cast %add3A_274 : i32 to index
      %get3A_276 = arith.constant 0 : index
      %get3A_277 = tpu.vector_load %arg7[%get3A_275, %get3A_276] {strides = array<i32>} : memref<128x32xf32, #tpu.memory_space<vmem>>, vector<1x16xf32>,
      %get3A_278 = vector.shape_cast %get3A_277 : vector<1x16xf32> to vector<16xf32>
      %swap3A_279 = arith.index_cast %add3A_274 : i32 to index
      %swap3A_280 = arith.constant 0 : index
      %swap3A_281 = tpu.vector_load %arg14[%swap3A_279, %swap3A_280] {strides = array<i32>} : memref<128x32xf32, #tpu.memory_space<vmem>>, vector<1x16xf32>,
      %swap3A_282 = vector.shape_cast %swap3A_281 : vector<1x16xf32> to vector<16xf32>
      %swap3A_283 = vector.shape_cast %get3A_278 : vector<16xf32> to vector<1x16xf32>
      tpu.vector_store %arg14[%swap3A_279, %swap3A_280], %swap3A_283 {add = true, strides = array<i32>} : memref<128x32xf32, #tpu.memory_space<vmem>>, vector<1x16xf32>,
      %get3A_284 = arith.index_cast %add3A_274 : i32 to index
      %get3A_285 = arith.constant 16 : index
      %get3A_286 = tpu.vector_load %arg7[%get3A_284, %get3A_285] {strides = array<i32>} : memref<128x32xf32, #tpu.memory_space<vmem>>, vector<1x16xf32>,
      %get3A_287 = vector.shape_cast %get3A_286 : vector<1x16xf32> to vector<16xf32>
      %swap3A_288 = arith.index_cast %add3A_274 : i32 to index
      %swap3A_289 = arith.constant 16 : index
      %swap3A_290 = tpu.vector_load %arg14[%swap3A_288, %swap3A_289] {strides = array<i32>} : memref<128x32xf32, #tpu.memory_space<vmem>>, vector<1x16xf32>,
      %swap3A_291 = vector.shape_cast %swap3A_290 : vector<1x16xf32> to vector<16xf32>
      %swap3A_292 = vector.shape_cast %get3A_287 : vector<16xf32> to vector<1x16xf32>
      tpu.vector_store %arg14[%swap3A_288, %swap3A_289], %swap3A_292 {add = true, strides = array<i32>} : memref<128x32xf32, #tpu.memory_space<vmem>>, vector<1x16xf32>,
      %add3A_293 = arith.constant 5 : i32
      %add3A_294 = arith.addi %mul3A_194, %add3A_293 : i32
      %get3A_295 = arith.index_cast %add3A_294 : i32 to index
      %get3A_296 = arith.constant 0 : index
      %get3A_297 = tpu.vector_load %arg7[%get3A_295, %get3A_296] {strides = array<i32>} : memref<128x32xf32, #tpu.memory_space<vmem>>, vector<1x16xf32>,
      %get3A_298 = vector.shape_cast %get3A_297 : vector<1x16xf32> to vector<16xf32>
      %swap3A_299 = arith.index_cast %add3A_294 : i32 to index
      %swap3A_300 = arith.constant 0 : index
      %swap3A_301 = tpu.vector_load %arg14[%swap3A_299, %swap3A_300] {strides = array<i32>} : memref<128x32xf32, #tpu.memory_space<vmem>>, vector<1x16xf32>,
      %swap3A_302 = vector.shape_cast %swap3A_301 : vector<1x16xf32> to vector<16xf32>
      %swap3A_303 = vector.shape_cast %get3A_298 : vector<16xf32> to vector<1x16xf32>
      tpu.vector_store %arg14[%swap3A_299, %swap3A_300], %swap3A_303 {add = true, strides = array<i32>} : memref<128x32xf32, #tpu.memory_space<vmem>>, vector<1x16xf32>,
      %get3A_304 = arith.index_cast %add3A_294 : i32 to index
      %get3A_305 = arith.constant 16 : index
      %get3A_306 = tpu.vector_load %arg7[%get3A_304, %get3A_305] {strides = array<i32>} : memref<128x32xf32, #tpu.memory_space<vmem>>, vector<1x16xf32>,
      %get3A_307 = vector.shape_cast %get3A_306 : vector<1x16xf32> to vector<16xf32>
      %swap3A_308 = arith.index_cast %add3A_294 : i32 to index
      %swap3A_309 = arith.constant 16 : index
      %swap3A_310 = tpu.vector_load %arg14[%swap3A_308, %swap3A_309] {strides = array<i32>} : memref<128x32xf32, #tpu.memory_space<vmem>>, vector<1x16xf32>,
      %swap3A_311 = vector.shape_cast %swap3A_310 : vector<1x16xf32> to vector<16xf32>
      %swap3A_312 = vector.shape_cast %get3A_307 : vector<16xf32> to vector<1x16xf32>
      tpu.vector_store %arg14[%swap3A_308, %swap3A_309], %swap3A_312 {add = true, strides = array<i32>} : memref<128x32xf32, #tpu.memory_space<vmem>>, vector<1x16xf32>,
      %add3A_313 = arith.constant 6 : i32
      %add3A_314 = arith.addi %mul3A_194, %add3A_313 : i32
      %get3A_315 = arith.index_cast %add3A_314 : i32 to index
      %get3A_316 = arith.constant 0 : index
      %get3A_317 = tpu.vector_load %arg7[%get3A_315, %get3A_316] {strides = array<i32>} : memref<128x32xf32, #tpu.memory_space<vmem>>, vector<1x16xf32>,
      %get3A_318 = vector.shape_cast %get3A_317 : vector<1x16xf32> to vector<16xf32>
      %swap3A_319 = arith.index_cast %add3A_314 : i32 to index
      %swap3A_320 = arith.constant 0 : index
      %swap3A_321 = tpu.vector_load %arg14[%swap3A_319, %swap3A_320] {strides = array<i32>} : memref<128x32xf32, #tpu.memory_space<vmem>>, vector<1x16xf32>,
      %swap3A_322 = vector.shape_cast %swap3A_321 : vector<1x16xf32> to vector<16xf32>
      %swap3A_323 = vector.shape_cast %get3A_318 : vector<16xf32> to vector<1x16xf32>
      tpu.vector_store %arg14[%swap3A_319, %swap3A_320], %swap3A_323 {add = true, strides = array<i32>} : memref<128x32xf32, #tpu.memory_space<vmem>>, vector<1x16xf32>,
      %get3A_324 = arith.index_cast %add3A_314 : i32 to index
      %get3A_325 = arith.constant 16 : index
      %get3A_326 = tpu.vector_load %arg7[%get3A_324, %get3A_325] {strides = array<i32>} : memref<128x32xf32, #tpu.memory_space<vmem>>, vector<1x16xf32>,
      %get3A_327 = vector.shape_cast %get3A_326 : vector<1x16xf32> to vector<16xf32>
      %swap3A_328 = arith.index_cast %add3A_314 : i32 to index
      %swap3A_329 = arith.constant 16 : index
      %swap3A_330 = tpu.vector_load %arg14[%swap3A_328, %swap3A_329] {strides = array<i32>} : memref<128x32xf32, #tpu.memory_space<vmem>>, vector<1x16xf32>,
      %swap3A_331 = vector.shape_cast %swap3A_330 : vector<1x16xf32> to vector<16xf32>
      %swap3A_332 = vector.shape_cast %get3A_327 : vector<16xf32> to vector<1x16xf32>
      tpu.vector_store %arg14[%swap3A_328, %swap3A_329], %swap3A_332 {add = true, strides = array<i32>} : memref<128x32xf32, #tpu.memory_space<vmem>>, vector<1x16xf32>,
      %add3A_333 = arith.constant 7 : i32
      %add3A_334 = arith.addi %mul3A_194, %add3A_333 : i32
      %get3A_335 = arith.index_cast %add3A_334 : i32 to index
      %get3A_336 = arith.constant 0 : index
      %get3A_337 = tpu.vector_load %arg7[%get3A_335, %get3A_336] {strides = array<i32>} : memref<128x32xf32, #tpu.memory_space<vmem>>, vector<1x16xf32>,
      %get3A_338 = vector.shape_cast %get3A_337 : vector<1x16xf32> to vector<16xf32>
      %swap3A_339 = arith.index_cast %add3A_334 : i32 to index
      %swap3A_340 = arith.constant 0 : index
      %swap3A_341 = tpu.vector_load %arg14[%swap3A_339, %swap3A_340] {strides = array<i32>} : memref<128x32xf32, #tpu.memory_space<vmem>>, vector<1x16xf32>,
      %swap3A_342 = vector.shape_cast %swap3A_341 : vector<1x16xf32> to vector<16xf32>
      %swap3A_343 = vector.shape_cast %get3A_338 : vector<16xf32> to vector<1x16xf32>
      tpu.vector_store %arg14[%swap3A_339, %swap3A_340], %swap3A_343 {add = true, strides = array<i32>} : memref<128x32xf32, #tpu.memory_space<vmem>>, vector<1x16xf32>,
      %get3A_344 = arith.index_cast %add3A_334 : i32 to index
      %get3A_345 = arith.constant 16 : index
      %get3A_346 = tpu.vector_load %arg7[%get3A_344, %get3A_345] {strides = array<i32>} : memref<128x32xf32, #tpu.memory_space<vmem>>, vector<1x16xf32>,
      %get3A_347 = vector.shape_cast %get3A_346 : vector<1x16xf32> to vector<16xf32>
      %swap3A_348 = arith.index_cast %add3A_334 : i32 to index
      %swap3A_349 = arith.constant 16 : index
      %swap3A_350 = tpu.vector_load %arg14[%swap3A_348, %swap3A_349] {strides = array<i32>} : memref<128x32xf32, #tpu.memory_space<vmem>>, vector<1x16xf32>,
      %swap3A_351 = vector.shape_cast %swap3A_350 : vector<1x16xf32> to vector<16xf32>
      %swap3A_352 = vector.shape_cast %get3A_347 : vector<16xf32> to vector<1x16xf32>
      tpu.vector_store %arg14[%swap3A_348, %swap3A_349], %swap3A_352 {add = true, strides = array<i32>} : memref<128x32xf32, #tpu.memory_space<vmem>>, vector<1x16xf32>,
      %scan3A_353 = arith.constant 0 : i32
      scf.yield %scan3A_353 : i32
    }
    %scan3A_110 = arith.constant 16 : i32
    %dma_wait3A_111 = arith.constant 0 : i32
    %dma_wait3A_112 = arith.constant 0 : i32
    %dma_wait3A_113 = tpu.memref_slice %arg3[%dma_wait3A_111, %dma_wait3A_112] : memref<1000000x32xf32, #tpu.memory_space<hbm>> -> memref<128x32xf32, #tpu.memory_space<hbm>>
    %dma_wait3A_114 = arith.constant 0 : i32
    %dma_wait3A_115 = arith.constant 0 : i32
    %dma_wait3A_116 = tpu.memref_slice %arg3[%dma_wait3A_114, %dma_wait3A_115] : memref<1000000x32xf32, #tpu.memory_space<hbm>> -> memref<128x32xf32, #tpu.memory_space<hbm>>
    tpu.wait_dma2 semaphore(%arg18 : memref<!tpu.dma_semaphore, #tpu.memory_space<semaphore_mem>>) src(%dma_wait3A_116 : memref<128x32xf32, #tpu.memory_space<hbm>>) dst(%arg8 : memref<128x32xf32, #tpu.memory_space<vmem>>)
    %scan3A_117 = arith.constant 0 : i32
    %scan3A_118 = arith.constant 0 : i32
    %scan3A_119 = arith.constant 16 : i32
    %scan3A_120 = arith.addi %scan3A_118, %scan3A_119 : i32
    %scan3A_121 = arith.constant 1 : i32
    %scan3A_122 = scf.for %scan3A_191 = %scan3A_118 to %scan3A_120 step %scan3A_121 iter_args(%scan3A_192 = %scan3A_117) -> (i32)  : i32 {
      %mul3A_193 = arith.constant 8 : i32
      %mul3A_194 = arith.muli %scan3A_191, %mul3A_193 : i32
      %add3A_195 = arith.constant 0 : i32
      %add3A_196 = arith.addi %mul3A_194, %add3A_195 : i32
      %get3A = arith.index_cast %add3A_196 : i32 to index
      %get3A_197 = arith.constant 0 : index
      %get3A_198 = tpu.vector_load %arg8[%get3A, %get3A_197] {strides = array<i32>} : memref<128x32xf32, #tpu.memory_space<vmem>>, vector<1x16xf32>,
      %get3A_199 = vector.shape_cast %get3A_198 : vector<1x16xf32> to vector<16xf32>
      %swap3A = arith.index_cast %add3A_196 : i32 to index
      %swap3A_200 = arith.constant 0 : index
      %swap3A_201 = tpu.vector_load %arg14[%swap3A, %swap3A_200] {strides = array<i32>} : memref<128x32xf32, #tpu.memory_space<vmem>>, vector<1x16xf32>,
      %swap3A_202 = vector.shape_cast %swap3A_201 : vector<1x16xf32> to vector<16xf32>
      %swap3A_203 = vector.shape_cast %get3A_199 : vector<16xf32> to vector<1x16xf32>
      tpu.vector_store %arg14[%swap3A, %swap3A_200], %swap3A_203 {add = true, strides = array<i32>} : memref<128x32xf32, #tpu.memory_space<vmem>>, vector<1x16xf32>,
      %get3A_204 = arith.index_cast %add3A_196 : i32 to index
      %get3A_205 = arith.constant 16 : index
      %get3A_206 = tpu.vector_load %arg8[%get3A_204, %get3A_205] {strides = array<i32>} : memref<128x32xf32, #tpu.memory_space<vmem>>, vector<1x16xf32>,
      %get3A_207 = vector.shape_cast %get3A_206 : vector<1x16xf32> to vector<16xf32>
      %swap3A_208 = arith.index_cast %add3A_196 : i32 to index
      %swap3A_209 = arith.constant 16 : index
      %swap3A_210 = tpu.vector_load %arg14[%swap3A_208, %swap3A_209] {strides = array<i32>} : memref<128x32xf32, #tpu.memory_space<vmem>>, vector<1x16xf32>,
      %swap3A_211 = vector.shape_cast %swap3A_210 : vector<1x16xf32> to vector<16xf32>
      %swap3A_212 = vector.shape_cast %get3A_207 : vector<16xf32> to vector<1x16xf32>
      tpu.vector_store %arg14[%swap3A_208, %swap3A_209], %swap3A_212 {add = true, strides = array<i32>} : memref<128x32xf32, #tpu.memory_space<vmem>>, vector<1x16xf32>,
      %add3A_213 = arith.constant 1 : i32
      %add3A_214 = arith.addi %mul3A_194, %add3A_213 : i32
      %get3A_215 = arith.index_cast %add3A_214 : i32 to index
      %get3A_216 = arith.constant 0 : index
      %get3A_217 = tpu.vector_load %arg8[%get3A_215, %get3A_216] {strides = array<i32>} : memref<128x32xf32, #tpu.memory_space<vmem>>, vector<1x16xf32>,
      %get3A_218 = vector.shape_cast %get3A_217 : vector<1x16xf32> to vector<16xf32>
      %swap3A_219 = arith.index_cast %add3A_214 : i32 to index
      %swap3A_220 = arith.constant 0 : index
      %swap3A_221 = tpu.vector_load %arg14[%swap3A_219, %swap3A_220] {strides = array<i32>} : memref<128x32xf32, #tpu.memory_space<vmem>>, vector<1x16xf32>,
      %swap3A_222 = vector.shape_cast %swap3A_221 : vector<1x16xf32> to vector<16xf32>
      %swap3A_223 = vector.shape_cast %get3A_218 : vector<16xf32> to vector<1x16xf32>
      tpu.vector_store %arg14[%swap3A_219, %swap3A_220], %swap3A_223 {add = true, strides = array<i32>} : memref<128x32xf32, #tpu.memory_space<vmem>>, vector<1x16xf32>,
      %get3A_224 = arith.index_cast %add3A_214 : i32 to index
      %get3A_225 = arith.constant 16 : index
      %get3A_226 = tpu.vector_load %arg8[%get3A_224, %get3A_225] {strides = array<i32>} : memref<128x32xf32, #tpu.memory_space<vmem>>, vector<1x16xf32>,
      %get3A_227 = vector.shape_cast %get3A_226 : vector<1x16xf32> to vector<16xf32>
      %swap3A_228 = arith.index_cast %add3A_214 : i32 to index
      %swap3A_229 = arith.constant 16 : index
      %swap3A_230 = tpu.vector_load %arg14[%swap3A_228, %swap3A_229] {strides = array<i32>} : memref<128x32xf32, #tpu.memory_space<vmem>>, vector<1x16xf32>,
      %swap3A_231 = vector.shape_cast %swap3A_230 : vector<1x16xf32> to vector<16xf32>
      %swap3A_232 = vector.shape_cast %get3A_227 : vector<16xf32> to vector<1x16xf32>
      tpu.vector_store %arg14[%swap3A_228, %swap3A_229], %swap3A_232 {add = true, strides = array<i32>} : memref<128x32xf32, #tpu.memory_space<vmem>>, vector<1x16xf32>,
      %add3A_233 = arith.constant 2 : i32
      %add3A_234 = arith.addi %mul3A_194, %add3A_233 : i32
      %get3A_235 = arith.index_cast %add3A_234 : i32 to index
      %get3A_236 = arith.constant 0 : index
      %get3A_237 = tpu.vector_load %arg8[%get3A_235, %get3A_236] {strides = array<i32>} : memref<128x32xf32, #tpu.memory_space<vmem>>, vector<1x16xf32>,
      %get3A_238 = vector.shape_cast %get3A_237 : vector<1x16xf32> to vector<16xf32>
      %swap3A_239 = arith.index_cast %add3A_234 : i32 to index
      %swap3A_240 = arith.constant 0 : index
      %swap3A_241 = tpu.vector_load %arg14[%swap3A_239, %swap3A_240] {strides = array<i32>} : memref<128x32xf32, #tpu.memory_space<vmem>>, vector<1x16xf32>,
      %swap3A_242 = vector.shape_cast %swap3A_241 : vector<1x16xf32> to vector<16xf32>
      %swap3A_243 = vector.shape_cast %get3A_238 : vector<16xf32> to vector<1x16xf32>
      tpu.vector_store %arg14[%swap3A_239, %swap3A_240], %swap3A_243 {add = true, strides = array<i32>} : memref<128x32xf32, #tpu.memory_space<vmem>>, vector<1x16xf32>,
      %get3A_244 = arith.index_cast %add3A_234 : i32 to index
      %get3A_245 = arith.constant 16 : index
      %get3A_246 = tpu.vector_load %arg8[%get3A_244, %get3A_245] {strides = array<i32>} : memref<128x32xf32, #tpu.memory_space<vmem>>, vector<1x16xf32>,
      %get3A_247 = vector.shape_cast %get3A_246 : vector<1x16xf32> to vector<16xf32>
      %swap3A_248 = arith.index_cast %add3A_234 : i32 to index
      %swap3A_249 = arith.constant 16 : index
      %swap3A_250 = tpu.vector_load %arg14[%swap3A_248, %swap3A_249] {strides = array<i32>} : memref<128x32xf32, #tpu.memory_space<vmem>>, vector<1x16xf32>,
      %swap3A_251 = vector.shape_cast %swap3A_250 : vector<1x16xf32> to vector<16xf32>
      %swap3A_252 = vector.shape_cast %get3A_247 : vector<16xf32> to vector<1x16xf32>
      tpu.vector_store %arg14[%swap3A_248, %swap3A_249], %swap3A_252 {add = true, strides = array<i32>} : memref<128x32xf32, #tpu.memory_space<vmem>>, vector<1x16xf32>,
      %add3A_253 = arith.constant 3 : i32
      %add3A_254 = arith.addi %mul3A_194, %add3A_253 : i32
      %get3A_255 = arith.index_cast %add3A_254 : i32 to index
      %get3A_256 = arith.constant 0 : index
      %get3A_257 = tpu.vector_load %arg8[%get3A_255, %get3A_256] {strides = array<i32>} : memref<128x32xf32, #tpu.memory_space<vmem>>, vector<1x16xf32>,
      %get3A_258 = vector.shape_cast %get3A_257 : vector<1x16xf32> to vector<16xf32>
      %swap3A_259 = arith.index_cast %add3A_254 : i32 to index
      %swap3A_260 = arith.constant 0 : index
      %swap3A_261 = tpu.vector_load %arg14[%swap3A_259, %swap3A_260] {strides = array<i32>} : memref<128x32xf32, #tpu.memory_space<vmem>>, vector<1x16xf32>,
      %swap3A_262 = vector.shape_cast %swap3A_261 : vector<1x16xf32> to vector<16xf32>
      %swap3A_263 = vector.shape_cast %get3A_258 : vector<16xf32> to vector<1x16xf32>
      tpu.vector_store %arg14[%swap3A_259, %swap3A_260], %swap3A_263 {add = true, strides = array<i32>} : memref<128x32xf32, #tpu.memory_space<vmem>>, vector<1x16xf32>,
      %get3A_264 = arith.index_cast %add3A_254 : i32 to index
      %get3A_265 = arith.constant 16 : index
      %get3A_266 = tpu.vector_load %arg8[%get3A_264, %get3A_265] {strides = array<i32>} : memref<128x32xf32, #tpu.memory_space<vmem>>, vector<1x16xf32>,
      %get3A_267 = vector.shape_cast %get3A_266 : vector<1x16xf32> to vector<16xf32>
      %swap3A_268 = arith.index_cast %add3A_254 : i32 to index
      %swap3A_269 = arith.constant 16 : index
      %swap3A_270 = tpu.vector_load %arg14[%swap3A_268, %swap3A_269] {strides = array<i32>} : memref<128x32xf32, #tpu.memory_space<vmem>>, vector<1x16xf32>,
      %swap3A_271 = vector.shape_cast %swap3A_270 : vector<1x16xf32> to vector<16xf32>
      %swap3A_272 = vector.shape_cast %get3A_267 : vector<16xf32> to vector<1x16xf32>
      tpu.vector_store %arg14[%swap3A_268, %swap3A_269], %swap3A_272 {add = true, strides = array<i32>} : memref<128x32xf32, #tpu.memory_space<vmem>>, vector<1x16xf32>,
      %add3A_273 = arith.constant 4 : i32
      %add3A_274 = arith.addi %mul3A_194, %add3A_273 : i32
      %get3A_275 = arith.index_cast %add3A_274 : i32 to index
      %get3A_276 = arith.constant 0 : index
      %get3A_277 = tpu.vector_load %arg8[%get3A_275, %get3A_276] {strides = array<i32>} : memref<128x32xf32, #tpu.memory_space<vmem>>, vector<1x16xf32>,
      %get3A_278 = vector.shape_cast %get3A_277 : vector<1x16xf32> to vector<16xf32>
      %swap3A_279 = arith.index_cast %add3A_274 : i32 to index
      %swap3A_280 = arith.constant 0 : index
      %swap3A_281 = tpu.vector_load %arg14[%swap3A_279, %swap3A_280] {strides = array<i32>} : memref<128x32xf32, #tpu.memory_space<vmem>>, vector<1x16xf32>,
      %swap3A_282 = vector.shape_cast %swap3A_281 : vector<1x16xf32> to vector<16xf32>
      %swap3A_283 = vector.shape_cast %get3A_278 : vector<16xf32> to vector<1x16xf32>
      tpu.vector_store %arg14[%swap3A_279, %swap3A_280], %swap3A_283 {add = true, strides = array<i32>} : memref<128x32xf32, #tpu.memory_space<vmem>>, vector<1x16xf32>,
      %get3A_284 = arith.index_cast %add3A_274 : i32 to index
      %get3A_285 = arith.constant 16 : index
      %get3A_286 = tpu.vector_load %arg8[%get3A_284, %get3A_285] {strides = array<i32>} : memref<128x32xf32, #tpu.memory_space<vmem>>, vector<1x16xf32>,
      %get3A_287 = vector.shape_cast %get3A_286 : vector<1x16xf32> to vector<16xf32>
      %swap3A_288 = arith.index_cast %add3A_274 : i32 to index
      %swap3A_289 = arith.constant 16 : index
      %swap3A_290 = tpu.vector_load %arg14[%swap3A_288, %swap3A_289] {strides = array<i32>} : memref<128x32xf32, #tpu.memory_space<vmem>>, vector<1x16xf32>,
      %swap3A_291 = vector.shape_cast %swap3A_290 : vector<1x16xf32> to vector<16xf32>
      %swap3A_292 = vector.shape_cast %get3A_287 : vector<16xf32> to vector<1x16xf32>
      tpu.vector_store %arg14[%swap3A_288, %swap3A_289], %swap3A_292 {add = true, strides = array<i32>} : memref<128x32xf32, #tpu.memory_space<vmem>>, vector<1x16xf32>,
      %add3A_293 = arith.constant 5 : i32
      %add3A_294 = arith.addi %mul3A_194, %add3A_293 : i32
      %get3A_295 = arith.index_cast %add3A_294 : i32 to index
      %get3A_296 = arith.constant 0 : index
      %get3A_297 = tpu.vector_load %arg8[%get3A_295, %get3A_296] {strides = array<i32>} : memref<128x32xf32, #tpu.memory_space<vmem>>, vector<1x16xf32>,
      %get3A_298 = vector.shape_cast %get3A_297 : vector<1x16xf32> to vector<16xf32>
      %swap3A_299 = arith.index_cast %add3A_294 : i32 to index
      %swap3A_300 = arith.constant 0 : index
      %swap3A_301 = tpu.vector_load %arg14[%swap3A_299, %swap3A_300] {strides = array<i32>} : memref<128x32xf32, #tpu.memory_space<vmem>>, vector<1x16xf32>,
      %swap3A_302 = vector.shape_cast %swap3A_301 : vector<1x16xf32> to vector<16xf32>
      %swap3A_303 = vector.shape_cast %get3A_298 : vector<16xf32> to vector<1x16xf32>
      tpu.vector_store %arg14[%swap3A_299, %swap3A_300], %swap3A_303 {add = true, strides = array<i32>} : memref<128x32xf32, #tpu.memory_space<vmem>>, vector<1x16xf32>,
      %get3A_304 = arith.index_cast %add3A_294 : i32 to index
      %get3A_305 = arith.constant 16 : index
      %get3A_306 = tpu.vector_load %arg8[%get3A_304, %get3A_305] {strides = array<i32>} : memref<128x32xf32, #tpu.memory_space<vmem>>, vector<1x16xf32>,
      %get3A_307 = vector.shape_cast %get3A_306 : vector<1x16xf32> to vector<16xf32>
      %swap3A_308 = arith.index_cast %add3A_294 : i32 to index
      %swap3A_309 = arith.constant 16 : index
      %swap3A_310 = tpu.vector_load %arg14[%swap3A_308, %swap3A_309] {strides = array<i32>} : memref<128x32xf32, #tpu.memory_space<vmem>>, vector<1x16xf32>,
      %swap3A_311 = vector.shape_cast %swap3A_310 : vector<1x16xf32> to vector<16xf32>
      %swap3A_312 = vector.shape_cast %get3A_307 : vector<16xf32> to vector<1x16xf32>
      tpu.vector_store %arg14[%swap3A_308, %swap3A_309], %swap3A_312 {add = true, strides = array<i32>} : memref<128x32xf32, #tpu.memory_space<vmem>>, vector<1x16xf32>,
      %add3A_313 = arith.constant 6 : i32
      %add3A_314 = arith.addi %mul3A_194, %add3A_313 : i32
      %get3A_315 = arith.index_cast %add3A_314 : i32 to index
      %get3A_316 = arith.constant 0 : index
      %get3A_317 = tpu.vector_load %arg8[%get3A_315, %get3A_316] {strides = array<i32>} : memref<128x32xf32, #tpu.memory_space<vmem>>, vector<1x16xf32>,
      %get3A_318 = vector.shape_cast %get3A_317 : vector<1x16xf32> to vector<16xf32>
      %swap3A_319 = arith.index_cast %add3A_314 : i32 to index
      %swap3A_320 = arith.constant 0 : index
      %swap3A_321 = tpu.vector_load %arg14[%swap3A_319, %swap3A_320] {strides = array<i32>} : memref<128x32xf32, #tpu.memory_space<vmem>>, vector<1x16xf32>,
      %swap3A_322 = vector.shape_cast %swap3A_321 : vector<1x16xf32> to vector<16xf32>
      %swap3A_323 = vector.shape_cast %get3A_318 : vector<16xf32> to vector<1x16xf32>
      tpu.vector_store %arg14[%swap3A_319, %swap3A_320], %swap3A_323 {add = true, strides = array<i32>} : memref<128x32xf32, #tpu.memory_space<vmem>>, vector<1x16xf32>,
      %get3A_324 = arith.index_cast %add3A_314 : i32 to index
      %get3A_325 = arith.constant 16 : index
      %get3A_326 = tpu.vector_load %arg8[%get3A_324, %get3A_325] {strides = array<i32>} : memref<128x32xf32, #tpu.memory_space<vmem>>, vector<1x16xf32>,
      %get3A_327 = vector.shape_cast %get3A_326 : vector<1x16xf32> to vector<16xf32>
      %swap3A_328 = arith.index_cast %add3A_314 : i32 to index
      %swap3A_329 = arith.constant 16 : index
      %swap3A_330 = tpu.vector_load %arg14[%swap3A_328, %swap3A_329] {strides = array<i32>} : memref<128x32xf32, #tpu.memory_space<vmem>>, vector<1x16xf32>,
      %swap3A_331 = vector.shape_cast %swap3A_330 : vector<1x16xf32> to vector<16xf32>
      %swap3A_332 = vector.shape_cast %get3A_327 : vector<16xf32> to vector<1x16xf32>
      tpu.vector_store %arg14[%swap3A_328, %swap3A_329], %swap3A_332 {add = true, strides = array<i32>} : memref<128x32xf32, #tpu.memory_space<vmem>>, vector<1x16xf32>,
      %add3A_333 = arith.constant 7 : i32
      %add3A_334 = arith.addi %mul3A_194, %add3A_333 : i32
      %get3A_335 = arith.index_cast %add3A_334 : i32 to index
      %get3A_336 = arith.constant 0 : index
      %get3A_337 = tpu.vector_load %arg8[%get3A_335, %get3A_336] {strides = array<i32>} : memref<128x32xf32, #tpu.memory_space<vmem>>, vector<1x16xf32>,
      %get3A_338 = vector.shape_cast %get3A_337 : vector<1x16xf32> to vector<16xf32>
      %swap3A_339 = arith.index_cast %add3A_334 : i32 to index
      %swap3A_340 = arith.constant 0 : index
      %swap3A_341 = tpu.vector_load %arg14[%swap3A_339, %swap3A_340] {strides = array<i32>} : memref<128x32xf32, #tpu.memory_space<vmem>>, vector<1x16xf32>,
      %swap3A_342 = vector.shape_cast %swap3A_341 : vector<1x16xf32> to vector<16xf32>
      %swap3A_343 = vector.shape_cast %get3A_338 : vector<16xf32> to vector<1x16xf32>
      tpu.vector_store %arg14[%swap3A_339, %swap3A_340], %swap3A_343 {add = true, strides = array<i32>} : memref<128x32xf32, #tpu.memory_space<vmem>>, vector<1x16xf32>,
      %get3A_344 = arith.index_cast %add3A_334 : i32 to index
      %get3A_345 = arith.constant 16 : index
      %get3A_346 = tpu.vector_load %arg8[%get3A_344, %get3A_345] {strides = array<i32>} : memref<128x32xf32, #tpu.memory_space<vmem>>, vector<1x16xf32>,
      %get3A_347 = vector.shape_cast %get3A_346 : vector<1x16xf32> to vector<16xf32>
      %swap3A_348 = arith.index_cast %add3A_334 : i32 to index
      %swap3A_349 = arith.constant 16 : index
      %swap3A_350 = tpu.vector_load %arg14[%swap3A_348, %swap3A_349] {strides = array<i32>} : memref<128x32xf32, #tpu.memory_space<vmem>>, vector<1x16xf32>,
      %swap3A_351 = vector.shape_cast %swap3A_350 : vector<1x16xf32> to vector<16xf32>
      %swap3A_352 = vector.shape_cast %get3A_347 : vector<16xf32> to vector<1x16xf32>
      tpu.vector_store %arg14[%swap3A_348, %swap3A_349], %swap3A_352 {add = true, strides = array<i32>} : memref<128x32xf32, #tpu.memory_space<vmem>>, vector<1x16xf32>,
      %scan3A_353 = arith.constant 0 : i32
      scf.yield %scan3A_353 : i32
    }
    %scan3A_123 = arith.constant 16 : i32
    %dma_wait3A_124 = arith.constant 0 : i32
    %dma_wait3A_125 = arith.constant 0 : i32
    %dma_wait3A_126 = tpu.memref_slice %arg3[%dma_wait3A_124, %dma_wait3A_125] : memref<1000000x32xf32, #tpu.memory_space<hbm>> -> memref<128x32xf32, #tpu.memory_space<hbm>>
    %dma_wait3A_127 = arith.constant 0 : i32
    %dma_wait3A_128 = arith.constant 0 : i32
    %dma_wait3A_129 = tpu.memref_slice %arg3[%dma_wait3A_127, %dma_wait3A_128] : memref<1000000x32xf32, #tpu.memory_space<hbm>> -> memref<128x32xf32, #tpu.memory_space<hbm>>
    tpu.wait_dma2 semaphore(%arg19 : memref<!tpu.dma_semaphore, #tpu.memory_space<semaphore_mem>>) src(%dma_wait3A_129 : memref<128x32xf32, #tpu.memory_space<hbm>>) dst(%arg9 : memref<128x32xf32, #tpu.memory_space<vmem>>)
    %scan3A_130 = arith.constant 0 : i32
    %scan3A_131 = arith.constant 0 : i32
    %scan3A_132 = arith.constant 16 : i32
    %scan3A_133 = arith.addi %scan3A_131, %scan3A_132 : i32
    %scan3A_134 = arith.constant 1 : i32
    %scan3A_135 = scf.for %scan3A_191 = %scan3A_131 to %scan3A_133 step %scan3A_134 iter_args(%scan3A_192 = %scan3A_130) -> (i32)  : i32 {
      %mul3A_193 = arith.constant 8 : i32
      %mul3A_194 = arith.muli %scan3A_191, %mul3A_193 : i32
      %add3A_195 = arith.constant 0 : i32
      %add3A_196 = arith.addi %mul3A_194, %add3A_195 : i32
      %get3A = arith.index_cast %add3A_196 : i32 to index
      %get3A_197 = arith.constant 0 : index
      %get3A_198 = tpu.vector_load %arg9[%get3A, %get3A_197] {strides = array<i32>} : memref<128x32xf32, #tpu.memory_space<vmem>>, vector<1x16xf32>,
      %get3A_199 = vector.shape_cast %get3A_198 : vector<1x16xf32> to vector<16xf32>
      %swap3A = arith.index_cast %add3A_196 : i32 to index
      %swap3A_200 = arith.constant 0 : index
      %swap3A_201 = tpu.vector_load %arg14[%swap3A, %swap3A_200] {strides = array<i32>} : memref<128x32xf32, #tpu.memory_space<vmem>>, vector<1x16xf32>,
      %swap3A_202 = vector.shape_cast %swap3A_201 : vector<1x16xf32> to vector<16xf32>
      %swap3A_203 = vector.shape_cast %get3A_199 : vector<16xf32> to vector<1x16xf32>
      tpu.vector_store %arg14[%swap3A, %swap3A_200], %swap3A_203 {add = true, strides = array<i32>} : memref<128x32xf32, #tpu.memory_space<vmem>>, vector<1x16xf32>,
      %get3A_204 = arith.index_cast %add3A_196 : i32 to index
      %get3A_205 = arith.constant 16 : index
      %get3A_206 = tpu.vector_load %arg9[%get3A_204, %get3A_205] {strides = array<i32>} : memref<128x32xf32, #tpu.memory_space<vmem>>, vector<1x16xf32>,
      %get3A_207 = vector.shape_cast %get3A_206 : vector<1x16xf32> to vector<16xf32>
      %swap3A_208 = arith.index_cast %add3A_196 : i32 to index
      %swap3A_209 = arith.constant 16 : index
      %swap3A_210 = tpu.vector_load %arg14[%swap3A_208, %swap3A_209] {strides = array<i32>} : memref<128x32xf32, #tpu.memory_space<vmem>>, vector<1x16xf32>,
      %swap3A_211 = vector.shape_cast %swap3A_210 : vector<1x16xf32> to vector<16xf32>
      %swap3A_212 = vector.shape_cast %get3A_207 : vector<16xf32> to vector<1x16xf32>
      tpu.vector_store %arg14[%swap3A_208, %swap3A_209], %swap3A_212 {add = true, strides = array<i32>} : memref<128x32xf32, #tpu.memory_space<vmem>>, vector<1x16xf32>,
      %add3A_213 = arith.constant 1 : i32
      %add3A_214 = arith.addi %mul3A_194, %add3A_213 : i32
      %get3A_215 = arith.index_cast %add3A_214 : i32 to index
      %get3A_216 = arith.constant 0 : index
      %get3A_217 = tpu.vector_load %arg9[%get3A_215, %get3A_216] {strides = array<i32>} : memref<128x32xf32, #tpu.memory_space<vmem>>, vector<1x16xf32>,
      %get3A_218 = vector.shape_cast %get3A_217 : vector<1x16xf32> to vector<16xf32>
      %swap3A_219 = arith.index_cast %add3A_214 : i32 to index
      %swap3A_220 = arith.constant 0 : index
      %swap3A_221 = tpu.vector_load %arg14[%swap3A_219, %swap3A_220] {strides = array<i32>} : memref<128x32xf32, #tpu.memory_space<vmem>>, vector<1x16xf32>,
      %swap3A_222 = vector.shape_cast %swap3A_221 : vector<1x16xf32> to vector<16xf32>
      %swap3A_223 = vector.shape_cast %get3A_218 : vector<16xf32> to vector<1x16xf32>
      tpu.vector_store %arg14[%swap3A_219, %swap3A_220], %swap3A_223 {add = true, strides = array<i32>} : memref<128x32xf32, #tpu.memory_space<vmem>>, vector<1x16xf32>,
      %get3A_224 = arith.index_cast %add3A_214 : i32 to index
      %get3A_225 = arith.constant 16 : index
      %get3A_226 = tpu.vector_load %arg9[%get3A_224, %get3A_225] {strides = array<i32>} : memref<128x32xf32, #tpu.memory_space<vmem>>, vector<1x16xf32>,
      %get3A_227 = vector.shape_cast %get3A_226 : vector<1x16xf32> to vector<16xf32>
      %swap3A_228 = arith.index_cast %add3A_214 : i32 to index
      %swap3A_229 = arith.constant 16 : index
      %swap3A_230 = tpu.vector_load %arg14[%swap3A_228, %swap3A_229] {strides = array<i32>} : memref<128x32xf32, #tpu.memory_space<vmem>>, vector<1x16xf32>,
      %swap3A_231 = vector.shape_cast %swap3A_230 : vector<1x16xf32> to vector<16xf32>
      %swap3A_232 = vector.shape_cast %get3A_227 : vector<16xf32> to vector<1x16xf32>
      tpu.vector_store %arg14[%swap3A_228, %swap3A_229], %swap3A_232 {add = true, strides = array<i32>} : memref<128x32xf32, #tpu.memory_space<vmem>>, vector<1x16xf32>,
      %add3A_233 = arith.constant 2 : i32
      %add3A_234 = arith.addi %mul3A_194, %add3A_233 : i32
      %get3A_235 = arith.index_cast %add3A_234 : i32 to index
      %get3A_236 = arith.constant 0 : index
      %get3A_237 = tpu.vector_load %arg9[%get3A_235, %get3A_236] {strides = array<i32>} : memref<128x32xf32, #tpu.memory_space<vmem>>, vector<1x16xf32>,
      %get3A_238 = vector.shape_cast %get3A_237 : vector<1x16xf32> to vector<16xf32>
      %swap3A_239 = arith.index_cast %add3A_234 : i32 to index
      %swap3A_240 = arith.constant 0 : index
      %swap3A_241 = tpu.vector_load %arg14[%swap3A_239, %swap3A_240] {strides = array<i32>} : memref<128x32xf32, #tpu.memory_space<vmem>>, vector<1x16xf32>,
      %swap3A_242 = vector.shape_cast %swap3A_241 : vector<1x16xf32> to vector<16xf32>
      %swap3A_243 = vector.shape_cast %get3A_238 : vector<16xf32> to vector<1x16xf32>
      tpu.vector_store %arg14[%swap3A_239, %swap3A_240], %swap3A_243 {add = true, strides = array<i32>} : memref<128x32xf32, #tpu.memory_space<vmem>>, vector<1x16xf32>,
      %get3A_244 = arith.index_cast %add3A_234 : i32 to index
      %get3A_245 = arith.constant 16 : index
      %get3A_246 = tpu.vector_load %arg9[%get3A_244, %get3A_245] {strides = array<i32>} : memref<128x32xf32, #tpu.memory_space<vmem>>, vector<1x16xf32>,
      %get3A_247 = vector.shape_cast %get3A_246 : vector<1x16xf32> to vector<16xf32>
      %swap3A_248 = arith.index_cast %add3A_234 : i32 to index
      %swap3A_249 = arith.constant 16 : index
      %swap3A_250 = tpu.vector_load %arg14[%swap3A_248, %swap3A_249] {strides = array<i32>} : memref<128x32xf32, #tpu.memory_space<vmem>>, vector<1x16xf32>,
      %swap3A_251 = vector.shape_cast %swap3A_250 : vector<1x16xf32> to vector<16xf32>
      %swap3A_252 = vector.shape_cast %get3A_247 : vector<16xf32> to vector<1x16xf32>
      tpu.vector_store %arg14[%swap3A_248, %swap3A_249], %swap3A_252 {add = true, strides = array<i32>} : memref<128x32xf32, #tpu.memory_space<vmem>>, vector<1x16xf32>,
      %add3A_253 = arith.constant 3 : i32
      %add3A_254 = arith.addi %mul3A_194, %add3A_253 : i32
      %get3A_255 = arith.index_cast %add3A_254 : i32 to index
      %get3A_256 = arith.constant 0 : index
      %get3A_257 = tpu.vector_load %arg9[%get3A_255, %get3A_256] {strides = array<i32>} : memref<128x32xf32, #tpu.memory_space<vmem>>, vector<1x16xf32>,
      %get3A_258 = vector.shape_cast %get3A_257 : vector<1x16xf32> to vector<16xf32>
      %swap3A_259 = arith.index_cast %add3A_254 : i32 to index
      %swap3A_260 = arith.constant 0 : index
      %swap3A_261 = tpu.vector_load %arg14[%swap3A_259, %swap3A_260] {strides = array<i32>} : memref<128x32xf32, #tpu.memory_space<vmem>>, vector<1x16xf32>,
      %swap3A_262 = vector.shape_cast %swap3A_261 : vector<1x16xf32> to vector<16xf32>
      %swap3A_263 = vector.shape_cast %get3A_258 : vector<16xf32> to vector<1x16xf32>
      tpu.vector_store %arg14[%swap3A_259, %swap3A_260], %swap3A_263 {add = true, strides = array<i32>} : memref<128x32xf32, #tpu.memory_space<vmem>>, vector<1x16xf32>,
      %get3A_264 = arith.index_cast %add3A_254 : i32 to index
      %get3A_265 = arith.constant 16 : index
      %get3A_266 = tpu.vector_load %arg9[%get3A_264, %get3A_265] {strides = array<i32>} : memref<128x32xf32, #tpu.memory_space<vmem>>, vector<1x16xf32>,
      %get3A_267 = vector.shape_cast %get3A_266 : vector<1x16xf32> to vector<16xf32>
      %swap3A_268 = arith.index_cast %add3A_254 : i32 to index
      %swap3A_269 = arith.constant 16 : index
      %swap3A_270 = tpu.vector_load %arg14[%swap3A_268, %swap3A_269] {strides = array<i32>} : memref<128x32xf32, #tpu.memory_space<vmem>>, vector<1x16xf32>,
      %swap3A_271 = vector.shape_cast %swap3A_270 : vector<1x16xf32> to vector<16xf32>
      %swap3A_272 = vector.shape_cast %get3A_267 : vector<16xf32> to vector<1x16xf32>
      tpu.vector_store %arg14[%swap3A_268, %swap3A_269], %swap3A_272 {add = true, strides = array<i32>} : memref<128x32xf32, #tpu.memory_space<vmem>>, vector<1x16xf32>,
      %add3A_273 = arith.constant 4 : i32
      %add3A_274 = arith.addi %mul3A_194, %add3A_273 : i32
      %get3A_275 = arith.index_cast %add3A_274 : i32 to index
      %get3A_276 = arith.constant 0 : index
      %get3A_277 = tpu.vector_load %arg9[%get3A_275, %get3A_276] {strides = array<i32>} : memref<128x32xf32, #tpu.memory_space<vmem>>, vector<1x16xf32>,
      %get3A_278 = vector.shape_cast %get3A_277 : vector<1x16xf32> to vector<16xf32>
      %swap3A_279 = arith.index_cast %add3A_274 : i32 to index
      %swap3A_280 = arith.constant 0 : index
      %swap3A_281 = tpu.vector_load %arg14[%swap3A_279, %swap3A_280] {strides = array<i32>} : memref<128x32xf32, #tpu.memory_space<vmem>>, vector<1x16xf32>,
      %swap3A_282 = vector.shape_cast %swap3A_281 : vector<1x16xf32> to vector<16xf32>
      %swap3A_283 = vector.shape_cast %get3A_278 : vector<16xf32> to vector<1x16xf32>
      tpu.vector_store %arg14[%swap3A_279, %swap3A_280], %swap3A_283 {add = true, strides = array<i32>} : memref<128x32xf32, #tpu.memory_space<vmem>>, vector<1x16xf32>,
      %get3A_284 = arith.index_cast %add3A_274 : i32 to index
      %get3A_285 = arith.constant 16 : index
      %get3A_286 = tpu.vector_load %arg9[%get3A_284, %get3A_285] {strides = array<i32>} : memref<128x32xf32, #tpu.memory_space<vmem>>, vector<1x16xf32>,
      %get3A_287 = vector.shape_cast %get3A_286 : vector<1x16xf32> to vector<16xf32>
      %swap3A_288 = arith.index_cast %add3A_274 : i32 to index
      %swap3A_289 = arith.constant 16 : index
      %swap3A_290 = tpu.vector_load %arg14[%swap3A_288, %swap3A_289] {strides = array<i32>} : memref<128x32xf32, #tpu.memory_space<vmem>>, vector<1x16xf32>,
      %swap3A_291 = vector.shape_cast %swap3A_290 : vector<1x16xf32> to vector<16xf32>
      %swap3A_292 = vector.shape_cast %get3A_287 : vector<16xf32> to vector<1x16xf32>
      tpu.vector_store %arg14[%swap3A_288, %swap3A_289], %swap3A_292 {add = true, strides = array<i32>} : memref<128x32xf32, #tpu.memory_space<vmem>>, vector<1x16xf32>,
      %add3A_293 = arith.constant 5 : i32
      %add3A_294 = arith.addi %mul3A_194, %add3A_293 : i32
      %get3A_295 = arith.index_cast %add3A_294 : i32 to index
      %get3A_296 = arith.constant 0 : index
      %get3A_297 = tpu.vector_load %arg9[%get3A_295, %get3A_296] {strides = array<i32>} : memref<128x32xf32, #tpu.memory_space<vmem>>, vector<1x16xf32>,
      %get3A_298 = vector.shape_cast %get3A_297 : vector<1x16xf32> to vector<16xf32>
      %swap3A_299 = arith.index_cast %add3A_294 : i32 to index
      %swap3A_300 = arith.constant 0 : index
      %swap3A_301 = tpu.vector_load %arg14[%swap3A_299, %swap3A_300] {strides = array<i32>} : memref<128x32xf32, #tpu.memory_space<vmem>>, vector<1x16xf32>,
      %swap3A_302 = vector.shape_cast %swap3A_301 : vector<1x16xf32> to vector<16xf32>
      %swap3A_303 = vector.shape_cast %get3A_298 : vector<16xf32> to vector<1x16xf32>
      tpu.vector_store %arg14[%swap3A_299, %swap3A_300], %swap3A_303 {add = true, strides = array<i32>} : memref<128x32xf32, #tpu.memory_space<vmem>>, vector<1x16xf32>,
      %get3A_304 = arith.index_cast %add3A_294 : i32 to index
      %get3A_305 = arith.constant 16 : index
      %get3A_306 = tpu.vector_load %arg9[%get3A_304, %get3A_305] {strides = array<i32>} : memref<128x32xf32, #tpu.memory_space<vmem>>, vector<1x16xf32>,
      %get3A_307 = vector.shape_cast %get3A_306 : vector<1x16xf32> to vector<16xf32>
      %swap3A_308 = arith.index_cast %add3A_294 : i32 to index
      %swap3A_309 = arith.constant 16 : index
      %swap3A_310 = tpu.vector_load %arg14[%swap3A_308, %swap3A_309] {strides = array<i32>} : memref<128x32xf32, #tpu.memory_space<vmem>>, vector<1x16xf32>,
      %swap3A_311 = vector.shape_cast %swap3A_310 : vector<1x16xf32> to vector<16xf32>
      %swap3A_312 = vector.shape_cast %get3A_307 : vector<16xf32> to vector<1x16xf32>
      tpu.vector_store %arg14[%swap3A_308, %swap3A_309], %swap3A_312 {add = true, strides = array<i32>} : memref<128x32xf32, #tpu.memory_space<vmem>>, vector<1x16xf32>,
      %add3A_313 = arith.constant 6 : i32
      %add3A_314 = arith.addi %mul3A_194, %add3A_313 : i32
      %get3A_315 = arith.index_cast %add3A_314 : i32 to index
      %get3A_316 = arith.constant 0 : index
      %get3A_317 = tpu.vector_load %arg9[%get3A_315, %get3A_316] {strides = array<i32>} : memref<128x32xf32, #tpu.memory_space<vmem>>, vector<1x16xf32>,
      %get3A_318 = vector.shape_cast %get3A_317 : vector<1x16xf32> to vector<16xf32>
      %swap3A_319 = arith.index_cast %add3A_314 : i32 to index
      %swap3A_320 = arith.constant 0 : index
      %swap3A_321 = tpu.vector_load %arg14[%swap3A_319, %swap3A_320] {strides = array<i32>} : memref<128x32xf32, #tpu.memory_space<vmem>>, vector<1x16xf32>,
      %swap3A_322 = vector.shape_cast %swap3A_321 : vector<1x16xf32> to vector<16xf32>
      %swap3A_323 = vector.shape_cast %get3A_318 : vector<16xf32> to vector<1x16xf32>
      tpu.vector_store %arg14[%swap3A_319, %swap3A_320], %swap3A_323 {add = true, strides = array<i32>} : memref<128x32xf32, #tpu.memory_space<vmem>>, vector<1x16xf32>,
      %get3A_324 = arith.index_cast %add3A_314 : i32 to index
      %get3A_325 = arith.constant 16 : index
      %get3A_326 = tpu.vector_load %arg9[%get3A_324, %get3A_325] {strides = array<i32>} : memref<128x32xf32, #tpu.memory_space<vmem>>, vector<1x16xf32>,
      %get3A_327 = vector.shape_cast %get3A_326 : vector<1x16xf32> to vector<16xf32>
      %swap3A_328 = arith.index_cast %add3A_314 : i32 to index
      %swap3A_329 = arith.constant 16 : index
      %swap3A_330 = tpu.vector_load %arg14[%swap3A_328, %swap3A_329] {strides = array<i32>} : memref<128x32xf32, #tpu.memory_space<vmem>>, vector<1x16xf32>,
      %swap3A_331 = vector.shape_cast %swap3A_330 : vector<1x16xf32> to vector<16xf32>
      %swap3A_332 = vector.shape_cast %get3A_327 : vector<16xf32> to vector<1x16xf32>
      tpu.vector_store %arg14[%swap3A_328, %swap3A_329], %swap3A_332 {add = true, strides = array<i32>} : memref<128x32xf32, #tpu.memory_space<vmem>>, vector<1x16xf32>,
      %add3A_333 = arith.constant 7 : i32
      %add3A_334 = arith.addi %mul3A_194, %add3A_333 : i32
      %get3A_335 = arith.index_cast %add3A_334 : i32 to index
      %get3A_336 = arith.constant 0 : index
      %get3A_337 = tpu.vector_load %arg9[%get3A_335, %get3A_336] {strides = array<i32>} : memref<128x32xf32, #tpu.memory_space<vmem>>, vector<1x16xf32>,
      %get3A_338 = vector.shape_cast %get3A_337 : vector<1x16xf32> to vector<16xf32>
      %swap3A_339 = arith.index_cast %add3A_334 : i32 to index
      %swap3A_340 = arith.constant 0 : index
      %swap3A_341 = tpu.vector_load %arg14[%swap3A_339, %swap3A_340] {strides = array<i32>} : memref<128x32xf32, #tpu.memory_space<vmem>>, vector<1x16xf32>,
      %swap3A_342 = vector.shape_cast %swap3A_341 : vector<1x16xf32> to vector<16xf32>
      %swap3A_343 = vector.shape_cast %get3A_338 : vector<16xf32> to vector<1x16xf32>
      tpu.vector_store %arg14[%swap3A_339, %swap3A_340], %swap3A_343 {add = true, strides = array<i32>} : memref<128x32xf32, #tpu.memory_space<vmem>>, vector<1x16xf32>,
      %get3A_344 = arith.index_cast %add3A_334 : i32 to index
      %get3A_345 = arith.constant 16 : index
      %get3A_346 = tpu.vector_load %arg9[%get3A_344, %get3A_345] {strides = array<i32>} : memref<128x32xf32, #tpu.memory_space<vmem>>, vector<1x16xf32>,
      %get3A_347 = vector.shape_cast %get3A_346 : vector<1x16xf32> to vector<16xf32>
      %swap3A_348 = arith.index_cast %add3A_334 : i32 to index
      %swap3A_349 = arith.constant 16 : index
      %swap3A_350 = tpu.vector_load %arg14[%swap3A_348, %swap3A_349] {strides = array<i32>} : memref<128x32xf32, #tpu.memory_space<vmem>>, vector<1x16xf32>,
      %swap3A_351 = vector.shape_cast %swap3A_350 : vector<1x16xf32> to vector<16xf32>
      %swap3A_352 = vector.shape_cast %get3A_347 : vector<16xf32> to vector<1x16xf32>
      tpu.vector_store %arg14[%swap3A_348, %swap3A_349], %swap3A_352 {add = true, strides = array<i32>} : memref<128x32xf32, #tpu.memory_space<vmem>>, vector<1x16xf32>,
      %scan3A_353 = arith.constant 0 : i32
      scf.yield %scan3A_353 : i32
    }
    %scan3A_136 = arith.constant 16 : i32
    %dma_wait3A_137 = arith.constant 0 : i32
    %dma_wait3A_138 = arith.constant 0 : i32
    %dma_wait3A_139 = tpu.memref_slice %arg3[%dma_wait3A_137, %dma_wait3A_138] : memref<1000000x32xf32, #tpu.memory_space<hbm>> -> memref<128x32xf32, #tpu.memory_space<hbm>>
    %dma_wait3A_140 = arith.constant 0 : i32
    %dma_wait3A_141 = arith.constant 0 : i32
    %dma_wait3A_142 = tpu.memref_slice %arg3[%dma_wait3A_140, %dma_wait3A_141] : memref<1000000x32xf32, #tpu.memory_space<hbm>> -> memref<128x32xf32, #tpu.memory_space<hbm>>
    tpu.wait_dma2 semaphore(%arg20 : memref<!tpu.dma_semaphore, #tpu.memory_space<semaphore_mem>>) src(%dma_wait3A_142 : memref<128x32xf32, #tpu.memory_space<hbm>>) dst(%arg10 : memref<128x32xf32, #tpu.memory_space<vmem>>)
    %scan3A_143 = arith.constant 0 : i32
    %scan3A_144 = arith.constant 0 : i32
    %scan3A_145 = arith.constant 16 : i32
    %scan3A_146 = arith.addi %scan3A_144, %scan3A_145 : i32
    %scan3A_147 = arith.constant 1 : i32
    %scan3A_148 = scf.for %scan3A_191 = %scan3A_144 to %scan3A_146 step %scan3A_147 iter_args(%scan3A_192 = %scan3A_143) -> (i32)  : i32 {
      %mul3A_193 = arith.constant 8 : i32
      %mul3A_194 = arith.muli %scan3A_191, %mul3A_193 : i32
      %add3A_195 = arith.constant 0 : i32
      %add3A_196 = arith.addi %mul3A_194, %add3A_195 : i32
      %get3A = arith.index_cast %add3A_196 : i32 to index
      %get3A_197 = arith.constant 0 : index
      %get3A_198 = tpu.vector_load %arg10[%get3A, %get3A_197] {strides = array<i32>} : memref<128x32xf32, #tpu.memory_space<vmem>>, vector<1x16xf32>,
      %get3A_199 = vector.shape_cast %get3A_198 : vector<1x16xf32> to vector<16xf32>
      %swap3A = arith.index_cast %add3A_196 : i32 to index
      %swap3A_200 = arith.constant 0 : index
      %swap3A_201 = tpu.vector_load %arg14[%swap3A, %swap3A_200] {strides = array<i32>} : memref<128x32xf32, #tpu.memory_space<vmem>>, vector<1x16xf32>,
      %swap3A_202 = vector.shape_cast %swap3A_201 : vector<1x16xf32> to vector<16xf32>
      %swap3A_203 = vector.shape_cast %get3A_199 : vector<16xf32> to vector<1x16xf32>
      tpu.vector_store %arg14[%swap3A, %swap3A_200], %swap3A_203 {add = true, strides = array<i32>} : memref<128x32xf32, #tpu.memory_space<vmem>>, vector<1x16xf32>,
      %get3A_204 = arith.index_cast %add3A_196 : i32 to index
      %get3A_205 = arith.constant 16 : index
      %get3A_206 = tpu.vector_load %arg10[%get3A_204, %get3A_205] {strides = array<i32>} : memref<128x32xf32, #tpu.memory_space<vmem>>, vector<1x16xf32>,
      %get3A_207 = vector.shape_cast %get3A_206 : vector<1x16xf32> to vector<16xf32>
      %swap3A_208 = arith.index_cast %add3A_196 : i32 to index
      %swap3A_209 = arith.constant 16 : index
      %swap3A_210 = tpu.vector_load %arg14[%swap3A_208, %swap3A_209] {strides = array<i32>} : memref<128x32xf32, #tpu.memory_space<vmem>>, vector<1x16xf32>,
      %swap3A_211 = vector.shape_cast %swap3A_210 : vector<1x16xf32> to vector<16xf32>
      %swap3A_212 = vector.shape_cast %get3A_207 : vector<16xf32> to vector<1x16xf32>
      tpu.vector_store %arg14[%swap3A_208, %swap3A_209], %swap3A_212 {add = true, strides = array<i32>} : memref<128x32xf32, #tpu.memory_space<vmem>>, vector<1x16xf32>,
      %add3A_213 = arith.constant 1 : i32
      %add3A_214 = arith.addi %mul3A_194, %add3A_213 : i32
      %get3A_215 = arith.index_cast %add3A_214 : i32 to index
      %get3A_216 = arith.constant 0 : index
      %get3A_217 = tpu.vector_load %arg10[%get3A_215, %get3A_216] {strides = array<i32>} : memref<128x32xf32, #tpu.memory_space<vmem>>, vector<1x16xf32>,
      %get3A_218 = vector.shape_cast %get3A_217 : vector<1x16xf32> to vector<16xf32>
      %swap3A_219 = arith.index_cast %add3A_214 : i32 to index
      %swap3A_220 = arith.constant 0 : index
      %swap3A_221 = tpu.vector_load %arg14[%swap3A_219, %swap3A_220] {strides = array<i32>} : memref<128x32xf32, #tpu.memory_space<vmem>>, vector<1x16xf32>,
      %swap3A_222 = vector.shape_cast %swap3A_221 : vector<1x16xf32> to vector<16xf32>
      %swap3A_223 = vector.shape_cast %get3A_218 : vector<16xf32> to vector<1x16xf32>
      tpu.vector_store %arg14[%swap3A_219, %swap3A_220], %swap3A_223 {add = true, strides = array<i32>} : memref<128x32xf32, #tpu.memory_space<vmem>>, vector<1x16xf32>,
      %get3A_224 = arith.index_cast %add3A_214 : i32 to index
      %get3A_225 = arith.constant 16 : index
      %get3A_226 = tpu.vector_load %arg10[%get3A_224, %get3A_225] {strides = array<i32>} : memref<128x32xf32, #tpu.memory_space<vmem>>, vector<1x16xf32>,
      %get3A_227 = vector.shape_cast %get3A_226 : vector<1x16xf32> to vector<16xf32>
      %swap3A_228 = arith.index_cast %add3A_214 : i32 to index
      %swap3A_229 = arith.constant 16 : index
      %swap3A_230 = tpu.vector_load %arg14[%swap3A_228, %swap3A_229] {strides = array<i32>} : memref<128x32xf32, #tpu.memory_space<vmem>>, vector<1x16xf32>,
      %swap3A_231 = vector.shape_cast %swap3A_230 : vector<1x16xf32> to vector<16xf32>
      %swap3A_232 = vector.shape_cast %get3A_227 : vector<16xf32> to vector<1x16xf32>
      tpu.vector_store %arg14[%swap3A_228, %swap3A_229], %swap3A_232 {add = true, strides = array<i32>} : memref<128x32xf32, #tpu.memory_space<vmem>>, vector<1x16xf32>,
      %add3A_233 = arith.constant 2 : i32
      %add3A_234 = arith.addi %mul3A_194, %add3A_233 : i32
      %get3A_235 = arith.index_cast %add3A_234 : i32 to index
      %get3A_236 = arith.constant 0 : index
      %get3A_237 = tpu.vector_load %arg10[%get3A_235, %get3A_236] {strides = array<i32>} : memref<128x32xf32, #tpu.memory_space<vmem>>, vector<1x16xf32>,
      %get3A_238 = vector.shape_cast %get3A_237 : vector<1x16xf32> to vector<16xf32>
      %swap3A_239 = arith.index_cast %add3A_234 : i32 to index
      %swap3A_240 = arith.constant 0 : index
      %swap3A_241 = tpu.vector_load %arg14[%swap3A_239, %swap3A_240] {strides = array<i32>} : memref<128x32xf32, #tpu.memory_space<vmem>>, vector<1x16xf32>,
      %swap3A_242 = vector.shape_cast %swap3A_241 : vector<1x16xf32> to vector<16xf32>
      %swap3A_243 = vector.shape_cast %get3A_238 : vector<16xf32> to vector<1x16xf32>
      tpu.vector_store %arg14[%swap3A_239, %swap3A_240], %swap3A_243 {add = true, strides = array<i32>} : memref<128x32xf32, #tpu.memory_space<vmem>>, vector<1x16xf32>,
      %get3A_244 = arith.index_cast %add3A_234 : i32 to index
      %get3A_245 = arith.constant 16 : index
      %get3A_246 = tpu.vector_load %arg10[%get3A_244, %get3A_245] {strides = array<i32>} : memref<128x32xf32, #tpu.memory_space<vmem>>, vector<1x16xf32>,
      %get3A_247 = vector.shape_cast %get3A_246 : vector<1x16xf32> to vector<16xf32>
      %swap3A_248 = arith.index_cast %add3A_234 : i32 to index
      %swap3A_249 = arith.constant 16 : index
      %swap3A_250 = tpu.vector_load %arg14[%swap3A_248, %swap3A_249] {strides = array<i32>} : memref<128x32xf32, #tpu.memory_space<vmem>>, vector<1x16xf32>,
      %swap3A_251 = vector.shape_cast %swap3A_250 : vector<1x16xf32> to vector<16xf32>
      %swap3A_252 = vector.shape_cast %get3A_247 : vector<16xf32> to vector<1x16xf32>
      tpu.vector_store %arg14[%swap3A_248, %swap3A_249], %swap3A_252 {add = true, strides = array<i32>} : memref<128x32xf32, #tpu.memory_space<vmem>>, vector<1x16xf32>,
      %add3A_253 = arith.constant 3 : i32
      %add3A_254 = arith.addi %mul3A_194, %add3A_253 : i32
      %get3A_255 = arith.index_cast %add3A_254 : i32 to index
      %get3A_256 = arith.constant 0 : index
      %get3A_257 = tpu.vector_load %arg10[%get3A_255, %get3A_256] {strides = array<i32>} : memref<128x32xf32, #tpu.memory_space<vmem>>, vector<1x16xf32>,
      %get3A_258 = vector.shape_cast %get3A_257 : vector<1x16xf32> to vector<16xf32>
      %swap3A_259 = arith.index_cast %add3A_254 : i32 to index
      %swap3A_260 = arith.constant 0 : index
      %swap3A_261 = tpu.vector_load %arg14[%swap3A_259, %swap3A_260] {strides = array<i32>} : memref<128x32xf32, #tpu.memory_space<vmem>>, vector<1x16xf32>,
      %swap3A_262 = vector.shape_cast %swap3A_261 : vector<1x16xf32> to vector<16xf32>
      %swap3A_263 = vector.shape_cast %get3A_258 : vector<16xf32> to vector<1x16xf32>
      tpu.vector_store %arg14[%swap3A_259, %swap3A_260], %swap3A_263 {add = true, strides = array<i32>} : memref<128x32xf32, #tpu.memory_space<vmem>>, vector<1x16xf32>,
      %get3A_264 = arith.index_cast %add3A_254 : i32 to index
      %get3A_265 = arith.constant 16 : index
      %get3A_266 = tpu.vector_load %arg10[%get3A_264, %get3A_265] {strides = array<i32>} : memref<128x32xf32, #tpu.memory_space<vmem>>, vector<1x16xf32>,
      %get3A_267 = vector.shape_cast %get3A_266 : vector<1x16xf32> to vector<16xf32>
      %swap3A_268 = arith.index_cast %add3A_254 : i32 to index
      %swap3A_269 = arith.constant 16 : index
      %swap3A_270 = tpu.vector_load %arg14[%swap3A_268, %swap3A_269] {strides = array<i32>} : memref<128x32xf32, #tpu.memory_space<vmem>>, vector<1x16xf32>,
      %swap3A_271 = vector.shape_cast %swap3A_270 : vector<1x16xf32> to vector<16xf32>
      %swap3A_272 = vector.shape_cast %get3A_267 : vector<16xf32> to vector<1x16xf32>
      tpu.vector_store %arg14[%swap3A_268, %swap3A_269], %swap3A_272 {add = true, strides = array<i32>} : memref<128x32xf32, #tpu.memory_space<vmem>>, vector<1x16xf32>,
      %add3A_273 = arith.constant 4 : i32
      %add3A_274 = arith.addi %mul3A_194, %add3A_273 : i32
      %get3A_275 = arith.index_cast %add3A_274 : i32 to index
      %get3A_276 = arith.constant 0 : index
      %get3A_277 = tpu.vector_load %arg10[%get3A_275, %get3A_276] {strides = array<i32>} : memref<128x32xf32, #tpu.memory_space<vmem>>, vector<1x16xf32>,
      %get3A_278 = vector.shape_cast %get3A_277 : vector<1x16xf32> to vector<16xf32>
      %swap3A_279 = arith.index_cast %add3A_274 : i32 to index
      %swap3A_280 = arith.constant 0 : index
      %swap3A_281 = tpu.vector_load %arg14[%swap3A_279, %swap3A_280] {strides = array<i32>} : memref<128x32xf32, #tpu.memory_space<vmem>>, vector<1x16xf32>,
      %swap3A_282 = vector.shape_cast %swap3A_281 : vector<1x16xf32> to vector<16xf32>
      %swap3A_283 = vector.shape_cast %get3A_278 : vector<16xf32> to vector<1x16xf32>
      tpu.vector_store %arg14[%swap3A_279, %swap3A_280], %swap3A_283 {add = true, strides = array<i32>} : memref<128x32xf32, #tpu.memory_space<vmem>>, vector<1x16xf32>,
      %get3A_284 = arith.index_cast %add3A_274 : i32 to index
      %get3A_285 = arith.constant 16 : index
      %get3A_286 = tpu.vector_load %arg10[%get3A_284, %get3A_285] {strides = array<i32>} : memref<128x32xf32, #tpu.memory_space<vmem>>, vector<1x16xf32>,
      %get3A_287 = vector.shape_cast %get3A_286 : vector<1x16xf32> to vector<16xf32>
      %swap3A_288 = arith.index_cast %add3A_274 : i32 to index
      %swap3A_289 = arith.constant 16 : index
      %swap3A_290 = tpu.vector_load %arg14[%swap3A_288, %swap3A_289] {strides = array<i32>} : memref<128x32xf32, #tpu.memory_space<vmem>>, vector<1x16xf32>,
      %swap3A_291 = vector.shape_cast %swap3A_290 : vector<1x16xf32> to vector<16xf32>
      %swap3A_292 = vector.shape_cast %get3A_287 : vector<16xf32> to vector<1x16xf32>
      tpu.vector_store %arg14[%swap3A_288, %swap3A_289], %swap3A_292 {add = true, strides = array<i32>} : memref<128x32xf32, #tpu.memory_space<vmem>>, vector<1x16xf32>,
      %add3A_293 = arith.constant 5 : i32
      %add3A_294 = arith.addi %mul3A_194, %add3A_293 : i32
      %get3A_295 = arith.index_cast %add3A_294 : i32 to index
      %get3A_296 = arith.constant 0 : index
      %get3A_297 = tpu.vector_load %arg10[%get3A_295, %get3A_296] {strides = array<i32>} : memref<128x32xf32, #tpu.memory_space<vmem>>, vector<1x16xf32>,
      %get3A_298 = vector.shape_cast %get3A_297 : vector<1x16xf32> to vector<16xf32>
      %swap3A_299 = arith.index_cast %add3A_294 : i32 to index
      %swap3A_300 = arith.constant 0 : index
      %swap3A_301 = tpu.vector_load %arg14[%swap3A_299, %swap3A_300] {strides = array<i32>} : memref<128x32xf32, #tpu.memory_space<vmem>>, vector<1x16xf32>,
      %swap3A_302 = vector.shape_cast %swap3A_301 : vector<1x16xf32> to vector<16xf32>
      %swap3A_303 = vector.shape_cast %get3A_298 : vector<16xf32> to vector<1x16xf32>
      tpu.vector_store %arg14[%swap3A_299, %swap3A_300], %swap3A_303 {add = true, strides = array<i32>} : memref<128x32xf32, #tpu.memory_space<vmem>>, vector<1x16xf32>,
      %get3A_304 = arith.index_cast %add3A_294 : i32 to index
      %get3A_305 = arith.constant 16 : index
      %get3A_306 = tpu.vector_load %arg10[%get3A_304, %get3A_305] {strides = array<i32>} : memref<128x32xf32, #tpu.memory_space<vmem>>, vector<1x16xf32>,
      %get3A_307 = vector.shape_cast %get3A_306 : vector<1x16xf32> to vector<16xf32>
      %swap3A_308 = arith.index_cast %add3A_294 : i32 to index
      %swap3A_309 = arith.constant 16 : index
      %swap3A_310 = tpu.vector_load %arg14[%swap3A_308, %swap3A_309] {strides = array<i32>} : memref<128x32xf32, #tpu.memory_space<vmem>>, vector<1x16xf32>,
      %swap3A_311 = vector.shape_cast %swap3A_310 : vector<1x16xf32> to vector<16xf32>
      %swap3A_312 = vector.shape_cast %get3A_307 : vector<16xf32> to vector<1x16xf32>
      tpu.vector_store %arg14[%swap3A_308, %swap3A_309], %swap3A_312 {add = true, strides = array<i32>} : memref<128x32xf32, #tpu.memory_space<vmem>>, vector<1x16xf32>,
      %add3A_313 = arith.constant 6 : i32
      %add3A_314 = arith.addi %mul3A_194, %add3A_313 : i32
      %get3A_315 = arith.index_cast %add3A_314 : i32 to index
      %get3A_316 = arith.constant 0 : index
      %get3A_317 = tpu.vector_load %arg10[%get3A_315, %get3A_316] {strides = array<i32>} : memref<128x32xf32, #tpu.memory_space<vmem>>, vector<1x16xf32>,
      %get3A_318 = vector.shape_cast %get3A_317 : vector<1x16xf32> to vector<16xf32>
      %swap3A_319 = arith.index_cast %add3A_314 : i32 to index
      %swap3A_320 = arith.constant 0 : index
      %swap3A_321 = tpu.vector_load %arg14[%swap3A_319, %swap3A_320] {strides = array<i32>} : memref<128x32xf32, #tpu.memory_space<vmem>>, vector<1x16xf32>,
      %swap3A_322 = vector.shape_cast %swap3A_321 : vector<1x16xf32> to vector<16xf32>
      %swap3A_323 = vector.shape_cast %get3A_318 : vector<16xf32> to vector<1x16xf32>
      tpu.vector_store %arg14[%swap3A_319, %swap3A_320], %swap3A_323 {add = true, strides = array<i32>} : memref<128x32xf32, #tpu.memory_space<vmem>>, vector<1x16xf32>,
      %get3A_324 = arith.index_cast %add3A_314 : i32 to index
      %get3A_325 = arith.constant 16 : index
      %get3A_326 = tpu.vector_load %arg10[%get3A_324, %get3A_325] {strides = array<i32>} : memref<128x32xf32, #tpu.memory_space<vmem>>, vector<1x16xf32>,
      %get3A_327 = vector.shape_cast %get3A_326 : vector<1x16xf32> to vector<16xf32>
      %swap3A_328 = arith.index_cast %add3A_314 : i32 to index
      %swap3A_329 = arith.constant 16 : index
      %swap3A_330 = tpu.vector_load %arg14[%swap3A_328, %swap3A_329] {strides = array<i32>} : memref<128x32xf32, #tpu.memory_space<vmem>>, vector<1x16xf32>,
      %swap3A_331 = vector.shape_cast %swap3A_330 : vector<1x16xf32> to vector<16xf32>
      %swap3A_332 = vector.shape_cast %get3A_327 : vector<16xf32> to vector<1x16xf32>
      tpu.vector_store %arg14[%swap3A_328, %swap3A_329], %swap3A_332 {add = true, strides = array<i32>} : memref<128x32xf32, #tpu.memory_space<vmem>>, vector<1x16xf32>,
      %add3A_333 = arith.constant 7 : i32
      %add3A_334 = arith.addi %mul3A_194, %add3A_333 : i32
      %get3A_335 = arith.index_cast %add3A_334 : i32 to index
      %get3A_336 = arith.constant 0 : index
      %get3A_337 = tpu.vector_load %arg10[%get3A_335, %get3A_336] {strides = array<i32>} : memref<128x32xf32, #tpu.memory_space<vmem>>, vector<1x16xf32>,
      %get3A_338 = vector.shape_cast %get3A_337 : vector<1x16xf32> to vector<16xf32>
      %swap3A_339 = arith.index_cast %add3A_334 : i32 to index
      %swap3A_340 = arith.constant 0 : index
      %swap3A_341 = tpu.vector_load %arg14[%swap3A_339, %swap3A_340] {strides = array<i32>} : memref<128x32xf32, #tpu.memory_space<vmem>>, vector<1x16xf32>,
      %swap3A_342 = vector.shape_cast %swap3A_341 : vector<1x16xf32> to vector<16xf32>
      %swap3A_343 = vector.shape_cast %get3A_338 : vector<16xf32> to vector<1x16xf32>
      tpu.vector_store %arg14[%swap3A_339, %swap3A_340], %swap3A_343 {add = true, strides = array<i32>} : memref<128x32xf32, #tpu.memory_space<vmem>>, vector<1x16xf32>,
      %get3A_344 = arith.index_cast %add3A_334 : i32 to index
      %get3A_345 = arith.constant 16 : index
      %get3A_346 = tpu.vector_load %arg10[%get3A_344, %get3A_345] {strides = array<i32>} : memref<128x32xf32, #tpu.memory_space<vmem>>, vector<1x16xf32>,
      %get3A_347 = vector.shape_cast %get3A_346 : vector<1x16xf32> to vector<16xf32>
      %swap3A_348 = arith.index_cast %add3A_334 : i32 to index
      %swap3A_349 = arith.constant 16 : index
      %swap3A_350 = tpu.vector_load %arg14[%swap3A_348, %swap3A_349] {strides = array<i32>} : memref<128x32xf32, #tpu.memory_space<vmem>>, vector<1x16xf32>,
      %swap3A_351 = vector.shape_cast %swap3A_350 : vector<1x16xf32> to vector<16xf32>
      %swap3A_352 = vector.shape_cast %get3A_347 : vector<16xf32> to vector<1x16xf32>
      tpu.vector_store %arg14[%swap3A_348, %swap3A_349], %swap3A_352 {add = true, strides = array<i32>} : memref<128x32xf32, #tpu.memory_space<vmem>>, vector<1x16xf32>,
      %scan3A_353 = arith.constant 0 : i32
      scf.yield %scan3A_353 : i32
    }
    %scan3A_149 = arith.constant 16 : i32
    %dma_wait3A_150 = arith.constant 0 : i32
    %dma_wait3A_151 = arith.constant 0 : i32
    %dma_wait3A_152 = tpu.memref_slice %arg3[%dma_wait3A_150, %dma_wait3A_151] : memref<1000000x32xf32, #tpu.memory_space<hbm>> -> memref<128x32xf32, #tpu.memory_space<hbm>>
    %dma_wait3A_153 = arith.constant 0 : i32
    %dma_wait3A_154 = arith.constant 0 : i32
    %dma_wait3A_155 = tpu.memref_slice %arg3[%dma_wait3A_153, %dma_wait3A_154] : memref<1000000x32xf32, #tpu.memory_space<hbm>> -> memref<128x32xf32, #tpu.memory_space<hbm>>
    tpu.wait_dma2 semaphore(%arg21 : memref<!tpu.dma_semaphore, #tpu.memory_space<semaphore_mem>>) src(%dma_wait3A_155 : memref<128x32xf32, #tpu.memory_space<hbm>>) dst(%arg11 : memref<128x32xf32, #tpu.memory_space<vmem>>)
    %scan3A_156 = arith.constant 0 : i32
    %scan3A_157 = arith.constant 0 : i32
    %scan3A_158 = arith.constant 16 : i32
    %scan3A_159 = arith.addi %scan3A_157, %scan3A_158 : i32
    %scan3A_160 = arith.constant 1 : i32
    %scan3A_161 = scf.for %scan3A_191 = %scan3A_157 to %scan3A_159 step %scan3A_160 iter_args(%scan3A_192 = %scan3A_156) -> (i32)  : i32 {
      %mul3A_193 = arith.constant 8 : i32
      %mul3A_194 = arith.muli %scan3A_191, %mul3A_193 : i32
      %add3A_195 = arith.constant 0 : i32
      %add3A_196 = arith.addi %mul3A_194, %add3A_195 : i32
      %get3A = arith.index_cast %add3A_196 : i32 to index
      %get3A_197 = arith.constant 0 : index
      %get3A_198 = tpu.vector_load %arg11[%get3A, %get3A_197] {strides = array<i32>} : memref<128x32xf32, #tpu.memory_space<vmem>>, vector<1x16xf32>,
      %get3A_199 = vector.shape_cast %get3A_198 : vector<1x16xf32> to vector<16xf32>
      %swap3A = arith.index_cast %add3A_196 : i32 to index
      %swap3A_200 = arith.constant 0 : index
      %swap3A_201 = tpu.vector_load %arg14[%swap3A, %swap3A_200] {strides = array<i32>} : memref<128x32xf32, #tpu.memory_space<vmem>>, vector<1x16xf32>,
      %swap3A_202 = vector.shape_cast %swap3A_201 : vector<1x16xf32> to vector<16xf32>
      %swap3A_203 = vector.shape_cast %get3A_199 : vector<16xf32> to vector<1x16xf32>
      tpu.vector_store %arg14[%swap3A, %swap3A_200], %swap3A_203 {add = true, strides = array<i32>} : memref<128x32xf32, #tpu.memory_space<vmem>>, vector<1x16xf32>,
      %get3A_204 = arith.index_cast %add3A_196 : i32 to index
      %get3A_205 = arith.constant 16 : index
      %get3A_206 = tpu.vector_load %arg11[%get3A_204, %get3A_205] {strides = array<i32>} : memref<128x32xf32, #tpu.memory_space<vmem>>, vector<1x16xf32>,
      %get3A_207 = vector.shape_cast %get3A_206 : vector<1x16xf32> to vector<16xf32>
      %swap3A_208 = arith.index_cast %add3A_196 : i32 to index
      %swap3A_209 = arith.constant 16 : index
      %swap3A_210 = tpu.vector_load %arg14[%swap3A_208, %swap3A_209] {strides = array<i32>} : memref<128x32xf32, #tpu.memory_space<vmem>>, vector<1x16xf32>,
      %swap3A_211 = vector.shape_cast %swap3A_210 : vector<1x16xf32> to vector<16xf32>
      %swap3A_212 = vector.shape_cast %get3A_207 : vector<16xf32> to vector<1x16xf32>
      tpu.vector_store %arg14[%swap3A_208, %swap3A_209], %swap3A_212 {add = true, strides = array<i32>} : memref<128x32xf32, #tpu.memory_space<vmem>>, vector<1x16xf32>,
      %add3A_213 = arith.constant 1 : i32
      %add3A_214 = arith.addi %mul3A_194, %add3A_213 : i32
      %get3A_215 = arith.index_cast %add3A_214 : i32 to index
      %get3A_216 = arith.constant 0 : index
      %get3A_217 = tpu.vector_load %arg11[%get3A_215, %get3A_216] {strides = array<i32>} : memref<128x32xf32, #tpu.memory_space<vmem>>, vector<1x16xf32>,
      %get3A_218 = vector.shape_cast %get3A_217 : vector<1x16xf32> to vector<16xf32>
      %swap3A_219 = arith.index_cast %add3A_214 : i32 to index
      %swap3A_220 = arith.constant 0 : index
      %swap3A_221 = tpu.vector_load %arg14[%swap3A_219, %swap3A_220] {strides = array<i32>} : memref<128x32xf32, #tpu.memory_space<vmem>>, vector<1x16xf32>,
      %swap3A_222 = vector.shape_cast %swap3A_221 : vector<1x16xf32> to vector<16xf32>
      %swap3A_223 = vector.shape_cast %get3A_218 : vector<16xf32> to vector<1x16xf32>
      tpu.vector_store %arg14[%swap3A_219, %swap3A_220], %swap3A_223 {add = true, strides = array<i32>} : memref<128x32xf32, #tpu.memory_space<vmem>>, vector<1x16xf32>,
      %get3A_224 = arith.index_cast %add3A_214 : i32 to index
      %get3A_225 = arith.constant 16 : index
      %get3A_226 = tpu.vector_load %arg11[%get3A_224, %get3A_225] {strides = array<i32>} : memref<128x32xf32, #tpu.memory_space<vmem>>, vector<1x16xf32>,
      %get3A_227 = vector.shape_cast %get3A_226 : vector<1x16xf32> to vector<16xf32>
      %swap3A_228 = arith.index_cast %add3A_214 : i32 to index
      %swap3A_229 = arith.constant 16 : index
      %swap3A_230 = tpu.vector_load %arg14[%swap3A_228, %swap3A_229] {strides = array<i32>} : memref<128x32xf32, #tpu.memory_space<vmem>>, vector<1x16xf32>,
      %swap3A_231 = vector.shape_cast %swap3A_230 : vector<1x16xf32> to vector<16xf32>
      %swap3A_232 = vector.shape_cast %get3A_227 : vector<16xf32> to vector<1x16xf32>
      tpu.vector_store %arg14[%swap3A_228, %swap3A_229], %swap3A_232 {add = true, strides = array<i32>} : memref<128x32xf32, #tpu.memory_space<vmem>>, vector<1x16xf32>,
      %add3A_233 = arith.constant 2 : i32
      %add3A_234 = arith.addi %mul3A_194, %add3A_233 : i32
      %get3A_235 = arith.index_cast %add3A_234 : i32 to index
      %get3A_236 = arith.constant 0 : index
      %get3A_237 = tpu.vector_load %arg11[%get3A_235, %get3A_236] {strides = array<i32>} : memref<128x32xf32, #tpu.memory_space<vmem>>, vector<1x16xf32>,
      %get3A_238 = vector.shape_cast %get3A_237 : vector<1x16xf32> to vector<16xf32>
      %swap3A_239 = arith.index_cast %add3A_234 : i32 to index
      %swap3A_240 = arith.constant 0 : index
      %swap3A_241 = tpu.vector_load %arg14[%swap3A_239, %swap3A_240] {strides = array<i32>} : memref<128x32xf32, #tpu.memory_space<vmem>>, vector<1x16xf32>,
      %swap3A_242 = vector.shape_cast %swap3A_241 : vector<1x16xf32> to vector<16xf32>
      %swap3A_243 = vector.shape_cast %get3A_238 : vector<16xf32> to vector<1x16xf32>
      tpu.vector_store %arg14[%swap3A_239, %swap3A_240], %swap3A_243 {add = true, strides = array<i32>} : memref<128x32xf32, #tpu.memory_space<vmem>>, vector<1x16xf32>,
      %get3A_244 = arith.index_cast %add3A_234 : i32 to index
      %get3A_245 = arith.constant 16 : index
      %get3A_246 = tpu.vector_load %arg11[%get3A_244, %get3A_245] {strides = array<i32>} : memref<128x32xf32, #tpu.memory_space<vmem>>, vector<1x16xf32>,
      %get3A_247 = vector.shape_cast %get3A_246 : vector<1x16xf32> to vector<16xf32>
      %swap3A_248 = arith.index_cast %add3A_234 : i32 to index
      %swap3A_249 = arith.constant 16 : index
      %swap3A_250 = tpu.vector_load %arg14[%swap3A_248, %swap3A_249] {strides = array<i32>} : memref<128x32xf32, #tpu.memory_space<vmem>>, vector<1x16xf32>,
      %swap3A_251 = vector.shape_cast %swap3A_250 : vector<1x16xf32> to vector<16xf32>
      %swap3A_252 = vector.shape_cast %get3A_247 : vector<16xf32> to vector<1x16xf32>
      tpu.vector_store %arg14[%swap3A_248, %swap3A_249], %swap3A_252 {add = true, strides = array<i32>} : memref<128x32xf32, #tpu.memory_space<vmem>>, vector<1x16xf32>,
      %add3A_253 = arith.constant 3 : i32
      %add3A_254 = arith.addi %mul3A_194, %add3A_253 : i32
      %get3A_255 = arith.index_cast %add3A_254 : i32 to index
      %get3A_256 = arith.constant 0 : index
      %get3A_257 = tpu.vector_load %arg11[%get3A_255, %get3A_256] {strides = array<i32>} : memref<128x32xf32, #tpu.memory_space<vmem>>, vector<1x16xf32>,
      %get3A_258 = vector.shape_cast %get3A_257 : vector<1x16xf32> to vector<16xf32>
      %swap3A_259 = arith.index_cast %add3A_254 : i32 to index
      %swap3A_260 = arith.constant 0 : index
      %swap3A_261 = tpu.vector_load %arg14[%swap3A_259, %swap3A_260] {strides = array<i32>} : memref<128x32xf32, #tpu.memory_space<vmem>>, vector<1x16xf32>,
      %swap3A_262 = vector.shape_cast %swap3A_261 : vector<1x16xf32> to vector<16xf32>
      %swap3A_263 = vector.shape_cast %get3A_258 : vector<16xf32> to vector<1x16xf32>
      tpu.vector_store %arg14[%swap3A_259, %swap3A_260], %swap3A_263 {add = true, strides = array<i32>} : memref<128x32xf32, #tpu.memory_space<vmem>>, vector<1x16xf32>,
      %get3A_264 = arith.index_cast %add3A_254 : i32 to index
      %get3A_265 = arith.constant 16 : index
      %get3A_266 = tpu.vector_load %arg11[%get3A_264, %get3A_265] {strides = array<i32>} : memref<128x32xf32, #tpu.memory_space<vmem>>, vector<1x16xf32>,
      %get3A_267 = vector.shape_cast %get3A_266 : vector<1x16xf32> to vector<16xf32>
      %swap3A_268 = arith.index_cast %add3A_254 : i32 to index
      %swap3A_269 = arith.constant 16 : index
      %swap3A_270 = tpu.vector_load %arg14[%swap3A_268, %swap3A_269] {strides = array<i32>} : memref<128x32xf32, #tpu.memory_space<vmem>>, vector<1x16xf32>,
      %swap3A_271 = vector.shape_cast %swap3A_270 : vector<1x16xf32> to vector<16xf32>
      %swap3A_272 = vector.shape_cast %get3A_267 : vector<16xf32> to vector<1x16xf32>
      tpu.vector_store %arg14[%swap3A_268, %swap3A_269], %swap3A_272 {add = true, strides = array<i32>} : memref<128x32xf32, #tpu.memory_space<vmem>>, vector<1x16xf32>,
      %add3A_273 = arith.constant 4 : i32
      %add3A_274 = arith.addi %mul3A_194, %add3A_273 : i32
      %get3A_275 = arith.index_cast %add3A_274 : i32 to index
      %get3A_276 = arith.constant 0 : index
      %get3A_277 = tpu.vector_load %arg11[%get3A_275, %get3A_276] {strides = array<i32>} : memref<128x32xf32, #tpu.memory_space<vmem>>, vector<1x16xf32>,
      %get3A_278 = vector.shape_cast %get3A_277 : vector<1x16xf32> to vector<16xf32>
      %swap3A_279 = arith.index_cast %add3A_274 : i32 to index
      %swap3A_280 = arith.constant 0 : index
      %swap3A_281 = tpu.vector_load %arg14[%swap3A_279, %swap3A_280] {strides = array<i32>} : memref<128x32xf32, #tpu.memory_space<vmem>>, vector<1x16xf32>,
      %swap3A_282 = vector.shape_cast %swap3A_281 : vector<1x16xf32> to vector<16xf32>
      %swap3A_283 = vector.shape_cast %get3A_278 : vector<16xf32> to vector<1x16xf32>
      tpu.vector_store %arg14[%swap3A_279, %swap3A_280], %swap3A_283 {add = true, strides = array<i32>} : memref<128x32xf32, #tpu.memory_space<vmem>>, vector<1x16xf32>,
      %get3A_284 = arith.index_cast %add3A_274 : i32 to index
      %get3A_285 = arith.constant 16 : index
      %get3A_286 = tpu.vector_load %arg11[%get3A_284, %get3A_285] {strides = array<i32>} : memref<128x32xf32, #tpu.memory_space<vmem>>, vector<1x16xf32>,
      %get3A_287 = vector.shape_cast %get3A_286 : vector<1x16xf32> to vector<16xf32>
      %swap3A_288 = arith.index_cast %add3A_274 : i32 to index
      %swap3A_289 = arith.constant 16 : index
      %swap3A_290 = tpu.vector_load %arg14[%swap3A_288, %swap3A_289] {strides = array<i32>} : memref<128x32xf32, #tpu.memory_space<vmem>>, vector<1x16xf32>,
      %swap3A_291 = vector.shape_cast %swap3A_290 : vector<1x16xf32> to vector<16xf32>
      %swap3A_292 = vector.shape_cast %get3A_287 : vector<16xf32> to vector<1x16xf32>
      tpu.vector_store %arg14[%swap3A_288, %swap3A_289], %swap3A_292 {add = true, strides = array<i32>} : memref<128x32xf32, #tpu.memory_space<vmem>>, vector<1x16xf32>,
      %add3A_293 = arith.constant 5 : i32
      %add3A_294 = arith.addi %mul3A_194, %add3A_293 : i32
      %get3A_295 = arith.index_cast %add3A_294 : i32 to index
      %get3A_296 = arith.constant 0 : index
      %get3A_297 = tpu.vector_load %arg11[%get3A_295, %get3A_296] {strides = array<i32>} : memref<128x32xf32, #tpu.memory_space<vmem>>, vector<1x16xf32>,
      %get3A_298 = vector.shape_cast %get3A_297 : vector<1x16xf32> to vector<16xf32>
      %swap3A_299 = arith.index_cast %add3A_294 : i32 to index
      %swap3A_300 = arith.constant 0 : index
      %swap3A_301 = tpu.vector_load %arg14[%swap3A_299, %swap3A_300] {strides = array<i32>} : memref<128x32xf32, #tpu.memory_space<vmem>>, vector<1x16xf32>,
      %swap3A_302 = vector.shape_cast %swap3A_301 : vector<1x16xf32> to vector<16xf32>
      %swap3A_303 = vector.shape_cast %get3A_298 : vector<16xf32> to vector<1x16xf32>
      tpu.vector_store %arg14[%swap3A_299, %swap3A_300], %swap3A_303 {add = true, strides = array<i32>} : memref<128x32xf32, #tpu.memory_space<vmem>>, vector<1x16xf32>,
      %get3A_304 = arith.index_cast %add3A_294 : i32 to index
      %get3A_305 = arith.constant 16 : index
      %get3A_306 = tpu.vector_load %arg11[%get3A_304, %get3A_305] {strides = array<i32>} : memref<128x32xf32, #tpu.memory_space<vmem>>, vector<1x16xf32>,
      %get3A_307 = vector.shape_cast %get3A_306 : vector<1x16xf32> to vector<16xf32>
      %swap3A_308 = arith.index_cast %add3A_294 : i32 to index
      %swap3A_309 = arith.constant 16 : index
      %swap3A_310 = tpu.vector_load %arg14[%swap3A_308, %swap3A_309] {strides = array<i32>} : memref<128x32xf32, #tpu.memory_space<vmem>>, vector<1x16xf32>,
      %swap3A_311 = vector.shape_cast %swap3A_310 : vector<1x16xf32> to vector<16xf32>
      %swap3A_312 = vector.shape_cast %get3A_307 : vector<16xf32> to vector<1x16xf32>
      tpu.vector_store %arg14[%swap3A_308, %swap3A_309], %swap3A_312 {add = true, strides = array<i32>} : memref<128x32xf32, #tpu.memory_space<vmem>>, vector<1x16xf32>,
      %add3A_313 = arith.constant 6 : i32
      %add3A_314 = arith.addi %mul3A_194, %add3A_313 : i32
      %get3A_315 = arith.index_cast %add3A_314 : i32 to index
      %get3A_316 = arith.constant 0 : index
      %get3A_317 = tpu.vector_load %arg11[%get3A_315, %get3A_316] {strides = array<i32>} : memref<128x32xf32, #tpu.memory_space<vmem>>, vector<1x16xf32>,
      %get3A_318 = vector.shape_cast %get3A_317 : vector<1x16xf32> to vector<16xf32>
      %swap3A_319 = arith.index_cast %add3A_314 : i32 to index
      %swap3A_320 = arith.constant 0 : index
      %swap3A_321 = tpu.vector_load %arg14[%swap3A_319, %swap3A_320] {strides = array<i32>} : memref<128x32xf32, #tpu.memory_space<vmem>>, vector<1x16xf32>,
      %swap3A_322 = vector.shape_cast %swap3A_321 : vector<1x16xf32> to vector<16xf32>
      %swap3A_323 = vector.shape_cast %get3A_318 : vector<16xf32> to vector<1x16xf32>
      tpu.vector_store %arg14[%swap3A_319, %swap3A_320], %swap3A_323 {add = true, strides = array<i32>} : memref<128x32xf32, #tpu.memory_space<vmem>>, vector<1x16xf32>,
      %get3A_324 = arith.index_cast %add3A_314 : i32 to index
      %get3A_325 = arith.constant 16 : index
      %get3A_326 = tpu.vector_load %arg11[%get3A_324, %get3A_325] {strides = array<i32>} : memref<128x32xf32, #tpu.memory_space<vmem>>, vector<1x16xf32>,
      %get3A_327 = vector.shape_cast %get3A_326 : vector<1x16xf32> to vector<16xf32>
      %swap3A_328 = arith.index_cast %add3A_314 : i32 to index
      %swap3A_329 = arith.constant 16 : index
      %swap3A_330 = tpu.vector_load %arg14[%swap3A_328, %swap3A_329] {strides = array<i32>} : memref<128x32xf32, #tpu.memory_space<vmem>>, vector<1x16xf32>,
      %swap3A_331 = vector.shape_cast %swap3A_330 : vector<1x16xf32> to vector<16xf32>
      %swap3A_332 = vector.shape_cast %get3A_327 : vector<16xf32> to vector<1x16xf32>
      tpu.vector_store %arg14[%swap3A_328, %swap3A_329], %swap3A_332 {add = true, strides = array<i32>} : memref<128x32xf32, #tpu.memory_space<vmem>>, vector<1x16xf32>,
      %add3A_333 = arith.constant 7 : i32
      %add3A_334 = arith.addi %mul3A_194, %add3A_333 : i32
      %get3A_335 = arith.index_cast %add3A_334 : i32 to index
      %get3A_336 = arith.constant 0 : index
      %get3A_337 = tpu.vector_load %arg11[%get3A_335, %get3A_336] {strides = array<i32>} : memref<128x32xf32, #tpu.memory_space<vmem>>, vector<1x16xf32>,
      %get3A_338 = vector.shape_cast %get3A_337 : vector<1x16xf32> to vector<16xf32>
      %swap3A_339 = arith.index_cast %add3A_334 : i32 to index
      %swap3A_340 = arith.constant 0 : index
      %swap3A_341 = tpu.vector_load %arg14[%swap3A_339, %swap3A_340] {strides = array<i32>} : memref<128x32xf32, #tpu.memory_space<vmem>>, vector<1x16xf32>,
      %swap3A_342 = vector.shape_cast %swap3A_341 : vector<1x16xf32> to vector<16xf32>
      %swap3A_343 = vector.shape_cast %get3A_338 : vector<16xf32> to vector<1x16xf32>
      tpu.vector_store %arg14[%swap3A_339, %swap3A_340], %swap3A_343 {add = true, strides = array<i32>} : memref<128x32xf32, #tpu.memory_space<vmem>>, vector<1x16xf32>,
      %get3A_344 = arith.index_cast %add3A_334 : i32 to index
      %get3A_345 = arith.constant 16 : index
      %get3A_346 = tpu.vector_load %arg11[%get3A_344, %get3A_345] {strides = array<i32>} : memref<128x32xf32, #tpu.memory_space<vmem>>, vector<1x16xf32>,
      %get3A_347 = vector.shape_cast %get3A_346 : vector<1x16xf32> to vector<16xf32>
      %swap3A_348 = arith.index_cast %add3A_334 : i32 to index
      %swap3A_349 = arith.constant 16 : index
      %swap3A_350 = tpu.vector_load %arg14[%swap3A_348, %swap3A_349] {strides = array<i32>} : memref<128x32xf32, #tpu.memory_space<vmem>>, vector<1x16xf32>,
      %swap3A_351 = vector.shape_cast %swap3A_350 : vector<1x16xf32> to vector<16xf32>
      %swap3A_352 = vector.shape_cast %get3A_347 : vector<16xf32> to vector<1x16xf32>
      tpu.vector_store %arg14[%swap3A_348, %swap3A_349], %swap3A_352 {add = true, strides = array<i32>} : memref<128x32xf32, #tpu.memory_space<vmem>>, vector<1x16xf32>,
      %scan3A_353 = arith.constant 0 : i32
      scf.yield %scan3A_353 : i32
    }
    %scan3A_162 = arith.constant 16 : i32
    %dma_wait3A_163 = arith.constant 0 : i32
    %dma_wait3A_164 = arith.constant 0 : i32
    %dma_wait3A_165 = tpu.memref_slice %arg3[%dma_wait3A_163, %dma_wait3A_164] : memref<1000000x32xf32, #tpu.memory_space<hbm>> -> memref<128x32xf32, #tpu.memory_space<hbm>>
    %dma_wait3A_166 = arith.constant 0 : i32
    %dma_wait3A_167 = arith.constant 0 : i32
    %dma_wait3A_168 = tpu.memref_slice %arg3[%dma_wait3A_166, %dma_wait3A_167] : memref<1000000x32xf32, #tpu.memory_space<hbm>> -> memref<128x32xf32, #tpu.memory_space<hbm>>
    tpu.wait_dma2 semaphore(%arg22 : memref<!tpu.dma_semaphore, #tpu.memory_space<semaphore_mem>>) src(%dma_wait3A_168 : memref<128x32xf32, #tpu.memory_space<hbm>>) dst(%arg12 : memref<128x32xf32, #tpu.memory_space<vmem>>)
    %scan3A_169 = arith.constant 0 : i32
    %scan3A_170 = arith.constant 0 : i32
    %scan3A_171 = arith.constant 16 : i32
    %scan3A_172 = arith.addi %scan3A_170, %scan3A_171 : i32
    %scan3A_173 = arith.constant 1 : i32
    %scan3A_174 = scf.for %scan3A_191 = %scan3A_170 to %scan3A_172 step %scan3A_173 iter_args(%scan3A_192 = %scan3A_169) -> (i32)  : i32 {
      %mul3A_193 = arith.constant 8 : i32
      %mul3A_194 = arith.muli %scan3A_191, %mul3A_193 : i32
      %add3A_195 = arith.constant 0 : i32
      %add3A_196 = arith.addi %mul3A_194, %add3A_195 : i32
      %get3A = arith.index_cast %add3A_196 : i32 to index
      %get3A_197 = arith.constant 0 : index
      %get3A_198 = tpu.vector_load %arg12[%get3A, %get3A_197] {strides = array<i32>} : memref<128x32xf32, #tpu.memory_space<vmem>>, vector<1x16xf32>,
      %get3A_199 = vector.shape_cast %get3A_198 : vector<1x16xf32> to vector<16xf32>
      %swap3A = arith.index_cast %add3A_196 : i32 to index
      %swap3A_200 = arith.constant 0 : index
      %swap3A_201 = tpu.vector_load %arg14[%swap3A, %swap3A_200] {strides = array<i32>} : memref<128x32xf32, #tpu.memory_space<vmem>>, vector<1x16xf32>,
      %swap3A_202 = vector.shape_cast %swap3A_201 : vector<1x16xf32> to vector<16xf32>
      %swap3A_203 = vector.shape_cast %get3A_199 : vector<16xf32> to vector<1x16xf32>
      tpu.vector_store %arg14[%swap3A, %swap3A_200], %swap3A_203 {add = true, strides = array<i32>} : memref<128x32xf32, #tpu.memory_space<vmem>>, vector<1x16xf32>,
      %get3A_204 = arith.index_cast %add3A_196 : i32 to index
      %get3A_205 = arith.constant 16 : index
      %get3A_206 = tpu.vector_load %arg12[%get3A_204, %get3A_205] {strides = array<i32>} : memref<128x32xf32, #tpu.memory_space<vmem>>, vector<1x16xf32>,
      %get3A_207 = vector.shape_cast %get3A_206 : vector<1x16xf32> to vector<16xf32>
      %swap3A_208 = arith.index_cast %add3A_196 : i32 to index
      %swap3A_209 = arith.constant 16 : index
      %swap3A_210 = tpu.vector_load %arg14[%swap3A_208, %swap3A_209] {strides = array<i32>} : memref<128x32xf32, #tpu.memory_space<vmem>>, vector<1x16xf32>,
      %swap3A_211 = vector.shape_cast %swap3A_210 : vector<1x16xf32> to vector<16xf32>
      %swap3A_212 = vector.shape_cast %get3A_207 : vector<16xf32> to vector<1x16xf32>
      tpu.vector_store %arg14[%swap3A_208, %swap3A_209], %swap3A_212 {add = true, strides = array<i32>} : memref<128x32xf32, #tpu.memory_space<vmem>>, vector<1x16xf32>,
      %add3A_213 = arith.constant 1 : i32
      %add3A_214 = arith.addi %mul3A_194, %add3A_213 : i32
      %get3A_215 = arith.index_cast %add3A_214 : i32 to index
      %get3A_216 = arith.constant 0 : index
      %get3A_217 = tpu.vector_load %arg12[%get3A_215, %get3A_216] {strides = array<i32>} : memref<128x32xf32, #tpu.memory_space<vmem>>, vector<1x16xf32>,
      %get3A_218 = vector.shape_cast %get3A_217 : vector<1x16xf32> to vector<16xf32>
      %swap3A_219 = arith.index_cast %add3A_214 : i32 to index
      %swap3A_220 = arith.constant 0 : index
      %swap3A_221 = tpu.vector_load %arg14[%swap3A_219, %swap3A_220] {strides = array<i32>} : memref<128x32xf32, #tpu.memory_space<vmem>>, vector<1x16xf32>,
      %swap3A_222 = vector.shape_cast %swap3A_221 : vector<1x16xf32> to vector<16xf32>
      %swap3A_223 = vector.shape_cast %get3A_218 : vector<16xf32> to vector<1x16xf32>
      tpu.vector_store %arg14[%swap3A_219, %swap3A_220], %swap3A_223 {add = true, strides = array<i32>} : memref<128x32xf32, #tpu.memory_space<vmem>>, vector<1x16xf32>,
      %get3A_224 = arith.index_cast %add3A_214 : i32 to index
      %get3A_225 = arith.constant 16 : index
      %get3A_226 = tpu.vector_load %arg12[%get3A_224, %get3A_225] {strides = array<i32>} : memref<128x32xf32, #tpu.memory_space<vmem>>, vector<1x16xf32>,
      %get3A_227 = vector.shape_cast %get3A_226 : vector<1x16xf32> to vector<16xf32>
      %swap3A_228 = arith.index_cast %add3A_214 : i32 to index
      %swap3A_229 = arith.constant 16 : index
      %swap3A_230 = tpu.vector_load %arg14[%swap3A_228, %swap3A_229] {strides = array<i32>} : memref<128x32xf32, #tpu.memory_space<vmem>>, vector<1x16xf32>,
      %swap3A_231 = vector.shape_cast %swap3A_230 : vector<1x16xf32> to vector<16xf32>
      %swap3A_232 = vector.shape_cast %get3A_227 : vector<16xf32> to vector<1x16xf32>
      tpu.vector_store %arg14[%swap3A_228, %swap3A_229], %swap3A_232 {add = true, strides = array<i32>} : memref<128x32xf32, #tpu.memory_space<vmem>>, vector<1x16xf32>,
      %add3A_233 = arith.constant 2 : i32
      %add3A_234 = arith.addi %mul3A_194, %add3A_233 : i32
      %get3A_235 = arith.index_cast %add3A_234 : i32 to index
      %get3A_236 = arith.constant 0 : index
      %get3A_237 = tpu.vector_load %arg12[%get3A_235, %get3A_236] {strides = array<i32>} : memref<128x32xf32, #tpu.memory_space<vmem>>, vector<1x16xf32>,
      %get3A_238 = vector.shape_cast %get3A_237 : vector<1x16xf32> to vector<16xf32>
      %swap3A_239 = arith.index_cast %add3A_234 : i32 to index
      %swap3A_240 = arith.constant 0 : index
      %swap3A_241 = tpu.vector_load %arg14[%swap3A_239, %swap3A_240] {strides = array<i32>} : memref<128x32xf32, #tpu.memory_space<vmem>>, vector<1x16xf32>,
      %swap3A_242 = vector.shape_cast %swap3A_241 : vector<1x16xf32> to vector<16xf32>
      %swap3A_243 = vector.shape_cast %get3A_238 : vector<16xf32> to vector<1x16xf32>
      tpu.vector_store %arg14[%swap3A_239, %swap3A_240], %swap3A_243 {add = true, strides = array<i32>} : memref<128x32xf32, #tpu.memory_space<vmem>>, vector<1x16xf32>,
      %get3A_244 = arith.index_cast %add3A_234 : i32 to index
      %get3A_245 = arith.constant 16 : index
      %get3A_246 = tpu.vector_load %arg12[%get3A_244, %get3A_245] {strides = array<i32>} : memref<128x32xf32, #tpu.memory_space<vmem>>, vector<1x16xf32>,
      %get3A_247 = vector.shape_cast %get3A_246 : vector<1x16xf32> to vector<16xf32>
      %swap3A_248 = arith.index_cast %add3A_234 : i32 to index
      %swap3A_249 = arith.constant 16 : index
      %swap3A_250 = tpu.vector_load %arg14[%swap3A_248, %swap3A_249] {strides = array<i32>} : memref<128x32xf32, #tpu.memory_space<vmem>>, vector<1x16xf32>,
      %swap3A_251 = vector.shape_cast %swap3A_250 : vector<1x16xf32> to vector<16xf32>
      %swap3A_252 = vector.shape_cast %get3A_247 : vector<16xf32> to vector<1x16xf32>
      tpu.vector_store %arg14[%swap3A_248, %swap3A_249], %swap3A_252 {add = true, strides = array<i32>} : memref<128x32xf32, #tpu.memory_space<vmem>>, vector<1x16xf32>,
      %add3A_253 = arith.constant 3 : i32
      %add3A_254 = arith.addi %mul3A_194, %add3A_253 : i32
      %get3A_255 = arith.index_cast %add3A_254 : i32 to index
      %get3A_256 = arith.constant 0 : index
      %get3A_257 = tpu.vector_load %arg12[%get3A_255, %get3A_256] {strides = array<i32>} : memref<128x32xf32, #tpu.memory_space<vmem>>, vector<1x16xf32>,
      %get3A_258 = vector.shape_cast %get3A_257 : vector<1x16xf32> to vector<16xf32>
      %swap3A_259 = arith.index_cast %add3A_254 : i32 to index
      %swap3A_260 = arith.constant 0 : index
      %swap3A_261 = tpu.vector_load %arg14[%swap3A_259, %swap3A_260] {strides = array<i32>} : memref<128x32xf32, #tpu.memory_space<vmem>>, vector<1x16xf32>,
      %swap3A_262 = vector.shape_cast %swap3A_261 : vector<1x16xf32> to vector<16xf32>
      %swap3A_263 = vector.shape_cast %get3A_258 : vector<16xf32> to vector<1x16xf32>
      tpu.vector_store %arg14[%swap3A_259, %swap3A_260], %swap3A_263 {add = true, strides = array<i32>} : memref<128x32xf32, #tpu.memory_space<vmem>>, vector<1x16xf32>,
      %get3A_264 = arith.index_cast %add3A_254 : i32 to index
      %get3A_265 = arith.constant 16 : index
      %get3A_266 = tpu.vector_load %arg12[%get3A_264, %get3A_265] {strides = array<i32>} : memref<128x32xf32, #tpu.memory_space<vmem>>, vector<1x16xf32>,
      %get3A_267 = vector.shape_cast %get3A_266 : vector<1x16xf32> to vector<16xf32>
      %swap3A_268 = arith.index_cast %add3A_254 : i32 to index
      %swap3A_269 = arith.constant 16 : index
      %swap3A_270 = tpu.vector_load %arg14[%swap3A_268, %swap3A_269] {strides = array<i32>} : memref<128x32xf32, #tpu.memory_space<vmem>>, vector<1x16xf32>,
      %swap3A_271 = vector.shape_cast %swap3A_270 : vector<1x16xf32> to vector<16xf32>
      %swap3A_272 = vector.shape_cast %get3A_267 : vector<16xf32> to vector<1x16xf32>
      tpu.vector_store %arg14[%swap3A_268, %swap3A_269], %swap3A_272 {add = true, strides = array<i32>} : memref<128x32xf32, #tpu.memory_space<vmem>>, vector<1x16xf32>,
      %add3A_273 = arith.constant 4 : i32
      %add3A_274 = arith.addi %mul3A_194, %add3A_273 : i32
      %get3A_275 = arith.index_cast %add3A_274 : i32 to index
      %get3A_276 = arith.constant 0 : index
      %get3A_277 = tpu.vector_load %arg12[%get3A_275, %get3A_276] {strides = array<i32>} : memref<128x32xf32, #tpu.memory_space<vmem>>, vector<1x16xf32>,
      %get3A_278 = vector.shape_cast %get3A_277 : vector<1x16xf32> to vector<16xf32>
      %swap3A_279 = arith.index_cast %add3A_274 : i32 to index
      %swap3A_280 = arith.constant 0 : index
      %swap3A_281 = tpu.vector_load %arg14[%swap3A_279, %swap3A_280] {strides = array<i32>} : memref<128x32xf32, #tpu.memory_space<vmem>>, vector<1x16xf32>,
      %swap3A_282 = vector.shape_cast %swap3A_281 : vector<1x16xf32> to vector<16xf32>
      %swap3A_283 = vector.shape_cast %get3A_278 : vector<16xf32> to vector<1x16xf32>
      tpu.vector_store %arg14[%swap3A_279, %swap3A_280], %swap3A_283 {add = true, strides = array<i32>} : memref<128x32xf32, #tpu.memory_space<vmem>>, vector<1x16xf32>,
      %get3A_284 = arith.index_cast %add3A_274 : i32 to index
      %get3A_285 = arith.constant 16 : index
      %get3A_286 = tpu.vector_load %arg12[%get3A_284, %get3A_285] {strides = array<i32>} : memref<128x32xf32, #tpu.memory_space<vmem>>, vector<1x16xf32>,
      %get3A_287 = vector.shape_cast %get3A_286 : vector<1x16xf32> to vector<16xf32>
      %swap3A_288 = arith.index_cast %add3A_274 : i32 to index
      %swap3A_289 = arith.constant 16 : index
      %swap3A_290 = tpu.vector_load %arg14[%swap3A_288, %swap3A_289] {strides = array<i32>} : memref<128x32xf32, #tpu.memory_space<vmem>>, vector<1x16xf32>,
      %swap3A_291 = vector.shape_cast %swap3A_290 : vector<1x16xf32> to vector<16xf32>
      %swap3A_292 = vector.shape_cast %get3A_287 : vector<16xf32> to vector<1x16xf32>
      tpu.vector_store %arg14[%swap3A_288, %swap3A_289], %swap3A_292 {add = true, strides = array<i32>} : memref<128x32xf32, #tpu.memory_space<vmem>>, vector<1x16xf32>,
      %add3A_293 = arith.constant 5 : i32
      %add3A_294 = arith.addi %mul3A_194, %add3A_293 : i32
      %get3A_295 = arith.index_cast %add3A_294 : i32 to index
      %get3A_296 = arith.constant 0 : index
      %get3A_297 = tpu.vector_load %arg12[%get3A_295, %get3A_296] {strides = array<i32>} : memref<128x32xf32, #tpu.memory_space<vmem>>, vector<1x16xf32>,
      %get3A_298 = vector.shape_cast %get3A_297 : vector<1x16xf32> to vector<16xf32>
      %swap3A_299 = arith.index_cast %add3A_294 : i32 to index
      %swap3A_300 = arith.constant 0 : index
      %swap3A_301 = tpu.vector_load %arg14[%swap3A_299, %swap3A_300] {strides = array<i32>} : memref<128x32xf32, #tpu.memory_space<vmem>>, vector<1x16xf32>,
      %swap3A_302 = vector.shape_cast %swap3A_301 : vector<1x16xf32> to vector<16xf32>
      %swap3A_303 = vector.shape_cast %get3A_298 : vector<16xf32> to vector<1x16xf32>
      tpu.vector_store %arg14[%swap3A_299, %swap3A_300], %swap3A_303 {add = true, strides = array<i32>} : memref<128x32xf32, #tpu.memory_space<vmem>>, vector<1x16xf32>,
      %get3A_304 = arith.index_cast %add3A_294 : i32 to index
      %get3A_305 = arith.constant 16 : index
      %get3A_306 = tpu.vector_load %arg12[%get3A_304, %get3A_305] {strides = array<i32>} : memref<128x32xf32, #tpu.memory_space<vmem>>, vector<1x16xf32>,
      %get3A_307 = vector.shape_cast %get3A_306 : vector<1x16xf32> to vector<16xf32>
      %swap3A_308 = arith.index_cast %add3A_294 : i32 to index
      %swap3A_309 = arith.constant 16 : index
      %swap3A_310 = tpu.vector_load %arg14[%swap3A_308, %swap3A_309] {strides = array<i32>} : memref<128x32xf32, #tpu.memory_space<vmem>>, vector<1x16xf32>,
      %swap3A_311 = vector.shape_cast %swap3A_310 : vector<1x16xf32> to vector<16xf32>
      %swap3A_312 = vector.shape_cast %get3A_307 : vector<16xf32> to vector<1x16xf32>
      tpu.vector_store %arg14[%swap3A_308, %swap3A_309], %swap3A_312 {add = true, strides = array<i32>} : memref<128x32xf32, #tpu.memory_space<vmem>>, vector<1x16xf32>,
      %add3A_313 = arith.constant 6 : i32
      %add3A_314 = arith.addi %mul3A_194, %add3A_313 : i32
      %get3A_315 = arith.index_cast %add3A_314 : i32 to index
      %get3A_316 = arith.constant 0 : index
      %get3A_317 = tpu.vector_load %arg12[%get3A_315, %get3A_316] {strides = array<i32>} : memref<128x32xf32, #tpu.memory_space<vmem>>, vector<1x16xf32>,
      %get3A_318 = vector.shape_cast %get3A_317 : vector<1x16xf32> to vector<16xf32>
      %swap3A_319 = arith.index_cast %add3A_314 : i32 to index
      %swap3A_320 = arith.constant 0 : index
      %swap3A_321 = tpu.vector_load %arg14[%swap3A_319, %swap3A_320] {strides = array<i32>} : memref<128x32xf32, #tpu.memory_space<vmem>>, vector<1x16xf32>,
      %swap3A_322 = vector.shape_cast %swap3A_321 : vector<1x16xf32> to vector<16xf32>
      %swap3A_323 = vector.shape_cast %get3A_318 : vector<16xf32> to vector<1x16xf32>
      tpu.vector_store %arg14[%swap3A_319, %swap3A_320], %swap3A_323 {add = true, strides = array<i32>} : memref<128x32xf32, #tpu.memory_space<vmem>>, vector<1x16xf32>,
      %get3A_324 = arith.index_cast %add3A_314 : i32 to index
      %get3A_325 = arith.constant 16 : index
      %get3A_326 = tpu.vector_load %arg12[%get3A_324, %get3A_325] {strides = array<i32>} : memref<128x32xf32, #tpu.memory_space<vmem>>, vector<1x16xf32>,
      %get3A_327 = vector.shape_cast %get3A_326 : vector<1x16xf32> to vector<16xf32>
      %swap3A_328 = arith.index_cast %add3A_314 : i32 to index
      %swap3A_329 = arith.constant 16 : index
      %swap3A_330 = tpu.vector_load %arg14[%swap3A_328, %swap3A_329] {strides = array<i32>} : memref<128x32xf32, #tpu.memory_space<vmem>>, vector<1x16xf32>,
      %swap3A_331 = vector.shape_cast %swap3A_330 : vector<1x16xf32> to vector<16xf32>
      %swap3A_332 = vector.shape_cast %get3A_327 : vector<16xf32> to vector<1x16xf32>
      tpu.vector_store %arg14[%swap3A_328, %swap3A_329], %swap3A_332 {add = true, strides = array<i32>} : memref<128x32xf32, #tpu.memory_space<vmem>>, vector<1x16xf32>,
      %add3A_333 = arith.constant 7 : i32
      %add3A_334 = arith.addi %mul3A_194, %add3A_333 : i32
      %get3A_335 = arith.index_cast %add3A_334 : i32 to index
      %get3A_336 = arith.constant 0 : index
      %get3A_337 = tpu.vector_load %arg12[%get3A_335, %get3A_336] {strides = array<i32>} : memref<128x32xf32, #tpu.memory_space<vmem>>, vector<1x16xf32>,
      %get3A_338 = vector.shape_cast %get3A_337 : vector<1x16xf32> to vector<16xf32>
      %swap3A_339 = arith.index_cast %add3A_334 : i32 to index
      %swap3A_340 = arith.constant 0 : index
      %swap3A_341 = tpu.vector_load %arg14[%swap3A_339, %swap3A_340] {strides = array<i32>} : memref<128x32xf32, #tpu.memory_space<vmem>>, vector<1x16xf32>,
      %swap3A_342 = vector.shape_cast %swap3A_341 : vector<1x16xf32> to vector<16xf32>
      %swap3A_343 = vector.shape_cast %get3A_338 : vector<16xf32> to vector<1x16xf32>
      tpu.vector_store %arg14[%swap3A_339, %swap3A_340], %swap3A_343 {add = true, strides = array<i32>} : memref<128x32xf32, #tpu.memory_space<vmem>>, vector<1x16xf32>,
      %get3A_344 = arith.index_cast %add3A_334 : i32 to index
      %get3A_345 = arith.constant 16 : index
      %get3A_346 = tpu.vector_load %arg12[%get3A_344, %get3A_345] {strides = array<i32>} : memref<128x32xf32, #tpu.memory_space<vmem>>, vector<1x16xf32>,
      %get3A_347 = vector.shape_cast %get3A_346 : vector<1x16xf32> to vector<16xf32>
      %swap3A_348 = arith.index_cast %add3A_334 : i32 to index
      %swap3A_349 = arith.constant 16 : index
      %swap3A_350 = tpu.vector_load %arg14[%swap3A_348, %swap3A_349] {strides = array<i32>} : memref<128x32xf32, #tpu.memory_space<vmem>>, vector<1x16xf32>,
      %swap3A_351 = vector.shape_cast %swap3A_350 : vector<1x16xf32> to vector<16xf32>
      %swap3A_352 = vector.shape_cast %get3A_347 : vector<16xf32> to vector<1x16xf32>
      tpu.vector_store %arg14[%swap3A_348, %swap3A_349], %swap3A_352 {add = true, strides = array<i32>} : memref<128x32xf32, #tpu.memory_space<vmem>>, vector<1x16xf32>,
      %scan3A_353 = arith.constant 0 : i32
      scf.yield %scan3A_353 : i32
    }
    %scan3A_175 = arith.constant 16 : i32
    %dma_wait3A_176 = arith.constant 0 : i32
    %dma_wait3A_177 = arith.constant 0 : i32
    %dma_wait3A_178 = tpu.memref_slice %arg3[%dma_wait3A_176, %dma_wait3A_177] : memref<1000000x32xf32, #tpu.memory_space<hbm>> -> memref<128x32xf32, #tpu.memory_space<hbm>>
    %dma_wait3A_179 = arith.constant 0 : i32
    %dma_wait3A_180 = arith.constant 0 : i32
    %dma_wait3A_181 = tpu.memref_slice %arg3[%dma_wait3A_179, %dma_wait3A_180] : memref<1000000x32xf32, #tpu.memory_space<hbm>> -> memref<128x32xf32, #tpu.memory_space<hbm>>
    tpu.wait_dma2 semaphore(%arg23 : memref<!tpu.dma_semaphore, #tpu.memory_space<semaphore_mem>>) src(%dma_wait3A_181 : memref<128x32xf32, #tpu.memory_space<hbm>>) dst(%arg13 : memref<128x32xf32, #tpu.memory_space<vmem>>)
    %scan3A_182 = arith.constant 0 : i32
    %scan3A_183 = arith.constant 0 : i32
    %scan3A_184 = arith.constant 16 : i32
    %scan3A_185 = arith.addi %scan3A_183, %scan3A_184 : i32
    %scan3A_186 = arith.constant 1 : i32
    %scan3A_187 = scf.for %scan3A_191 = %scan3A_183 to %scan3A_185 step %scan3A_186 iter_args(%scan3A_192 = %scan3A_182) -> (i32)  : i32 {
      %mul3A_193 = arith.constant 8 : i32
      %mul3A_194 = arith.muli %scan3A_191, %mul3A_193 : i32
      %add3A_195 = arith.constant 0 : i32
      %add3A_196 = arith.addi %mul3A_194, %add3A_195 : i32
      %get3A = arith.index_cast %add3A_196 : i32 to index
      %get3A_197 = arith.constant 0 : index
      %get3A_198 = tpu.vector_load %arg13[%get3A, %get3A_197] {strides = array<i32>} : memref<128x32xf32, #tpu.memory_space<vmem>>, vector<1x16xf32>,
      %get3A_199 = vector.shape_cast %get3A_198 : vector<1x16xf32> to vector<16xf32>
      %swap3A = arith.index_cast %add3A_196 : i32 to index
      %swap3A_200 = arith.constant 0 : index
      %swap3A_201 = tpu.vector_load %arg14[%swap3A, %swap3A_200] {strides = array<i32>} : memref<128x32xf32, #tpu.memory_space<vmem>>, vector<1x16xf32>,
      %swap3A_202 = vector.shape_cast %swap3A_201 : vector<1x16xf32> to vector<16xf32>
      %swap3A_203 = vector.shape_cast %get3A_199 : vector<16xf32> to vector<1x16xf32>
      tpu.vector_store %arg14[%swap3A, %swap3A_200], %swap3A_203 {add = true, strides = array<i32>} : memref<128x32xf32, #tpu.memory_space<vmem>>, vector<1x16xf32>,
      %get3A_204 = arith.index_cast %add3A_196 : i32 to index
      %get3A_205 = arith.constant 16 : index
      %get3A_206 = tpu.vector_load %arg13[%get3A_204, %get3A_205] {strides = array<i32>} : memref<128x32xf32, #tpu.memory_space<vmem>>, vector<1x16xf32>,
      %get3A_207 = vector.shape_cast %get3A_206 : vector<1x16xf32> to vector<16xf32>
      %swap3A_208 = arith.index_cast %add3A_196 : i32 to index
      %swap3A_209 = arith.constant 16 : index
      %swap3A_210 = tpu.vector_load %arg14[%swap3A_208, %swap3A_209] {strides = array<i32>} : memref<128x32xf32, #tpu.memory_space<vmem>>, vector<1x16xf32>,
      %swap3A_211 = vector.shape_cast %swap3A_210 : vector<1x16xf32> to vector<16xf32>
      %swap3A_212 = vector.shape_cast %get3A_207 : vector<16xf32> to vector<1x16xf32>
      tpu.vector_store %arg14[%swap3A_208, %swap3A_209], %swap3A_212 {add = true, strides = array<i32>} : memref<128x32xf32, #tpu.memory_space<vmem>>, vector<1x16xf32>,
      %add3A_213 = arith.constant 1 : i32
      %add3A_214 = arith.addi %mul3A_194, %add3A_213 : i32
      %get3A_215 = arith.index_cast %add3A_214 : i32 to index
      %get3A_216 = arith.constant 0 : index
      %get3A_217 = tpu.vector_load %arg13[%get3A_215, %get3A_216] {strides = array<i32>} : memref<128x32xf32, #tpu.memory_space<vmem>>, vector<1x16xf32>,
      %get3A_218 = vector.shape_cast %get3A_217 : vector<1x16xf32> to vector<16xf32>
      %swap3A_219 = arith.index_cast %add3A_214 : i32 to index
      %swap3A_220 = arith.constant 0 : index
      %swap3A_221 = tpu.vector_load %arg14[%swap3A_219, %swap3A_220] {strides = array<i32>} : memref<128x32xf32, #tpu.memory_space<vmem>>, vector<1x16xf32>,
      %swap3A_222 = vector.shape_cast %swap3A_221 : vector<1x16xf32> to vector<16xf32>
      %swap3A_223 = vector.shape_cast %get3A_218 : vector<16xf32> to vector<1x16xf32>
      tpu.vector_store %arg14[%swap3A_219, %swap3A_220], %swap3A_223 {add = true, strides = array<i32>} : memref<128x32xf32, #tpu.memory_space<vmem>>, vector<1x16xf32>,
      %get3A_224 = arith.index_cast %add3A_214 : i32 to index
      %get3A_225 = arith.constant 16 : index
      %get3A_226 = tpu.vector_load %arg13[%get3A_224, %get3A_225] {strides = array<i32>} : memref<128x32xf32, #tpu.memory_space<vmem>>, vector<1x16xf32>,
      %get3A_227 = vector.shape_cast %get3A_226 : vector<1x16xf32> to vector<16xf32>
      %swap3A_228 = arith.index_cast %add3A_214 : i32 to index
      %swap3A_229 = arith.constant 16 : index
      %swap3A_230 = tpu.vector_load %arg14[%swap3A_228, %swap3A_229] {strides = array<i32>} : memref<128x32xf32, #tpu.memory_space<vmem>>, vector<1x16xf32>,
      %swap3A_231 = vector.shape_cast %swap3A_230 : vector<1x16xf32> to vector<16xf32>
      %swap3A_232 = vector.shape_cast %get3A_227 : vector<16xf32> to vector<1x16xf32>
      tpu.vector_store %arg14[%swap3A_228, %swap3A_229], %swap3A_232 {add = true, strides = array<i32>} : memref<128x32xf32, #tpu.memory_space<vmem>>, vector<1x16xf32>,
      %add3A_233 = arith.constant 2 : i32
      %add3A_234 = arith.addi %mul3A_194, %add3A_233 : i32
      %get3A_235 = arith.index_cast %add3A_234 : i32 to index
      %get3A_236 = arith.constant 0 : index
      %get3A_237 = tpu.vector_load %arg13[%get3A_235, %get3A_236] {strides = array<i32>} : memref<128x32xf32, #tpu.memory_space<vmem>>, vector<1x16xf32>,
      %get3A_238 = vector.shape_cast %get3A_237 : vector<1x16xf32> to vector<16xf32>
      %swap3A_239 = arith.index_cast %add3A_234 : i32 to index
      %swap3A_240 = arith.constant 0 : index
      %swap3A_241 = tpu.vector_load %arg14[%swap3A_239, %swap3A_240] {strides = array<i32>} : memref<128x32xf32, #tpu.memory_space<vmem>>, vector<1x16xf32>,
      %swap3A_242 = vector.shape_cast %swap3A_241 : vector<1x16xf32> to vector<16xf32>
      %swap3A_243 = vector.shape_cast %get3A_238 : vector<16xf32> to vector<1x16xf32>
      tpu.vector_store %arg14[%swap3A_239, %swap3A_240], %swap3A_243 {add = true, strides = array<i32>} : memref<128x32xf32, #tpu.memory_space<vmem>>, vector<1x16xf32>,
      %get3A_244 = arith.index_cast %add3A_234 : i32 to index
      %get3A_245 = arith.constant 16 : index
      %get3A_246 = tpu.vector_load %arg13[%get3A_244, %get3A_245] {strides = array<i32>} : memref<128x32xf32, #tpu.memory_space<vmem>>, vector<1x16xf32>,
      %get3A_247 = vector.shape_cast %get3A_246 : vector<1x16xf32> to vector<16xf32>
      %swap3A_248 = arith.index_cast %add3A_234 : i32 to index
      %swap3A_249 = arith.constant 16 : index
      %swap3A_250 = tpu.vector_load %arg14[%swap3A_248, %swap3A_249] {strides = array<i32>} : memref<128x32xf32, #tpu.memory_space<vmem>>, vector<1x16xf32>,
      %swap3A_251 = vector.shape_cast %swap3A_250 : vector<1x16xf32> to vector<16xf32>
      %swap3A_252 = vector.shape_cast %get3A_247 : vector<16xf32> to vector<1x16xf32>
      tpu.vector_store %arg14[%swap3A_248, %swap3A_249], %swap3A_252 {add = true, strides = array<i32>} : memref<128x32xf32, #tpu.memory_space<vmem>>, vector<1x16xf32>,
      %add3A_253 = arith.constant 3 : i32
      %add3A_254 = arith.addi %mul3A_194, %add3A_253 : i32
      %get3A_255 = arith.index_cast %add3A_254 : i32 to index
      %get3A_256 = arith.constant 0 : index
      %get3A_257 = tpu.vector_load %arg13[%get3A_255, %get3A_256] {strides = array<i32>} : memref<128x32xf32, #tpu.memory_space<vmem>>, vector<1x16xf32>,
      %get3A_258 = vector.shape_cast %get3A_257 : vector<1x16xf32> to vector<16xf32>
      %swap3A_259 = arith.index_cast %add3A_254 : i32 to index
      %swap3A_260 = arith.constant 0 : index
      %swap3A_261 = tpu.vector_load %arg14[%swap3A_259, %swap3A_260] {strides = array<i32>} : memref<128x32xf32, #tpu.memory_space<vmem>>, vector<1x16xf32>,
      %swap3A_262 = vector.shape_cast %swap3A_261 : vector<1x16xf32> to vector<16xf32>
      %swap3A_263 = vector.shape_cast %get3A_258 : vector<16xf32> to vector<1x16xf32>
      tpu.vector_store %arg14[%swap3A_259, %swap3A_260], %swap3A_263 {add = true, strides = array<i32>} : memref<128x32xf32, #tpu.memory_space<vmem>>, vector<1x16xf32>,
      %get3A_264 = arith.index_cast %add3A_254 : i32 to index
      %get3A_265 = arith.constant 16 : index
      %get3A_266 = tpu.vector_load %arg13[%get3A_264, %get3A_265] {strides = array<i32>} : memref<128x32xf32, #tpu.memory_space<vmem>>, vector<1x16xf32>,
      %get3A_267 = vector.shape_cast %get3A_266 : vector<1x16xf32> to vector<16xf32>
      %swap3A_268 = arith.index_cast %add3A_254 : i32 to index
      %swap3A_269 = arith.constant 16 : index
      %swap3A_270 = tpu.vector_load %arg14[%swap3A_268, %swap3A_269] {strides = array<i32>} : memref<128x32xf32, #tpu.memory_space<vmem>>, vector<1x16xf32>,
      %swap3A_271 = vector.shape_cast %swap3A_270 : vector<1x16xf32> to vector<16xf32>
      %swap3A_272 = vector.shape_cast %get3A_267 : vector<16xf32> to vector<1x16xf32>
      tpu.vector_store %arg14[%swap3A_268, %swap3A_269], %swap3A_272 {add = true, strides = array<i32>} : memref<128x32xf32, #tpu.memory_space<vmem>>, vector<1x16xf32>,
      %add3A_273 = arith.constant 4 : i32
      %add3A_274 = arith.addi %mul3A_194, %add3A_273 : i32
      %get3A_275 = arith.index_cast %add3A_274 : i32 to index
      %get3A_276 = arith.constant 0 : index
      %get3A_277 = tpu.vector_load %arg13[%get3A_275, %get3A_276] {strides = array<i32>} : memref<128x32xf32, #tpu.memory_space<vmem>>, vector<1x16xf32>,
      %get3A_278 = vector.shape_cast %get3A_277 : vector<1x16xf32> to vector<16xf32>
      %swap3A_279 = arith.index_cast %add3A_274 : i32 to index
      %swap3A_280 = arith.constant 0 : index
      %swap3A_281 = tpu.vector_load %arg14[%swap3A_279, %swap3A_280] {strides = array<i32>} : memref<128x32xf32, #tpu.memory_space<vmem>>, vector<1x16xf32>,
      %swap3A_282 = vector.shape_cast %swap3A_281 : vector<1x16xf32> to vector<16xf32>
      %swap3A_283 = vector.shape_cast %get3A_278 : vector<16xf32> to vector<1x16xf32>
      tpu.vector_store %arg14[%swap3A_279, %swap3A_280], %swap3A_283 {add = true, strides = array<i32>} : memref<128x32xf32, #tpu.memory_space<vmem>>, vector<1x16xf32>,
      %get3A_284 = arith.index_cast %add3A_274 : i32 to index
      %get3A_285 = arith.constant 16 : index
      %get3A_286 = tpu.vector_load %arg13[%get3A_284, %get3A_285] {strides = array<i32>} : memref<128x32xf32, #tpu.memory_space<vmem>>, vector<1x16xf32>,
      %get3A_287 = vector.shape_cast %get3A_286 : vector<1x16xf32> to vector<16xf32>
      %swap3A_288 = arith.index_cast %add3A_274 : i32 to index
      %swap3A_289 = arith.constant 16 : index
      %swap3A_290 = tpu.vector_load %arg14[%swap3A_288, %swap3A_289] {strides = array<i32>} : memref<128x32xf32, #tpu.memory_space<vmem>>, vector<1x16xf32>,
      %swap3A_291 = vector.shape_cast %swap3A_290 : vector<1x16xf32> to vector<16xf32>
      %swap3A_292 = vector.shape_cast %get3A_287 : vector<16xf32> to vector<1x16xf32>
      tpu.vector_store %arg14[%swap3A_288, %swap3A_289], %swap3A_292 {add = true, strides = array<i32>} : memref<128x32xf32, #tpu.memory_space<vmem>>, vector<1x16xf32>,
      %add3A_293 = arith.constant 5 : i32
      %add3A_294 = arith.addi %mul3A_194, %add3A_293 : i32
      %get3A_295 = arith.index_cast %add3A_294 : i32 to index
      %get3A_296 = arith.constant 0 : index
      %get3A_297 = tpu.vector_load %arg13[%get3A_295, %get3A_296] {strides = array<i32>} : memref<128x32xf32, #tpu.memory_space<vmem>>, vector<1x16xf32>,
      %get3A_298 = vector.shape_cast %get3A_297 : vector<1x16xf32> to vector<16xf32>
      %swap3A_299 = arith.index_cast %add3A_294 : i32 to index
      %swap3A_300 = arith.constant 0 : index
      %swap3A_301 = tpu.vector_load %arg14[%swap3A_299, %swap3A_300] {strides = array<i32>} : memref<128x32xf32, #tpu.memory_space<vmem>>, vector<1x16xf32>,
      %swap3A_302 = vector.shape_cast %swap3A_301 : vector<1x16xf32> to vector<16xf32>
      %swap3A_303 = vector.shape_cast %get3A_298 : vector<16xf32> to vector<1x16xf32>
      tpu.vector_store %arg14[%swap3A_299, %swap3A_300], %swap3A_303 {add = true, strides = array<i32>} : memref<128x32xf32, #tpu.memory_space<vmem>>, vector<1x16xf32>,
      %get3A_304 = arith.index_cast %add3A_294 : i32 to index
      %get3A_305 = arith.constant 16 : index
      %get3A_306 = tpu.vector_load %arg13[%get3A_304, %get3A_305] {strides = array<i32>} : memref<128x32xf32, #tpu.memory_space<vmem>>, vector<1x16xf32>,
      %get3A_307 = vector.shape_cast %get3A_306 : vector<1x16xf32> to vector<16xf32>
      %swap3A_308 = arith.index_cast %add3A_294 : i32 to index
      %swap3A_309 = arith.constant 16 : index
      %swap3A_310 = tpu.vector_load %arg14[%swap3A_308, %swap3A_309] {strides = array<i32>} : memref<128x32xf32, #tpu.memory_space<vmem>>, vector<1x16xf32>,
      %swap3A_311 = vector.shape_cast %swap3A_310 : vector<1x16xf32> to vector<16xf32>
      %swap3A_312 = vector.shape_cast %get3A_307 : vector<16xf32> to vector<1x16xf32>
      tpu.vector_store %arg14[%swap3A_308, %swap3A_309], %swap3A_312 {add = true, strides = array<i32>} : memref<128x32xf32, #tpu.memory_space<vmem>>, vector<1x16xf32>,
      %add3A_313 = arith.constant 6 : i32
      %add3A_314 = arith.addi %mul3A_194, %add3A_313 : i32
      %get3A_315 = arith.index_cast %add3A_314 : i32 to index
      %get3A_316 = arith.constant 0 : index
      %get3A_317 = tpu.vector_load %arg13[%get3A_315, %get3A_316] {strides = array<i32>} : memref<128x32xf32, #tpu.memory_space<vmem>>, vector<1x16xf32>,
      %get3A_318 = vector.shape_cast %get3A_317 : vector<1x16xf32> to vector<16xf32>
      %swap3A_319 = arith.index_cast %add3A_314 : i32 to index
      %swap3A_320 = arith.constant 0 : index
      %swap3A_321 = tpu.vector_load %arg14[%swap3A_319, %swap3A_320] {strides = array<i32>} : memref<128x32xf32, #tpu.memory_space<vmem>>, vector<1x16xf32>,
      %swap3A_322 = vector.shape_cast %swap3A_321 : vector<1x16xf32> to vector<16xf32>
      %swap3A_323 = vector.shape_cast %get3A_318 : vector<16xf32> to vector<1x16xf32>
      tpu.vector_store %arg14[%swap3A_319, %swap3A_320], %swap3A_323 {add = true, strides = array<i32>} : memref<128x32xf32, #tpu.memory_space<vmem>>, vector<1x16xf32>,
      %get3A_324 = arith.index_cast %add3A_314 : i32 to index
      %get3A_325 = arith.constant 16 : index
      %get3A_326 = tpu.vector_load %arg13[%get3A_324, %get3A_325] {strides = array<i32>} : memref<128x32xf32, #tpu.memory_space<vmem>>, vector<1x16xf32>,
      %get3A_327 = vector.shape_cast %get3A_326 : vector<1x16xf32> to vector<16xf32>
      %swap3A_328 = arith.index_cast %add3A_314 : i32 to index
      %swap3A_329 = arith.constant 16 : index
      %swap3A_330 = tpu.vector_load %arg14[%swap3A_328, %swap3A_329] {strides = array<i32>} : memref<128x32xf32, #tpu.memory_space<vmem>>, vector<1x16xf32>,
      %swap3A_331 = vector.shape_cast %swap3A_330 : vector<1x16xf32> to vector<16xf32>
      %swap3A_332 = vector.shape_cast %get3A_327 : vector<16xf32> to vector<1x16xf32>
      tpu.vector_store %arg14[%swap3A_328, %swap3A_329], %swap3A_332 {add = true, strides = array<i32>} : memref<128x32xf32, #tpu.memory_space<vmem>>, vector<1x16xf32>,
      %add3A_333 = arith.constant 7 : i32
      %add3A_334 = arith.addi %mul3A_194, %add3A_333 : i32
      %get3A_335 = arith.index_cast %add3A_334 : i32 to index
      %get3A_336 = arith.constant 0 : index
      %get3A_337 = tpu.vector_load %arg13[%get3A_335, %get3A_336] {strides = array<i32>} : memref<128x32xf32, #tpu.memory_space<vmem>>, vector<1x16xf32>,
      %get3A_338 = vector.shape_cast %get3A_337 : vector<1x16xf32> to vector<16xf32>
      %swap3A_339 = arith.index_cast %add3A_334 : i32 to index
      %swap3A_340 = arith.constant 0 : index
      %swap3A_341 = tpu.vector_load %arg14[%swap3A_339, %swap3A_340] {strides = array<i32>} : memref<128x32xf32, #tpu.memory_space<vmem>>, vector<1x16xf32>,
      %swap3A_342 = vector.shape_cast %swap3A_341 : vector<1x16xf32> to vector<16xf32>
      %swap3A_343 = vector.shape_cast %get3A_338 : vector<16xf32> to vector<1x16xf32>
      tpu.vector_store %arg14[%swap3A_339, %swap3A_340], %swap3A_343 {add = true, strides = array<i32>} : memref<128x32xf32, #tpu.memory_space<vmem>>, vector<1x16xf32>,
      %get3A_344 = arith.index_cast %add3A_334 : i32 to index
      %get3A_345 = arith.constant 16 : index
      %get3A_346 = tpu.vector_load %arg13[%get3A_344, %get3A_345] {strides = array<i32>} : memref<128x32xf32, #tpu.memory_space<vmem>>, vector<1x16xf32>,
      %get3A_347 = vector.shape_cast %get3A_346 : vector<1x16xf32> to vector<16xf32>
      %swap3A_348 = arith.index_cast %add3A_334 : i32 to index
      %swap3A_349 = arith.constant 16 : index
      %swap3A_350 = tpu.vector_load %arg14[%swap3A_348, %swap3A_349] {strides = array<i32>} : memref<128x32xf32, #tpu.memory_space<vmem>>, vector<1x16xf32>,
      %swap3A_351 = vector.shape_cast %swap3A_350 : vector<1x16xf32> to vector<16xf32>
      %swap3A_352 = vector.shape_cast %get3A_347 : vector<16xf32> to vector<1x16xf32>
      tpu.vector_store %arg14[%swap3A_348, %swap3A_349], %swap3A_352 {add = true, strides = array<i32>} : memref<128x32xf32, #tpu.memory_space<vmem>>, vector<1x16xf32>,
      %scan3A_353 = arith.constant 0 : i32
      scf.yield %scan3A_353 : i32
    }
    %scan3A_188 = arith.constant 16 : i32
    %mul3A_189 = arith.constant 128 : i32
    %mul3A_190 = arith.muli %add3A, %mul3A_189 : i32
    "tpu.region"() ({
      %run_scoped3A = tpu.sem_alloc : memref<!tpu.dma_semaphore, #tpu.memory_space<semaphore_mem>>
      %dma_start3A_191 = arith.constant 0 : i32
      %dma_start3A_192 = tpu.memref_slice %arg4[%mul3A_190, %dma_start3A_191] : memref<4096x32xf32, #tpu.memory_space<hbm>> -> memref<128x32xf32, #tpu.memory_space<hbm>>
      %dma_start3A_193 = arith.constant 0 : i32
      %dma_start3A_194 = tpu.memref_slice %arg4[%mul3A_190, %dma_start3A_193] : memref<4096x32xf32, #tpu.memory_space<hbm>> -> memref<128x32xf32, #tpu.memory_space<hbm>>
      tpu.enqueue_dma source(%arg14 : memref<128x32xf32, #tpu.memory_space<vmem>>) target(%dma_start3A_194 : memref<128x32xf32, #tpu.memory_space<hbm>>) target_semaphore(%run_scoped3A : memref<!tpu.dma_semaphore, #tpu.memory_space<semaphore_mem>>)
      %dma_wait3A_195 = arith.constant 0 : i32
      %dma_wait3A_196 = tpu.memref_slice %arg4[%mul3A_190, %dma_wait3A_195] : memref<4096x32xf32, #tpu.memory_space<hbm>> -> memref<128x32xf32, #tpu.memory_space<hbm>>
      %dma_wait3A_197 = arith.constant 0 : i32
      %dma_wait3A_198 = tpu.memref_slice %arg4[%mul3A_190, %dma_wait3A_197] : memref<4096x32xf32, #tpu.memory_space<hbm>> -> memref<128x32xf32, #tpu.memory_space<hbm>>
      tpu.wait_dma2 semaphore(%run_scoped3A : memref<!tpu.dma_semaphore, #tpu.memory_space<semaphore_mem>>) src(%arg14 : memref<128x32xf32, #tpu.memory_space<vmem>>) dst(%dma_wait3A_198 : memref<128x32xf32, #tpu.memory_space<hbm>>)
      tpu.yield
    }) : () -> ()
    return
  }
}

module attributes {stable_mosaic.version = 14 : i64} {
  func.func @_relayout_body(%arg0: i32, %arg1: memref<32x16384xf32, #tpu.memory_space<vmem>>, %arg2: memref<4096x128xf32, #tpu.memory_space<vmem>>) attributes {dimension_semantics = [#tpu.dimension_semantics<arbitrary>], iteration_bounds = array<i64: 61>, scalar_prefetch = 0 : i64, scratch_operands = 0 : i64, tpu.core_type = #tpu.core_type<tc>, window_params = [{transform_indices = @transform_0, window_bounds = array<i64: 32, 16384>}, {transform_indices = @transform_1, window_bounds = array<i64: 4096, 128>}]} {
    %iota3A = tpu.iota {dimensions = array<i32: 0>} : vector<128x128xi32>
    %iota3A_0 = tpu.iota {dimensions = array<i32: 1>} : vector<128x128xi32>
    %add3A = arith.constant 0 : i32
    %add3A_1 = vector.broadcast %add3A : i32 to vector<128x128xi32>
    %add3A_2 = arith.addi %iota3A, %add3A_1 : vector<128x128xi32>
    %eq3A = arith.cmpi eq, %add3A_2, %iota3A_0 : vector<128x128xi32>
    %convert_element_type3A = arith.extui %eq3A : vector<128x128xi1> to vector<128x128xi32>
    %convert_element_type3A_3 = arith.sitofp %convert_element_type3A : vector<128x128xi32> to vector<128x128xf32>
    %slice3A = vector.extract_strided_slice %convert_element_type3A_3 {offsets = [0, 0], sizes = [32, 128], strides = [1, 1]} : vector<128x128xf32> to vector<32x128xf32>
    %get3A = arith.constant 0 : index
    %get3A_4 = arith.constant 0 : index
    %get3A_5 = vector.load %arg1[%get3A, %get3A_4] : memref<32x16384xf32, #tpu.memory_space<vmem>>, vector<32x4096xf32>
    %dot_general3A = arith.constant dense<0.000000e+00> : vector<4096x128xf32>
    %dot_general3A_6 = tpu.matmul %get3A_5, %slice3A, %dot_general3A {dimension_numbers = #tpu.dot_dimension_numbers<[0], [0], [1], [1], [0, 1, 1, 1], [], []>, transpose_lhs_hint = false} : vector<32x4096xf32>, vector<32x128xf32>, vector<4096x128xf32> -> vector<4096x128xf32>
    %slice3A_7 = vector.extract_strided_slice %convert_element_type3A_3 {offsets = [32, 0], sizes = [32, 128], strides = [1, 1]} : vector<128x128xf32> to vector<32x128xf32>
    %get3A_8 = arith.constant 0 : index
    %get3A_9 = arith.constant 4096 : index
    %get3A_10 = vector.load %arg1[%get3A_8, %get3A_9] : memref<32x16384xf32, #tpu.memory_space<vmem>>, vector<32x4096xf32>
    %dot_general3A_11 = arith.constant dense<0.000000e+00> : vector<4096x128xf32>
    %dot_general3A_12 = tpu.matmul %get3A_10, %slice3A_7, %dot_general3A_11 {dimension_numbers = #tpu.dot_dimension_numbers<[0], [0], [1], [1], [0, 1, 1, 1], [], []>, transpose_lhs_hint = false} : vector<32x4096xf32>, vector<32x128xf32>, vector<4096x128xf32> -> vector<4096x128xf32>
    %add3A_13 = arith.addf %dot_general3A_6, %dot_general3A_12 : vector<4096x128xf32>
    %slice3A_14 = vector.extract_strided_slice %convert_element_type3A_3 {offsets = [64, 0], sizes = [32, 128], strides = [1, 1]} : vector<128x128xf32> to vector<32x128xf32>
    %get3A_15 = arith.constant 0 : index
    %get3A_16 = arith.constant 8192 : index
    %get3A_17 = vector.load %arg1[%get3A_15, %get3A_16] : memref<32x16384xf32, #tpu.memory_space<vmem>>, vector<32x4096xf32>
    %dot_general3A_18 = arith.constant dense<0.000000e+00> : vector<4096x128xf32>
    %dot_general3A_19 = tpu.matmul %get3A_17, %slice3A_14, %dot_general3A_18 {dimension_numbers = #tpu.dot_dimension_numbers<[0], [0], [1], [1], [0, 1, 1, 1], [], []>, transpose_lhs_hint = false} : vector<32x4096xf32>, vector<32x128xf32>, vector<4096x128xf32> -> vector<4096x128xf32>
    %add3A_20 = arith.addf %add3A_13, %dot_general3A_19 : vector<4096x128xf32>
    %slice3A_21 = vector.extract_strided_slice %convert_element_type3A_3 {offsets = [96, 0], sizes = [32, 128], strides = [1, 1]} : vector<128x128xf32> to vector<32x128xf32>
    %get3A_22 = arith.constant 0 : index
    %get3A_23 = arith.constant 12288 : index
    %get3A_24 = vector.load %arg1[%get3A_22, %get3A_23] : memref<32x16384xf32, #tpu.memory_space<vmem>>, vector<32x4096xf32>
    %dot_general3A_25 = arith.constant dense<0.000000e+00> : vector<4096x128xf32>
    %dot_general3A_26 = tpu.matmul %get3A_24, %slice3A_21, %dot_general3A_25 {dimension_numbers = #tpu.dot_dimension_numbers<[0], [0], [1], [1], [0, 1, 1, 1], [], []>, transpose_lhs_hint = false} : vector<32x4096xf32>, vector<32x128xf32>, vector<4096x128xf32> -> vector<4096x128xf32>
    %add3A_27 = arith.addf %add3A_20, %dot_general3A_26 : vector<4096x128xf32>
    %swap3A = arith.constant 0 : index
    %swap3A_28 = arith.constant 0 : index
    %swap3A_29 = vector.load %arg2[%swap3A, %swap3A_28] : memref<4096x128xf32, #tpu.memory_space<vmem>>, vector<4096x128xf32>
    tpu.vector_store %arg2[%swap3A, %swap3A_28], %add3A_27 {strides = array<i32>} : memref<4096x128xf32, #tpu.memory_space<vmem>>, vector<4096x128xf32>,
    return
  }
  func.func @transform_0(%arg0: i32) -> (i32, i32) {
    %c0_i32 = arith.constant 0 : i32
    %c0_i32_0 = arith.constant 0 : i32
    return %c0_i32, %arg0 : i32, i32
  }
  func.func @transform_1(%arg0: i32) -> (i32, i32) {
    %c0_i32 = arith.constant 0 : i32
    %c0_i32_0 = arith.constant 0 : i32
    return %arg0, %c0_i32 : i32, i32
  }
}

module attributes {stable_mosaic.version = 14 : i64} {
  func.func @_tail_body(%arg0: i32, %arg1: memref<250000x128xf32, #tpu.memory_space<any>>, %arg2: memref<1x32x64xf32, #tpu.memory_space<vmem>>, %arg3: memref<16x128xf32, #tpu.memory_space<vmem>>) attributes {dimension_semantics = [#tpu.dimension_semantics<arbitrary>], iteration_bounds = array<i64: 9>, scalar_prefetch = 0 : i64, scratch_operands = 0 : i64, tpu.core_type = #tpu.core_type<tc>, window_params = [{}, {transform_indices = @transform_1, window_bounds = array<i64: 1, 32, 64>}, {transform_indices = @transform_2, window_bounds = array<i64: 16, 128>}]} {
    %get3A = arith.constant 0 : index
    %get3A_0 = arith.constant 0 : index
    %get3A_1 = arith.constant 0 : index
    %get3A_2 = vector.load %arg2[%get3A, %get3A_0, %get3A_1] : memref<1x32x64xf32, #tpu.memory_space<vmem>>, vector<1x32x64xf32>
    %get3A_3 = vector.shape_cast %get3A_2 : vector<1x32x64xf32> to vector<32x64xf32>
    %reshape3A = vector.shape_cast %get3A_3 : vector<32x64xf32> to vector<32x16x4xf32>
    %transpose3A = tpu.transpose %reshape3A, [1, 2, 0] : vector<32x16x4xf32> -> vector<16x4x32xf32>
    %reshape3A_4 = vector.shape_cast %transpose3A : vector<16x4x32xf32> to vector<16x128xf32>
    %swap3A = arith.constant 0 : index
    %swap3A_5 = arith.constant 0 : index
    %swap3A_6 = vector.load %arg3[%swap3A, %swap3A_5] : memref<16x128xf32, #tpu.memory_space<vmem>>, vector<16x128xf32>
    tpu.vector_store %arg3[%swap3A, %swap3A_5], %reshape3A_4 {strides = array<i32>} : memref<16x128xf32, #tpu.memory_space<vmem>>, vector<16x128xf32>,
    return
  }
  func.func @transform_1(%arg0: i32) -> (i32, i32, i32) {
    %c0_i32 = arith.constant 0 : i32
    %c0_i32_0 = arith.constant 0 : i32
    %c0_i32_1 = arith.constant 0 : i32
    return %arg0, %c0_i32, %c0_i32_0 : i32, i32, i32
  }
  func.func @transform_2(%arg0: i32) -> (i32, i32) {
    %add3A = arith.constant 15616 : i32
    %add3A_0 = arith.addi %add3A, %arg0 : i32
    %c0_i32 = arith.constant 0 : i32
    %c0_i32_1 = arith.constant 0 : i32
    return %add3A_0, %c0_i32 : i32, i32
  }
}

module attributes {stable_mosaic.version = 14 : i64} {
  func.func @_mlp_body(%arg0: i32, %arg1: memref<512x32xf32, #tpu.memory_space<vmem>>, %arg2: memref<32x16xf32, #tpu.memory_space<vmem>>, %arg3: memref<1x16xf32, #tpu.memory_space<vmem>>, %arg4: memref<16x100xf32, #tpu.memory_space<vmem>>, %arg5: memref<1x100xf32, #tpu.memory_space<vmem>>, %arg6: memref<512x100xf32, #tpu.memory_space<vmem>>) attributes {dimension_semantics = [#tpu.dimension_semantics<arbitrary>], iteration_bounds = array<i64: 8>, scalar_prefetch = 0 : i64, scratch_operands = 0 : i64, tpu.core_type = #tpu.core_type<tc>, window_params = [{transform_indices = @transform_0, window_bounds = array<i64: 512, 32>}, {pipeline_mode = #tpu.pipeline_mode<synchronous>, transform_indices = @transform_1, window_bounds = array<i64: 32, 16>}, {pipeline_mode = #tpu.pipeline_mode<synchronous>, transform_indices = @transform_2, window_bounds = array<i64: 1, 16>}, {pipeline_mode = #tpu.pipeline_mode<synchronous>, transform_indices = @transform_3, window_bounds = array<i64: 16, 100>}, {pipeline_mode = #tpu.pipeline_mode<synchronous>, transform_indices = @transform_4, window_bounds = array<i64: 1, 100>}, {transform_indices = @transform_5, window_bounds = array<i64: 512, 100>}]} {
    %get3A = arith.constant 0 : index
    %get3A_0 = arith.constant 0 : index
    %get3A_1 = vector.load %arg1[%get3A, %get3A_0] : memref<512x32xf32, #tpu.memory_space<vmem>>, vector<512x32xf32>
    %mul3A = arith.constant 5.000000e-03 : f32
    %mul3A_2 = vector.broadcast %mul3A : f32 to vector<512x32xf32>
    %mul3A_3 = arith.mulf %get3A_1, %mul3A_2 : vector<512x32xf32>
    %get3A_4 = arith.constant 0 : index
    %get3A_5 = arith.constant 0 : index
    %get3A_6 = vector.load %arg2[%get3A_4, %get3A_5] : memref<32x16xf32, #tpu.memory_space<vmem>>, vector<32x16xf32>
    %dot_general3A = arith.constant dense<0.000000e+00> : vector<512x16xf32>
    %dot_general3A_7 = tpu.matmul %mul3A_3, %get3A_6, %dot_general3A {dimension_numbers = #tpu.dot_dimension_numbers<[1], [0], [0], [1], [0, 0, 1, 1], [], []>, transpose_lhs_hint = false} : vector<512x32xf32>, vector<32x16xf32>, vector<512x16xf32> -> vector<512x16xf32>
    %get3A_8 = arith.constant 0 : index
    %get3A_9 = arith.constant 0 : index
    %get3A_10 = vector.load %arg3[%get3A_8, %get3A_9] : memref<1x16xf32, #tpu.memory_space<vmem>>, vector<1x16xf32>
    %add3A = vector.broadcast %get3A_10 : vector<1x16xf32> to vector<512x16xf32>
    %add3A_11 = arith.addf %dot_general3A_7, %add3A : vector<512x16xf32>
    %max3A = arith.constant 0.000000e+00 : f32
    %max3A_12 = vector.broadcast %max3A : f32 to vector<512x16xf32>
    %max3A_13 = arith.maximumf %add3A_11, %max3A_12 : vector<512x16xf32>
    %get3A_14 = arith.constant 0 : index
    %get3A_15 = arith.constant 0 : index
    %get3A_16 = vector.load %arg4[%get3A_14, %get3A_15] : memref<16x100xf32, #tpu.memory_space<vmem>>, vector<16x100xf32>
    %dot_general3A_17 = arith.constant dense<0.000000e+00> : vector<512x100xf32>
    %dot_general3A_18 = tpu.matmul %max3A_13, %get3A_16, %dot_general3A_17 {dimension_numbers = #tpu.dot_dimension_numbers<[1], [0], [0], [1], [0, 0, 1, 1], [], []>, transpose_lhs_hint = false} : vector<512x16xf32>, vector<16x100xf32>, vector<512x100xf32> -> vector<512x100xf32>
    %get3A_19 = arith.constant 0 : index
    %get3A_20 = arith.constant 0 : index
    %get3A_21 = vector.load %arg5[%get3A_19, %get3A_20] : memref<1x100xf32, #tpu.memory_space<vmem>>, vector<1x100xf32>
    %add3A_22 = vector.broadcast %get3A_21 : vector<1x100xf32> to vector<512x100xf32>
    %add3A_23 = arith.addf %dot_general3A_18, %add3A_22 : vector<512x100xf32>
    %reduce_max3A = arith.constant dense<0xFF800000> : vector<512xf32>
    %reduce_max3A_24 = vector.multi_reduction <maximumf>, %add3A_23, %reduce_max3A [1] : vector<512x100xf32> to vector<512xf32>
    %broadcast_in_dim3A = vector.shape_cast %reduce_max3A_24 : vector<512xf32> to vector<512x1xf32>
    %sub3A = vector.broadcast %broadcast_in_dim3A : vector<512x1xf32> to vector<512x100xf32>
    %sub3A_25 = arith.subf %add3A_23, %sub3A : vector<512x100xf32>
    %exp3A = math.exp %sub3A_25 : vector<512x100xf32>
    %reduce_sum3A = arith.constant dense<0.000000e+00> : vector<512xf32>
    %reduce_sum3A_26 = vector.multi_reduction <add>, %exp3A, %reduce_sum3A [1] : vector<512x100xf32> to vector<512xf32>
    %broadcast_in_dim3A_27 = vector.shape_cast %reduce_sum3A_26 : vector<512xf32> to vector<512x1xf32>
    %div3A = vector.broadcast %broadcast_in_dim3A_27 : vector<512x1xf32> to vector<512x100xf32>
    %div3A_28 = arith.divf %exp3A, %div3A : vector<512x100xf32>
    %swap3A = arith.constant 0 : index
    %swap3A_29 = arith.constant 0 : index
    %swap3A_30 = vector.load %arg6[%swap3A, %swap3A_29] : memref<512x100xf32, #tpu.memory_space<vmem>>, vector<512x100xf32>
    tpu.vector_store %arg6[%swap3A, %swap3A_29], %div3A_28 {strides = array<i32>} : memref<512x100xf32, #tpu.memory_space<vmem>>, vector<512x100xf32>,
    return
  }
  func.func @transform_0(%arg0: i32) -> (i32, i32) {
    %c0_i32 = arith.constant 0 : i32
    %c0_i32_0 = arith.constant 0 : i32
    return %arg0, %c0_i32 : i32, i32
  }
  func.func @transform_1(%arg0: i32) -> (i32, i32) {
    %c0_i32 = arith.constant 0 : i32
    %c0_i32_0 = arith.constant 0 : i32
    %c0_i32_1 = arith.constant 0 : i32
    return %c0_i32, %c0_i32_0 : i32, i32
  }
  func.func @transform_2(%arg0: i32) -> (i32, i32) {
    %c0_i32 = arith.constant 0 : i32
    %c0_i32_0 = arith.constant 0 : i32
    %c0_i32_1 = arith.constant 0 : i32
    return %c0_i32, %c0_i32_0 : i32, i32
  }
  func.func @transform_3(%arg0: i32) -> (i32, i32) {
    %c0_i32 = arith.constant 0 : i32
    %c0_i32_0 = arith.constant 0 : i32
    %c0_i32_1 = arith.constant 0 : i32
    return %c0_i32, %c0_i32_0 : i32, i32
  }
  func.func @transform_4(%arg0: i32) -> (i32, i32) {
    %c0_i32 = arith.constant 0 : i32
    %c0_i32_0 = arith.constant 0 : i32
    %c0_i32_1 = arith.constant 0 : i32
    return %c0_i32, %c0_i32_0 : i32, i32
  }
  func.func @transform_5(%arg0: i32) -> (i32, i32) {
    %c0_i32 = arith.constant 0 : i32
    %c0_i32_0 = arith.constant 0 : i32
    return %arg0, %c0_i32 : i32, i32
  }
}

</mosaic_0001>

<sc_bundles>
// kernel: kernel.6.cloned.1.call-start
scs
__scs_entry_jumppad:
0x0: {  	(pc) =	sbr.rel $0x88, $3  }
0x1: {  	(tag) =	ssettag $0x0;
	lr =	simm.s32 $0x1  }
0x2: {  	[smem:$0x3F9B] =	sst lr;
	_ =	strace $0xD0000000  }
0x3: {  	_ = 	snop  }
0x4: {  	_ = 	snop  }
0x5: {  	_ = 	snop  }
0x6: {  	_ = 	snop  }
0x7: {  	_ = 	snop  }
__scs_overlays_trampoline_lowered:
0x8: {  	[smem:$0x3FAA] =	sst s0  }
0x9: {  	[smem:$0x3FAB] =	sst s1  }
0xa: {  	[smem:$0x3FAC] =	sst s2  }
0xb: {  	[smem:$0x3FAD] =	sst s3  }
0xc: {  	[smem:$0x3FAE] =	sst s4  }
0xd: {  	[smem:$0x3FAF] =	sst s5  }
0xe: {  	[smem:$0x3FB0] =	sst s6  }
0xf: {  	[smem:$0x3FB1] =	sst s7  }
0x10: {  	[smem:$0x3FB2] =	sst s8  }
0x11: {  	[smem:$0x3FB3] =	sst s9;
	s0 =	simm.s32 @!p0 $0x0  }
0x12: {  	s1 =	sld [smem:$0x3F99];
	s0 =	simm.s32 @p0 $0x1  }
0x13: {  	[smem:$0x3FB4] =	sst s0;
	s0 =	simm.s32 @!p1 $0x0  }
0x14: {  	s2 =	sld [smem:$0x3F98];
	s0 =	simm.s32 @p1 $0x1  }
0x15: {  	[smem:$0x3FB5] =	sst s0;
	s0 =	simm.s32 @!p2 $0x0  }
0x16: {  	s3 =	sld [smem:$0x3FDB];
	s0 =	simm.s32 @p2 $0x1  }
0x17: {  	s4 =	simm.s32 $0x1BF5;
	[smem:$0x3FB7] =	sst s0  }
0x18: {  	s0 =	sld [smem:$0x3F9A];
	_ =	swait.ge [sflag:s4], $0x0  }
0x19: {  	s7 =	sld [smem:$0x3F9B]  }
0x1a: {  	s8 =	sadd.s32 $0xFFFFE003, lr  }
0x1b: {  	s9 =	sadd.s32 $0xFFFFFEF7, lr;
	s5 =	simm.s32 $0xFFFFFFFF;
	p2 =	slt.u32 s8, $0xFFFFF086  }
0x1c: {  	p1 =	slt.u32 s9, $0xF7A;
	s5 =	simm.s32 @!p2 $0x0  }
0x1d: {  	s5 =	simm.s32 @p1 $0x1;
	p0 =	seq.s32 s7, s2  }
0x1e: {  	s7 =	smul.u32 @!p0 $0xF7A, s2;
	p2 =	seq.s32 @!p0 s5, $0x0  }
0x1f: {  	s9 =	smul.u32 $0xF7A, s1;
	s8 =	simm.s32 @!p0 $0x1BF5;
	p2 =	por !p2, p0  }
0x20: {  	[sflag:s8] =	ssyncset.s32 @!p0 $0xFFFFF086;
	s6 =	sadd.s32 @!p0 s3, s7;
	s7 =	simm.s32 @!p0 $0x108  }
0x21: {  	s3 =	sadd.s32 s3, s9;
	s6 =	sadd.s32 @!p0 $0x88, s6;
	s7 =	simm.s32 @p2 $0x1082  }
0x22: {  	[simem:s7], [sflag:s8] =	dma.local @!p0 [hbm:s6], $0xF7A  }
0x23: {  	s9 =	sor.u32 $0xD0000000, s2;
	s6 =	simm.s32 $0x108;
	_ =	swait.ge @!p0 [sflag:s8], $0x0  }
0x24: {  	s3 =	sadd.s32 $0x88, s3;
	s6 =	simm.s32 @!p1 $0x1082;
	[sflag:s4] =	ssyncset.s32 $0xFFFFF086  }
0x25: {  	[simem:s6], [sflag:s4] =	dma.local [hbm:s3], $0xF7A  }
0x26: {  	[smem:$0x3F9B] =	sst s1;
	(tag) =	ssettag s2;
	_ =	strace s9  }
0x27: {  	s1 =	sld [smem:$0x3FAB]  }
0x28: {  	s2 =	sld [smem:$0x3FAC]  }
0x29: {  	s4 =	sld [smem:$0x3FAE]  }
0x2a: {  	p0 =	seq.s32 s5, $0x0;
	s5 =	sld [smem:$0x3FAF]  }
0x2b: {  	s6 =	sld [smem:$0x3FB0]  }
0x2c: {  	s7 =	sld [smem:$0x3FB1]  }
0x2d: {  	s3 =	simm.s32 $0x108;
	s8 =	sld [smem:$0x3FB2]  }
0x2e: {  	s3 =	simm.s32 @!p0 $0x1082;
	s9 =	sld [smem:$0x3FB3]  }
0x2f: {  	lr =	sadd.s32 s0, s3;
	s0 =	sld [smem:$0x3FAA]  }
0x30: {  	s3 =	sld [smem:$0x3FAD]  }
0x31: {  	[smem:$0x3FB6] =	sst s10  }
0x32: {  	s10 =	sld [smem:$0x3FB4];
	_ =	sdelay $0x3  }
0x33: {  	p0 =	seq.s32 s10, $0x1;
	s10 =	sld [smem:$0x3FB6];
	_ =	sdelay $0x3  }
0x34: {  	[smem:$0x3FB6] =	sst s10  }
0x35: {  	s10 =	sld [smem:$0x3FB5];
	_ =	sdelay $0x3  }
0x36: {  	p1 =	seq.s32 s10, $0x1;
	s10 =	sld [smem:$0x3FB6];
	_ =	sdelay $0x3  }
0x37: {  	[smem:$0x3FB6] =	sst s10  }
0x38: {  	s10 =	sld [smem:$0x3FB7]  }
0x39: {  	_ = 	snop;
	(pc) =	sbr.ind lr, $3  }
0x3a: {  	_ = 	snop  }
0x3b: {  	_ = 	snop  }
0x3c: {  	p2 =	seq.s32 s10, $0x1;
	s10 =	sld [smem:$0x3FB6]  }
0x3d: {  	_ =	shalt  }
0x3e: {  	_ =	shalt  }
0x3f: {  	_ =	shalt  }
0x40: {  	_ =	shalt  }
0x41: {  	_ =	shalt  }
0x42: {  	_ =	shalt  }
0x43: {  	_ =	shalt  }
0x44: {  	_ =	shalt  }
0x45: {  	_ =	shalt  }
0x46: {  	_ =	shalt  }
0x47: {  	_ =	shalt  }
0x48: {  	_ =	shalt  }
0x49: {  	_ =	shalt  }
0x4a: {  	_ =	shalt  }
0x4b: {  	_ =	shalt  }
0x4c: {  	_ =	shalt  }
0x4d: {  	_ =	shalt  }
0x4e: {  	_ =	shalt  }
0x4f: {  	_ =	shalt  }
0x50: {  	_ =	shalt  }
0x51: {  	_ =	shalt  }
0x52: {  	_ =	shalt  }
0x53: {  	_ =	shalt  }
0x54: {  	_ =	shalt  }
0x55: {  	_ =	shalt  }
0x56: {  	_ =	shalt  }
0x57: {  	_ =	shalt  }
0x58: {  	_ =	shalt  }
0x59: {  	_ =	shalt  }
0x5a: {  	_ =	shalt  }
0x5b: {  	_ =	shalt  }
0x5c: {  	_ =	shalt  }
0x5d: {  	_ =	shalt  }
0x5e: {  	_ =	shalt  }
0x5f: {  	_ =	shalt  }
0x60: {  	_ =	shalt  }
0x61: {  	_ =	shalt  }
0x62: {  	_ =	shalt  }
0x63: {  	_ =	shalt  }
0x64: {  	_ =	shalt  }
0x65: {  	_ =	shalt  }
0x66: {  	_ =	shalt  }
0x67: {  	_ =	shalt  }
0x68: {  	_ =	shalt  }
0x69: {  	_ =	shalt  }
0x6a: {  	_ =	shalt  }
0x6b: {  	_ =	shalt  }
0x6c: {  	_ =	shalt  }
0x6d: {  	_ =	shalt  }
0x6e: {  	_ =	shalt  }
0x6f: {  	_ =	shalt  }
0x70: {  	_ =	shalt  }
0x71: {  	_ =	shalt  }
0x72: {  	_ =	shalt  }
0x73: {  	_ =	shalt  }
0x74: {  	_ =	shalt  }
0x75: {  	_ =	shalt  }
0x76: {  	_ =	shalt  }
0x77: {  	_ =	shalt  }
0x78: {  	_ =	shalt  }
0x79: {  	_ =	shalt  }
0x7a: {  	_ =	shalt  }
0x7b: {  	_ =	shalt  }
0x7c: {  	_ =	shalt  }
0x7d: {  	_ =	shalt  }
0x7e: {  	_ =	shalt  }
0x7f: {  	_ =	shalt  }
0x80: {  	_ =	shalt  }
0x81: {  	_ =	shalt  }
0x82: {  	_ =	shalt  }
0x83: {  	_ =	shalt  }
0x84: {  	_ =	shalt  }
0x85: {  	_ =	shalt  }
0x86: {  	_ =	shalt  }
0x87: {  	_ =	shalt  }
.Lfunc_end0:
.L_simem_size_0:
called_computation_lowered:
.L_overlay_start_0:
0x88: {  	s2 =	sld [smem:$0x3FD9]  }
0x89: {  	s3 =	sld [smem:$0x3FFE];
	_ =	sdelay $0x1  }
0x8a: {  	s1 =	srdreg.scid  }
0x8b: {  	s0 =	sand.u32 $0x1, s1  }
0x8c: {  	s17 =	sshll.u32 s0, $0xA;
	s2 =	sadd.s32 s3, s2  }
0x8d: {  	s2 =	sadd.s32 s2, s17  }
0x8e: {  	[smem:$0x3FC2] =	sst s2  }
0x8f: {  	_ = 	snop  }
0x90: {  	s2 =	sld [smem:$0x3FD0];
	(tm) =	ssettm $0x1  }
0x91: {  	s18 =	sld [smem:$0x3FFB];
	_ =	sdelay $0x3  }
0x92: {  	_ =	strace s18  }
0x93: {  	s3 =	sld [smem:$0x3FFC];
	_ =	sdelay $0x3  }
0x94: {  	_ =	strace s3  }
0x95: {  	s3 =	sld [smem:$0x3FFD];
	_ =	sdelay $0x3  }
0x96: {  	_ =	strace s3  }
0x97: {  	_ =	strace $0x8FFFFFFF  }
0x98: {  	s19 =	sld [smem:$0x3FDB];
	_ =	sdelay $0x1  }
0x99: {  	s4 =	simm.s32 $_scs_section_size  }
0x9a: {  	s5 =	simm.s32 $_size__tile_overlayer_lowered;
	s6 =	simm.s32 $_tile_overlayer_lowered  }
0x9b: {  	s22 =	simm.s32 $0x1BFF;
	s21 =	sshll.u32 s6, $0x1;
	s3 =	sadd.s32 s4, s19  }
0x9c: {  	s7 =	simm.s32 $0x0;
	s20 =	sshll.u32 s5, $0x1;
	s5 =	sadd.s32 s21, s3  }
0x9d: {  	[timem:s7], [sflag:s22] =	dma.local [hbm:s5], s20  }
0x9e: {  	_ =	swait.ge [sflag:s22], s20  }
0x9f: {  	s4 =	ssub.s32 $0x0, s20;
	[sflag:s22] =	ssyncset.done $0x0  }
0xa0: {  	[sflag:s22] =	ssyncadd.s32 s4;
	_ =	sdelay $0x1  }
0xa1: {  	s23 =	simm.s32 $0x1B8B  }
0xa2: {  	_ =	swait.ge [sflag:s23], $0x1  }
0xa3: {  	[sflag:s23] =	ssyncset.done $0x0  }
0xa4: {  	s25 =	simm.s32 $0x1B8E;
	s24 =	sld [smem:$0x3FFE];
	[sflag:s23] =	ssyncadd.s32 $0xFFFFFFFF  }
0xa5: {  	s26 =	simm.s32 $execute0_lowered;
	[smem:$0x3FD2] =	sst s25  }
0xa6: {  	s5 =	sshll.u32 s26, $0x1;
	_ =	strace $0x80000046;
	[dreg:$0x1] =	wrdreg $0xFFFFFFFF  }
0xa7: {  	s28 =	simm.s32 $_size_execute0_lowered;
	s3 =	sadd.s32 s3, s5;
	[dreg:$0x0] =	wrdreg $0x0  }
0xa8: {  	s5 =	sshll.u32 s28, $0x1;
	[dreg:$0x2] =	wrdreg s3  }
0xa9: {  	[dreg:$0x3] =	wrdreg s5  }
0xaa: {  	[dreg:$0x4] =	wrdreg $0xC0  }
0xab: {  	_ =	task [dreg:s7], $0x5FFFF  }
0xac: {  	[dreg:$0x1] =	wrdreg $0xFFFFFFFF  }
0xad: {  	[dreg:$0x0] =	wrdreg $0x60  }
0xae: {  	[dreg:$0x2] =	wrdreg s24  }
0xaf: {  	[dreg:$0x3] =	wrdreg s2  }
0xb0: {  	[dreg:$0x4] =	wrdreg $0x9  }
0xb1: {  	_ =	task.clear_ibuf [dreg:s7], $0x5FFFF;
	_ =	strace $0x90000046  }
0xb2: {  	s29 =	simm.s32 $0x9;
	_ =	strace $0x80000048  }
0xb3: {  	_ =	swait.ge [sflag:s29], $0x1  }
0xb4: {  	[sflag:s29] =	ssyncadd.s32 $0xFFFFFFFF  }
0xb5: {  	_ =	strace $0x90000048  }
0xb6: {  	_ =	sfence  }
0xb7: {  	s30 =	sld [smem:$0x0];
	_ =	sdelay $0x2  }
0xb8: {  	s31 =	sshll.u32 s1, $0xD;
	s1 =	sshrl.u32 s1, $0x2  }
0xb9: {  	s3 =	sand.u32 $0x4000, s31;
	s1 =	sadd.s32 s1, s30  }
0xba: {  	s0 =	sor.u32 s3, s0;
	s1 =	sshll.u32 s1, $0x11  }
0xbb: {  	s0 =	sor.u32 s1, s0  }
0xbc: {  	s0 =	sadd.s32 $0x8F2B, s0  }
0xbd: {  	[sflag:s0] =	ssyncadd.remote.s32 $0x1  }
0xbe: {  	_ =	sfence.sel $0xFFFF  }
0xbf: {  	[dreg:$0x0] =	wrdreg $0xFFFFFFFF;
	(pc) =	sbr.abs _section_cstart, $3  }
0xc0: {  	[dreg:$0x1] =	wrdreg $0xFFFFFFFF  }
0xc1: {  	_ =	task.clear_ibuf [dreg:s7], $0x2FFFF;
	_ =	strace $0x9FFFFFFF  }
0xc2: {  	(tm) =	ssettm $0x7FFFFFFF  }
0xc3: {  	_ =	shalt  }
tec
execute0_lowered:
.L_overlay_start_1:
0x0: {  	(tag) =	ssettag $0x1  }
0x1: {  	s0 =	rddreg [dreg:$0x0]  }
0x2: {  	s1 =	rddreg [dreg:$0x1]  }
0x3: {  	s2 =	srdreg.scid;
	s4 =	stileid.u32  }
0x4: {  	s7 =	simm.s32 $0x80;
	s9 =	simm.s32 $0x1;
	s10 =	simm.s32 $0x6400  }
0x5: {  	s11 =	simm.s32 $0x7400;
	s13 =	simm.s32 $0x8400;
	s15 =	simm.s32 $0x9400  }
0x6: {  	s17 =	simm.s32 $0xA400;
	s19 =	simm.s32 $0xB400;
	s21 =	simm.s32 $0xC400  }
0x7: {  	s22 =	simm.s32 $0x380;
	s23 =	simm.s32 $0xD400;
	s24 =	simm.s32 $0x2  }
0x8: {  	s25 =	simm.s32 $0x3;
	s28 =	simm.s32 $0x5;
	s29 =	simm.s32 $0x6  }
0x9: {  	s30 =	simm.s32 $0x7;
	s31 =	simm.s32 $0x8;
	s8 =	simm.s32 $0xA  }
0xa: {  	s12 =	simm.s32 $0x0;
	s3 =	sand.u32 $0x1, s2;
	s2 =	simm.s32 $0x0  }
0xb: {  	s4 =	sshll.u32 s4, $0x8;
	s5 =	sshll.u32 s3, $0x7;
	[smem:$0x7FF] =	sst s2  }
0xc: {  	s6 =	ssub.s32 $0x2, s3;
	s3 =	sadd.s32 $0xE00, s0;
	s5 =	sor.u32 s5, s4  }
0xd: {  	_ =	strace $0x80000047;
	s26 =	sshrl.u32 s6, $0x1;
	s4 =	sshrl.u32 s5, $0x3  }
0xe: {  	s5 =	sshll.u32 s5, $0x2;
	s4 =	sadd.s32 s4, s0;
	s0 =	ssub.s32 s6, s26  }
0xf: {  	s5 =	sadd.s32 s1, s5;
	s26 =	simm.s32 $0x4;
	s1 =	simm.s32 $0xE400  }
0x10: {  	v0 =	vimm.f32 $0.0e+00;
	s4 =	sadd.s32 $0x3D1800, s4;
	s6 =	smax.u32 s0, $0x1;
	s0 =	simm.s32 $0x9  }
.LBB2_1:
0x11: {  	s14 =	simm.s32 $0x1000  }
0x12: {  	[tilespmem:s2], [sflag:$0x1] =	stream.strided.gather [hbm4b:s4+s7], $0x6400, s14, s7, $0x38;
	[tilespmem:$0xF400] =	vst v63  }
0x13: {  	s16 =	simm.s32 $0x0;
	s14 =	simm.s32 $0x80  }
.LBB2_2:
0x14: {  	p0 =	sne.s32 s14, $0x3F80;
	[tilespmem:s16+$0xE400] =	vst v0;
	s18 =	smov.u32 s14;
	s14 =	sadd.s32 $0x80, s14  }
.Ltmp0:
0x15: {  	[tilespmem:s16+$0xE410] =	vst v0;
	(pc) =	sbr.rel @p0 .LBB2_2-.Ltmp0, $2  }
0x16: {  	_ =	sdelay $0x2  }
0x17: {  	s16 =	sshra.s32 s18, $0x2  }
0x18: {  	[tilespmem:s16+$0xE400] =	vst v0  }
0x19: {  	[tilespmem:s16+$0xE410] =	vst v0  }
0x1a: {  	_ =	swait.ge [sflag:s9], $0x6400  }
0x1b: {  	[sflag:s9] =	ssyncset.done $0x0  }
0x1c: {  	s14 =	simm.s32 $0x0;
	[sflag:s9] =	ssyncadd.s32 $0xFFFF9C00  }
0x1d: {  	[tilespmem:s10], [sflag:$0x2] =	stream.indirect.gather [hbm4b:s3+s7], $0x20, s14, s7, $0xb8;
	[tilespmem:$0xF400] =	vst v63  }
0x1e: {  	_ = 	snop  }
0x1f: {  	[tilespmem:s11], [sflag:$0x3] =	stream.indirect.gather [hbm4b:s3+s7], $0x20, s7, s7, $0xb8;
	[tilespmem:$0xF400] =	vst v63  }
0x20: {  	s20 =	simm.s32 $0x100  }
0x21: {  	[tilespmem:s13], [sflag:$0x4] =	stream.indirect.gather [hbm4b:s3+s7], $0x20, s20, s7, $0xb8;
	[tilespmem:$0xF400] =	vst v63  }
0x22: {  	s18 =	simm.s32 $0x180  }
0x23: {  	[tilespmem:s15], [sflag:$0x5] =	stream.indirect.gather [hbm4b:s3+s7], $0x20, s18, s7, $0xb8;
	[tilespmem:$0xF400] =	vst v63  }
0x24: {  	s20 =	simm.s32 $0x200  }
0x25: {  	[tilespmem:s17], [sflag:$0x6] =	stream.indirect.gather [hbm4b:s3+s7], $0x20, s20, s7, $0xb8;
	[tilespmem:$0xF400] =	vst v63  }
0x26: {  	s18 =	simm.s32 $0x280  }
0x27: {  	[tilespmem:s19], [sflag:$0x7] =	stream.indirect.gather [hbm4b:s3+s7], $0x20, s18, s7, $0xb8;
	[tilespmem:$0xF400] =	vst v63  }
0x28: {  	s20 =	simm.s32 $0x300  }
0x29: {  	[tilespmem:s21], [sflag:$0x8] =	stream.indirect.gather [hbm4b:s3+s7], $0x20, s20, s7, $0xb8;
	[tilespmem:$0xF400] =	vst v63  }
0x2a: {  	_ = 	snop  }
0x2b: {  	[tilespmem:s23], [sflag:$0x9] =	stream.indirect.gather [hbm4b:s3+s7], $0x20, s22, s7, $0xb8;
	[tilespmem:$0xF400] =	vst v63  }
.LBB2_4:
0x2c: {  	_ =	swait.ge [sflag:s24], $0x1000  }
0x2d: {  	[sflag:s24] =	ssyncset.done $0x0  }
0x2e: {  	s18 =	simm.s32 $0x0;
	s16 =	simm.s32 $0x400;
	[sflag:s24] =	ssyncadd.s32 $0xFFFFF000  }
.LBB2_5:
0x2f: {  	p0 =	sne.s32 s16, $0x3C00;
	v1 =	vld [tilespmem:s18+$0x64F0]  }
0x30: {  	v2 =	vld [tilespmem:s18+$0x6400]  }
0x31: {  	v3 =	vld [tilespmem:s18+$0x6410]  }
0x32: {  	v4 =	vld [tilespmem:s18+$0x6420]  }
0x33: {  	v5 =	vld [tilespmem:s18+$0x6430]  }
0x34: {  	[tilespmem:s18+$0xE4F0] =	vst.add.f32.msk $0xffff, v1  }
0x35: {  	v1 =	vld [tilespmem:s18+$0x6440]  }
0x36: {  	v6 =	vld [tilespmem:s18+$0x6450]  }
0x37: {  	v7 =	vld [tilespmem:s18+$0x6460]  }
0x38: {  	v8 =	vld [tilespmem:s18+$0x6470]  }
0x39: {  	v9 =	vld [tilespmem:s18+$0x6480]  }
0x3a: {  	v10 =	vld [tilespmem:s18+$0x6490]  }
0x3b: {  	v11 =	vld [tilespmem:s18+$0x64A0]  }
0x3c: {  	v12 =	vld [tilespmem:s18+$0x64B0]  }
0x3d: {  	v13 =	vld [tilespmem:s18+$0x64C0]  }
0x3e: {  	v14 =	vld [tilespmem:s18+$0x64D0]  }
0x3f: {  	v15 =	vld [tilespmem:s18+$0x64E0]  }
0x40: {  	[tilespmem:s18+$0xE400] =	vst.add.f32.msk $0xffff, v2  }
0x41: {  	[tilespmem:s18+$0xE410] =	vst.add.f32.msk $0xffff, v3  }
0x42: {  	[tilespmem:s18+$0xE420] =	vst.add.f32.msk $0xffff, v4  }
0x43: {  	[tilespmem:s18+$0xE430] =	vst.add.f32.msk $0xffff, v5  }
0x44: {  	[tilespmem:s18+$0xE440] =	vst.add.f32.msk $0xffff, v1  }
0x45: {  	[tilespmem:s18+$0xE450] =	vst.add.f32.msk $0xffff, v6  }
0x46: {  	[tilespmem:s18+$0xE460] =	vst.add.f32.msk $0xffff, v7  }
0x47: {  	[tilespmem:s18+$0xE470] =	vst.add.f32.msk $0xffff, v8  }
0x48: {  	[tilespmem:s18+$0xE480] =	vst.add.f32.msk $0xffff, v9  }
0x49: {  	[tilespmem:s18+$0xE490] =	vst.add.f32.msk $0xffff, v10  }
.Ltmp1:
0x4a: {  	[tilespmem:s18+$0xE4A0] =	vst.add.f32.msk $0xffff, v11;
	(pc) =	sbr.rel @p0 .LBB2_5-.Ltmp1, $4  }
0x4b: {  	[tilespmem:s18+$0xE4B0] =	vst.add.f32.msk $0xffff, v12  }
0x4c: {  	[tilespmem:s18+$0xE4C0] =	vst.add.f32.msk $0xffff, v13  }
0x4d: {  	[tilespmem:s18+$0xE4D0] =	vst.add.f32.msk $0xffff, v14  }
0x4e: {  	[tilespmem:s18+$0xE4E0] =	vst.add.f32.msk $0xffff, v15;
	s18 =	sshra.s32 s16, $0x2;
	s16 =	sadd.s32 $0x400, s16  }
0x4f: {  	v1 =	vld [tilespmem:s18+$0x64F0]  }
0x50: {  	v2 =	vld [tilespmem:s18+$0x6400]  }
0x51: {  	v3 =	vld [tilespmem:s18+$0x6410]  }
0x52: {  	v4 =	vld [tilespmem:s18+$0x6420]  }
0x53: {  	v5 =	vld [tilespmem:s18+$0x6430]  }
0x54: {  	v6 =	vld [tilespmem:s18+$0x6450]  }
0x55: {  	v7 =	vld [tilespmem:s18+$0x6460]  }
0x56: {  	v8 =	vld [tilespmem:s18+$0x6470]  }
0x57: {  	v9 =	vld [tilespmem:s18+$0x6480]  }
0x58: {  	v10 =	vld [tilespmem:s18+$0x6490]  }
0x59: {  	v11 =	vld [tilespmem:s18+$0x64A0]  }
0x5a: {  	v12 =	vld [tilespmem:s18+$0x64B0]  }
0x5b: {  	v13 =	vld [tilespmem:s18+$0x64C0]  }
0x5c: {  	v14 =	vld [tilespmem:s18+$0x64D0]  }
0x5d: {  	v15 =	vld [tilespmem:s18+$0x64E0]  }
0x5e: {  	[tilespmem:s18+$0xE4F0] =	vst.add.f32.msk $0xffff, v1  }
0x5f: {  	v1 =	vld [tilespmem:s18+$0x6440]  }
0x60: {  	[tilespmem:s18+$0xE400] =	vst.add.f32.msk $0xffff, v2  }
0x61: {  	[tilespmem:s18+$0xE410] =	vst.add.f32.msk $0xffff, v3  }
0x62: {  	[tilespmem:s18+$0xE420] =	vst.add.f32.msk $0xffff, v4  }
0x63: {  	[tilespmem:s18+$0xE430] =	vst.add.f32.msk $0xffff, v5  }
0x64: {  	[tilespmem:s18+$0xE450] =	vst.add.f32.msk $0xffff, v6  }
0x65: {  	[tilespmem:s18+$0xE460] =	vst.add.f32.msk $0xffff, v7  }
0x66: {  	[tilespmem:s18+$0xE470] =	vst.add.f32.msk $0xffff, v8  }
0x67: {  	[tilespmem:s18+$0xE480] =	vst.add.f32.msk $0xffff, v9  }
0x68: {  	[tilespmem:s18+$0xE490] =	vst.add.f32.msk $0xffff, v10  }
0x69: {  	[tilespmem:s18+$0xE4A0] =	vst.add.f32.msk $0xffff, v11  }
0x6a: {  	[tilespmem:s18+$0xE4B0] =	vst.add.f32.msk $0xffff, v12  }
0x6b: {  	[tilespmem:s18+$0xE4C0] =	vst.add.f32.msk $0xffff, v13  }
0x6c: {  	s16 =	sshll.u32 s14, $0xA;
	[tilespmem:s18+$0xE4D0] =	vst.add.f32.msk $0xffff, v14  }
0x6d: {  	s16 =	sand.u32 $0x3FFFFC00, s16;
	[tilespmem:s18+$0xE4E0] =	vst.add.f32.msk $0xffff, v15  }
0x6e: {  	s20 =	sadd.s32 $0x400, s16;
	[tilespmem:s18+$0xE440] =	vst.add.f32.msk $0xffff, v1  }
0x6f: {  	[tilespmem:s10], [sflag:$0x2] =	stream.indirect.gather [hbm4b:s3+s7], $0x20, s20, s7, $0xb8;
	[tilespmem:$0xF400] =	vst v63  }
0x70: {  	_ =	swait.ge [sflag:s25], $0x1000  }
0x71: {  	[sflag:s25] =	ssyncset.done $0x0  }
0x72: {  	s18 =	simm.s32 $0x0;
	s20 =	simm.s32 $0x400;
	[sflag:s25] =	ssyncadd.s32 $0xFFFFF000  }
.LBB2_7:
0x73: {  	p0 =	sne.s32 s20, $0x3C00;
	v1 =	vld [tilespmem:s18+$0x74F0]  }
0x74: {  	v2 =	vld [tilespmem:s18+$0x7400]  }
0x75: {  	v3 =	vld [tilespmem:s18+$0x7410]  }
0x76: {  	v4 =	vld [tilespmem:s18+$0x7420]  }
0x77: {  	v5 =	vld [tilespmem:s18+$0x7430]  }
0x78: {  	[tilespmem:s18+$0xE4F0] =	vst.add.f32.msk $0xffff, v1  }
0x79: {  	v1 =	vld [tilespmem:s18+$0x7440]  }
0x7a: {  	v6 =	vld [tilespmem:s18+$0x7450]  }
0x7b: {  	v7 =	vld [tilespmem:s18+$0x7460]  }
0x7c: {  	v8 =	vld [tilespmem:s18+$0x7470]  }
0x7d: {  	v9 =	vld [tilespmem:s18+$0x7480]  }
0x7e: {  	v10 =	vld [tilespmem:s18+$0x7490]  }
0x7f: {  	v11 =	vld [tilespmem:s18+$0x74A0]  }
0x80: {  	v12 =	vld [tilespmem:s18+$0x74B0]  }
0x81: {  	v13 =	vld [tilespmem:s18+$0x74C0]  }
0x82: {  	v14 =	vld [tilespmem:s18+$0x74D0]  }
0x83: {  	v15 =	vld [tilespmem:s18+$0x74E0]  }
0x84: {  	[tilespmem:s18+$0xE400] =	vst.add.f32.msk $0xffff, v2  }
0x85: {  	[tilespmem:s18+$0xE410] =	vst.add.f32.msk $0xffff, v3  }
0x86: {  	[tilespmem:s18+$0xE420] =	vst.add.f32.msk $0xffff, v4  }
0x87: {  	[tilespmem:s18+$0xE430] =	vst.add.f32.msk $0xffff, v5  }
0x88: {  	[tilespmem:s18+$0xE440] =	vst.add.f32.msk $0xffff, v1  }
0x89: {  	[tilespmem:s18+$0xE450] =	vst.add.f32.msk $0xffff, v6  }
0x8a: {  	[tilespmem:s18+$0xE460] =	vst.add.f32.msk $0xffff, v7  }
0x8b: {  	[tilespmem:s18+$0xE470] =	vst.add.f32.msk $0xffff, v8  }
0x8c: {  	[tilespmem:s18+$0xE480] =	vst.add.f32.msk $0xffff, v9  }
0x8d: {  	[tilespmem:s18+$0xE490] =	vst.add.f32.msk $0xffff, v10  }
.Ltmp2:
0x8e: {  	[tilespmem:s18+$0xE4A0] =	vst.add.f32.msk $0xffff, v11;
	(pc) =	sbr.rel @p0 .LBB2_7-.Ltmp2, $4  }
0x8f: {  	[tilespmem:s18+$0xE4B0] =	vst.add.f32.msk $0xffff, v12  }
0x90: {  	[tilespmem:s18+$0xE4C0] =	vst.add.f32.msk $0xffff, v13  }
0x91: {  	[tilespmem:s18+$0xE4D0] =	vst.add.f32.msk $0xffff, v14  }
0x92: {  	[tilespmem:s18+$0xE4E0] =	vst.add.f32.msk $0xffff, v15;
	s18 =	sshra.s32 s20, $0x2;
	s20 =	sadd.s32 $0x400, s20  }
0x93: {  	v1 =	vld [tilespmem:s18+$0x74F0]  }
0x94: {  	v2 =	vld [tilespmem:s18+$0x7400]  }
0x95: {  	v3 =	vld [tilespmem:s18+$0x7410]  }
0x96: {  	v4 =	vld [tilespmem:s18+$0x7420]  }
0x97: {  	v5 =	vld [tilespmem:s18+$0x7430]  }
0x98: {  	v6 =	vld [tilespmem:s18+$0x7450]  }
0x99: {  	v7 =	vld [tilespmem:s18+$0x7460]  }
0x9a: {  	v8 =	vld [tilespmem:s18+$0x7470]  }
0x9b: {  	v9 =	vld [tilespmem:s18+$0x7480]  }
0x9c: {  	v10 =	vld [tilespmem:s18+$0x7490]  }
0x9d: {  	v11 =	vld [tilespmem:s18+$0x74A0]  }
0x9e: {  	v12 =	vld [tilespmem:s18+$0x74B0]  }
0x9f: {  	v13 =	vld [tilespmem:s18+$0x74C0]  }
0xa0: {  	v14 =	vld [tilespmem:s18+$0x74D0]  }
0xa1: {  	v15 =	vld [tilespmem:s18+$0x74E0]  }
0xa2: {  	[tilespmem:s18+$0xE4F0] =	vst.add.f32.msk $0xffff, v1  }
0xa3: {  	v1 =	vld [tilespmem:s18+$0x7440]  }
0xa4: {  	[tilespmem:s18+$0xE400] =	vst.add.f32.msk $0xffff, v2  }
0xa5: {  	[tilespmem:s18+$0xE410] =	vst.add.f32.msk $0xffff, v3  }
0xa6: {  	[tilespmem:s18+$0xE420] =	vst.add.f32.msk $0xffff, v4  }
0xa7: {  	[tilespmem:s18+$0xE430] =	vst.add.f32.msk $0xffff, v5  }
0xa8: {  	[tilespmem:s18+$0xE450] =	vst.add.f32.msk $0xffff, v6  }
0xa9: {  	[tilespmem:s18+$0xE460] =	vst.add.f32.msk $0xffff, v7  }
0xaa: {  	[tilespmem:s18+$0xE470] =	vst.add.f32.msk $0xffff, v8  }
0xab: {  	[tilespmem:s18+$0xE480] =	vst.add.f32.msk $0xffff, v9  }
0xac: {  	[tilespmem:s18+$0xE490] =	vst.add.f32.msk $0xffff, v10  }
0xad: {  	[tilespmem:s18+$0xE4A0] =	vst.add.f32.msk $0xffff, v11  }
0xae: {  	[tilespmem:s18+$0xE4B0] =	vst.add.f32.msk $0xffff, v12  }
0xaf: {  	[tilespmem:s18+$0xE4C0] =	vst.add.f32.msk $0xffff, v13  }
0xb0: {  	[tilespmem:s18+$0xE4D0] =	vst.add.f32.msk $0xffff, v14  }
0xb1: {  	[tilespmem:s18+$0xE4E0] =	vst.add.f32.msk $0xffff, v15  }
0xb2: {  	s20 =	sadd.s32 $0x480, s16;
	[tilespmem:s18+$0xE440] =	vst.add.f32.msk $0xffff, v1  }
0xb3: {  	[tilespmem:s11], [sflag:$0x3] =	stream.indirect.gather [hbm4b:s3+s7], $0x20, s20, s7, $0xb8;
	[tilespmem:$0xF400] =	vst v63  }
0xb4: {  	_ =	swait.ge [sflag:s26], $0x1000  }
0xb5: {  	[sflag:s26] =	ssyncset.done $0x0  }
0xb6: {  	s18 =	simm.s32 $0x0;
	s20 =	simm.s32 $0x400;
	[sflag:s26] =	ssyncadd.s32 $0xFFFFF000  }
.LBB2_9:
0xb7: {  	p0 =	sne.s32 s20, $0x3C00;
	v1 =	vld [tilespmem:s18+$0x84F0]  }
0xb8: {  	v2 =	vld [tilespmem:s18+$0x8400]  }
0xb9: {  	v3 =	vld [tilespmem:s18+$0x8410]  }
0xba: {  	v4 =	vld [tilespmem:s18+$0x8420]  }
0xbb: {  	v5 =	vld [tilespmem:s18+$0x8430]  }
0xbc: {  	[tilespmem:s18+$0xE4F0] =	vst.add.f32.msk $0xffff, v1  }
0xbd: {  	v1 =	vld [tilespmem:s18+$0x8440]  }
0xbe: {  	v6 =	vld [tilespmem:s18+$0x8450]  }
0xbf: {  	v7 =	vld [tilespmem:s18+$0x8460]  }
0xc0: {  	v8 =	vld [tilespmem:s18+$0x8470]  }
0xc1: {  	v9 =	vld [tilespmem:s18+$0x8480]  }
0xc2: {  	v10 =	vld [tilespmem:s18+$0x8490]  }
0xc3: {  	v11 =	vld [tilespmem:s18+$0x84A0]  }
0xc4: {  	v12 =	vld [tilespmem:s18+$0x84B0]  }
0xc5: {  	v13 =	vld [tilespmem:s18+$0x84C0]  }
0xc6: {  	v14 =	vld [tilespmem:s18+$0x84D0]  }
0xc7: {  	v15 =	vld [tilespmem:s18+$0x84E0]  }
0xc8: {  	[tilespmem:s18+$0xE400] =	vst.add.f32.msk $0xffff, v2  }
0xc9: {  	[tilespmem:s18+$0xE410] =	vst.add.f32.msk $0xffff, v3  }
0xca: {  	[tilespmem:s18+$0xE420] =	vst.add.f32.msk $0xffff, v4  }
0xcb: {  	[tilespmem:s18+$0xE430] =	vst.add.f32.msk $0xffff, v5  }
0xcc: {  	[tilespmem:s18+$0xE440] =	vst.add.f32.msk $0xffff, v1  }
0xcd: {  	[tilespmem:s18+$0xE450] =	vst.add.f32.msk $0xffff, v6  }
0xce: {  	[tilespmem:s18+$0xE460] =	vst.add.f32.msk $0xffff, v7  }
0xcf: {  	[tilespmem:s18+$0xE470] =	vst.add.f32.msk $0xffff, v8  }
0xd0: {  	[tilespmem:s18+$0xE480] =	vst.add.f32.msk $0xffff, v9  }
0xd1: {  	[tilespmem:s18+$0xE490] =	vst.add.f32.msk $0xffff, v10  }
.Ltmp3:
0xd2: {  	[tilespmem:s18+$0xE4A0] =	vst.add.f32.msk $0xffff, v11;
	(pc) =	sbr.rel @p0 .LBB2_9-.Ltmp3, $4  }
0xd3: {  	[tilespmem:s18+$0xE4B0] =	vst.add.f32.msk $0xffff, v12  }
0xd4: {  	[tilespmem:s18+$0xE4C0] =	vst.add.f32.msk $0xffff, v13  }
0xd5: {  	[tilespmem:s18+$0xE4D0] =	vst.add.f32.msk $0xffff, v14  }
0xd6: {  	[tilespmem:s18+$0xE4E0] =	vst.add.f32.msk $0xffff, v15;
	s18 =	sshra.s32 s20, $0x2;
	s20 =	sadd.s32 $0x400, s20  }
0xd7: {  	v1 =	vld [tilespmem:s18+$0x84F0]  }
0xd8: {  	v2 =	vld [tilespmem:s18+$0x8400]  }
0xd9: {  	v3 =	vld [tilespmem:s18+$0x8410]  }
0xda: {  	v4 =	vld [tilespmem:s18+$0x8420]  }
0xdb: {  	v5 =	vld [tilespmem:s18+$0x8430]  }
0xdc: {  	v6 =	vld [tilespmem:s18+$0x8450]  }
0xdd: {  	v7 =	vld [tilespmem:s18+$0x8460]  }
0xde: {  	v8 =	vld [tilespmem:s18+$0x8470]  }
0xdf: {  	v9 =	vld [tilespmem:s18+$0x8480]  }
0xe0: {  	v10 =	vld [tilespmem:s18+$0x8490]  }
0xe1: {  	v11 =	vld [tilespmem:s18+$0x84A0]  }
0xe2: {  	v12 =	vld [tilespmem:s18+$0x84B0]  }
0xe3: {  	v13 =	vld [tilespmem:s18+$0x84C0]  }
0xe4: {  	v14 =	vld [tilespmem:s18+$0x84D0]  }
0xe5: {  	v15 =	vld [tilespmem:s18+$0x84E0]  }
0xe6: {  	[tilespmem:s18+$0xE4F0] =	vst.add.f32.msk $0xffff, v1  }
0xe7: {  	v1 =	vld [tilespmem:s18+$0x8440]  }
0xe8: {  	[tilespmem:s18+$0xE400] =	vst.add.f32.msk $0xffff, v2  }
0xe9: {  	[tilespmem:s18+$0xE410] =	vst.add.f32.msk $0xffff, v3  }
0xea: {  	[tilespmem:s18+$0xE420] =	vst.add.f32.msk $0xffff, v4  }
0xeb: {  	[tilespmem:s18+$0xE430] =	vst.add.f32.msk $0xffff, v5  }
0xec: {  	[tilespmem:s18+$0xE450] =	vst.add.f32.msk $0xffff, v6  }
0xed: {  	[tilespmem:s18+$0xE460] =	vst.add.f32.msk $0xffff, v7  }
0xee: {  	[tilespmem:s18+$0xE470] =	vst.add.f32.msk $0xffff, v8  }
0xef: {  	[tilespmem:s18+$0xE480] =	vst.add.f32.msk $0xffff, v9  }
0xf0: {  	[tilespmem:s18+$0xE490] =	vst.add.f32.msk $0xffff, v10  }
0xf1: {  	[tilespmem:s18+$0xE4A0] =	vst.add.f32.msk $0xffff, v11  }
0xf2: {  	[tilespmem:s18+$0xE4B0] =	vst.add.f32.msk $0xffff, v12  }
0xf3: {  	[tilespmem:s18+$0xE4C0] =	vst.add.f32.msk $0xffff, v13  }
0xf4: {  	[tilespmem:s18+$0xE4D0] =	vst.add.f32.msk $0xffff, v14  }
0xf5: {  	[tilespmem:s18+$0xE4E0] =	vst.add.f32.msk $0xffff, v15  }
0xf6: {  	s20 =	sadd.s32 $0x500, s16;
	[tilespmem:s18+$0xE440] =	vst.add.f32.msk $0xffff, v1  }
0xf7: {  	[tilespmem:s13], [sflag:$0x4] =	stream.indirect.gather [hbm4b:s3+s7], $0x20, s20, s7, $0xb8;
	[tilespmem:$0xF400] =	vst v63  }
0xf8: {  	_ =	swait.ge [sflag:s28], $0x1000  }
0xf9: {  	[sflag:s28] =	ssyncset.done $0x0  }
0xfa: {  	s18 =	simm.s32 $0x0;
	s20 =	simm.s32 $0x400;
	[sflag:s28] =	ssyncadd.s32 $0xFFFFF000  }
.LBB2_11:
0xfb: {  	p0 =	sne.s32 s20, $0x3C00;
	v1 =	vld [tilespmem:s18+$0x94F0]  }
0xfc: {  	v2 =	vld [tilespmem:s18+$0x9400]  }
0xfd: {  	v3 =	vld [tilespmem:s18+$0x9410]  }
0xfe: {  	v4 =	vld [tilespmem:s18+$0x9420]  }
0xff: {  	v5 =	vld [tilespmem:s18+$0x9430]  }
0x100: {  	[tilespmem:s18+$0xE4F0] =	vst.add.f32.msk $0xffff, v1  }
0x101: {  	v1 =	vld [tilespmem:s18+$0x9440]  }
0x102: {  	v6 =	vld [tilespmem:s18+$0x9450]  }
0x103: {  	v7 =	vld [tilespmem:s18+$0x9460]  }
0x104: {  	v8 =	vld [tilespmem:s18+$0x9470]  }
0x105: {  	v9 =	vld [tilespmem:s18+$0x9480]  }
0x106: {  	v10 =	vld [tilespmem:s18+$0x9490]  }
0x107: {  	v11 =	vld [tilespmem:s18+$0x94A0]  }
0x108: {  	v12 =	vld [tilespmem:s18+$0x94B0]  }
0x109: {  	v13 =	vld [tilespmem:s18+$0x94C0]  }
0x10a: {  	v14 =	vld [tilespmem:s18+$0x94D0]  }
0x10b: {  	v15 =	vld [tilespmem:s18+$0x94E0]  }
0x10c: {  	[tilespmem:s18+$0xE400] =	vst.add.f32.msk $0xffff, v2  }
0x10d: {  	[tilespmem:s18+$0xE410] =	vst.add.f32.msk $0xffff, v3  }
0x10e: {  	[tilespmem:s18+$0xE420] =	vst.add.f32.msk $0xffff, v4  }
0x10f: {  	[tilespmem:s18+$0xE430] =	vst.add.f32.msk $0xffff, v5  }
0x110: {  	[tilespmem:s18+$0xE440] =	vst.add.f32.msk $0xffff, v1  }
0x111: {  	[tilespmem:s18+$0xE450] =	vst.add.f32.msk $0xffff, v6  }
0x112: {  	[tilespmem:s18+$0xE460] =	vst.add.f32.msk $0xffff, v7  }
0x113: {  	[tilespmem:s18+$0xE470] =	vst.add.f32.msk $0xffff, v8  }
0x114: {  	[tilespmem:s18+$0xE480] =	vst.add.f32.msk $0xffff, v9  }
0x115: {  	[tilespmem:s18+$0xE490] =	vst.add.f32.msk $0xffff, v10  }
.Ltmp4:
0x116: {  	[tilespmem:s18+$0xE4A0] =	vst.add.f32.msk $0xffff, v11;
	(pc) =	sbr.rel @p0 .LBB2_11-.Ltmp4, $4  }
0x117: {  	[tilespmem:s18+$0xE4B0] =	vst.add.f32.msk $0xffff, v12  }
0x118: {  	[tilespmem:s18+$0xE4C0] =	vst.add.f32.msk $0xffff, v13  }
0x119: {  	[tilespmem:s18+$0xE4D0] =	vst.add.f32.msk $0xffff, v14  }
0x11a: {  	[tilespmem:s18+$0xE4E0] =	vst.add.f32.msk $0xffff, v15;
	s18 =	sshra.s32 s20, $0x2;
	s20 =	sadd.s32 $0x400, s20  }
0x11b: {  	v1 =	vld [tilespmem:s18+$0x94F0]  }
0x11c: {  	v2 =	vld [tilespmem:s18+$0x9400]  }
0x11d: {  	v3 =	vld [tilespmem:s18+$0x9410]  }
0x11e: {  	v4 =	vld [tilespmem:s18+$0x9420]  }
0x11f: {  	v5 =	vld [tilespmem:s18+$0x9430]  }
0x120: {  	v6 =	vld [tilespmem:s18+$0x9450]  }
0x121: {  	v7 =	vld [tilespmem:s18+$0x9460]  }
0x122: {  	v8 =	vld [tilespmem:s18+$0x9470]  }
0x123: {  	v9 =	vld [tilespmem:s18+$0x9480]  }
0x124: {  	v10 =	vld [tilespmem:s18+$0x9490]  }
0x125: {  	v11 =	vld [tilespmem:s18+$0x94A0]  }
0x126: {  	v12 =	vld [tilespmem:s18+$0x94B0]  }
0x127: {  	v13 =	vld [tilespmem:s18+$0x94C0]  }
0x128: {  	v14 =	vld [tilespmem:s18+$0x94D0]  }
0x129: {  	v15 =	vld [tilespmem:s18+$0x94E0]  }
0x12a: {  	[tilespmem:s18+$0xE4F0] =	vst.add.f32.msk $0xffff, v1  }
0x12b: {  	v1 =	vld [tilespmem:s18+$0x9440]  }
0x12c: {  	[tilespmem:s18+$0xE400] =	vst.add.f32.msk $0xffff, v2  }
0x12d: {  	[tilespmem:s18+$0xE410] =	vst.add.f32.msk $0xffff, v3  }
0x12e: {  	[tilespmem:s18+$0xE420] =	vst.add.f32.msk $0xffff, v4  }
0x12f: {  	[tilespmem:s18+$0xE430] =	vst.add.f32.msk $0xffff, v5  }
0x130: {  	[tilespmem:s18+$0xE450] =	vst.add.f32.msk $0xffff, v6  }
0x131: {  	[tilespmem:s18+$0xE460] =	vst.add.f32.msk $0xffff, v7  }
0x132: {  	[tilespmem:s18+$0xE470] =	vst.add.f32.msk $0xffff, v8  }
0x133: {  	[tilespmem:s18+$0xE480] =	vst.add.f32.msk $0xffff, v9  }
0x134: {  	[tilespmem:s18+$0xE490] =	vst.add.f32.msk $0xffff, v10  }
0x135: {  	[tilespmem:s18+$0xE4A0] =	vst.add.f32.msk $0xffff, v11  }
0x136: {  	[tilespmem:s18+$0xE4B0] =	vst.add.f32.msk $0xffff, v12  }
0x137: {  	[tilespmem:s18+$0xE4C0] =	vst.add.f32.msk $0xffff, v13  }
0x138: {  	[tilespmem:s18+$0xE4D0] =	vst.add.f32.msk $0xffff, v14  }
0x139: {  	[tilespmem:s18+$0xE4E0] =	vst.add.f32.msk $0xffff, v15  }
0x13a: {  	s20 =	sadd.s32 $0x580, s16;
	[tilespmem:s18+$0xE440] =	vst.add.f32.msk $0xffff, v1  }
0x13b: {  	[tilespmem:s15], [sflag:$0x5] =	stream.indirect.gather [hbm4b:s3+s7], $0x20, s20, s7, $0xb8;
	[tilespmem:$0xF400] =	vst v63  }
0x13c: {  	_ =	swait.ge [sflag:s29], $0x1000  }
0x13d: {  	[sflag:s29] =	ssyncset.done $0x0  }
0x13e: {  	s18 =	simm.s32 $0x0;
	s20 =	simm.s32 $0x400;
	[sflag:s29] =	ssyncadd.s32 $0xFFFFF000  }
.LBB2_13:
0x13f: {  	p0 =	sne.s32 s20, $0x3C00;
	v1 =	vld [tilespmem:s18+$0xA4F0]  }
0x140: {  	v2 =	vld [tilespmem:s18+$0xA400]  }
0x141: {  	v3 =	vld [tilespmem:s18+$0xA410]  }
0x142: {  	v4 =	vld [tilespmem:s18+$0xA420]  }
0x143: {  	v5 =	vld [tilespmem:s18+$0xA430]  }
0x144: {  	[tilespmem:s18+$0xE4F0] =	vst.add.f32.msk $0xffff, v1  }
0x145: {  	v1 =	vld [tilespmem:s18+$0xA440]  }
0x146: {  	v6 =	vld [tilespmem:s18+$0xA450]  }
0x147: {  	v7 =	vld [tilespmem:s18+$0xA460]  }
0x148: {  	v8 =	vld [tilespmem:s18+$0xA470]  }
0x149: {  	v9 =	vld [tilespmem:s18+$0xA480]  }
0x14a: {  	v10 =	vld [tilespmem:s18+$0xA490]  }
0x14b: {  	v11 =	vld [tilespmem:s18+$0xA4A0]  }
0x14c: {  	v12 =	vld [tilespmem:s18+$0xA4B0]  }
0x14d: {  	v13 =	vld [tilespmem:s18+$0xA4C0]  }
0x14e: {  	v14 =	vld [tilespmem:s18+$0xA4D0]  }
0x14f: {  	v15 =	vld [tilespmem:s18+$0xA4E0]  }
0x150: {  	[tilespmem:s18+$0xE400] =	vst.add.f32.msk $0xffff, v2  }
0x151: {  	[tilespmem:s18+$0xE410] =	vst.add.f32.msk $0xffff, v3  }
0x152: {  	[tilespmem:s18+$0xE420] =	vst.add.f32.msk $0xffff, v4  }
0x153: {  	[tilespmem:s18+$0xE430] =	vst.add.f32.msk $0xffff, v5  }
0x154: {  	[tilespmem:s18+$0xE440] =	vst.add.f32.msk $0xffff, v1  }
0x155: {  	[tilespmem:s18+$0xE450] =	vst.add.f32.msk $0xffff, v6  }
0x156: {  	[tilespmem:s18+$0xE460] =	vst.add.f32.msk $0xffff, v7  }
0x157: {  	[tilespmem:s18+$0xE470] =	vst.add.f32.msk $0xffff, v8  }
0x158: {  	[tilespmem:s18+$0xE480] =	vst.add.f32.msk $0xffff, v9  }
0x159: {  	[tilespmem:s18+$0xE490] =	vst.add.f32.msk $0xffff, v10  }
.Ltmp5:
0x15a: {  	[tilespmem:s18+$0xE4A0] =	vst.add.f32.msk $0xffff, v11;
	(pc) =	sbr.rel @p0 .LBB2_13-.Ltmp5, $4  }
0x15b: {  	[tilespmem:s18+$0xE4B0] =	vst.add.f32.msk $0xffff, v12  }
0x15c: {  	[tilespmem:s18+$0xE4C0] =	vst.add.f32.msk $0xffff, v13  }
0x15d: {  	[tilespmem:s18+$0xE4D0] =	vst.add.f32.msk $0xffff, v14  }
0x15e: {  	[tilespmem:s18+$0xE4E0] =	vst.add.f32.msk $0xffff, v15;
	s18 =	sshra.s32 s20, $0x2;
	s20 =	sadd.s32 $0x400, s20  }
0x15f: {  	v1 =	vld [tilespmem:s18+$0xA4F0]  }
0x160: {  	v2 =	vld [tilespmem:s18+$0xA400]  }
0x161: {  	v3 =	vld [tilespmem:s18+$0xA410]  }
0x162: {  	v4 =	vld [tilespmem:s18+$0xA420]  }
0x163: {  	v5 =	vld [tilespmem:s18+$0xA430]  }
0x164: {  	v6 =	vld [tilespmem:s18+$0xA450]  }
0x165: {  	v7 =	vld [tilespmem:s18+$0xA460]  }
0x166: {  	v8 =	vld [tilespmem:s18+$0xA470]  }
0x167: {  	v9 =	vld [tilespmem:s18+$0xA480]  }
0x168: {  	v10 =	vld [tilespmem:s18+$0xA490]  }
0x169: {  	v11 =	vld [tilespmem:s18+$0xA4A0]  }
0x16a: {  	v12 =	vld [tilespmem:s18+$0xA4B0]  }
0x16b: {  	v13 =	vld [tilespmem:s18+$0xA4C0]  }
0x16c: {  	v14 =	vld [tilespmem:s18+$0xA4D0]  }
0x16d: {  	v15 =	vld [tilespmem:s18+$0xA4E0]  }
0x16e: {  	[tilespmem:s18+$0xE4F0] =	vst.add.f32.msk $0xffff, v1  }
0x16f: {  	v1 =	vld [tilespmem:s18+$0xA440]  }
0x170: {  	[tilespmem:s18+$0xE400] =	vst.add.f32.msk $0xffff, v2  }
0x171: {  	[tilespmem:s18+$0xE410] =	vst.add.f32.msk $0xffff, v3  }
0x172: {  	[tilespmem:s18+$0xE420] =	vst.add.f32.msk $0xffff, v4  }
0x173: {  	[tilespmem:s18+$0xE430] =	vst.add.f32.msk $0xffff, v5  }
0x174: {  	[tilespmem:s18+$0xE450] =	vst.add.f32.msk $0xffff, v6  }
0x175: {  	[tilespmem:s18+$0xE460] =	vst.add.f32.msk $0xffff, v7  }
0x176: {  	[tilespmem:s18+$0xE470] =	vst.add.f32.msk $0xffff, v8  }
0x177: {  	[tilespmem:s18+$0xE480] =	vst.add.f32.msk $0xffff, v9  }
0x178: {  	[tilespmem:s18+$0xE490] =	vst.add.f32.msk $0xffff, v10  }
0x179: {  	[tilespmem:s18+$0xE4A0] =	vst.add.f32.msk $0xffff, v11  }
0x17a: {  	[tilespmem:s18+$0xE4B0] =	vst.add.f32.msk $0xffff, v12  }
0x17b: {  	[tilespmem:s18+$0xE4C0] =	vst.add.f32.msk $0xffff, v13  }
0x17c: {  	[tilespmem:s18+$0xE4D0] =	vst.add.f32.msk $0xffff, v14  }
0x17d: {  	[tilespmem:s18+$0xE4E0] =	vst.add.f32.msk $0xffff, v15  }
0x17e: {  	s20 =	sadd.s32 $0x600, s16;
	[tilespmem:s18+$0xE440] =	vst.add.f32.msk $0xffff, v1  }
0x17f: {  	[tilespmem:s17], [sflag:$0x6] =	stream.indirect.gather [hbm4b:s3+s7], $0x20, s20, s7, $0xb8;
	[tilespmem:$0xF400] =	vst v63  }
0x180: {  	_ =	swait.ge [sflag:s30], $0x1000  }
0x181: {  	[sflag:s30] =	ssyncset.done $0x0  }
0x182: {  	s18 =	simm.s32 $0x0;
	s20 =	simm.s32 $0x400;
	[sflag:s30] =	ssyncadd.s32 $0xFFFFF000  }
.LBB2_15:
0x183: {  	p0 =	sne.s32 s20, $0x3C00;
	v1 =	vld [tilespmem:s18+$0xB4F0]  }
0x184: {  	v2 =	vld [tilespmem:s18+$0xB400]  }
0x185: {  	v3 =	vld [tilespmem:s18+$0xB410]  }
0x186: {  	v4 =	vld [tilespmem:s18+$0xB420]  }
0x187: {  	v5 =	vld [tilespmem:s18+$0xB430]  }
0x188: {  	[tilespmem:s18+$0xE4F0] =	vst.add.f32.msk $0xffff, v1  }
0x189: {  	v1 =	vld [tilespmem:s18+$0xB440]  }
0x18a: {  	v6 =	vld [tilespmem:s18+$0xB450]  }
0x18b: {  	v7 =	vld [tilespmem:s18+$0xB460]  }
0x18c: {  	v8 =	vld [tilespmem:s18+$0xB470]  }
0x18d: {  	v9 =	vld [tilespmem:s18+$0xB480]  }
0x18e: {  	v10 =	vld [tilespmem:s18+$0xB490]  }
0x18f: {  	v11 =	vld [tilespmem:s18+$0xB4A0]  }
0x190: {  	v12 =	vld [tilespmem:s18+$0xB4B0]  }
0x191: {  	v13 =	vld [tilespmem:s18+$0xB4C0]  }
0x192: {  	v14 =	vld [tilespmem:s18+$0xB4D0]  }
0x193: {  	v15 =	vld [tilespmem:s18+$0xB4E0]  }
0x194: {  	[tilespmem:s18+$0xE400] =	vst.add.f32.msk $0xffff, v2  }
0x195: {  	[tilespmem:s18+$0xE410] =	vst.add.f32.msk $0xffff, v3  }
0x196: {  	[tilespmem:s18+$0xE420] =	vst.add.f32.msk $0xffff, v4  }
0x197: {  	[tilespmem:s18+$0xE430] =	vst.add.f32.msk $0xffff, v5  }
0x198: {  	[tilespmem:s18+$0xE440] =	vst.add.f32.msk $0xffff, v1  }
0x199: {  	[tilespmem:s18+$0xE450] =	vst.add.f32.msk $0xffff, v6  }
0x19a: {  	[tilespmem:s18+$0xE460] =	vst.add.f32.msk $0xffff, v7  }
0x19b: {  	[tilespmem:s18+$0xE470] =	vst.add.f32.msk $0xffff, v8  }
0x19c: {  	[tilespmem:s18+$0xE480] =	vst.add.f32.msk $0xffff, v9  }
0x19d: {  	[tilespmem:s18+$0xE490] =	vst.add.f32.msk $0xffff, v10  }
.Ltmp6:
0x19e: {  	[tilespmem:s18+$0xE4A0] =	vst.add.f32.msk $0xffff, v11;
	(pc) =	sbr.rel @p0 .LBB2_15-.Ltmp6, $4  }
0x19f: {  	[tilespmem:s18+$0xE4B0] =	vst.add.f32.msk $0xffff, v12  }
0x1a0: {  	[tilespmem:s18+$0xE4C0] =	vst.add.f32.msk $0xffff, v13  }
0x1a1: {  	[tilespmem:s18+$0xE4D0] =	vst.add.f32.msk $0xffff, v14  }
0x1a2: {  	[tilespmem:s18+$0xE4E0] =	vst.add.f32.msk $0xffff, v15;
	s18 =	sshra.s32 s20, $0x2;
	s20 =	sadd.s32 $0x400, s20  }
0x1a3: {  	v1 =	vld [tilespmem:s18+$0xB4F0]  }
0x1a4: {  	v2 =	vld [tilespmem:s18+$0xB400]  }
0x1a5: {  	v3 =	vld [tilespmem:s18+$0xB410]  }
0x1a6: {  	v4 =	vld [tilespmem:s18+$0xB420]  }
0x1a7: {  	v5 =	vld [tilespmem:s18+$0xB430]  }
0x1a8: {  	v6 =	vld [tilespmem:s18+$0xB450]  }
0x1a9: {  	v7 =	vld [tilespmem:s18+$0xB460]  }
0x1aa: {  	v8 =	vld [tilespmem:s18+$0xB470]  }
0x1ab: {  	v9 =	vld [tilespmem:s18+$0xB480]  }
0x1ac: {  	v10 =	vld [tilespmem:s18+$0xB490]  }
0x1ad: {  	v11 =	vld [tilespmem:s18+$0xB4A0]  }
0x1ae: {  	v12 =	vld [tilespmem:s18+$0xB4B0]  }
0x1af: {  	v13 =	vld [tilespmem:s18+$0xB4C0]  }
0x1b0: {  	v14 =	vld [tilespmem:s18+$0xB4D0]  }
0x1b1: {  	v15 =	vld [tilespmem:s18+$0xB4E0]  }
0x1b2: {  	[tilespmem:s18+$0xE4F0] =	vst.add.f32.msk $0xffff, v1  }
0x1b3: {  	v1 =	vld [tilespmem:s18+$0xB440]  }
0x1b4: {  	[tilespmem:s18+$0xE400] =	vst.add.f32.msk $0xffff, v2  }
0x1b5: {  	[tilespmem:s18+$0xE410] =	vst.add.f32.msk $0xffff, v3  }
0x1b6: {  	[tilespmem:s18+$0xE420] =	vst.add.f32.msk $0xffff, v4  }
0x1b7: {  	[tilespmem:s18+$0xE430] =	vst.add.f32.msk $0xffff, v5  }
0x1b8: {  	[tilespmem:s18+$0xE450] =	vst.add.f32.msk $0xffff, v6  }
0x1b9: {  	[tilespmem:s18+$0xE460] =	vst.add.f32.msk $0xffff, v7  }
0x1ba: {  	[tilespmem:s18+$0xE470] =	vst.add.f32.msk $0xffff, v8  }
0x1bb: {  	[tilespmem:s18+$0xE480] =	vst.add.f32.msk $0xffff, v9  }
0x1bc: {  	[tilespmem:s18+$0xE490] =	vst.add.f32.msk $0xffff, v10  }
0x1bd: {  	[tilespmem:s18+$0xE4A0] =	vst.add.f32.msk $0xffff, v11  }
0x1be: {  	[tilespmem:s18+$0xE4B0] =	vst.add.f32.msk $0xffff, v12  }
0x1bf: {  	[tilespmem:s18+$0xE4C0] =	vst.add.f32.msk $0xffff, v13  }
0x1c0: {  	[tilespmem:s18+$0xE4D0] =	vst.add.f32.msk $0xffff, v14  }
0x1c1: {  	[tilespmem:s18+$0xE4E0] =	vst.add.f32.msk $0xffff, v15  }
0x1c2: {  	s20 =	sadd.s32 $0x680, s16;
	[tilespmem:s18+$0xE440] =	vst.add.f32.msk $0xffff, v1  }
0x1c3: {  	[tilespmem:s19], [sflag:$0x7] =	stream.indirect.gather [hbm4b:s3+s7], $0x20, s20, s7, $0xb8;
	[tilespmem:$0xF400] =	vst v63  }
0x1c4: {  	_ =	swait.ge [sflag:s31], $0x1000  }
0x1c5: {  	[sflag:s31] =	ssyncset.done $0x0  }
0x1c6: {  	s18 =	simm.s32 $0x0;
	s20 =	simm.s32 $0x400;
	[sflag:s31] =	ssyncadd.s32 $0xFFFFF000  }
.LBB2_17:
0x1c7: {  	p0 =	sne.s32 s20, $0x3C00;
	v1 =	vld [tilespmem:s18+$0xC4F0]  }
0x1c8: {  	v2 =	vld [tilespmem:s18+$0xC400]  }
0x1c9: {  	v3 =	vld [tilespmem:s18+$0xC410]  }
0x1ca: {  	v4 =	vld [tilespmem:s18+$0xC420]  }
0x1cb: {  	v5 =	vld [tilespmem:s18+$0xC430]  }
0x1cc: {  	[tilespmem:s18+$0xE4F0] =	vst.add.f32.msk $0xffff, v1  }
0x1cd: {  	v1 =	vld [tilespmem:s18+$0xC440]  }
0x1ce: {  	v6 =	vld [tilespmem:s18+$0xC450]  }
0x1cf: {  	v7 =	vld [tilespmem:s18+$0xC460]  }
0x1d0: {  	v8 =	vld [tilespmem:s18+$0xC470]  }
0x1d1: {  	v9 =	vld [tilespmem:s18+$0xC480]  }
0x1d2: {  	v10 =	vld [tilespmem:s18+$0xC490]  }
0x1d3: {  	v11 =	vld [tilespmem:s18+$0xC4A0]  }
0x1d4: {  	v12 =	vld [tilespmem:s18+$0xC4B0]  }
0x1d5: {  	v13 =	vld [tilespmem:s18+$0xC4C0]  }
0x1d6: {  	v14 =	vld [tilespmem:s18+$0xC4D0]  }
0x1d7: {  	v15 =	vld [tilespmem:s18+$0xC4E0]  }
0x1d8: {  	[tilespmem:s18+$0xE400] =	vst.add.f32.msk $0xffff, v2  }
0x1d9: {  	[tilespmem:s18+$0xE410] =	vst.add.f32.msk $0xffff, v3  }
0x1da: {  	[tilespmem:s18+$0xE420] =	vst.add.f32.msk $0xffff, v4  }
0x1db: {  	[tilespmem:s18+$0xE430] =	vst.add.f32.msk $0xffff, v5  }
0x1dc: {  	[tilespmem:s18+$0xE440] =	vst.add.f32.msk $0xffff, v1  }
0x1dd: {  	[tilespmem:s18+$0xE450] =	vst.add.f32.msk $0xffff, v6  }
0x1de: {  	[tilespmem:s18+$0xE460] =	vst.add.f32.msk $0xffff, v7  }
0x1df: {  	[tilespmem:s18+$0xE470] =	vst.add.f32.msk $0xffff, v8  }
0x1e0: {  	[tilespmem:s18+$0xE480] =	vst.add.f32.msk $0xffff, v9  }
0x1e1: {  	[tilespmem:s18+$0xE490] =	vst.add.f32.msk $0xffff, v10  }
.Ltmp7:
0x1e2: {  	[tilespmem:s18+$0xE4A0] =	vst.add.f32.msk $0xffff, v11;
	(pc) =	sbr.rel @p0 .LBB2_17-.Ltmp7, $4  }
0x1e3: {  	[tilespmem:s18+$0xE4B0] =	vst.add.f32.msk $0xffff, v12  }
0x1e4: {  	[tilespmem:s18+$0xE4C0] =	vst.add.f32.msk $0xffff, v13  }
0x1e5: {  	[tilespmem:s18+$0xE4D0] =	vst.add.f32.msk $0xffff, v14  }
0x1e6: {  	[tilespmem:s18+$0xE4E0] =	vst.add.f32.msk $0xffff, v15;
	s18 =	sshra.s32 s20, $0x2;
	s20 =	sadd.s32 $0x400, s20  }
0x1e7: {  	v1 =	vld [tilespmem:s18+$0xC4F0]  }
0x1e8: {  	v2 =	vld [tilespmem:s18+$0xC400]  }
0x1e9: {  	v3 =	vld [tilespmem:s18+$0xC410]  }
0x1ea: {  	v4 =	vld [tilespmem:s18+$0xC420]  }
0x1eb: {  	v5 =	vld [tilespmem:s18+$0xC430]  }
0x1ec: {  	v6 =	vld [tilespmem:s18+$0xC450]  }
0x1ed: {  	v7 =	vld [tilespmem:s18+$0xC460]  }
0x1ee: {  	v8 =	vld [tilespmem:s18+$0xC470]  }
0x1ef: {  	v9 =	vld [tilespmem:s18+$0xC480]  }
0x1f0: {  	v10 =	vld [tilespmem:s18+$0xC490]  }
0x1f1: {  	v11 =	vld [tilespmem:s18+$0xC4A0]  }
0x1f2: {  	v12 =	vld [tilespmem:s18+$0xC4B0]  }
0x1f3: {  	v13 =	vld [tilespmem:s18+$0xC4C0]  }
0x1f4: {  	v14 =	vld [tilespmem:s18+$0xC4D0]  }
0x1f5: {  	v15 =	vld [tilespmem:s18+$0xC4E0]  }
0x1f6: {  	[tilespmem:s18+$0xE4F0] =	vst.add.f32.msk $0xffff, v1  }
0x1f7: {  	v1 =	vld [tilespmem:s18+$0xC440]  }
0x1f8: {  	[tilespmem:s18+$0xE400] =	vst.add.f32.msk $0xffff, v2  }
0x1f9: {  	[tilespmem:s18+$0xE410] =	vst.add.f32.msk $0xffff, v3  }
0x1fa: {  	[tilespmem:s18+$0xE420] =	vst.add.f32.msk $0xffff, v4  }
0x1fb: {  	[tilespmem:s18+$0xE430] =	vst.add.f32.msk $0xffff, v5  }
0x1fc: {  	[tilespmem:s18+$0xE450] =	vst.add.f32.msk $0xffff, v6  }
0x1fd: {  	[tilespmem:s18+$0xE460] =	vst.add.f32.msk $0xffff, v7  }
0x1fe: {  	[tilespmem:s18+$0xE470] =	vst.add.f32.msk $0xffff, v8  }
0x1ff: {  	[tilespmem:s18+$0xE480] =	vst.add.f32.msk $0xffff, v9  }
0x200: {  	[tilespmem:s18+$0xE490] =	vst.add.f32.msk $0xffff, v10  }
0x201: {  	[tilespmem:s18+$0xE4A0] =	vst.add.f32.msk $0xffff, v11  }
0x202: {  	[tilespmem:s18+$0xE4B0] =	vst.add.f32.msk $0xffff, v12  }
0x203: {  	[tilespmem:s18+$0xE4C0] =	vst.add.f32.msk $0xffff, v13  }
0x204: {  	[tilespmem:s18+$0xE4D0] =	vst.add.f32.msk $0xffff, v14  }
0x205: {  	[tilespmem:s18+$0xE4E0] =	vst.add.f32.msk $0xffff, v15  }
0x206: {  	s20 =	sadd.s32 $0x700, s16;
	[tilespmem:s18+$0xE440] =	vst.add.f32.msk $0xffff, v1  }
0x207: {  	[tilespmem:s21], [sflag:$0x8] =	stream.indirect.gather [hbm4b:s3+s7], $0x20, s20, s7, $0xb8;
	[tilespmem:$0xF400] =	vst v63  }
0x208: {  	_ =	swait.ge [sflag:s0], $0x1000  }
0x209: {  	[sflag:s0] =	ssyncset.done $0x0  }
0x20a: {  	s18 =	simm.s32 $0x0;
	s20 =	simm.s32 $0x400;
	[sflag:s0] =	ssyncadd.s32 $0xFFFFF000  }
.LBB2_19:
0x20b: {  	p0 =	sne.s32 s20, $0x3C00;
	v1 =	vld [tilespmem:s18+$0xD4F0]  }
0x20c: {  	v2 =	vld [tilespmem:s18+$0xD400]  }
0x20d: {  	v3 =	vld [tilespmem:s18+$0xD410]  }
0x20e: {  	v4 =	vld [tilespmem:s18+$0xD420]  }
0x20f: {  	v5 =	vld [tilespmem:s18+$0xD430]  }
0x210: {  	[tilespmem:s18+$0xE4F0] =	vst.add.f32.msk $0xffff, v1  }
0x211: {  	v1 =	vld [tilespmem:s18+$0xD440]  }
0x212: {  	v6 =	vld [tilespmem:s18+$0xD450]  }
0x213: {  	v7 =	vld [tilespmem:s18+$0xD460]  }
0x214: {  	v8 =	vld [tilespmem:s18+$0xD470]  }
0x215: {  	v9 =	vld [tilespmem:s18+$0xD480]  }
0x216: {  	v10 =	vld [tilespmem:s18+$0xD490]  }
0x217: {  	v11 =	vld [tilespmem:s18+$0xD4A0]  }
0x218: {  	v12 =	vld [tilespmem:s18+$0xD4B0]  }
0x219: {  	v13 =	vld [tilespmem:s18+$0xD4C0]  }
0x21a: {  	v14 =	vld [tilespmem:s18+$0xD4D0]  }
0x21b: {  	v15 =	vld [tilespmem:s18+$0xD4E0]  }
0x21c: {  	[tilespmem:s18+$0xE400] =	vst.add.f32.msk $0xffff, v2  }
0x21d: {  	[tilespmem:s18+$0xE410] =	vst.add.f32.msk $0xffff, v3  }
0x21e: {  	[tilespmem:s18+$0xE420] =	vst.add.f32.msk $0xffff, v4  }
0x21f: {  	[tilespmem:s18+$0xE430] =	vst.add.f32.msk $0xffff, v5  }
0x220: {  	[tilespmem:s18+$0xE440] =	vst.add.f32.msk $0xffff, v1  }
0x221: {  	[tilespmem:s18+$0xE450] =	vst.add.f32.msk $0xffff, v6  }
0x222: {  	[tilespmem:s18+$0xE460] =	vst.add.f32.msk $0xffff, v7  }
0x223: {  	[tilespmem:s18+$0xE470] =	vst.add.f32.msk $0xffff, v8  }
0x224: {  	[tilespmem:s18+$0xE480] =	vst.add.f32.msk $0xffff, v9  }
0x225: {  	[tilespmem:s18+$0xE490] =	vst.add.f32.msk $0xffff, v10  }
.Ltmp8:
0x226: {  	[tilespmem:s18+$0xE4A0] =	vst.add.f32.msk $0xffff, v11;
	(pc) =	sbr.rel @p0 .LBB2_19-.Ltmp8, $4  }
0x227: {  	[tilespmem:s18+$0xE4B0] =	vst.add.f32.msk $0xffff, v12  }
0x228: {  	[tilespmem:s18+$0xE4C0] =	vst.add.f32.msk $0xffff, v13  }
0x229: {  	[tilespmem:s18+$0xE4D0] =	vst.add.f32.msk $0xffff, v14  }
0x22a: {  	[tilespmem:s18+$0xE4E0] =	vst.add.f32.msk $0xffff, v15;
	s18 =	sshra.s32 s20, $0x2;
	s20 =	sadd.s32 $0x400, s20  }
0x22b: {  	v1 =	vld [tilespmem:s18+$0xD4F0]  }
0x22c: {  	v2 =	vld [tilespmem:s18+$0xD400]  }
0x22d: {  	v3 =	vld [tilespmem:s18+$0xD410]  }
0x22e: {  	v4 =	vld [tilespmem:s18+$0xD420]  }
0x22f: {  	v5 =	vld [tilespmem:s18+$0xD430]  }
0x230: {  	v6 =	vld [tilespmem:s18+$0xD450]  }
0x231: {  	v7 =	vld [tilespmem:s18+$0xD460]  }
0x232: {  	v8 =	vld [tilespmem:s18+$0xD470]  }
0x233: {  	v9 =	vld [tilespmem:s18+$0xD480]  }
0x234: {  	v10 =	vld [tilespmem:s18+$0xD490]  }
0x235: {  	v11 =	vld [tilespmem:s18+$0xD4A0]  }
0x236: {  	v12 =	vld [tilespmem:s18+$0xD4B0]  }
0x237: {  	v13 =	vld [tilespmem:s18+$0xD4C0]  }
0x238: {  	v14 =	vld [tilespmem:s18+$0xD4D0]  }
0x239: {  	v15 =	vld [tilespmem:s18+$0xD4E0]  }
0x23a: {  	[tilespmem:s18+$0xE4F0] =	vst.add.f32.msk $0xffff, v1  }
0x23b: {  	v1 =	vld [tilespmem:s18+$0xD440]  }
0x23c: {  	[tilespmem:s18+$0xE400] =	vst.add.f32.msk $0xffff, v2  }
0x23d: {  	[tilespmem:s18+$0xE410] =	vst.add.f32.msk $0xffff, v3  }
0x23e: {  	[tilespmem:s18+$0xE420] =	vst.add.f32.msk $0xffff, v4  }
0x23f: {  	[tilespmem:s18+$0xE430] =	vst.add.f32.msk $0xffff, v5  }
0x240: {  	[tilespmem:s18+$0xE450] =	vst.add.f32.msk $0xffff, v6  }
0x241: {  	[tilespmem:s18+$0xE460] =	vst.add.f32.msk $0xffff, v7  }
0x242: {  	[tilespmem:s18+$0xE470] =	vst.add.f32.msk $0xffff, v8  }
0x243: {  	[tilespmem:s18+$0xE480] =	vst.add.f32.msk $0xffff, v9  }
0x244: {  	[tilespmem:s18+$0xE490] =	vst.add.f32.msk $0xffff, v10  }
0x245: {  	s14 =	sadd.s32 $0x1, s14;
	[tilespmem:s18+$0xE4A0] =	vst.add.f32.msk $0xffff, v11  }
0x246: {  	p0 =	sne.s32 s14, $0x18;
	[tilespmem:s18+$0xE4B0] =	vst.add.f32.msk $0xffff, v12  }
.Ltmp9:
0x247: {  	[tilespmem:s18+$0xE4C0] =	vst.add.f32.msk $0xffff, v13;
	(pc) =	sbr.rel @p0 .LBB2_4-.Ltmp9, $4  }
0x248: {  	[tilespmem:s18+$0xE4D0] =	vst.add.f32.msk $0xffff, v14  }
0x249: {  	[tilespmem:s18+$0xE4E0] =	vst.add.f32.msk $0xffff, v15  }
0x24a: {  	s16 =	sadd.s32 $0x780, s16;
	[tilespmem:s18+$0xE440] =	vst.add.f32.msk $0xffff, v1  }
0x24b: {  	[tilespmem:s23], [sflag:$0x9] =	stream.indirect.gather [hbm4b:s3+s7], $0x20, s16, s7, $0xb8;
	[tilespmem:$0xF400] =	vst v63  }
0x24c: {  	_ =	swait.ge [sflag:s24], $0x1000  }
0x24d: {  	[sflag:s24] =	ssyncset.done $0x0  }
0x24e: {  	s14 =	simm.s32 $0x0;
	s16 =	simm.s32 $0x400;
	[sflag:s24] =	ssyncadd.s32 $0xFFFFF000  }
.LBB2_22:
0x24f: {  	p0 =	sne.s32 s16, $0x3C00;
	v1 =	vld [tilespmem:s14+$0x64F0]  }
0x250: {  	v2 =	vld [tilespmem:s14+$0x6400]  }
0x251: {  	v3 =	vld [tilespmem:s14+$0x6410]  }
0x252: {  	v4 =	vld [tilespmem:s14+$0x6420]  }
0x253: {  	v5 =	vld [tilespmem:s14+$0x6430]  }
0x254: {  	[tilespmem:s14+$0xE4F0] =	vst.add.f32.msk $0xffff, v1  }
0x255: {  	v1 =	vld [tilespmem:s14+$0x6440]  }
0x256: {  	v6 =	vld [tilespmem:s14+$0x6450]  }
0x257: {  	v7 =	vld [tilespmem:s14+$0x6460]  }
0x258: {  	v8 =	vld [tilespmem:s14+$0x6470]  }
0x259: {  	v9 =	vld [tilespmem:s14+$0x6480]  }
0x25a: {  	v10 =	vld [tilespmem:s14+$0x6490]  }
0x25b: {  	v11 =	vld [tilespmem:s14+$0x64A0]  }
0x25c: {  	v12 =	vld [tilespmem:s14+$0x64B0]  }
0x25d: {  	v13 =	vld [tilespmem:s14+$0x64C0]  }
0x25e: {  	v14 =	vld [tilespmem:s14+$0x64D0]  }
0x25f: {  	v15 =	vld [tilespmem:s14+$0x64E0]  }
0x260: {  	[tilespmem:s14+$0xE400] =	vst.add.f32.msk $0xffff, v2  }
0x261: {  	[tilespmem:s14+$0xE410] =	vst.add.f32.msk $0xffff, v3  }
0x262: {  	[tilespmem:s14+$0xE420] =	vst.add.f32.msk $0xffff, v4  }
0x263: {  	[tilespmem:s14+$0xE430] =	vst.add.f32.msk $0xffff, v5  }
0x264: {  	[tilespmem:s14+$0xE440] =	vst.add.f32.msk $0xffff, v1  }
0x265: {  	[tilespmem:s14+$0xE450] =	vst.add.f32.msk $0xffff, v6  }
0x266: {  	[tilespmem:s14+$0xE460] =	vst.add.f32.msk $0xffff, v7  }
0x267: {  	[tilespmem:s14+$0xE470] =	vst.add.f32.msk $0xffff, v8  }
0x268: {  	[tilespmem:s14+$0xE480] =	vst.add.f32.msk $0xffff, v9  }
0x269: {  	[tilespmem:s14+$0xE490] =	vst.add.f32.msk $0xffff, v10  }
.Ltmp10:
0x26a: {  	[tilespmem:s14+$0xE4A0] =	vst.add.f32.msk $0xffff, v11;
	(pc) =	sbr.rel @p0 .LBB2_22-.Ltmp10, $4  }
0x26b: {  	[tilespmem:s14+$0xE4B0] =	vst.add.f32.msk $0xffff, v12  }
0x26c: {  	[tilespmem:s14+$0xE4C0] =	vst.add.f32.msk $0xffff, v13  }
0x26d: {  	[tilespmem:s14+$0xE4D0] =	vst.add.f32.msk $0xffff, v14  }
0x26e: {  	[tilespmem:s14+$0xE4E0] =	vst.add.f32.msk $0xffff, v15;
	s14 =	sshra.s32 s16, $0x2;
	s16 =	sadd.s32 $0x400, s16  }
0x26f: {  	v1 =	vld [tilespmem:s14+$0x64F0]  }
0x270: {  	v2 =	vld [tilespmem:s14+$0x6400]  }
0x271: {  	v3 =	vld [tilespmem:s14+$0x6410]  }
0x272: {  	v4 =	vld [tilespmem:s14+$0x6420]  }
0x273: {  	v5 =	vld [tilespmem:s14+$0x6430]  }
0x274: {  	v6 =	vld [tilespmem:s14+$0x6450]  }
0x275: {  	v7 =	vld [tilespmem:s14+$0x6460]  }
0x276: {  	v8 =	vld [tilespmem:s14+$0x6470]  }
0x277: {  	v9 =	vld [tilespmem:s14+$0x6480]  }
0x278: {  	v10 =	vld [tilespmem:s14+$0x6490]  }
0x279: {  	v11 =	vld [tilespmem:s14+$0x64A0]  }
0x27a: {  	v12 =	vld [tilespmem:s14+$0x64B0]  }
0x27b: {  	v13 =	vld [tilespmem:s14+$0x64C0]  }
0x27c: {  	v14 =	vld [tilespmem:s14+$0x64D0]  }
0x27d: {  	v15 =	vld [tilespmem:s14+$0x64E0]  }
0x27e: {  	[tilespmem:s14+$0xE4F0] =	vst.add.f32.msk $0xffff, v1  }
0x27f: {  	v1 =	vld [tilespmem:s14+$0x6440]  }
0x280: {  	[tilespmem:s14+$0xE400] =	vst.add.f32.msk $0xffff, v2  }
0x281: {  	[tilespmem:s14+$0xE410] =	vst.add.f32.msk $0xffff, v3  }
0x282: {  	[tilespmem:s14+$0xE420] =	vst.add.f32.msk $0xffff, v4  }
0x283: {  	[tilespmem:s14+$0xE430] =	vst.add.f32.msk $0xffff, v5  }
0x284: {  	[tilespmem:s14+$0xE450] =	vst.add.f32.msk $0xffff, v6  }
0x285: {  	[tilespmem:s14+$0xE460] =	vst.add.f32.msk $0xffff, v7  }
0x286: {  	[tilespmem:s14+$0xE470] =	vst.add.f32.msk $0xffff, v8  }
0x287: {  	[tilespmem:s14+$0xE480] =	vst.add.f32.msk $0xffff, v9  }
0x288: {  	[tilespmem:s14+$0xE490] =	vst.add.f32.msk $0xffff, v10  }
0x289: {  	[tilespmem:s14+$0xE4A0] =	vst.add.f32.msk $0xffff, v11  }
0x28a: {  	[tilespmem:s14+$0xE4B0] =	vst.add.f32.msk $0xffff, v12  }
0x28b: {  	[tilespmem:s14+$0xE4C0] =	vst.add.f32.msk $0xffff, v13  }
0x28c: {  	[tilespmem:s14+$0xE4D0] =	vst.add.f32.msk $0xffff, v14  }
0x28d: {  	[tilespmem:s14+$0xE4E0] =	vst.add.f32.msk $0xffff, v15  }
0x28e: {  	[tilespmem:s14+$0xE440] =	vst.add.f32.msk $0xffff, v1  }
0x28f: {  	_ =	swait.ge [sflag:s25], $0x1000  }
0x290: {  	[sflag:s25] =	ssyncset.done $0x0  }
0x291: {  	s16 =	simm.s32 $0x400;
	s14 =	simm.s32 $0x0;
	[sflag:s25] =	ssyncadd.s32 $0xFFFFF000  }
.LBB2_24:
0x292: {  	p0 =	sne.s32 s16, $0x3C00;
	v1 =	vld [tilespmem:s14+$0x74F0]  }
0x293: {  	v2 =	vld [tilespmem:s14+$0x7400]  }
0x294: {  	v3 =	vld [tilespmem:s14+$0x7410]  }
0x295: {  	v4 =	vld [tilespmem:s14+$0x7420]  }
0x296: {  	v5 =	vld [tilespmem:s14+$0x7430]  }
0x297: {  	[tilespmem:s14+$0xE4F0] =	vst.add.f32.msk $0xffff, v1  }
0x298: {  	v1 =	vld [tilespmem:s14+$0x7440]  }
0x299: {  	v6 =	vld [tilespmem:s14+$0x7450]  }
0x29a: {  	v7 =	vld [tilespmem:s14+$0x7460]  }
0x29b: {  	v8 =	vld [tilespmem:s14+$0x7470]  }
0x29c: {  	v9 =	vld [tilespmem:s14+$0x7480]  }
0x29d: {  	v10 =	vld [tilespmem:s14+$0x7490]  }
0x29e: {  	v11 =	vld [tilespmem:s14+$0x74A0]  }
0x29f: {  	v12 =	vld [tilespmem:s14+$0x74B0]  }
0x2a0: {  	v13 =	vld [tilespmem:s14+$0x74C0]  }
0x2a1: {  	v14 =	vld [tilespmem:s14+$0x74D0]  }
0x2a2: {  	v15 =	vld [tilespmem:s14+$0x74E0]  }
0x2a3: {  	[tilespmem:s14+$0xE400] =	vst.add.f32.msk $0xffff, v2  }
0x2a4: {  	[tilespmem:s14+$0xE410] =	vst.add.f32.msk $0xffff, v3  }
0x2a5: {  	[tilespmem:s14+$0xE420] =	vst.add.f32.msk $0xffff, v4  }
0x2a6: {  	[tilespmem:s14+$0xE430] =	vst.add.f32.msk $0xffff, v5  }
0x2a7: {  	[tilespmem:s14+$0xE440] =	vst.add.f32.msk $0xffff, v1  }
0x2a8: {  	[tilespmem:s14+$0xE450] =	vst.add.f32.msk $0xffff, v6  }
0x2a9: {  	[tilespmem:s14+$0xE460] =	vst.add.f32.msk $0xffff, v7  }
0x2aa: {  	[tilespmem:s14+$0xE470] =	vst.add.f32.msk $0xffff, v8  }
0x2ab: {  	[tilespmem:s14+$0xE480] =	vst.add.f32.msk $0xffff, v9  }
0x2ac: {  	[tilespmem:s14+$0xE490] =	vst.add.f32.msk $0xffff, v10  }
.Ltmp11:
0x2ad: {  	[tilespmem:s14+$0xE4A0] =	vst.add.f32.msk $0xffff, v11;
	(pc) =	sbr.rel @p0 .LBB2_24-.Ltmp11, $4  }
0x2ae: {  	[tilespmem:s14+$0xE4B0] =	vst.add.f32.msk $0xffff, v12  }
0x2af: {  	[tilespmem:s14+$0xE4C0] =	vst.add.f32.msk $0xffff, v13  }
0x2b0: {  	[tilespmem:s14+$0xE4D0] =	vst.add.f32.msk $0xffff, v14  }
0x2b1: {  	[tilespmem:s14+$0xE4E0] =	vst.add.f32.msk $0xffff, v15;
	s14 =	sshra.s32 s16, $0x2;
	s16 =	sadd.s32 $0x400, s16  }
0x2b2: {  	v1 =	vld [tilespmem:s14+$0x74F0]  }
0x2b3: {  	v2 =	vld [tilespmem:s14+$0x7400]  }
0x2b4: {  	v3 =	vld [tilespmem:s14+$0x7410]  }
0x2b5: {  	v4 =	vld [tilespmem:s14+$0x7420]  }
0x2b6: {  	v5 =	vld [tilespmem:s14+$0x7430]  }
0x2b7: {  	v6 =	vld [tilespmem:s14+$0x7450]  }
0x2b8: {  	v7 =	vld [tilespmem:s14+$0x7460]  }
0x2b9: {  	v8 =	vld [tilespmem:s14+$0x7470]  }
0x2ba: {  	v9 =	vld [tilespmem:s14+$0x7480]  }
0x2bb: {  	v10 =	vld [tilespmem:s14+$0x7490]  }
0x2bc: {  	v11 =	vld [tilespmem:s14+$0x74A0]  }
0x2bd: {  	v12 =	vld [tilespmem:s14+$0x74B0]  }
0x2be: {  	v13 =	vld [tilespmem:s14+$0x74C0]  }
0x2bf: {  	v14 =	vld [tilespmem:s14+$0x74D0]  }
0x2c0: {  	v15 =	vld [tilespmem:s14+$0x74E0]  }
0x2c1: {  	[tilespmem:s14+$0xE4F0] =	vst.add.f32.msk $0xffff, v1  }
0x2c2: {  	v1 =	vld [tilespmem:s14+$0x7440]  }
0x2c3: {  	[tilespmem:s14+$0xE400] =	vst.add.f32.msk $0xffff, v2  }
0x2c4: {  	[tilespmem:s14+$0xE410] =	vst.add.f32.msk $0xffff, v3  }
0x2c5: {  	[tilespmem:s14+$0xE420] =	vst.add.f32.msk $0xffff, v4  }
0x2c6: {  	[tilespmem:s14+$0xE430] =	vst.add.f32.msk $0xffff, v5  }
0x2c7: {  	[tilespmem:s14+$0xE450] =	vst.add.f32.msk $0xffff, v6  }
0x2c8: {  	[tilespmem:s14+$0xE460] =	vst.add.f32.msk $0xffff, v7  }
0x2c9: {  	[tilespmem:s14+$0xE470] =	vst.add.f32.msk $0xffff, v8  }
0x2ca: {  	[tilespmem:s14+$0xE480] =	vst.add.f32.msk $0xffff, v9  }
0x2cb: {  	[tilespmem:s14+$0xE490] =	vst.add.f32.msk $0xffff, v10  }
0x2cc: {  	[tilespmem:s14+$0xE4A0] =	vst.add.f32.msk $0xffff, v11  }
0x2cd: {  	[tilespmem:s14+$0xE4B0] =	vst.add.f32.msk $0xffff, v12  }
0x2ce: {  	[tilespmem:s14+$0xE4C0] =	vst.add.f32.msk $0xffff, v13  }
0x2cf: {  	[tilespmem:s14+$0xE4D0] =	vst.add.f32.msk $0xffff, v14  }
0x2d0: {  	[tilespmem:s14+$0xE4E0] =	vst.add.f32.msk $0xffff, v15  }
0x2d1: {  	[tilespmem:s14+$0xE440] =	vst.add.f32.msk $0xffff, v1  }
0x2d2: {  	_ =	swait.ge [sflag:s26], $0x1000  }
0x2d3: {  	[sflag:s26] =	ssyncset.done $0x0  }
0x2d4: {  	s16 =	simm.s32 $0x400;
	s14 =	simm.s32 $0x0;
	[sflag:s26] =	ssyncadd.s32 $0xFFFFF000  }
.LBB2_26:
0x2d5: {  	p0 =	sne.s32 s16, $0x3C00;
	v1 =	vld [tilespmem:s14+$0x84F0]  }
0x2d6: {  	v2 =	vld [tilespmem:s14+$0x8400]  }
0x2d7: {  	v3 =	vld [tilespmem:s14+$0x8410]  }
0x2d8: {  	v4 =	vld [tilespmem:s14+$0x8420]  }
0x2d9: {  	v5 =	vld [tilespmem:s14+$0x8430]  }
0x2da: {  	[tilespmem:s14+$0xE4F0] =	vst.add.f32.msk $0xffff, v1  }
0x2db: {  	v1 =	vld [tilespmem:s14+$0x8440]  }
0x2dc: {  	v6 =	vld [tilespmem:s14+$0x8450]  }
0x2dd: {  	v7 =	vld [tilespmem:s14+$0x8460]  }
0x2de: {  	v8 =	vld [tilespmem:s14+$0x8470]  }
0x2df: {  	v9 =	vld [tilespmem:s14+$0x8480]  }
0x2e0: {  	v10 =	vld [tilespmem:s14+$0x8490]  }
0x2e1: {  	v11 =	vld [tilespmem:s14+$0x84A0]  }
0x2e2: {  	v12 =	vld [tilespmem:s14+$0x84B0]  }
0x2e3: {  	v13 =	vld [tilespmem:s14+$0x84C0]  }
0x2e4: {  	v14 =	vld [tilespmem:s14+$0x84D0]  }
0x2e5: {  	v15 =	vld [tilespmem:s14+$0x84E0]  }
0x2e6: {  	[tilespmem:s14+$0xE400] =	vst.add.f32.msk $0xffff, v2  }
0x2e7: {  	[tilespmem:s14+$0xE410] =	vst.add.f32.msk $0xffff, v3  }
0x2e8: {  	[tilespmem:s14+$0xE420] =	vst.add.f32.msk $0xffff, v4  }
0x2e9: {  	[tilespmem:s14+$0xE430] =	vst.add.f32.msk $0xffff, v5  }
0x2ea: {  	[tilespmem:s14+$0xE440] =	vst.add.f32.msk $0xffff, v1  }
0x2eb: {  	[tilespmem:s14+$0xE450] =	vst.add.f32.msk $0xffff, v6  }
0x2ec: {  	[tilespmem:s14+$0xE460] =	vst.add.f32.msk $0xffff, v7  }
0x2ed: {  	[tilespmem:s14+$0xE470] =	vst.add.f32.msk $0xffff, v8  }
0x2ee: {  	[tilespmem:s14+$0xE480] =	vst.add.f32.msk $0xffff, v9  }
0x2ef: {  	[tilespmem:s14+$0xE490] =	vst.add.f32.msk $0xffff, v10  }
.Ltmp12:
0x2f0: {  	[tilespmem:s14+$0xE4A0] =	vst.add.f32.msk $0xffff, v11;
	(pc) =	sbr.rel @p0 .LBB2_26-.Ltmp12, $4  }
0x2f1: {  	[tilespmem:s14+$0xE4B0] =	vst.add.f32.msk $0xffff, v12  }
0x2f2: {  	[tilespmem:s14+$0xE4C0] =	vst.add.f32.msk $0xffff, v13  }
0x2f3: {  	[tilespmem:s14+$0xE4D0] =	vst.add.f32.msk $0xffff, v14  }
0x2f4: {  	[tilespmem:s14+$0xE4E0] =	vst.add.f32.msk $0xffff, v15;
	s14 =	sshra.s32 s16, $0x2;
	s16 =	sadd.s32 $0x400, s16  }
0x2f5: {  	v1 =	vld [tilespmem:s14+$0x84F0]  }
0x2f6: {  	v2 =	vld [tilespmem:s14+$0x8400]  }
0x2f7: {  	v3 =	vld [tilespmem:s14+$0x8410]  }
0x2f8: {  	v4 =	vld [tilespmem:s14+$0x8420]  }
0x2f9: {  	v5 =	vld [tilespmem:s14+$0x8430]  }
0x2fa: {  	v6 =	vld [tilespmem:s14+$0x8450]  }
0x2fb: {  	v7 =	vld [tilespmem:s14+$0x8460]  }
0x2fc: {  	v8 =	vld [tilespmem:s14+$0x8470]  }
0x2fd: {  	v9 =	vld [tilespmem:s14+$0x8480]  }
0x2fe: {  	v10 =	vld [tilespmem:s14+$0x8490]  }
0x2ff: {  	v11 =	vld [tilespmem:s14+$0x84A0]  }
0x300: {  	v12 =	vld [tilespmem:s14+$0x84B0]  }
0x301: {  	v13 =	vld [tilespmem:s14+$0x84C0]  }
0x302: {  	v14 =	vld [tilespmem:s14+$0x84D0]  }
0x303: {  	v15 =	vld [tilespmem:s14+$0x84E0]  }
0x304: {  	[tilespmem:s14+$0xE4F0] =	vst.add.f32.msk $0xffff, v1  }
0x305: {  	v1 =	vld [tilespmem:s14+$0x8440]  }
0x306: {  	[tilespmem:s14+$0xE400] =	vst.add.f32.msk $0xffff, v2  }
0x307: {  	[tilespmem:s14+$0xE410] =	vst.add.f32.msk $0xffff, v3  }
0x308: {  	[tilespmem:s14+$0xE420] =	vst.add.f32.msk $0xffff, v4  }
0x309: {  	[tilespmem:s14+$0xE430] =	vst.add.f32.msk $0xffff, v5  }
0x30a: {  	[tilespmem:s14+$0xE450] =	vst.add.f32.msk $0xffff, v6  }
0x30b: {  	[tilespmem:s14+$0xE460] =	vst.add.f32.msk $0xffff, v7  }
0x30c: {  	[tilespmem:s14+$0xE470] =	vst.add.f32.msk $0xffff, v8  }
0x30d: {  	[tilespmem:s14+$0xE480] =	vst.add.f32.msk $0xffff, v9  }
0x30e: {  	[tilespmem:s14+$0xE490] =	vst.add.f32.msk $0xffff, v10  }
0x30f: {  	[tilespmem:s14+$0xE4A0] =	vst.add.f32.msk $0xffff, v11  }
0x310: {  	[tilespmem:s14+$0xE4B0] =	vst.add.f32.msk $0xffff, v12  }
0x311: {  	[tilespmem:s14+$0xE4C0] =	vst.add.f32.msk $0xffff, v13  }
0x312: {  	[tilespmem:s14+$0xE4D0] =	vst.add.f32.msk $0xffff, v14  }
0x313: {  	[tilespmem:s14+$0xE4E0] =	vst.add.f32.msk $0xffff, v15  }
0x314: {  	[tilespmem:s14+$0xE440] =	vst.add.f32.msk $0xffff, v1  }
0x315: {  	_ =	swait.ge [sflag:s28], $0x1000  }
0x316: {  	[sflag:s28] =	ssyncset.done $0x0  }
0x317: {  	s16 =	simm.s32 $0x400;
	s14 =	simm.s32 $0x0;
	[sflag:s28] =	ssyncadd.s32 $0xFFFFF000  }
.LBB2_28:
0x318: {  	p0 =	sne.s32 s16, $0x3C00;
	v1 =	vld [tilespmem:s14+$0x94F0]  }
0x319: {  	v2 =	vld [tilespmem:s14+$0x9400]  }
0x31a: {  	v3 =	vld [tilespmem:s14+$0x9410]  }
0x31b: {  	v4 =	vld [tilespmem:s14+$0x9420]  }
0x31c: {  	v5 =	vld [tilespmem:s14+$0x9430]  }
0x31d: {  	[tilespmem:s14+$0xE4F0] =	vst.add.f32.msk $0xffff, v1  }
0x31e: {  	v1 =	vld [tilespmem:s14+$0x9440]  }
0x31f: {  	v6 =	vld [tilespmem:s14+$0x9450]  }
0x320: {  	v7 =	vld [tilespmem:s14+$0x9460]  }
0x321: {  	v8 =	vld [tilespmem:s14+$0x9470]  }
0x322: {  	v9 =	vld [tilespmem:s14+$0x9480]  }
0x323: {  	v10 =	vld [tilespmem:s14+$0x9490]  }
0x324: {  	v11 =	vld [tilespmem:s14+$0x94A0]  }
0x325: {  	v12 =	vld [tilespmem:s14+$0x94B0]  }
0x326: {  	v13 =	vld [tilespmem:s14+$0x94C0]  }
0x327: {  	v14 =	vld [tilespmem:s14+$0x94D0]  }
0x328: {  	v15 =	vld [tilespmem:s14+$0x94E0]  }
0x329: {  	[tilespmem:s14+$0xE400] =	vst.add.f32.msk $0xffff, v2  }
0x32a: {  	[tilespmem:s14+$0xE410] =	vst.add.f32.msk $0xffff, v3  }
0x32b: {  	[tilespmem:s14+$0xE420] =	vst.add.f32.msk $0xffff, v4  }
0x32c: {  	[tilespmem:s14+$0xE430] =	vst.add.f32.msk $0xffff, v5  }
0x32d: {  	[tilespmem:s14+$0xE440] =	vst.add.f32.msk $0xffff, v1  }
0x32e: {  	[tilespmem:s14+$0xE450] =	vst.add.f32.msk $0xffff, v6  }
0x32f: {  	[tilespmem:s14+$0xE460] =	vst.add.f32.msk $0xffff, v7  }
0x330: {  	[tilespmem:s14+$0xE470] =	vst.add.f32.msk $0xffff, v8  }
0x331: {  	[tilespmem:s14+$0xE480] =	vst.add.f32.msk $0xffff, v9  }
0x332: {  	[tilespmem:s14+$0xE490] =	vst.add.f32.msk $0xffff, v10  }
.Ltmp13:
0x333: {  	[tilespmem:s14+$0xE4A0] =	vst.add.f32.msk $0xffff, v11;
	(pc) =	sbr.rel @p0 .LBB2_28-.Ltmp13, $4  }
0x334: {  	[tilespmem:s14+$0xE4B0] =	vst.add.f32.msk $0xffff, v12  }
0x335: {  	[tilespmem:s14+$0xE4C0] =	vst.add.f32.msk $0xffff, v13  }
0x336: {  	[tilespmem:s14+$0xE4D0] =	vst.add.f32.msk $0xffff, v14  }
0x337: {  	[tilespmem:s14+$0xE4E0] =	vst.add.f32.msk $0xffff, v15;
	s14 =	sshra.s32 s16, $0x2;
	s16 =	sadd.s32 $0x400, s16  }
0x338: {  	v1 =	vld [tilespmem:s14+$0x94F0]  }
0x339: {  	v2 =	vld [tilespmem:s14+$0x9400]  }
0x33a: {  	v3 =	vld [tilespmem:s14+$0x9410]  }
0x33b: {  	v4 =	vld [tilespmem:s14+$0x9420]  }
0x33c: {  	v5 =	vld [tilespmem:s14+$0x9430]  }
0x33d: {  	v6 =	vld [tilespmem:s14+$0x9450]  }
0x33e: {  	v7 =	vld [tilespmem:s14+$0x9460]  }
0x33f: {  	v8 =	vld [tilespmem:s14+$0x9470]  }
0x340: {  	v9 =	vld [tilespmem:s14+$0x9480]  }
0x341: {  	v10 =	vld [tilespmem:s14+$0x9490]  }
0x342: {  	v11 =	vld [tilespmem:s14+$0x94A0]  }
0x343: {  	v12 =	vld [tilespmem:s14+$0x94B0]  }
0x344: {  	v13 =	vld [tilespmem:s14+$0x94C0]  }
0x345: {  	v14 =	vld [tilespmem:s14+$0x94D0]  }
0x346: {  	v15 =	vld [tilespmem:s14+$0x94E0]  }
0x347: {  	[tilespmem:s14+$0xE4F0] =	vst.add.f32.msk $0xffff, v1  }
0x348: {  	v1 =	vld [tilespmem:s14+$0x9440]  }
0x349: {  	[tilespmem:s14+$0xE400] =	vst.add.f32.msk $0xffff, v2  }
0x34a: {  	[tilespmem:s14+$0xE410] =	vst.add.f32.msk $0xffff, v3  }
0x34b: {  	[tilespmem:s14+$0xE420] =	vst.add.f32.msk $0xffff, v4  }
0x34c: {  	[tilespmem:s14+$0xE430] =	vst.add.f32.msk $0xffff, v5  }
0x34d: {  	[tilespmem:s14+$0xE450] =	vst.add.f32.msk $0xffff, v6  }
0x34e: {  	[tilespmem:s14+$0xE460] =	vst.add.f32.msk $0xffff, v7  }
0x34f: {  	[tilespmem:s14+$0xE470] =	vst.add.f32.msk $0xffff, v8  }
0x350: {  	[tilespmem:s14+$0xE480] =	vst.add.f32.msk $0xffff, v9  }
0x351: {  	[tilespmem:s14+$0xE490] =	vst.add.f32.msk $0xffff, v10  }
0x352: {  	[tilespmem:s14+$0xE4A0] =	vst.add.f32.msk $0xffff, v11  }
0x353: {  	[tilespmem:s14+$0xE4B0] =	vst.add.f32.msk $0xffff, v12  }
0x354: {  	[tilespmem:s14+$0xE4C0] =	vst.add.f32.msk $0xffff, v13  }
0x355: {  	[tilespmem:s14+$0xE4D0] =	vst.add.f32.msk $0xffff, v14  }
0x356: {  	[tilespmem:s14+$0xE4E0] =	vst.add.f32.msk $0xffff, v15  }
0x357: {  	[tilespmem:s14+$0xE440] =	vst.add.f32.msk $0xffff, v1  }
0x358: {  	_ =	swait.ge [sflag:s29], $0x1000  }
0x359: {  	[sflag:s29] =	ssyncset.done $0x0  }
0x35a: {  	s16 =	simm.s32 $0x400;
	s14 =	simm.s32 $0x0;
	[sflag:s29] =	ssyncadd.s32 $0xFFFFF000  }
.LBB2_30:
0x35b: {  	p0 =	sne.s32 s16, $0x3C00;
	v1 =	vld [tilespmem:s14+$0xA4F0]  }
0x35c: {  	v2 =	vld [tilespmem:s14+$0xA400]  }
0x35d: {  	v3 =	vld [tilespmem:s14+$0xA410]  }
0x35e: {  	v4 =	vld [tilespmem:s14+$0xA420]  }
0x35f: {  	v5 =	vld [tilespmem:s14+$0xA430]  }
0x360: {  	[tilespmem:s14+$0xE4F0] =	vst.add.f32.msk $0xffff, v1  }
0x361: {  	v1 =	vld [tilespmem:s14+$0xA440]  }
0x362: {  	v6 =	vld [tilespmem:s14+$0xA450]  }
0x363: {  	v7 =	vld [tilespmem:s14+$0xA460]  }
0x364: {  	v8 =	vld [tilespmem:s14+$0xA470]  }
0x365: {  	v9 =	vld [tilespmem:s14+$0xA480]  }
0x366: {  	v10 =	vld [tilespmem:s14+$0xA490]  }
0x367: {  	v11 =	vld [tilespmem:s14+$0xA4A0]  }
0x368: {  	v12 =	vld [tilespmem:s14+$0xA4B0]  }
0x369: {  	v13 =	vld [tilespmem:s14+$0xA4C0]  }
0x36a: {  	v14 =	vld [tilespmem:s14+$0xA4D0]  }
0x36b: {  	v15 =	vld [tilespmem:s14+$0xA4E0]  }
0x36c: {  	[tilespmem:s14+$0xE400] =	vst.add.f32.msk $0xffff, v2  }
0x36d: {  	[tilespmem:s14+$0xE410] =	vst.add.f32.msk $0xffff, v3  }
0x36e: {  	[tilespmem:s14+$0xE420] =	vst.add.f32.msk $0xffff, v4  }
0x36f: {  	[tilespmem:s14+$0xE430] =	vst.add.f32.msk $0xffff, v5  }
0x370: {  	[tilespmem:s14+$0xE440] =	vst.add.f32.msk $0xffff, v1  }
0x371: {  	[tilespmem:s14+$0xE450] =	vst.add.f32.msk $0xffff, v6  }
0x372: {  	[tilespmem:s14+$0xE460] =	vst.add.f32.msk $0xffff, v7  }
0x373: {  	[tilespmem:s14+$0xE470] =	vst.add.f32.msk $0xffff, v8  }
0x374: {  	[tilespmem:s14+$0xE480] =	vst.add.f32.msk $0xffff, v9  }
0x375: {  	[tilespmem:s14+$0xE490] =	vst.add.f32.msk $0xffff, v10  }
.Ltmp14:
0x376: {  	[tilespmem:s14+$0xE4A0] =	vst.add.f32.msk $0xffff, v11;
	(pc) =	sbr.rel @p0 .LBB2_30-.Ltmp14, $4  }
0x377: {  	[tilespmem:s14+$0xE4B0] =	vst.add.f32.msk $0xffff, v12  }
0x378: {  	[tilespmem:s14+$0xE4C0] =	vst.add.f32.msk $0xffff, v13  }
0x379: {  	[tilespmem:s14+$0xE4D0] =	vst.add.f32.msk $0xffff, v14  }
0x37a: {  	[tilespmem:s14+$0xE4E0] =	vst.add.f32.msk $0xffff, v15;
	s14 =	sshra.s32 s16, $0x2;
	s16 =	sadd.s32 $0x400, s16  }
0x37b: {  	v1 =	vld [tilespmem:s14+$0xA4F0]  }
0x37c: {  	v2 =	vld [tilespmem:s14+$0xA400]  }
0x37d: {  	v3 =	vld [tilespmem:s14+$0xA410]  }
0x37e: {  	v4 =	vld [tilespmem:s14+$0xA420]  }
0x37f: {  	v5 =	vld [tilespmem:s14+$0xA430]  }
0x380: {  	v6 =	vld [tilespmem:s14+$0xA450]  }
0x381: {  	v7 =	vld [tilespmem:s14+$0xA460]  }
0x382: {  	v8 =	vld [tilespmem:s14+$0xA470]  }
0x383: {  	v9 =	vld [tilespmem:s14+$0xA480]  }
0x384: {  	v10 =	vld [tilespmem:s14+$0xA490]  }
0x385: {  	v11 =	vld [tilespmem:s14+$0xA4A0]  }
0x386: {  	v12 =	vld [tilespmem:s14+$0xA4B0]  }
0x387: {  	v13 =	vld [tilespmem:s14+$0xA4C0]  }
0x388: {  	v14 =	vld [tilespmem:s14+$0xA4D0]  }
0x389: {  	v15 =	vld [tilespmem:s14+$0xA4E0]  }
0x38a: {  	[tilespmem:s14+$0xE4F0] =	vst.add.f32.msk $0xffff, v1  }
0x38b: {  	v1 =	vld [tilespmem:s14+$0xA440]  }
0x38c: {  	[tilespmem:s14+$0xE400] =	vst.add.f32.msk $0xffff, v2  }
0x38d: {  	[tilespmem:s14+$0xE410] =	vst.add.f32.msk $0xffff, v3  }
0x38e: {  	[tilespmem:s14+$0xE420] =	vst.add.f32.msk $0xffff, v4  }
0x38f: {  	[tilespmem:s14+$0xE430] =	vst.add.f32.msk $0xffff, v5  }
0x390: {  	[tilespmem:s14+$0xE450] =	vst.add.f32.msk $0xffff, v6  }
0x391: {  	[tilespmem:s14+$0xE460] =	vst.add.f32.msk $0xffff, v7  }
0x392: {  	[tilespmem:s14+$0xE470] =	vst.add.f32.msk $0xffff, v8  }
0x393: {  	[tilespmem:s14+$0xE480] =	vst.add.f32.msk $0xffff, v9  }
0x394: {  	[tilespmem:s14+$0xE490] =	vst.add.f32.msk $0xffff, v10  }
0x395: {  	[tilespmem:s14+$0xE4A0] =	vst.add.f32.msk $0xffff, v11  }
0x396: {  	[tilespmem:s14+$0xE4B0] =	vst.add.f32.msk $0xffff, v12  }
0x397: {  	[tilespmem:s14+$0xE4C0] =	vst.add.f32.msk $0xffff, v13  }
0x398: {  	[tilespmem:s14+$0xE4D0] =	vst.add.f32.msk $0xffff, v14  }
0x399: {  	[tilespmem:s14+$0xE4E0] =	vst.add.f32.msk $0xffff, v15  }
0x39a: {  	[tilespmem:s14+$0xE440] =	vst.add.f32.msk $0xffff, v1  }
0x39b: {  	_ =	swait.ge [sflag:s30], $0x1000  }
0x39c: {  	[sflag:s30] =	ssyncset.done $0x0  }
0x39d: {  	s16 =	simm.s32 $0x400;
	s14 =	simm.s32 $0x0;
	[sflag:s30] =	ssyncadd.s32 $0xFFFFF000  }
.LBB2_32:
0x39e: {  	p0 =	sne.s32 s16, $0x3C00;
	v1 =	vld [tilespmem:s14+$0xB4F0]  }
0x39f: {  	v2 =	vld [tilespmem:s14+$0xB400]  }
0x3a0: {  	v3 =	vld [tilespmem:s14+$0xB410]  }
0x3a1: {  	v4 =	vld [tilespmem:s14+$0xB420]  }
0x3a2: {  	v5 =	vld [tilespmem:s14+$0xB430]  }
0x3a3: {  	[tilespmem:s14+$0xE4F0] =	vst.add.f32.msk $0xffff, v1  }
0x3a4: {  	v1 =	vld [tilespmem:s14+$0xB440]  }
0x3a5: {  	v6 =	vld [tilespmem:s14+$0xB450]  }
0x3a6: {  	v7 =	vld [tilespmem:s14+$0xB460]  }
0x3a7: {  	v8 =	vld [tilespmem:s14+$0xB470]  }
0x3a8: {  	v9 =	vld [tilespmem:s14+$0xB480]  }
0x3a9: {  	v10 =	vld [tilespmem:s14+$0xB490]  }
0x3aa: {  	v11 =	vld [tilespmem:s14+$0xB4A0]  }
0x3ab: {  	v12 =	vld [tilespmem:s14+$0xB4B0]  }
0x3ac: {  	v13 =	vld [tilespmem:s14+$0xB4C0]  }
0x3ad: {  	v14 =	vld [tilespmem:s14+$0xB4D0]  }
0x3ae: {  	v15 =	vld [tilespmem:s14+$0xB4E0]  }
0x3af: {  	[tilespmem:s14+$0xE400] =	vst.add.f32.msk $0xffff, v2  }
0x3b0: {  	[tilespmem:s14+$0xE410] =	vst.add.f32.msk $0xffff, v3  }
0x3b1: {  	[tilespmem:s14+$0xE420] =	vst.add.f32.msk $0xffff, v4  }
0x3b2: {  	[tilespmem:s14+$0xE430] =	vst.add.f32.msk $0xffff, v5  }
0x3b3: {  	[tilespmem:s14+$0xE440] =	vst.add.f32.msk $0xffff, v1  }
0x3b4: {  	[tilespmem:s14+$0xE450] =	vst.add.f32.msk $0xffff, v6  }
0x3b5: {  	[tilespmem:s14+$0xE460] =	vst.add.f32.msk $0xffff, v7  }
0x3b6: {  	[tilespmem:s14+$0xE470] =	vst.add.f32.msk $0xffff, v8  }
0x3b7: {  	[tilespmem:s14+$0xE480] =	vst.add.f32.msk $0xffff, v9  }
0x3b8: {  	[tilespmem:s14+$0xE490] =	vst.add.f32.msk $0xffff, v10  }
.Ltmp15:
0x3b9: {  	[tilespmem:s14+$0xE4A0] =	vst.add.f32.msk $0xffff, v11;
	(pc) =	sbr.rel @p0 .LBB2_32-.Ltmp15, $4  }
0x3ba: {  	[tilespmem:s14+$0xE4B0] =	vst.add.f32.msk $0xffff, v12  }
0x3bb: {  	[tilespmem:s14+$0xE4C0] =	vst.add.f32.msk $0xffff, v13  }
0x3bc: {  	[tilespmem:s14+$0xE4D0] =	vst.add.f32.msk $0xffff, v14  }
0x3bd: {  	[tilespmem:s14+$0xE4E0] =	vst.add.f32.msk $0xffff, v15;
	s14 =	sshra.s32 s16, $0x2;
	s16 =	sadd.s32 $0x400, s16  }
0x3be: {  	v1 =	vld [tilespmem:s14+$0xB4F0]  }
0x3bf: {  	v2 =	vld [tilespmem:s14+$0xB400]  }
0x3c0: {  	v3 =	vld [tilespmem:s14+$0xB410]  }
0x3c1: {  	v4 =	vld [tilespmem:s14+$0xB420]  }
0x3c2: {  	v5 =	vld [tilespmem:s14+$0xB430]  }
0x3c3: {  	v6 =	vld [tilespmem:s14+$0xB450]  }
0x3c4: {  	v7 =	vld [tilespmem:s14+$0xB460]  }
0x3c5: {  	v8 =	vld [tilespmem:s14+$0xB470]  }
0x3c6: {  	v9 =	vld [tilespmem:s14+$0xB480]  }
0x3c7: {  	v10 =	vld [tilespmem:s14+$0xB490]  }
0x3c8: {  	v11 =	vld [tilespmem:s14+$0xB4A0]  }
0x3c9: {  	v12 =	vld [tilespmem:s14+$0xB4B0]  }
0x3ca: {  	v13 =	vld [tilespmem:s14+$0xB4C0]  }
0x3cb: {  	v14 =	vld [tilespmem:s14+$0xB4D0]  }
0x3cc: {  	v15 =	vld [tilespmem:s14+$0xB4E0]  }
0x3cd: {  	[tilespmem:s14+$0xE4F0] =	vst.add.f32.msk $0xffff, v1  }
0x3ce: {  	v1 =	vld [tilespmem:s14+$0xB440]  }
0x3cf: {  	[tilespmem:s14+$0xE400] =	vst.add.f32.msk $0xffff, v2  }
0x3d0: {  	[tilespmem:s14+$0xE410] =	vst.add.f32.msk $0xffff, v3  }
0x3d1: {  	[tilespmem:s14+$0xE420] =	vst.add.f32.msk $0xffff, v4  }
0x3d2: {  	[tilespmem:s14+$0xE430] =	vst.add.f32.msk $0xffff, v5  }
0x3d3: {  	[tilespmem:s14+$0xE450] =	vst.add.f32.msk $0xffff, v6  }
0x3d4: {  	[tilespmem:s14+$0xE460] =	vst.add.f32.msk $0xffff, v7  }
0x3d5: {  	[tilespmem:s14+$0xE470] =	vst.add.f32.msk $0xffff, v8  }
0x3d6: {  	[tilespmem:s14+$0xE480] =	vst.add.f32.msk $0xffff, v9  }
0x3d7: {  	[tilespmem:s14+$0xE490] =	vst.add.f32.msk $0xffff, v10  }
0x3d8: {  	[tilespmem:s14+$0xE4A0] =	vst.add.f32.msk $0xffff, v11  }
0x3d9: {  	[tilespmem:s14+$0xE4B0] =	vst.add.f32.msk $0xffff, v12  }
0x3da: {  	[tilespmem:s14+$0xE4C0] =	vst.add.f32.msk $0xffff, v13  }
0x3db: {  	[tilespmem:s14+$0xE4D0] =	vst.add.f32.msk $0xffff, v14  }
0x3dc: {  	[tilespmem:s14+$0xE4E0] =	vst.add.f32.msk $0xffff, v15  }
0x3dd: {  	[tilespmem:s14+$0xE440] =	vst.add.f32.msk $0xffff, v1  }
0x3de: {  	_ =	swait.ge [sflag:s31], $0x1000  }
0x3df: {  	[sflag:s31] =	ssyncset.done $0x0  }
0x3e0: {  	s16 =	simm.s32 $0x400;
	s14 =	simm.s32 $0x0;
	[sflag:s31] =	ssyncadd.s32 $0xFFFFF000  }
.LBB2_34:
0x3e1: {  	p0 =	sne.s32 s16, $0x3C00;
	v1 =	vld [tilespmem:s14+$0xC4F0]  }
0x3e2: {  	v2 =	vld [tilespmem:s14+$0xC400]  }
0x3e3: {  	v3 =	vld [tilespmem:s14+$0xC410]  }
0x3e4: {  	v4 =	vld [tilespmem:s14+$0xC420]  }
0x3e5: {  	v5 =	vld [tilespmem:s14+$0xC430]  }
0x3e6: {  	[tilespmem:s14+$0xE4F0] =	vst.add.f32.msk $0xffff, v1  }
0x3e7: {  	v1 =	vld [tilespmem:s14+$0xC440]  }
0x3e8: {  	v6 =	vld [tilespmem:s14+$0xC450]  }
0x3e9: {  	v7 =	vld [tilespmem:s14+$0xC460]  }
0x3ea: {  	v8 =	vld [tilespmem:s14+$0xC470]  }
0x3eb: {  	v9 =	vld [tilespmem:s14+$0xC480]  }
0x3ec: {  	v10 =	vld [tilespmem:s14+$0xC490]  }
0x3ed: {  	v11 =	vld [tilespmem:s14+$0xC4A0]  }
0x3ee: {  	v12 =	vld [tilespmem:s14+$0xC4B0]  }
0x3ef: {  	v13 =	vld [tilespmem:s14+$0xC4C0]  }
0x3f0: {  	v14 =	vld [tilespmem:s14+$0xC4D0]  }
0x3f1: {  	v15 =	vld [tilespmem:s14+$0xC4E0]  }
0x3f2: {  	[tilespmem:s14+$0xE400] =	vst.add.f32.msk $0xffff, v2  }
0x3f3: {  	[tilespmem:s14+$0xE410] =	vst.add.f32.msk $0xffff, v3  }
0x3f4: {  	[tilespmem:s14+$0xE420] =	vst.add.f32.msk $0xffff, v4  }
0x3f5: {  	[tilespmem:s14+$0xE430] =	vst.add.f32.msk $0xffff, v5  }
0x3f6: {  	[tilespmem:s14+$0xE440] =	vst.add.f32.msk $0xffff, v1  }
0x3f7: {  	[tilespmem:s14+$0xE450] =	vst.add.f32.msk $0xffff, v6  }
0x3f8: {  	[tilespmem:s14+$0xE460] =	vst.add.f32.msk $0xffff, v7  }
0x3f9: {  	[tilespmem:s14+$0xE470] =	vst.add.f32.msk $0xffff, v8  }
0x3fa: {  	[tilespmem:s14+$0xE480] =	vst.add.f32.msk $0xffff, v9  }
0x3fb: {  	[tilespmem:s14+$0xE490] =	vst.add.f32.msk $0xffff, v10  }
.Ltmp16:
0x3fc: {  	[tilespmem:s14+$0xE4A0] =	vst.add.f32.msk $0xffff, v11;
	(pc) =	sbr.rel @p0 .LBB2_34-.Ltmp16, $4  }
0x3fd: {  	[tilespmem:s14+$0xE4B0] =	vst.add.f32.msk $0xffff, v12  }
0x3fe: {  	[tilespmem:s14+$0xE4C0] =	vst.add.f32.msk $0xffff, v13  }
0x3ff: {  	[tilespmem:s14+$0xE4D0] =	vst.add.f32.msk $0xffff, v14  }
0x400: {  	[tilespmem:s14+$0xE4E0] =	vst.add.f32.msk $0xffff, v15;
	s14 =	sshra.s32 s16, $0x2;
	s16 =	sadd.s32 $0x400, s16  }
0x401: {  	v1 =	vld [tilespmem:s14+$0xC4F0]  }
0x402: {  	v2 =	vld [tilespmem:s14+$0xC400]  }
0x403: {  	v3 =	vld [tilespmem:s14+$0xC410]  }
0x404: {  	v4 =	vld [tilespmem:s14+$0xC420]  }
0x405: {  	v5 =	vld [tilespmem:s14+$0xC430]  }
0x406: {  	v6 =	vld [tilespmem:s14+$0xC450]  }
0x407: {  	v7 =	vld [tilespmem:s14+$0xC460]  }
0x408: {  	v8 =	vld [tilespmem:s14+$0xC470]  }
0x409: {  	v9 =	vld [tilespmem:s14+$0xC480]  }
0x40a: {  	v10 =	vld [tilespmem:s14+$0xC490]  }
0x40b: {  	v11 =	vld [tilespmem:s14+$0xC4A0]  }
0x40c: {  	v12 =	vld [tilespmem:s14+$0xC4B0]  }
0x40d: {  	v13 =	vld [tilespmem:s14+$0xC4C0]  }
0x40e: {  	v14 =	vld [tilespmem:s14+$0xC4D0]  }
0x40f: {  	v15 =	vld [tilespmem:s14+$0xC4E0]  }
0x410: {  	[tilespmem:s14+$0xE4F0] =	vst.add.f32.msk $0xffff, v1  }
0x411: {  	v1 =	vld [tilespmem:s14+$0xC440]  }
0x412: {  	[tilespmem:s14+$0xE400] =	vst.add.f32.msk $0xffff, v2  }
0x413: {  	[tilespmem:s14+$0xE410] =	vst.add.f32.msk $0xffff, v3  }
0x414: {  	[tilespmem:s14+$0xE420] =	vst.add.f32.msk $0xffff, v4  }
0x415: {  	[tilespmem:s14+$0xE430] =	vst.add.f32.msk $0xffff, v5  }
0x416: {  	[tilespmem:s14+$0xE450] =	vst.add.f32.msk $0xffff, v6  }
0x417: {  	[tilespmem:s14+$0xE460] =	vst.add.f32.msk $0xffff, v7  }
0x418: {  	[tilespmem:s14+$0xE470] =	vst.add.f32.msk $0xffff, v8  }
0x419: {  	[tilespmem:s14+$0xE480] =	vst.add.f32.msk $0xffff, v9  }
0x41a: {  	[tilespmem:s14+$0xE490] =	vst.add.f32.msk $0xffff, v10  }
0x41b: {  	[tilespmem:s14+$0xE4A0] =	vst.add.f32.msk $0xffff, v11  }
0x41c: {  	[tilespmem:s14+$0xE4B0] =	vst.add.f32.msk $0xffff, v12  }
0x41d: {  	[tilespmem:s14+$0xE4C0] =	vst.add.f32.msk $0xffff, v13  }
0x41e: {  	[tilespmem:s14+$0xE4D0] =	vst.add.f32.msk $0xffff, v14  }
0x41f: {  	[tilespmem:s14+$0xE4E0] =	vst.add.f32.msk $0xffff, v15  }
0x420: {  	[tilespmem:s14+$0xE440] =	vst.add.f32.msk $0xffff, v1  }
0x421: {  	_ =	swait.ge [sflag:s0], $0x1000  }
0x422: {  	[sflag:s0] =	ssyncset.done $0x0  }
0x423: {  	s16 =	simm.s32 $0x400;
	s14 =	simm.s32 $0x0;
	[sflag:s0] =	ssyncadd.s32 $0xFFFFF000  }
.LBB2_36:
0x424: {  	p0 =	sne.s32 s16, $0x3C00;
	v1 =	vld [tilespmem:s14+$0xD4F0]  }
0x425: {  	v2 =	vld [tilespmem:s14+$0xD400]  }
0x426: {  	v3 =	vld [tilespmem:s14+$0xD410]  }
0x427: {  	v4 =	vld [tilespmem:s14+$0xD420]  }
0x428: {  	v5 =	vld [tilespmem:s14+$0xD430]  }
0x429: {  	[tilespmem:s14+$0xE4F0] =	vst.add.f32.msk $0xffff, v1  }
0x42a: {  	v1 =	vld [tilespmem:s14+$0xD440]  }
0x42b: {  	v6 =	vld [tilespmem:s14+$0xD450]  }
0x42c: {  	v7 =	vld [tilespmem:s14+$0xD460]  }
0x42d: {  	v8 =	vld [tilespmem:s14+$0xD470]  }
0x42e: {  	v9 =	vld [tilespmem:s14+$0xD480]  }
0x42f: {  	v10 =	vld [tilespmem:s14+$0xD490]  }
0x430: {  	v11 =	vld [tilespmem:s14+$0xD4A0]  }
0x431: {  	v12 =	vld [tilespmem:s14+$0xD4B0]  }
0x432: {  	v13 =	vld [tilespmem:s14+$0xD4C0]  }
0x433: {  	v14 =	vld [tilespmem:s14+$0xD4D0]  }
0x434: {  	v15 =	vld [tilespmem:s14+$0xD4E0]  }
0x435: {  	[tilespmem:s14+$0xE400] =	vst.add.f32.msk $0xffff, v2  }
0x436: {  	[tilespmem:s14+$0xE410] =	vst.add.f32.msk $0xffff, v3  }
0x437: {  	[tilespmem:s14+$0xE420] =	vst.add.f32.msk $0xffff, v4  }
0x438: {  	[tilespmem:s14+$0xE430] =	vst.add.f32.msk $0xffff, v5  }
0x439: {  	[tilespmem:s14+$0xE440] =	vst.add.f32.msk $0xffff, v1  }
0x43a: {  	[tilespmem:s14+$0xE450] =	vst.add.f32.msk $0xffff, v6  }
0x43b: {  	[tilespmem:s14+$0xE460] =	vst.add.f32.msk $0xffff, v7  }
0x43c: {  	[tilespmem:s14+$0xE470] =	vst.add.f32.msk $0xffff, v8  }
0x43d: {  	[tilespmem:s14+$0xE480] =	vst.add.f32.msk $0xffff, v9  }
0x43e: {  	[tilespmem:s14+$0xE490] =	vst.add.f32.msk $0xffff, v10  }
.Ltmp17:
0x43f: {  	[tilespmem:s14+$0xE4A0] =	vst.add.f32.msk $0xffff, v11;
	(pc) =	sbr.rel @p0 .LBB2_36-.Ltmp17, $4  }
0x440: {  	[tilespmem:s14+$0xE4B0] =	vst.add.f32.msk $0xffff, v12  }
0x441: {  	[tilespmem:s14+$0xE4C0] =	vst.add.f32.msk $0xffff, v13  }
0x442: {  	[tilespmem:s14+$0xE4D0] =	vst.add.f32.msk $0xffff, v14  }
0x443: {  	[tilespmem:s14+$0xE4E0] =	vst.add.f32.msk $0xffff, v15;
	s14 =	sshra.s32 s16, $0x2;
	s16 =	sadd.s32 $0x400, s16  }
0x444: {  	v1 =	vld [tilespmem:s14+$0xD4F0]  }
0x445: {  	v2 =	vld [tilespmem:s14+$0xD400]  }
0x446: {  	v3 =	vld [tilespmem:s14+$0xD410]  }
0x447: {  	v4 =	vld [tilespmem:s14+$0xD420]  }
0x448: {  	v5 =	vld [tilespmem:s14+$0xD430]  }
0x449: {  	v6 =	vld [tilespmem:s14+$0xD450]  }
0x44a: {  	v7 =	vld [tilespmem:s14+$0xD460]  }
0x44b: {  	v8 =	vld [tilespmem:s14+$0xD470]  }
0x44c: {  	v9 =	vld [tilespmem:s14+$0xD480]  }
0x44d: {  	v10 =	vld [tilespmem:s14+$0xD490]  }
0x44e: {  	v11 =	vld [tilespmem:s14+$0xD4A0]  }
0x44f: {  	v12 =	vld [tilespmem:s14+$0xD4B0]  }
0x450: {  	v13 =	vld [tilespmem:s14+$0xD4C0]  }
0x451: {  	v14 =	vld [tilespmem:s14+$0xD4D0]  }
0x452: {  	v15 =	vld [tilespmem:s14+$0xD4E0]  }
0x453: {  	[tilespmem:s14+$0xE4F0] =	vst.add.f32.msk $0xffff, v1  }
0x454: {  	v1 =	vld [tilespmem:s14+$0xD440]  }
0x455: {  	[tilespmem:s14+$0xE400] =	vst.add.f32.msk $0xffff, v2  }
0x456: {  	[tilespmem:s14+$0xE410] =	vst.add.f32.msk $0xffff, v3  }
0x457: {  	[tilespmem:s14+$0xE420] =	vst.add.f32.msk $0xffff, v4  }
0x458: {  	[tilespmem:s14+$0xE430] =	vst.add.f32.msk $0xffff, v5  }
0x459: {  	[tilespmem:s14+$0xE450] =	vst.add.f32.msk $0xffff, v6  }
0x45a: {  	[tilespmem:s14+$0xE460] =	vst.add.f32.msk $0xffff, v7  }
0x45b: {  	[tilespmem:s14+$0xE470] =	vst.add.f32.msk $0xffff, v8  }
0x45c: {  	[tilespmem:s14+$0xE480] =	vst.add.f32.msk $0xffff, v9  }
0x45d: {  	[tilespmem:s14+$0xE490] =	vst.add.f32.msk $0xffff, v10  }
0x45e: {  	[tilespmem:s14+$0xE4A0] =	vst.add.f32.msk $0xffff, v11  }
0x45f: {  	[tilespmem:s14+$0xE4B0] =	vst.add.f32.msk $0xffff, v12  }
0x460: {  	[tilespmem:s14+$0xE4C0] =	vst.add.f32.msk $0xffff, v13  }
0x461: {  	s12 =	sadd.s32 $0x1, s12;
	[tilespmem:s14+$0xE4D0] =	vst.add.f32.msk $0xffff, v14  }
0x462: {  	p0 =	sne.s32 s12, s6;
	[tilespmem:s14+$0xE4E0] =	vst.add.f32.msk $0xffff, v15  }
.Ltmp18:
0x463: {  	[tilespmem:s14+$0xE440] =	vst.add.f32.msk $0xffff, v1;
	(pc) =	sbr.rel @p0 .LBB2_1-.Ltmp18, $4  }
0x464: {  	[hbm4b:s5+s2] =	stream.linear.scatter [tilespmem:s1], [sflag:$0xA], $0x1000, $0x38;
	[tilespmem:$0xF400] =	vst v63  }
0x465: {  	_ =	swait.ge [sflag:s8], $0x1000  }
0x466: {  	[sflag:s8] =	ssyncset.done $0x0  }
0x467: {  	[sflag:s8] =	ssyncadd.s32 $0xFFFFF000  }
0x468: {  	_ =	sfence.sel $0x180000  }
0x469: {  	[bflag:$0x0] =	sbarrier.arrive $0xFFFF  }
0x46a: {  	_ =	strace $0x90000047  }
0x46b: {  	s0 =	stileid.u32;
	[bflag:$0x2] =	sbarrier.arrive $0xFFFF  }
0x46c: {  	p0 =	sne.s32 s0, $0x0;
	s0 =	rddreg [dreg:$0x2]  }
0x46d: {  	s0 =	sadd.s32 @!p0 $0x100000, s0  }
0x46e: {  	[sflag:s0] =	ssyncadd.tile.s32 @!p0 $0x1;
	_ =	shalt  }
.Lfunc_end2:
_tile_overlayer_lowered:
.L_overlay_start_2:
0x46f: {  	(tag) =	ssettag $0x2  }
0x470: {  	s0 =	rddreg [dreg:$0x0];
	s2 =	stileid.u32  }
0x471: {  	s1 =	rddreg [dreg:$0x1];
	p0 =	sne.s32 s2, $0x0  }
0x472: {  	s3 =	rddreg [dreg:$0x2];
	[bflag:$0x3] =	sbarrier.arrive $0xFFFF;
	s2 =	simm.s32 @!p0 $0x1C0A  }
0x473: {  	[timem:s3], [sflag:s2] =	dma.local @!p0 [hbm:s0], s1  }
0x474: {  	s0 =	simm.s32 @!p0 $0xA  }
0x475: {  	_ =	swait.ge @!p0 [sflag:s0], s1  }
0x476: {  	s1 =	ssub.s32 @!p0 $0x0, s1;
	[sflag:s0] =	ssyncset.done @!p0 $0x0  }
0x477: {  	[sflag:s0] =	ssyncadd.s32 @!p0 s1  }
0x478: {  	[bflag:$0x3] =	sbarrier.arrive $0xFFFF  }
0x479: {  	_ =	shalt  }

</sc_bundles>
